<compile_context>
chip_gen: v7x
topology: tpu7x:2x2x1
jax: 0.10.2.dev20260603
libtpu: 0.0.44.dev20260713+nightly
codegen_flags: <defaults>
</compile_context>

<pallas_src>
import dataclasses
import functools

import jax
import jax.numpy as jnp
from jax import lax
from jax.experimental import pallas as pl
from jax.experimental.pallas import tpu as pltpu
from jax.experimental.pallas import tpu_sc as plsc

N = 10000
E = 160000
D = 256

NC = 2
NS = 16
L = 16
NB = 4
BS = 2504
ACC = 2512
DUMP = BS
EB = E // NS
B = 128
CAP = 10240
ZS = 152

_mesh = plsc.VectorSubcoreMesh(core_axis_name="c", subcore_axis_name="s")

_cp = pltpu.CompilerParams()
if "needs_layout_passes" in pltpu.CompilerParams.__dataclass_fields__:
    _cp = dataclasses.replace(_cp, needs_layout_passes=False)


@functools.partial(
    pl.kernel,
    out_type=[
        jax.ShapeDtypeStruct((NC * NS * 2 * CAP,), jnp.int32),
        jax.ShapeDtypeStruct((NC * NS * 2 * CAP,), jnp.int32),
        jax.ShapeDtypeStruct((NC * NS * 2 * B,), jnp.int32),
        jax.ShapeDtypeStruct((N, L), jnp.float32),
    ],
    mesh=_mesh,
    scratch_types=[
        pltpu.VMEM((EB,), jnp.int32),
        pltpu.VMEM((EB,), jnp.int32),
        pltpu.VMEM((CAP + L,), jnp.int32),
        pltpu.VMEM((CAP + L,), jnp.int32),
        pltpu.VMEM((CAP + L,), jnp.int32),
        pltpu.VMEM((CAP + L,), jnp.int32),
        pltpu.VMEM((B,), jnp.int32),
        pltpu.VMEM((B, L), jnp.float32),
        pltpu.VMEM((2, B), jnp.int32),
        pltpu.VMEM((ZS, L), jnp.float32),
        pltpu.VMEM_SHARED((ACC, L), jnp.float32),
        pltpu.SemaphoreType.DMA,
    ],
    compiler_params=_cp,
)
def _route(src_hbm, dst_hbm, seg_src, seg_dst, cnt_hbm, deg_hbm,
           src_v, dst_v, cs0_v, cd0_v, cs1_v, cd1_v, pc_v, ones_v, ix_v,
           zero_v, deg_acc, sem):
    c = lax.axis_index("c")
    s = lax.axis_index("s")
    w = c * NS + s

    @pl.loop(0, B)
    def _(i):
        ones_v[i, :] = jnp.ones((L,), jnp.float32)

    @pl.loop(0, ZS)
    def _(i):
        zero_v[i, :] = jnp.zeros((L,), jnp.float32)

    pltpu.sync_copy(src_hbm.at[pl.ds(s * EB, EB)], src_v)
    pltpu.sync_copy(dst_hbm.at[pl.ds(s * EB, EB)], dst_v)

    lane = lax.iota(jnp.int32, L)
    lo0 = (2 * c) * BS
    lo1 = (2 * c + 1) * BS

    def body(i, carry):
        cnt0, cnt1 = carry
        dv = dst_v[pl.ds(i * L, L)]
        sv = src_v[pl.ds(i * L, L)]
        m0 = (dv >= lo0) & (dv < lo0 + BS)
        m1 = (dv >= lo1) & (dv < lo1 + BS)
        sel0 = plsc.cumsum(m0.astype(jnp.int32))
        sel1 = plsc.cumsum(m1.astype(jnp.int32))
        idx0 = jnp.where(m0, cnt0 + sel0 - 1, CAP + lane)
        idx1 = jnp.where(m1, cnt1 + sel1 - 1, CAP + lane)
        plsc.store_scatter(cs0_v, [idx0], sv)
        plsc.store_scatter(cd0_v, [idx0], dv - lo0)
        plsc.store_scatter(cs1_v, [idx1], sv)
        plsc.store_scatter(cd1_v, [idx1], dv - lo1)
        return cnt0 + sel0[L - 1], cnt1 + sel1[L - 1]

    cnt0, cnt1 = lax.fori_loop(0, EB // L, body,
                               (jnp.int32(0), jnp.int32(0)), unroll=False)

    def mk_pad(cs_v, cd_v, cnt, cnt_pad):
        def pad(i, _):
            @pl.when(cnt + i * L < cnt_pad)
            def _():
                cs_v[pl.ds(cnt + i * L, L)] = jnp.zeros((L,), jnp.int32)
                cd_v[pl.ds(cnt + i * L, L)] = jnp.full((L,), DUMP, jnp.int32)
            return 0
        lax.fori_loop(0, B // L, pad, 0, unroll=False)

    cnt_pad0 = ((cnt0 + B - 1) // B) * B
    cnt_pad1 = ((cnt1 + B - 1) // B) * B
    mk_pad(cs0_v, cd0_v, cnt0, cnt_pad0)
    mk_pad(cs1_v, cd1_v, cnt1, cnt_pad1)

    pltpu.sync_copy(cs0_v.at[pl.ds(0, CAP)],
                    seg_src.at[pl.ds((w * 2) * CAP, CAP)])
    pltpu.sync_copy(cd0_v.at[pl.ds(0, CAP)],
                    seg_dst.at[pl.ds((w * 2) * CAP, CAP)])
    pltpu.sync_copy(cs1_v.at[pl.ds(0, CAP)],
                    seg_src.at[pl.ds((w * 2 + 1) * CAP, CAP)])
    pltpu.sync_copy(cd1_v.at[pl.ds(0, CAP)],
                    seg_dst.at[pl.ds((w * 2 + 1) * CAP, CAP)])

    @pl.loop(0, B // L)
    def _(i):
        pc_v[pl.ds(i * L, L)] = jnp.full((L,), cnt_pad0, jnp.int32)

    pltpu.sync_copy(pc_v, cnt_hbm.at[pl.ds((w * 2) * B, B)])

    @pl.loop(0, B // L)
    def _(i):
        pc_v[pl.ds(i * L, L)] = jnp.full((L,), cnt_pad1, jnp.int32)

    pltpu.sync_copy(pc_v, cnt_hbm.at[pl.ds((w * 2 + 1) * B, B)])

    for p, cnt_pad in ((0, cnt_pad0), (1, cnt_pad1)):
        r = 2 * c + p
        pltpu.sync_copy(zero_v, deg_acc.at[pl.ds(s * ZS, ZS)])

        @pl.when(s == 0)
        def _():
            pltpu.sync_copy(zero_v.at[pl.ds(0, ACC - NS * ZS)],
                            deg_acc.at[pl.ds(NS * ZS, ACC - NS * ZS)])

        plsc.subcore_barrier()
        nblk = cnt_pad // B
        base = (w * 2 + p) * CAP

        def hist(j, _):
            pltpu.sync_copy(seg_dst.at[pl.ds(base + j * B, B)], ix_v.at[0])
            pltpu.sync_copy(ones_v, deg_acc.at[ix_v.at[0]], add=True)
            return 0

        lax.fori_loop(0, nblk, hist, 0, unroll=False)
        plsc.subcore_barrier()

        pltpu.sync_copy(deg_acc.at[pl.ds(s * ZS, ZS)],
                        deg_hbm.at[pl.ds(r * BS + s * ZS, ZS)])

        @pl.when(s == 0)
        def _():
            pltpu.sync_copy(deg_acc.at[pl.ds(NS * ZS, 56)],
                            deg_hbm.at[pl.ds(r * BS + NS * ZS, 56)])

        @pl.when((s == 1) & (r < NB - 1))
        def _():
            pltpu.sync_copy(deg_acc.at[pl.ds(NS * ZS + 56, 16)],
                            deg_hbm.at[pl.ds(r * BS + NS * ZS + 56, 16)])

        plsc.subcore_barrier()


@functools.partial(
    pl.kernel,
    out_type=jax.ShapeDtypeStruct((N * 2, 128), jnp.float32),
    mesh=_mesh,
    scratch_types=[
        pltpu.VMEM((B,), jnp.int32),
        pltpu.VMEM((2, B), jnp.int32),
        pltpu.VMEM((2, B), jnp.int32),
        pltpu.VMEM((2, B), jnp.int32),
        pltpu.VMEM((2, B), jnp.int32),
        pltpu.VMEM((2, B, 128), jnp.float32),
        pltpu.VMEM((64, 128), jnp.float32),
        pltpu.VMEM_SHARED((ACC * 2, 128), jnp.float32),
        pltpu.SemaphoreType.DMA,
        pltpu.SemaphoreType.DMA,
    ],
    compiler_params=_cp,
)
def _edge_stage(g_hbm, seg_src, seg_dst, cnt_hbm, out_hbm,
                cv, six, dix, ixg, ixs, rows, zb, acc, sem0, sem1):
    c = lax.axis_index("c")
    s = lax.axis_index("s")
    w = c * NS + s

    @pl.loop(0, 64)
    def _(i):
        @pl.loop(0, 128 // L)
        def _(k):
            zb[i, pl.ds(k * L, L)] = jnp.zeros((L,), jnp.float32)

    for p in (0, 1):
        r = 2 * c + p
        pltpu.sync_copy(cnt_hbm.at[pl.ds((w * 2 + p) * B, B)], cv)
        nblk = cv[pl.ds(0, L)][0] // B

        a0 = s * ZS * 2

        @pl.loop(0, 4)
        def _(k):
            pltpu.sync_copy(zb, acc.at[pl.ds(a0 + k * 64, 64)])

        pltpu.sync_copy(zb.at[pl.ds(0, 2 * ZS - 256)],
                        acc.at[pl.ds(a0 + 256, 2 * ZS - 256)])

        @pl.when(s == 0)
        def _():
            t0 = NS * ZS * 2
            pltpu.sync_copy(zb, acc.at[pl.ds(t0, 64)])
            pltpu.sync_copy(zb, acc.at[pl.ds(t0 + 64, 64)])
            pltpu.sync_copy(zb.at[pl.ds(0, 2 * (ACC - NS * ZS) - 128)],
                            acc.at[pl.ds(t0 + 128,
                                         2 * (ACC - NS * ZS) - 128)])

        plsc.subcore_barrier()

        base = (w * 2 + p) * CAP

        def eb(j, _):
            pltpu.sync_copy(seg_src.at[pl.ds(base + j * B, B)], six.at[0])
            pltpu.sync_copy(seg_dst.at[pl.ds(base + j * B, B)], dix.at[0])

            @pl.loop(0, B // L)
            def _(v):
                sv = six[0, pl.ds(v * L, L)] * 2
                dv = dix[0, pl.ds(v * L, L)] * 2
                ixg[0, pl.ds(v * L, L)] = sv
                ixg[1, pl.ds(v * L, L)] = sv + 1
                ixs[0, pl.ds(v * L, L)] = dv
                ixs[1, pl.ds(v * L, L)] = dv + 1

            cp0 = pltpu.async_copy(g_hbm.at[ixg.at[0]], rows.at[0], sem0)
            cp1 = pltpu.async_copy(g_hbm.at[ixg.at[1]], rows.at[1], sem1)
            cp0.wait()
            cp1.wait()
            pltpu.sync_copy(rows.at[0], acc.at[ixs.at[0]], add=True)
            pltpu.sync_copy(rows.at[1], acc.at[ixs.at[1]], add=True)
            return 0

        lax.fori_loop(0, nblk, eb, 0, unroll=False)
        plsc.subcore_barrier()

        pltpu.sync_copy(acc.at[pl.ds(a0, ZS * 2)],
                        out_hbm.at[pl.ds((r * BS + s * ZS) * 2, ZS * 2)])

        @pl.when(s == 0)
        def _():
            pltpu.sync_copy(acc.at[pl.ds(NS * ZS * 2, 112)],
                            out_hbm.at[pl.ds((r * BS + NS * ZS) * 2, 112)])

        @pl.when((s == 1) & (r < NB - 1))
        def _():
            pltpu.sync_copy(acc.at[pl.ds(2488 * 2, 32)],
                            out_hbm.at[pl.ds((r * BS + 2488) * 2, 32)])

        plsc.subcore_barrier()


_RB = 1000


def _mm_body(x_ref, w_ref, o_ref):
    o_ref[...] = jnp.dot(x_ref[...], w_ref[...],
                         preferred_element_type=jnp.float32)


def _matmul(x, w):
    return pl.pallas_call(
        _mm_body,
        grid=(N // _RB,),
        in_specs=[pl.BlockSpec((_RB, D), lambda i: (i, 0)),
                  pl.BlockSpec((D, D), lambda i: (0, 0))],
        out_specs=pl.BlockSpec((_RB, D), lambda i: (i, 0)),
        out_shape=jax.ShapeDtypeStruct((N, D), jnp.float32),
    )(x, w)


def _scale_body(h_ref, deg_ref, o_ref):
    o_ref[...] = h_ref[...] * lax.rsqrt(deg_ref[...])


def _scale(h, deg):
    return pl.pallas_call(
        _scale_body,
        grid=(N // _RB,),
        in_specs=[pl.BlockSpec((_RB, D), lambda i: (i, 0)),
                  pl.BlockSpec((_RB, 1), lambda i: (i, 0))],
        out_specs=pl.BlockSpec((_RB, D), lambda i: (i, 0)),
        out_shape=jax.ShapeDtypeStruct((N, D), jnp.float32),
    )(h, deg)


def _mid_body(m_ref, g_ref, deg_ref, b_ref, w_ref, o_ref):
    dis = lax.rsqrt(deg_ref[...])
    h = jnp.maximum(dis * (m_ref[...] + g_ref[...]) + b_ref[...], 0.0)
    o_ref[...] = dis * jnp.dot(h, w_ref[...],
                               preferred_element_type=jnp.float32)


def _mid(m1, g1, deg, b1, w2):
    return pl.pallas_call(
        _mid_body,
        grid=(N // _RB,),
        in_specs=[pl.BlockSpec((_RB, D), lambda i: (i, 0)),
                  pl.BlockSpec((_RB, D), lambda i: (i, 0)),
                  pl.BlockSpec((_RB, 1), lambda i: (i, 0)),
                  pl.BlockSpec((1, D), lambda i: (0, 0)),
                  pl.BlockSpec((D, D), lambda i: (0, 0))],
        out_specs=pl.BlockSpec((_RB, D), lambda i: (i, 0)),
        out_shape=jax.ShapeDtypeStruct((N, D), jnp.float32),
    )(m1, g1, deg, b1, w2)


def _final_body(m_ref, g_ref, deg_ref, b_ref, o_ref):
    o_ref[...] = (lax.rsqrt(deg_ref[...]) * (m_ref[...] + g_ref[...])
                  + b_ref[...])


def _final(m2, g2, deg, b2):
    return pl.pallas_call(
        _final_body,
        grid=(N // _RB,),
        in_specs=[pl.BlockSpec((_RB, D), lambda i: (i, 0)),
                  pl.BlockSpec((_RB, D), lambda i: (i, 0)),
                  pl.BlockSpec((_RB, 1), lambda i: (i, 0)),
                  pl.BlockSpec((1, D), lambda i: (0, 0))],
        out_specs=pl.BlockSpec((_RB, D), lambda i: (i, 0)),
        out_shape=jax.ShapeDtypeStruct((N, D), jnp.float32),
    )(m2, g2, deg, b2)


def kernel(x, edge_index, W1, b1, W2, b2):
    src = edge_index[0].astype(jnp.int32)
    dst = edge_index[1].astype(jnp.int32)

    seg_src, seg_dst, counts, hist = _route(src, dst)
    h1 = _matmul(x, W1)
    deg = hist[:, :1] + 1.0
    g1 = _scale(h1, deg)
    m1 = _edge_stage(g1.reshape(N * 2, 128), seg_src, seg_dst, counts)
    g2 = _mid(m1.reshape(N, D), g1, deg, b1.reshape(1, D), W2)
    m2 = _edge_stage(g2.reshape(N * 2, 128), seg_src, seg_dst, counts)
    return _final(m2.reshape(N, D), g2, deg, b2.reshape(1, D))

# --- scband reference (transcript-rebuilt; emitter-appended) ---
"""Pipeline reference for scband-gcnsimple-6700148982538 (READ-ONLY COPY).

The authoritative reference and input builder live on the scoring server;
editing this copy changes nothing except your own understanding.
"""

import jax, jax.numpy as jnp
import numpy as np

N_NODES = 10000
N_EDGES = 160000
D_IN = 256
D_HID = 256
D_OUT = 256


def setup_inputs(seed: int = 0) -> dict:
    key = jax.random.key(seed)
    k1, k2, k3, k4, k5, k6 = jax.random.split(key, 6)
    x = jax.random.normal(k1, (N_NODES, D_IN), dtype=jnp.float32)
    edge_index = jax.random.randint(k2, (2, N_EDGES), 0, N_NODES, dtype=jnp.int64)
    # Glorot-style init like PyG GCNConv
    s1 = (6.0 / (D_IN + D_HID)) ** 0.5
    s2 = (6.0 / (D_HID + D_OUT)) ** 0.5
    W1 = jax.random.uniform(k3, (D_IN, D_HID), dtype=jnp.float32, minval=-s1, maxval=s1)
    b1 = jnp.zeros((D_HID,), dtype=jnp.float32)
    W2 = jax.random.uniform(k4, (D_HID, D_OUT), dtype=jnp.float32, minval=-s2, maxval=s2)
    b2 = jnp.zeros((D_OUT,), dtype=jnp.float32)
    return {"x": x, "edge_index": edge_index, "W1": W1, "b1": b1, "W2": W2, "b2": b2}


def _gcn_conv(x, src, dst, W, b):
    # PyG GCNConv with add_self_loops=True, normalize=True:
    # out = D^{-1/2} (A + I) D^{-1/2} X W + b
    n = x.shape[0]
    deg = jnp.zeros((n,), dtype=x.dtype).at[dst].add(1.0)
    deg_inv_sqrt = jnp.where(deg > 0, deg ** -0.5, 0.0)
    norm = deg_inv_sqrt[src] * deg_inv_sqrt[dst]
    h = x @ W
    msg = h[src] * norm[:, None]
    out = jnp.zeros((n, h.shape[1]), dtype=h.dtype).at[dst].add(msg)
    return out + b


def reference(x, edge_index, W1, b1, W2, b2):
    n = x.shape[0]
    loops = jnp.arange(n, dtype=edge_index.dtype)
    src = jnp.concatenate([edge_index[0], loops])
    dst = jnp.concatenate([edge_index[1], loops])
    h = _gcn_conv(x, src, dst, W1, b1)
    h = jax.nn.relu(h)
    # dropout p=0.5: identity in eval / deterministic reference
    out = _gcn_conv(h, src, dst, W2, b2)
    return out

if __name__ == "__main__":
    import jax
    _d = setup_inputs()
    print(jax.jit(kernel)(*tuple(_d.values())))

</pallas_src>

<mosaic_0001>
#map = affine_map<(d0, d1) -> (0)>
#map1 = affine_map<(d0, d1) -> (0, 0)>
module attributes {stable_mosaic.version = 14 : i64} {
  func.func @_route(%arg0: i32, %arg1: i32, %arg2: memref<160000xi32, #tpu.memory_space<hbm>>, %arg3: memref<160000xi32, #tpu.memory_space<hbm>>, %arg4: memref<655360xi32, #tpu.memory_space<hbm>>, %arg5: memref<655360xi32, #tpu.memory_space<hbm>>, %arg6: memref<8192xi32, #tpu.memory_space<hbm>>, %arg7: memref<10000x16xf32, #tpu.memory_space<hbm>>, %arg8: memref<10000xi32, #tpu.memory_space<vmem>>, %arg9: memref<10000xi32, #tpu.memory_space<vmem>>, %arg10: memref<10256xi32, #tpu.memory_space<vmem>>, %arg11: memref<10256xi32, #tpu.memory_space<vmem>>, %arg12: memref<10256xi32, #tpu.memory_space<vmem>>, %arg13: memref<10256xi32, #tpu.memory_space<vmem>>, %arg14: memref<128xi32, #tpu.memory_space<vmem>>, %arg15: memref<128x16xf32, #tpu.memory_space<vmem>>, %arg16: memref<2x128xi32, #tpu.memory_space<vmem>>, %arg17: memref<152x16xf32, #tpu.memory_space<vmem>>, %arg18: memref<2512x16xf32, #tpu.memory_space<vmem_shared>>, %arg19: memref<!tpu.dma_semaphore, #tpu.memory_space<semaphore_mem>>) attributes {dimension_semantics = [#tpu.dimension_semantics<core_parallel>, #tpu.dimension_semantics<subcore_parallel>], iteration_bounds = array<i64: 2, 16>, scalar_prefetch = 0 : i64, scratch_operands = 12 : i64, tpu.core_type = #tpu.core_type<sc_vector_subcore>, window_params = [{transform_indices = #map}, {transform_indices = #map}, {transform_indices = #map}, {transform_indices = #map}, {transform_indices = #map}, {transform_indices = #map1}]} {
    %mul3A = arith.constant 16 : i32
    %mul3A_0 = arith.muli %arg0, %mul3A : i32
    %add3A = arith.addi %mul3A_0, %arg1 : i32
    %scan3A = arith.constant 0 : i32
    %scan3A_1 = arith.constant 128 : i32
    %scan3A_2 = arith.addi %scan3A, %scan3A_1 : i32
    %scan3A_3 = arith.constant 1 : i32
    scf.for %scan3A_284 = %scan3A to %scan3A_2 step %scan3A_3  : i32 {
      %mul3A_285 = arith.constant 1 : i32
      %mul3A_286 = arith.muli %scan3A_284, %mul3A_285 : i32
      %add3A_287 = arith.constant 0 : i32
      %add3A_288 = arith.addi %add3A_287, %mul3A_286 : i32
      %broadcast_in_dim3A = arith.constant 1.000000e+00 : f32
      %broadcast_in_dim3A_289 = vector.broadcast %broadcast_in_dim3A : f32 to vector<16xf32>
      %swap3A = arith.index_cast %add3A_288 : i32 to index
      %swap3A_290 = arith.constant 0 : index
      %swap3A_291 = tpu.vector_load %arg15[%swap3A, %swap3A_290] {strides = array<i32>} : memref<128x16xf32, #tpu.memory_space<vmem>>, vector<16xf32>,
      tpu.vector_store %arg15[%swap3A, %swap3A_290], %broadcast_in_dim3A_289 {strides = array<i32>} : memref<128x16xf32, #tpu.memory_space<vmem>>, vector<16xf32>,
    }
    %scan3A_4 = arith.constant 128 : i32
    %scan3A_5 = arith.constant 0 : i32
    %scan3A_6 = arith.constant 152 : i32
    %scan3A_7 = arith.addi %scan3A_5, %scan3A_6 : i32
    %scan3A_8 = arith.constant 1 : i32
    scf.for %scan3A_284 = %scan3A_5 to %scan3A_7 step %scan3A_8  : i32 {
      %mul3A_285 = arith.constant 1 : i32
      %mul3A_286 = arith.muli %scan3A_284, %mul3A_285 : i32
      %add3A_287 = arith.constant 0 : i32
      %add3A_288 = arith.addi %add3A_287, %mul3A_286 : i32
      %broadcast_in_dim3A = arith.constant 0.000000e+00 : f32
      %broadcast_in_dim3A_289 = vector.broadcast %broadcast_in_dim3A : f32 to vector<16xf32>
      %swap3A = arith.index_cast %add3A_288 : i32 to index
      %swap3A_290 = arith.constant 0 : index
      %swap3A_291 = tpu.vector_load %arg17[%swap3A, %swap3A_290] {strides = array<i32>} : memref<152x16xf32, #tpu.memory_space<vmem>>, vector<16xf32>,
      tpu.vector_store %arg17[%swap3A, %swap3A_290], %broadcast_in_dim3A_289 {strides = array<i32>} : memref<152x16xf32, #tpu.memory_space<vmem>>, vector<16xf32>,
    }
    %scan3A_9 = arith.constant 152 : i32
    %mul3A_10 = arith.constant 10000 : i32
    %mul3A_11 = arith.muli %arg1, %mul3A_10 : i32
    "tpu.region"() ({
      %run_scoped3A = tpu.sem_alloc : memref<!tpu.dma_semaphore, #tpu.memory_space<semaphore_mem>>
      %dma_start3A = tpu.memref_slice %arg2[%mul3A_11] : memref<160000xi32, #tpu.memory_space<hbm>> -> memref<10000xi32, #tpu.memory_space<hbm>>
      %dma_start3A_284 = tpu.memref_slice %arg2[%mul3A_11] : memref<160000xi32, #tpu.memory_space<hbm>> -> memref<10000xi32, #tpu.memory_space<hbm>>
      tpu.enqueue_dma source(%dma_start3A_284 : memref<10000xi32, #tpu.memory_space<hbm>>) target(%arg8 : memref<10000xi32, #tpu.memory_space<vmem>>) target_semaphore(%run_scoped3A : memref<!tpu.dma_semaphore, #tpu.memory_space<semaphore_mem>>)
      %dma_wait3A = tpu.memref_slice %arg2[%mul3A_11] : memref<160000xi32, #tpu.memory_space<hbm>> -> memref<10000xi32, #tpu.memory_space<hbm>>
      %dma_wait3A_285 = tpu.memref_slice %arg2[%mul3A_11] : memref<160000xi32, #tpu.memory_space<hbm>> -> memref<10000xi32, #tpu.memory_space<hbm>>
      tpu.wait_dma2 semaphore(%run_scoped3A : memref<!tpu.dma_semaphore, #tpu.memory_space<semaphore_mem>>) src(%dma_wait3A_285 : memref<10000xi32, #tpu.memory_space<hbm>>) dst(%arg8 : memref<10000xi32, #tpu.memory_space<vmem>>)
      tpu.yield
    }) : () -> ()
    %mul3A_12 = arith.constant 10000 : i32
    %mul3A_13 = arith.muli %arg1, %mul3A_12 : i32
    "tpu.region"() ({
      %run_scoped3A = tpu.sem_alloc : memref<!tpu.dma_semaphore, #tpu.memory_space<semaphore_mem>>
      %dma_start3A = tpu.memref_slice %arg3[%mul3A_13] : memref<160000xi32, #tpu.memory_space<hbm>> -> memref<10000xi32, #tpu.memory_space<hbm>>
      %dma_start3A_284 = tpu.memref_slice %arg3[%mul3A_13] : memref<160000xi32, #tpu.memory_space<hbm>> -> memref<10000xi32, #tpu.memory_space<hbm>>
      tpu.enqueue_dma source(%dma_start3A_284 : memref<10000xi32, #tpu.memory_space<hbm>>) target(%arg9 : memref<10000xi32, #tpu.memory_space<vmem>>) target_semaphore(%run_scoped3A : memref<!tpu.dma_semaphore, #tpu.memory_space<semaphore_mem>>)
      %dma_wait3A = tpu.memref_slice %arg3[%mul3A_13] : memref<160000xi32, #tpu.memory_space<hbm>> -> memref<10000xi32, #tpu.memory_space<hbm>>
      %dma_wait3A_285 = tpu.memref_slice %arg3[%mul3A_13] : memref<160000xi32, #tpu.memory_space<hbm>> -> memref<10000xi32, #tpu.memory_space<hbm>>
      tpu.wait_dma2 semaphore(%run_scoped3A : memref<!tpu.dma_semaphore, #tpu.memory_space<semaphore_mem>>) src(%dma_wait3A_285 : memref<10000xi32, #tpu.memory_space<hbm>>) dst(%arg9 : memref<10000xi32, #tpu.memory_space<vmem>>)
      tpu.yield
    }) : () -> ()
    %iota3A = tpu.iota {dimensions = array<i32: 0>} : vector<16xi32>
    %mul3A_14 = arith.constant 2 : i32
    %mul3A_15 = arith.muli %mul3A_14, %arg0 : i32
    %mul3A_16 = arith.constant 2504 : i32
    %mul3A_17 = arith.muli %mul3A_15, %mul3A_16 : i32
    %mul3A_18 = arith.constant 2 : i32
    %mul3A_19 = arith.muli %mul3A_18, %arg0 : i32
    %add3A_20 = arith.constant 1 : i32
    %add3A_21 = arith.addi %mul3A_19, %add3A_20 : i32
    %mul3A_22 = arith.constant 2504 : i32
    %mul3A_23 = arith.muli %add3A_21, %mul3A_22 : i32
    %scan3A_24 = arith.constant 0 : i32
    %scan3A_25 = arith.constant 0 : i32
    %scan3A_26 = arith.constant 0 : i32
    %scan3A_27 = arith.constant 625 : i32
    %scan3A_28 = arith.addi %scan3A_26, %scan3A_27 : i32
    %scan3A_29 = arith.constant 1 : i32
    %scan3A_30:2 = scf.for %scan3A_284 = %scan3A_26 to %scan3A_28 step %scan3A_29 iter_args(%scan3A_285 = %scan3A_24, %scan3A_286 = %scan3A_25) -> (i32, i32)  : i32 {
      %mul3A_287 = arith.constant 16 : i32
      %mul3A_288 = arith.muli %scan3A_284, %mul3A_287 : i32
      %get3A = arith.index_cast %mul3A_288 : i32 to index
      %get3A_289 = tpu.vector_load %arg9[%get3A] {strides = array<i32>} : memref<10000xi32, #tpu.memory_space<vmem>>, vector<16xi32>,
      %mul3A_290 = arith.constant 16 : i32
      %mul3A_291 = arith.muli %scan3A_284, %mul3A_290 : i32
      %get3A_292 = arith.index_cast %mul3A_291 : i32 to index
      %get3A_293 = tpu.vector_load %arg8[%get3A_292] {strides = array<i32>} : memref<10000xi32, #tpu.memory_space<vmem>>, vector<16xi32>,
      %ge3A = vector.broadcast %mul3A_17 : i32 to vector<16xi32>
      %ge3A_294 = arith.cmpi sge, %get3A_289, %ge3A : vector<16xi32>
      %add3A_295 = arith.constant 2504 : i32
      %add3A_296 = arith.addi %mul3A_17, %add3A_295 : i32
      %lt3A_297 = vector.broadcast %add3A_296 : i32 to vector<16xi32>
      %lt3A_298 = arith.cmpi slt, %get3A_289, %lt3A_297 : vector<16xi32>
      %and3A_299 = arith.andi %ge3A_294, %lt3A_298 : vector<16xi1>
      %ge3A_300 = vector.broadcast %mul3A_23 : i32 to vector<16xi32>
      %ge3A_301 = arith.cmpi sge, %get3A_289, %ge3A_300 : vector<16xi32>
      %add3A_302 = arith.constant 2504 : i32
      %add3A_303 = arith.addi %mul3A_23, %add3A_302 : i32
      %lt3A_304 = vector.broadcast %add3A_303 : i32 to vector<16xi32>
      %lt3A_305 = arith.cmpi slt, %get3A_289, %lt3A_304 : vector<16xi32>
      %and3A_306 = arith.andi %ge3A_301, %lt3A_305 : vector<16xi1>
      %convert_element_type3A_307 = arith.extui %and3A_299 : vector<16xi1> to vector<16xi32>
      %broadcast_in_dim3A = arith.constant true
      %broadcast_in_dim3A_308 = vector.broadcast %broadcast_in_dim3A : i1 to vector<16xi1>
      %masked_cumsum3A = tpu.scan <sum>, %convert_element_type3A_307 masked %broadcast_in_dim3A_308 : vector<16xi32>, vector<16xi1> -> vector<16xi32>
      %convert_element_type3A_309 = arith.extui %and3A_306 : vector<16xi1> to vector<16xi32>
      %broadcast_in_dim3A_310 = arith.constant true
      %broadcast_in_dim3A_311 = vector.broadcast %broadcast_in_dim3A_310 : i1 to vector<16xi1>
      %masked_cumsum3A_312 = tpu.scan <sum>, %convert_element_type3A_309 masked %broadcast_in_dim3A_311 : vector<16xi32>, vector<16xi1> -> vector<16xi32>
      %add3A_313 = vector.broadcast %scan3A_285 : i32 to vector<16xi32>
      %add3A_314 = arith.addi %add3A_313, %masked_cumsum3A : vector<16xi32>
      %sub3A_315 = arith.constant 1 : i32
      %sub3A_316 = vector.broadcast %sub3A_315 : i32 to vector<16xi32>
      %sub3A_317 = arith.subi %add3A_314, %sub3A_316 : vector<16xi32>
      %add3A_318 = arith.constant 10240 : i32
      %add3A_319 = vector.broadcast %add3A_318 : i32 to vector<16xi32>
      %add3A_320 = arith.addi %add3A_319, %iota3A : vector<16xi32>
      %select_n3A_321 = arith.select %and3A_299, %sub3A_317, %add3A_320 : vector<16xi1>, vector<16xi32>
      %add3A_322 = vector.broadcast %scan3A_286 : i32 to vector<16xi32>
      %add3A_323 = arith.addi %add3A_322, %masked_cumsum3A_312 : vector<16xi32>
      %sub3A_324 = arith.constant 1 : i32
      %sub3A_325 = vector.broadcast %sub3A_324 : i32 to vector<16xi32>
      %sub3A_326 = arith.subi %add3A_323, %sub3A_325 : vector<16xi32>
      %add3A_327 = arith.constant 10240 : i32
      %add3A_328 = vector.broadcast %add3A_327 : i32 to vector<16xi32>
      %add3A_329 = arith.addi %add3A_328, %iota3A : vector<16xi32>
      %select_n3A_330 = arith.select %and3A_306, %sub3A_326, %add3A_329 : vector<16xi1>, vector<16xi32>
      tpu.vector_store_idx %arg10[%select_n3A_321], %get3A_293 : memref<10256xi32, #tpu.memory_space<vmem>>[vector<16xi32>], vector<16xi32>,
      %sub3A_331 = vector.broadcast %mul3A_17 : i32 to vector<16xi32>
      %sub3A_332 = arith.subi %get3A_289, %sub3A_331 : vector<16xi32>
      tpu.vector_store_idx %arg11[%select_n3A_321], %sub3A_332 : memref<10256xi32, #tpu.memory_space<vmem>>[vector<16xi32>], vector<16xi32>,
      tpu.vector_store_idx %arg12[%select_n3A_330], %get3A_293 : memref<10256xi32, #tpu.memory_space<vmem>>[vector<16xi32>], vector<16xi32>,
      %sub3A_333 = vector.broadcast %mul3A_23 : i32 to vector<16xi32>
      %sub3A_334 = arith.subi %get3A_289, %sub3A_333 : vector<16xi32>
      tpu.vector_store_idx %arg13[%select_n3A_330], %sub3A_334 : memref<10256xi32, #tpu.memory_space<vmem>>[vector<16xi32>], vector<16xi32>,
      %slice3A = vector.extract_strided_slice %masked_cumsum3A {offsets = [15], sizes = [1], strides = [1]} : vector<16xi32> to vector<1xi32>
      %squeeze3A = vector.extract %slice3A[0] : i32 from vector<1xi32>
      %add3A_335 = arith.addi %scan3A_285, %squeeze3A : i32
      %slice3A_336 = vector.extract_strided_slice %masked_cumsum3A_312 {offsets = [15], sizes = [1], strides = [1]} : vector<16xi32> to vector<1xi32>
      %squeeze3A_337 = vector.extract %slice3A_336[0] : i32 from vector<1xi32>
      %add3A_338 = arith.addi %scan3A_286, %squeeze3A_337 : i32
      scf.yield %add3A_335, %add3A_338 : i32, i32
    }
    %scan3A_31 = arith.constant 625 : i32
    %add3A_32 = arith.constant 128 : i32
    %add3A_33 = arith.addi %scan3A_30#0, %add3A_32 : i32
    %sub3A = arith.constant 1 : i32
    %sub3A_34 = arith.subi %add3A_33, %sub3A : i32
    %jit3A = arith.constant 128 : i32
    %div3A = arith.divsi %sub3A_34, %jit3A : i32
    %sign3A = arith.constant 0 : i32
    %sign3A_35 = arith.cmpi sgt, %sub3A_34, %sign3A : i32
    %sign3A_36 = arith.extui %sign3A_35 : i1 to i32
    %sign3A_37 = arith.constant 0 : i32
    %sign3A_38 = arith.cmpi slt, %sub3A_34, %sign3A_37 : i32
    %sign3A_39 = arith.extui %sign3A_38 : i1 to i32
    %sign3A_40 = arith.subi %sign3A_36, %sign3A_39 : i32
    %sign3A_41 = arith.constant 0 : i32
    %sign3A_42 = arith.cmpi sgt, %jit3A, %sign3A_41 : i32
    %sign3A_43 = arith.extui %sign3A_42 : i1 to i32
    %sign3A_44 = arith.constant 0 : i32
    %sign3A_45 = arith.cmpi slt, %jit3A, %sign3A_44 : i32
    %sign3A_46 = arith.extui %sign3A_45 : i1 to i32
    %sign3A_47 = arith.subi %sign3A_43, %sign3A_46 : i32
    %ne3A = arith.cmpi ne, %sign3A_40, %sign3A_47 : i32
    %rem3A = arith.remsi %sub3A_34, %jit3A : i32
    %ne3A_48 = arith.constant 0 : i32
    %ne3A_49 = arith.cmpi ne, %rem3A, %ne3A_48 : i32
    %and3A = arith.andi %ne3A, %ne3A_49 : i1
    %sub3A_50 = arith.constant 1 : i32
    %sub3A_51 = arith.subi %div3A, %sub3A_50 : i32
    %select_n3A = arith.select %and3A, %sub3A_51, %div3A : i32
    %mul3A_52 = arith.constant 128 : i32
    %mul3A_53 = arith.muli %select_n3A, %mul3A_52 : i32
    %add3A_54 = arith.constant 128 : i32
    %add3A_55 = arith.addi %scan3A_30#1, %add3A_54 : i32
    %sub3A_56 = arith.constant 1 : i32
    %sub3A_57 = arith.subi %add3A_55, %sub3A_56 : i32
    %jit3A_58 = arith.constant 128 : i32
    %div3A_59 = arith.divsi %sub3A_57, %jit3A_58 : i32
    %sign3A_60 = arith.constant 0 : i32
    %sign3A_61 = arith.cmpi sgt, %sub3A_57, %sign3A_60 : i32
    %sign3A_62 = arith.extui %sign3A_61 : i1 to i32
    %sign3A_63 = arith.constant 0 : i32
    %sign3A_64 = arith.cmpi slt, %sub3A_57, %sign3A_63 : i32
    %sign3A_65 = arith.extui %sign3A_64 : i1 to i32
    %sign3A_66 = arith.subi %sign3A_62, %sign3A_65 : i32
    %sign3A_67 = arith.constant 0 : i32
    %sign3A_68 = arith.cmpi sgt, %jit3A_58, %sign3A_67 : i32
    %sign3A_69 = arith.extui %sign3A_68 : i1 to i32
    %sign3A_70 = arith.constant 0 : i32
    %sign3A_71 = arith.cmpi slt, %jit3A_58, %sign3A_70 : i32
    %sign3A_72 = arith.extui %sign3A_71 : i1 to i32
    %sign3A_73 = arith.subi %sign3A_69, %sign3A_72 : i32
    %ne3A_74 = arith.cmpi ne, %sign3A_66, %sign3A_73 : i32
    %rem3A_75 = arith.remsi %sub3A_57, %jit3A_58 : i32
    %ne3A_76 = arith.constant 0 : i32
    %ne3A_77 = arith.cmpi ne, %rem3A_75, %ne3A_76 : i32
    %and3A_78 = arith.andi %ne3A_74, %ne3A_77 : i1
    %sub3A_79 = arith.constant 1 : i32
    %sub3A_80 = arith.subi %div3A_59, %sub3A_79 : i32
    %select_n3A_81 = arith.select %and3A_78, %sub3A_80, %div3A_59 : i32
    %mul3A_82 = arith.constant 128 : i32
    %mul3A_83 = arith.muli %select_n3A_81, %mul3A_82 : i32
    %scan3A_84 = arith.constant 0 : i32
    %scan3A_85 = arith.constant 0 : i32
    %scan3A_86 = arith.constant 8 : i32
    %scan3A_87 = arith.addi %scan3A_85, %scan3A_86 : i32
    %scan3A_88 = arith.constant 1 : i32
    %scan3A_89 = scf.for %scan3A_284 = %scan3A_85 to %scan3A_87 step %scan3A_88 iter_args(%scan3A_285 = %scan3A_84) -> (i32)  : i32 {
      %mul3A_286 = arith.constant 16 : i32
      %mul3A_287 = arith.muli %scan3A_284, %mul3A_286 : i32
      %add3A_288 = arith.addi %scan3A_30#0, %mul3A_287 : i32
      %lt3A_289 = arith.cmpi slt, %add3A_288, %mul3A_53 : i32
      %convert_element_type3A_290 = arith.extui %lt3A_289 : i1 to i32
      %cond3A_291 = arith.constant 0 : i32
      %cond3A_292 = arith.cmpi ne, %convert_element_type3A_290, %cond3A_291 : i32
      scf.if %cond3A_292 {
        %broadcast_in_dim3A = arith.constant 0 : i32
        %broadcast_in_dim3A_294 = vector.broadcast %broadcast_in_dim3A : i32 to vector<16xi32>
        %mul3A_295 = arith.constant 16 : i32
        %mul3A_296 = arith.muli %scan3A_284, %mul3A_295 : i32
        %add3A_297 = arith.addi %scan3A_30#0, %mul3A_296 : i32
        %swap3A = arith.index_cast %add3A_297 : i32 to index
        %swap3A_298 = tpu.vector_load %arg10[%swap3A] {strides = array<i32>} : memref<10256xi32, #tpu.memory_space<vmem>>, vector<16xi32>,
        tpu.vector_store %arg10[%swap3A], %broadcast_in_dim3A_294 {strides = array<i32>} : memref<10256xi32, #tpu.memory_space<vmem>>, vector<16xi32>,
        %broadcast_in_dim3A_299 = arith.constant 2504 : i32
        %broadcast_in_dim3A_300 = vector.broadcast %broadcast_in_dim3A_299 : i32 to vector<16xi32>
        %mul3A_301 = arith.constant 16 : i32
        %mul3A_302 = arith.muli %scan3A_284, %mul3A_301 : i32
        %add3A_303 = arith.addi %scan3A_30#0, %mul3A_302 : i32
        %swap3A_304 = arith.index_cast %add3A_303 : i32 to index
        %swap3A_305 = tpu.vector_load %arg11[%swap3A_304] {strides = array<i32>} : memref<10256xi32, #tpu.memory_space<vmem>>, vector<16xi32>,
        tpu.vector_store %arg11[%swap3A_304], %broadcast_in_dim3A_300 {strides = array<i32>} : memref<10256xi32, #tpu.memory_space<vmem>>, vector<16xi32>,
      } else {
      }
      %scan3A_293 = arith.constant 0 : i32
      scf.yield %scan3A_293 : i32
    }
    %scan3A_90 = arith.constant 8 : i32
    %scan3A_91 = arith.constant 0 : i32
    %scan3A_92 = arith.constant 0 : i32
    %scan3A_93 = arith.constant 8 : i32
    %scan3A_94 = arith.addi %scan3A_92, %scan3A_93 : i32
    %scan3A_95 = arith.constant 1 : i32
    %scan3A_96 = scf.for %scan3A_284 = %scan3A_92 to %scan3A_94 step %scan3A_95 iter_args(%scan3A_285 = %scan3A_91) -> (i32)  : i32 {
      %mul3A_286 = arith.constant 16 : i32
      %mul3A_287 = arith.muli %scan3A_284, %mul3A_286 : i32
      %add3A_288 = arith.addi %scan3A_30#1, %mul3A_287 : i32
      %lt3A_289 = arith.cmpi slt, %add3A_288, %mul3A_83 : i32
      %convert_element_type3A_290 = arith.extui %lt3A_289 : i1 to i32
      %cond3A_291 = arith.constant 0 : i32
      %cond3A_292 = arith.cmpi ne, %convert_element_type3A_290, %cond3A_291 : i32
      scf.if %cond3A_292 {
        %broadcast_in_dim3A = arith.constant 0 : i32
        %broadcast_in_dim3A_294 = vector.broadcast %broadcast_in_dim3A : i32 to vector<16xi32>
        %mul3A_295 = arith.constant 16 : i32
        %mul3A_296 = arith.muli %scan3A_284, %mul3A_295 : i32
        %add3A_297 = arith.addi %scan3A_30#1, %mul3A_296 : i32
        %swap3A = arith.index_cast %add3A_297 : i32 to index
        %swap3A_298 = tpu.vector_load %arg12[%swap3A] {strides = array<i32>} : memref<10256xi32, #tpu.memory_space<vmem>>, vector<16xi32>,
        tpu.vector_store %arg12[%swap3A], %broadcast_in_dim3A_294 {strides = array<i32>} : memref<10256xi32, #tpu.memory_space<vmem>>, vector<16xi32>,
        %broadcast_in_dim3A_299 = arith.constant 2504 : i32
        %broadcast_in_dim3A_300 = vector.broadcast %broadcast_in_dim3A_299 : i32 to vector<16xi32>
        %mul3A_301 = arith.constant 16 : i32
        %mul3A_302 = arith.muli %scan3A_284, %mul3A_301 : i32
        %add3A_303 = arith.addi %scan3A_30#1, %mul3A_302 : i32
        %swap3A_304 = arith.index_cast %add3A_303 : i32 to index
        %swap3A_305 = tpu.vector_load %arg13[%swap3A_304] {strides = array<i32>} : memref<10256xi32, #tpu.memory_space<vmem>>, vector<16xi32>,
        tpu.vector_store %arg13[%swap3A_304], %broadcast_in_dim3A_300 {strides = array<i32>} : memref<10256xi32, #tpu.memory_space<vmem>>, vector<16xi32>,
      } else {
      }
      %scan3A_293 = arith.constant 0 : i32
      scf.yield %scan3A_293 : i32
    }
    %scan3A_97 = arith.constant 8 : i32
    %mul3A_98 = arith.constant 2 : i32
    %mul3A_99 = arith.muli %add3A, %mul3A_98 : i32
    %mul3A_100 = arith.constant 10240 : i32
    %mul3A_101 = arith.muli %mul3A_99, %mul3A_100 : i32
    "tpu.region"() ({
      %run_scoped3A = tpu.sem_alloc : memref<!tpu.dma_semaphore, #tpu.memory_space<semaphore_mem>>
      %dma_start3A = arith.constant 0 : i32
      %dma_start3A_284 = tpu.memref_slice %arg10[%dma_start3A] : memref<10256xi32, #tpu.memory_space<vmem>> -> memref<10240xi32, #tpu.memory_space<vmem>>
      %dma_start3A_285 = tpu.memref_slice %arg4[%mul3A_101] : memref<655360xi32, #tpu.memory_space<hbm>> -> memref<10240xi32, #tpu.memory_space<hbm>>
      %dma_start3A_286 = tpu.memref_slice %arg4[%mul3A_101] : memref<655360xi32, #tpu.memory_space<hbm>> -> memref<10240xi32, #tpu.memory_space<hbm>>
      %dma_start3A_287 = arith.constant 0 : i32
      %dma_start3A_288 = tpu.memref_slice %arg10[%dma_start3A_287] : memref<10256xi32, #tpu.memory_space<vmem>> -> memref<10240xi32, #tpu.memory_space<vmem>>
      tpu.enqueue_dma source(%dma_start3A_288 : memref<10240xi32, #tpu.memory_space<vmem>>) target(%dma_start3A_286 : memref<10240xi32, #tpu.memory_space<hbm>>) target_semaphore(%run_scoped3A : memref<!tpu.dma_semaphore, #tpu.memory_space<semaphore_mem>>)
      %dma_wait3A = arith.constant 0 : i32
      %dma_wait3A_289 = tpu.memref_slice %arg10[%dma_wait3A] : memref<10256xi32, #tpu.memory_space<vmem>> -> memref<10240xi32, #tpu.memory_space<vmem>>
      %dma_wait3A_290 = tpu.memref_slice %arg4[%mul3A_101] : memref<655360xi32, #tpu.memory_space<hbm>> -> memref<10240xi32, #tpu.memory_space<hbm>>
      %dma_wait3A_291 = tpu.memref_slice %arg4[%mul3A_101] : memref<655360xi32, #tpu.memory_space<hbm>> -> memref<10240xi32, #tpu.memory_space<hbm>>
      %dma_wait3A_292 = arith.constant 0 : i32
      %dma_wait3A_293 = tpu.memref_slice %arg10[%dma_wait3A_292] : memref<10256xi32, #tpu.memory_space<vmem>> -> memref<10240xi32, #tpu.memory_space<vmem>>
      tpu.wait_dma2 semaphore(%run_scoped3A : memref<!tpu.dma_semaphore, #tpu.memory_space<semaphore_mem>>) src(%dma_wait3A_293 : memref<10240xi32, #tpu.memory_space<vmem>>) dst(%dma_wait3A_291 : memref<10240xi32, #tpu.memory_space<hbm>>)
      tpu.yield
    }) : () -> ()
    %mul3A_102 = arith.constant 2 : i32
    %mul3A_103 = arith.muli %add3A, %mul3A_102 : i32
    %mul3A_104 = arith.constant 10240 : i32
    %mul3A_105 = arith.muli %mul3A_103, %mul3A_104 : i32
    "tpu.region"() ({
      %run_scoped3A = tpu.sem_alloc : memref<!tpu.dma_semaphore, #tpu.memory_space<semaphore_mem>>
      %dma_start3A = arith.constant 0 : i32
      %dma_start3A_284 = tpu.memref_slice %arg11[%dma_start3A] : memref<10256xi32, #tpu.memory_space<vmem>> -> memref<10240xi32, #tpu.memory_space<vmem>>
      %dma_start3A_285 = tpu.memref_slice %arg5[%mul3A_105] : memref<655360xi32, #tpu.memory_space<hbm>> -> memref<10240xi32, #tpu.memory_space<hbm>>
      %dma_start3A_286 = tpu.memref_slice %arg5[%mul3A_105] : memref<655360xi32, #tpu.memory_space<hbm>> -> memref<10240xi32, #tpu.memory_space<hbm>>
      %dma_start3A_287 = arith.constant 0 : i32
      %dma_start3A_288 = tpu.memref_slice %arg11[%dma_start3A_287] : memref<10256xi32, #tpu.memory_space<vmem>> -> memref<10240xi32, #tpu.memory_space<vmem>>
      tpu.enqueue_dma source(%dma_start3A_288 : memref<10240xi32, #tpu.memory_space<vmem>>) target(%dma_start3A_286 : memref<10240xi32, #tpu.memory_space<hbm>>) target_semaphore(%run_scoped3A : memref<!tpu.dma_semaphore, #tpu.memory_space<semaphore_mem>>)
      %dma_wait3A = arith.constant 0 : i32
      %dma_wait3A_289 = tpu.memref_slice %arg11[%dma_wait3A] : memref<10256xi32, #tpu.memory_space<vmem>> -> memref<10240xi32, #tpu.memory_space<vmem>>
      %dma_wait3A_290 = tpu.memref_slice %arg5[%mul3A_105] : memref<655360xi32, #tpu.memory_space<hbm>> -> memref<10240xi32, #tpu.memory_space<hbm>>
      %dma_wait3A_291 = tpu.memref_slice %arg5[%mul3A_105] : memref<655360xi32, #tpu.memory_space<hbm>> -> memref<10240xi32, #tpu.memory_space<hbm>>
      %dma_wait3A_292 = arith.constant 0 : i32
      %dma_wait3A_293 = tpu.memref_slice %arg11[%dma_wait3A_292] : memref<10256xi32, #tpu.memory_space<vmem>> -> memref<10240xi32, #tpu.memory_space<vmem>>
      tpu.wait_dma2 semaphore(%run_scoped3A : memref<!tpu.dma_semaphore, #tpu.memory_space<semaphore_mem>>) src(%dma_wait3A_293 : memref<10240xi32, #tpu.memory_space<vmem>>) dst(%dma_wait3A_291 : memref<10240xi32, #tpu.memory_space<hbm>>)
      tpu.yield
    }) : () -> ()
    %mul3A_106 = arith.constant 2 : i32
    %mul3A_107 = arith.muli %add3A, %mul3A_106 : i32
    %add3A_108 = arith.constant 1 : i32
    %add3A_109 = arith.addi %mul3A_107, %add3A_108 : i32
    %mul3A_110 = arith.constant 10240 : i32
    %mul3A_111 = arith.muli %add3A_109, %mul3A_110 : i32
    "tpu.region"() ({
      %run_scoped3A = tpu.sem_alloc : memref<!tpu.dma_semaphore, #tpu.memory_space<semaphore_mem>>
      %dma_start3A = arith.constant 0 : i32
      %dma_start3A_284 = tpu.memref_slice %arg12[%dma_start3A] : memref<10256xi32, #tpu.memory_space<vmem>> -> memref<10240xi32, #tpu.memory_space<vmem>>
      %dma_start3A_285 = tpu.memref_slice %arg4[%mul3A_111] : memref<655360xi32, #tpu.memory_space<hbm>> -> memref<10240xi32, #tpu.memory_space<hbm>>
      %dma_start3A_286 = tpu.memref_slice %arg4[%mul3A_111] : memref<655360xi32, #tpu.memory_space<hbm>> -> memref<10240xi32, #tpu.memory_space<hbm>>
      %dma_start3A_287 = arith.constant 0 : i32
      %dma_start3A_288 = tpu.memref_slice %arg12[%dma_start3A_287] : memref<10256xi32, #tpu.memory_space<vmem>> -> memref<10240xi32, #tpu.memory_space<vmem>>
      tpu.enqueue_dma source(%dma_start3A_288 : memref<10240xi32, #tpu.memory_space<vmem>>) target(%dma_start3A_286 : memref<10240xi32, #tpu.memory_space<hbm>>) target_semaphore(%run_scoped3A : memref<!tpu.dma_semaphore, #tpu.memory_space<semaphore_mem>>)
      %dma_wait3A = arith.constant 0 : i32
      %dma_wait3A_289 = tpu.memref_slice %arg12[%dma_wait3A] : memref<10256xi32, #tpu.memory_space<vmem>> -> memref<10240xi32, #tpu.memory_space<vmem>>
      %dma_wait3A_290 = tpu.memref_slice %arg4[%mul3A_111] : memref<655360xi32, #tpu.memory_space<hbm>> -> memref<10240xi32, #tpu.memory_space<hbm>>
      %dma_wait3A_291 = tpu.memref_slice %arg4[%mul3A_111] : memref<655360xi32, #tpu.memory_space<hbm>> -> memref<10240xi32, #tpu.memory_space<hbm>>
      %dma_wait3A_292 = arith.constant 0 : i32
      %dma_wait3A_293 = tpu.memref_slice %arg12[%dma_wait3A_292] : memref<10256xi32, #tpu.memory_space<vmem>> -> memref<10240xi32, #tpu.memory_space<vmem>>
      tpu.wait_dma2 semaphore(%run_scoped3A : memref<!tpu.dma_semaphore, #tpu.memory_space<semaphore_mem>>) src(%dma_wait3A_293 : memref<10240xi32, #tpu.memory_space<vmem>>) dst(%dma_wait3A_291 : memref<10240xi32, #tpu.memory_space<hbm>>)
      tpu.yield
    }) : () -> ()
    %mul3A_112 = arith.constant 2 : i32
    %mul3A_113 = arith.muli %add3A, %mul3A_112 : i32
    %add3A_114 = arith.constant 1 : i32
    %add3A_115 = arith.addi %mul3A_113, %add3A_114 : i32
    %mul3A_116 = arith.constant 10240 : i32
    %mul3A_117 = arith.muli %add3A_115, %mul3A_116 : i32
    "tpu.region"() ({
      %run_scoped3A = tpu.sem_alloc : memref<!tpu.dma_semaphore, #tpu.memory_space<semaphore_mem>>
      %dma_start3A = arith.constant 0 : i32
      %dma_start3A_284 = tpu.memref_slice %arg13[%dma_start3A] : memref<10256xi32, #tpu.memory_space<vmem>> -> memref<10240xi32, #tpu.memory_space<vmem>>
      %dma_start3A_285 = tpu.memref_slice %arg5[%mul3A_117] : memref<655360xi32, #tpu.memory_space<hbm>> -> memref<10240xi32, #tpu.memory_space<hbm>>
      %dma_start3A_286 = tpu.memref_slice %arg5[%mul3A_117] : memref<655360xi32, #tpu.memory_space<hbm>> -> memref<10240xi32, #tpu.memory_space<hbm>>
      %dma_start3A_287 = arith.constant 0 : i32
      %dma_start3A_288 = tpu.memref_slice %arg13[%dma_start3A_287] : memref<10256xi32, #tpu.memory_space<vmem>> -> memref<10240xi32, #tpu.memory_space<vmem>>
      tpu.enqueue_dma source(%dma_start3A_288 : memref<10240xi32, #tpu.memory_space<vmem>>) target(%dma_start3A_286 : memref<10240xi32, #tpu.memory_space<hbm>>) target_semaphore(%run_scoped3A : memref<!tpu.dma_semaphore, #tpu.memory_space<semaphore_mem>>)
      %dma_wait3A = arith.constant 0 : i32
      %dma_wait3A_289 = tpu.memref_slice %arg13[%dma_wait3A] : memref<10256xi32, #tpu.memory_space<vmem>> -> memref<10240xi32, #tpu.memory_space<vmem>>
      %dma_wait3A_290 = tpu.memref_slice %arg5[%mul3A_117] : memref<655360xi32, #tpu.memory_space<hbm>> -> memref<10240xi32, #tpu.memory_space<hbm>>
      %dma_wait3A_291 = tpu.memref_slice %arg5[%mul3A_117] : memref<655360xi32, #tpu.memory_space<hbm>> -> memref<10240xi32, #tpu.memory_space<hbm>>
      %dma_wait3A_292 = arith.constant 0 : i32
      %dma_wait3A_293 = tpu.memref_slice %arg13[%dma_wait3A_292] : memref<10256xi32, #tpu.memory_space<vmem>> -> memref<10240xi32, #tpu.memory_space<vmem>>
      tpu.wait_dma2 semaphore(%run_scoped3A : memref<!tpu.dma_semaphore, #tpu.memory_space<semaphore_mem>>) src(%dma_wait3A_293 : memref<10240xi32, #tpu.memory_space<vmem>>) dst(%dma_wait3A_291 : memref<10240xi32, #tpu.memory_space<hbm>>)
      tpu.yield
    }) : () -> ()
    %scan3A_118 = arith.constant 0 : i32
    %scan3A_119 = arith.constant 8 : i32
    %scan3A_120 = arith.addi %scan3A_118, %scan3A_119 : i32
    %scan3A_121 = arith.constant 1 : i32
    scf.for %scan3A_284 = %scan3A_118 to %scan3A_120 step %scan3A_121  : i32 {
      %mul3A_285 = arith.constant 1 : i32
      %mul3A_286 = arith.muli %scan3A_284, %mul3A_285 : i32
      %add3A_287 = arith.constant 0 : i32
      %add3A_288 = arith.addi %add3A_287, %mul3A_286 : i32
      %broadcast_in_dim3A = vector.broadcast %mul3A_53 : i32 to vector<16xi32>
      %mul3A_289 = arith.constant 16 : i32
      %mul3A_290 = arith.muli %add3A_288, %mul3A_289 : i32
      %swap3A = arith.index_cast %mul3A_290 : i32 to index
      %swap3A_291 = tpu.vector_load %arg14[%swap3A] {strides = array<i32>} : memref<128xi32, #tpu.memory_space<vmem>>, vector<16xi32>,
      tpu.vector_store %arg14[%swap3A], %broadcast_in_dim3A {strides = array<i32>} : memref<128xi32, #tpu.memory_space<vmem>>, vector<16xi32>,
    }
    %scan3A_122 = arith.constant 8 : i32
    %mul3A_123 = arith.constant 2 : i32
    %mul3A_124 = arith.muli %add3A, %mul3A_123 : i32
    %mul3A_125 = arith.constant 128 : i32
    %mul3A_126 = arith.muli %mul3A_124, %mul3A_125 : i32
    "tpu.region"() ({
      %run_scoped3A = tpu.sem_alloc : memref<!tpu.dma_semaphore, #tpu.memory_space<semaphore_mem>>
      %dma_start3A = tpu.memref_slice %arg6[%mul3A_126] : memref<8192xi32, #tpu.memory_space<hbm>> -> memref<128xi32, #tpu.memory_space<hbm>>
      %dma_start3A_284 = tpu.memref_slice %arg6[%mul3A_126] : memref<8192xi32, #tpu.memory_space<hbm>> -> memref<128xi32, #tpu.memory_space<hbm>>
      tpu.enqueue_dma source(%arg14 : memref<128xi32, #tpu.memory_space<vmem>>) target(%dma_start3A_284 : memref<128xi32, #tpu.memory_space<hbm>>) target_semaphore(%run_scoped3A : memref<!tpu.dma_semaphore, #tpu.memory_space<semaphore_mem>>)
      %dma_wait3A = tpu.memref_slice %arg6[%mul3A_126] : memref<8192xi32, #tpu.memory_space<hbm>> -> memref<128xi32, #tpu.memory_space<hbm>>
      %dma_wait3A_285 = tpu.memref_slice %arg6[%mul3A_126] : memref<8192xi32, #tpu.memory_space<hbm>> -> memref<128xi32, #tpu.memory_space<hbm>>
      tpu.wait_dma2 semaphore(%run_scoped3A : memref<!tpu.dma_semaphore, #tpu.memory_space<semaphore_mem>>) src(%arg14 : memref<128xi32, #tpu.memory_space<vmem>>) dst(%dma_wait3A_285 : memref<128xi32, #tpu.memory_space<hbm>>)
      tpu.yield
    }) : () -> ()
    %scan3A_127 = arith.constant 0 : i32
    %scan3A_128 = arith.constant 8 : i32
    %scan3A_129 = arith.addi %scan3A_127, %scan3A_128 : i32
    %scan3A_130 = arith.constant 1 : i32
    scf.for %scan3A_284 = %scan3A_127 to %scan3A_129 step %scan3A_130  : i32 {
      %mul3A_285 = arith.constant 1 : i32
      %mul3A_286 = arith.muli %scan3A_284, %mul3A_285 : i32
      %add3A_287 = arith.constant 0 : i32
      %add3A_288 = arith.addi %add3A_287, %mul3A_286 : i32
      %broadcast_in_dim3A = vector.broadcast %mul3A_83 : i32 to vector<16xi32>
      %mul3A_289 = arith.constant 16 : i32
      %mul3A_290 = arith.muli %add3A_288, %mul3A_289 : i32
      %swap3A = arith.index_cast %mul3A_290 : i32 to index
      %swap3A_291 = tpu.vector_load %arg14[%swap3A] {strides = array<i32>} : memref<128xi32, #tpu.memory_space<vmem>>, vector<16xi32>,
      tpu.vector_store %arg14[%swap3A], %broadcast_in_dim3A {strides = array<i32>} : memref<128xi32, #tpu.memory_space<vmem>>, vector<16xi32>,
    }
    %scan3A_131 = arith.constant 8 : i32
    %mul3A_132 = arith.constant 2 : i32
    %mul3A_133 = arith.muli %add3A, %mul3A_132 : i32
    %add3A_134 = arith.constant 1 : i32
    %add3A_135 = arith.addi %mul3A_133, %add3A_134 : i32
    %mul3A_136 = arith.constant 128 : i32
    %mul3A_137 = arith.muli %add3A_135, %mul3A_136 : i32
    "tpu.region"() ({
      %run_scoped3A = tpu.sem_alloc : memref<!tpu.dma_semaphore, #tpu.memory_space<semaphore_mem>>
      %dma_start3A = tpu.memref_slice %arg6[%mul3A_137] : memref<8192xi32, #tpu.memory_space<hbm>> -> memref<128xi32, #tpu.memory_space<hbm>>
      %dma_start3A_284 = tpu.memref_slice %arg6[%mul3A_137] : memref<8192xi32, #tpu.memory_space<hbm>> -> memref<128xi32, #tpu.memory_space<hbm>>
      tpu.enqueue_dma source(%arg14 : memref<128xi32, #tpu.memory_space<vmem>>) target(%dma_start3A_284 : memref<128xi32, #tpu.memory_space<hbm>>) target_semaphore(%run_scoped3A : memref<!tpu.dma_semaphore, #tpu.memory_space<semaphore_mem>>)
      %dma_wait3A = tpu.memref_slice %arg6[%mul3A_137] : memref<8192xi32, #tpu.memory_space<hbm>> -> memref<128xi32, #tpu.memory_space<hbm>>
      %dma_wait3A_285 = tpu.memref_slice %arg6[%mul3A_137] : memref<8192xi32, #tpu.memory_space<hbm>> -> memref<128xi32, #tpu.memory_space<hbm>>
      tpu.wait_dma2 semaphore(%run_scoped3A : memref<!tpu.dma_semaphore, #tpu.memory_space<semaphore_mem>>) src(%arg14 : memref<128xi32, #tpu.memory_space<vmem>>) dst(%dma_wait3A_285 : memref<128xi32, #tpu.memory_space<hbm>>)
      tpu.yield
    }) : () -> ()
    %mul3A_138 = arith.constant 2 : i32
    %mul3A_139 = arith.muli %mul3A_138, %arg0 : i32
    %add3A_140 = arith.constant 0 : i32
    %add3A_141 = arith.addi %mul3A_139, %add3A_140 : i32
    %mul3A_142 = arith.constant 152 : i32
    %mul3A_143 = arith.muli %arg1, %mul3A_142 : i32
    "tpu.region"() ({
      %run_scoped3A = tpu.sem_alloc : memref<!tpu.dma_semaphore, #tpu.memory_space<semaphore_mem>>
      %dma_start3A = arith.constant 0 : i32
      %dma_start3A_284 = tpu.memref_slice %arg18[%mul3A_143, %dma_start3A] : memref<2512x16xf32, #tpu.memory_space<vmem_shared>> -> memref<152x16xf32, #tpu.memory_space<vmem_shared>>
      %dma_start3A_285 = arith.constant 0 : i32
      %dma_start3A_286 = tpu.memref_slice %arg18[%mul3A_143, %dma_start3A_285] : memref<2512x16xf32, #tpu.memory_space<vmem_shared>> -> memref<152x16xf32, #tpu.memory_space<vmem_shared>>
      tpu.enqueue_dma source(%arg17 : memref<152x16xf32, #tpu.memory_space<vmem>>) target(%dma_start3A_286 : memref<152x16xf32, #tpu.memory_space<vmem_shared>>) target_semaphore(%run_scoped3A : memref<!tpu.dma_semaphore, #tpu.memory_space<semaphore_mem>>)
      %dma_wait3A = arith.constant 0 : i32
      %dma_wait3A_287 = tpu.memref_slice %arg18[%mul3A_143, %dma_wait3A] : memref<2512x16xf32, #tpu.memory_space<vmem_shared>> -> memref<152x16xf32, #tpu.memory_space<vmem_shared>>
      %dma_wait3A_288 = arith.constant 0 : i32
      %dma_wait3A_289 = tpu.memref_slice %arg18[%mul3A_143, %dma_wait3A_288] : memref<2512x16xf32, #tpu.memory_space<vmem_shared>> -> memref<152x16xf32, #tpu.memory_space<vmem_shared>>
      tpu.wait_dma2 semaphore(%run_scoped3A : memref<!tpu.dma_semaphore, #tpu.memory_space<semaphore_mem>>) src(%arg17 : memref<152x16xf32, #tpu.memory_space<vmem>>) dst(%dma_wait3A_289 : memref<152x16xf32, #tpu.memory_space<vmem_shared>>)
      tpu.yield
    }) : () -> ()
    %eq3A = arith.constant 0 : i32
    %eq3A_144 = arith.cmpi eq, %arg1, %eq3A : i32
    %convert_element_type3A = arith.extui %eq3A_144 : i1 to i32
    %cond3A = arith.constant 0 : i32
    %cond3A_145 = arith.cmpi ne, %convert_element_type3A, %cond3A : i32
    scf.if %cond3A_145 {
      "tpu.region"() ({
        %run_scoped3A = tpu.sem_alloc : memref<!tpu.dma_semaphore, #tpu.memory_space<semaphore_mem>>
        %dma_start3A = arith.constant 0 : i32
        %dma_start3A_284 = arith.constant 0 : i32
        %dma_start3A_285 = tpu.memref_slice %arg17[%dma_start3A, %dma_start3A_284] : memref<152x16xf32, #tpu.memory_space<vmem>> -> memref<80x16xf32, #tpu.memory_space<vmem>>
        %dma_start3A_286 = arith.constant 2432 : i32
        %dma_start3A_287 = arith.constant 0 : i32
        %dma_start3A_288 = tpu.memref_slice %arg18[%dma_start3A_286, %dma_start3A_287] : memref<2512x16xf32, #tpu.memory_space<vmem_shared>> -> memref<80x16xf32, #tpu.memory_space<vmem_shared>>
        %dma_start3A_289 = arith.constant 2432 : i32
        %dma_start3A_290 = arith.constant 0 : i32
        %dma_start3A_291 = tpu.memref_slice %arg18[%dma_start3A_289, %dma_start3A_290] : memref<2512x16xf32, #tpu.memory_space<vmem_shared>> -> memref<80x16xf32, #tpu.memory_space<vmem_shared>>
        %dma_start3A_292 = arith.constant 0 : i32
        %dma_start3A_293 = arith.constant 0 : i32
        %dma_start3A_294 = tpu.memref_slice %arg17[%dma_start3A_292, %dma_start3A_293] : memref<152x16xf32, #tpu.memory_space<vmem>> -> memref<80x16xf32, #tpu.memory_space<vmem>>
        tpu.enqueue_dma source(%dma_start3A_294 : memref<80x16xf32, #tpu.memory_space<vmem>>) target(%dma_start3A_291 : memref<80x16xf32, #tpu.memory_space<vmem_shared>>) target_semaphore(%run_scoped3A : memref<!tpu.dma_semaphore, #tpu.memory_space<semaphore_mem>>)
        %dma_wait3A = arith.constant 0 : i32
        %dma_wait3A_295 = arith.constant 0 : i32
        %dma_wait3A_296 = tpu.memref_slice %arg17[%dma_wait3A, %dma_wait3A_295] : memref<152x16xf32, #tpu.memory_space<vmem>> -> memref<80x16xf32, #tpu.memory_space<vmem>>
        %dma_wait3A_297 = arith.constant 2432 : i32
        %dma_wait3A_298 = arith.constant 0 : i32
        %dma_wait3A_299 = tpu.memref_slice %arg18[%dma_wait3A_297, %dma_wait3A_298] : memref<2512x16xf32, #tpu.memory_space<vmem_shared>> -> memref<80x16xf32, #tpu.memory_space<vmem_shared>>
        %dma_wait3A_300 = arith.constant 2432 : i32
        %dma_wait3A_301 = arith.constant 0 : i32
        %dma_wait3A_302 = tpu.memref_slice %arg18[%dma_wait3A_300, %dma_wait3A_301] : memref<2512x16xf32, #tpu.memory_space<vmem_shared>> -> memref<80x16xf32, #tpu.memory_space<vmem_shared>>
        %dma_wait3A_303 = arith.constant 0 : i32
        %dma_wait3A_304 = arith.constant 0 : i32
        %dma_wait3A_305 = tpu.memref_slice %arg17[%dma_wait3A_303, %dma_wait3A_304] : memref<152x16xf32, #tpu.memory_space<vmem>> -> memref<80x16xf32, #tpu.memory_space<vmem>>
        tpu.wait_dma2 semaphore(%run_scoped3A : memref<!tpu.dma_semaphore, #tpu.memory_space<semaphore_mem>>) src(%dma_wait3A_305 : memref<80x16xf32, #tpu.memory_space<vmem>>) dst(%dma_wait3A_302 : memref<80x16xf32, #tpu.memory_space<vmem_shared>>)
        tpu.yield
      }) : () -> ()
    } else {
    }
    %barrier3A = arith.constant 0 : index
    tpu.barrier barrier_id(%barrier3A)
    %jit3A_146 = arith.constant 128 : i32
    %div3A_147 = arith.divsi %mul3A_53, %jit3A_146 : i32
    %sign3A_148 = arith.constant 0 : i32
    %sign3A_149 = arith.cmpi sgt, %mul3A_53, %sign3A_148 : i32
    %sign3A_150 = arith.extui %sign3A_149 : i1 to i32
    %sign3A_151 = arith.constant 0 : i32
    %sign3A_152 = arith.cmpi slt, %mul3A_53, %sign3A_151 : i32
    %sign3A_153 = arith.extui %sign3A_152 : i1 to i32
    %sign3A_154 = arith.subi %sign3A_150, %sign3A_153 : i32
    %sign3A_155 = arith.constant 0 : i32
    %sign3A_156 = arith.cmpi sgt, %jit3A_146, %sign3A_155 : i32
    %sign3A_157 = arith.extui %sign3A_156 : i1 to i32
    %sign3A_158 = arith.constant 0 : i32
    %sign3A_159 = arith.cmpi slt, %jit3A_146, %sign3A_158 : i32
    %sign3A_160 = arith.extui %sign3A_159 : i1 to i32
    %sign3A_161 = arith.subi %sign3A_157, %sign3A_160 : i32
    %ne3A_162 = arith.cmpi ne, %sign3A_154, %sign3A_161 : i32
    %rem3A_163 = arith.remsi %mul3A_53, %jit3A_146 : i32
    %ne3A_164 = arith.constant 0 : i32
    %ne3A_165 = arith.cmpi ne, %rem3A_163, %ne3A_164 : i32
    %and3A_166 = arith.andi %ne3A_162, %ne3A_165 : i1
    %sub3A_167 = arith.constant 1 : i32
    %sub3A_168 = arith.subi %div3A_147, %sub3A_167 : i32
    %select_n3A_169 = arith.select %and3A_166, %sub3A_168, %div3A_147 : i32
    %mul3A_170 = arith.constant 2 : i32
    %mul3A_171 = arith.muli %add3A, %mul3A_170 : i32
    %add3A_172 = arith.constant 0 : i32
    %add3A_173 = arith.addi %mul3A_171, %add3A_172 : i32
    %mul3A_174 = arith.constant 10240 : i32
    %mul3A_175 = arith.muli %add3A_173, %mul3A_174 : i32
    %while3A = arith.constant 0 : i32
    %while3A_176 = arith.constant 0 : i32
    %while3A_177 = arith.subi %select_n3A_169, %while3A : i32
    %while3A_178 = arith.addi %while3A, %while3A_177 : i32
    %while3A_179 = arith.constant 1 : i32
    %while3A_180 = arith.divsi %while3A_177, %while3A_179 : i32
    %while3A_181 = arith.muli %while3A_180, %while3A_179 : i32
    %while3A_182 = arith.addi %while3A, %while3A_181 : i32
    %while3A_183 = arith.constant 1 : i32
    %while3A_184 = scf.for %while3A_284 = %while3A to %while3A_182 step %while3A_183 iter_args(%while3A_285 = %while3A_176) -> (i32)  : i32 {
      %mul3A_286 = arith.constant 128 : i32
      %mul3A_287 = arith.muli %while3A_284, %mul3A_286 : i32
      %add3A_288 = arith.addi %mul3A_175, %mul3A_287 : i32
      %run_scoped3A = arith.constant 0 : i32
      "tpu.region"() ({
        %run_scoped3A_291 = tpu.sem_alloc : memref<!tpu.dma_semaphore, #tpu.memory_space<semaphore_mem>>
        %dma_start3A = arith.constant 0 : i32
        %dma_start3A_292 = tpu.memref_slice %arg16[%run_scoped3A, %dma_start3A] : memref<2x128xi32, #tpu.memory_space<vmem>> -> memref<1x128xi32, #tpu.memory_space<vmem>>
        %dma_start3A_293 = tpu.memref_squeeze %dma_start3A_292 : memref<1x128xi32, #tpu.memory_space<vmem>> -> memref<128xi32, #tpu.memory_space<vmem>>
        %dma_start3A_294 = tpu.memref_slice %arg5[%add3A_288] : memref<655360xi32, #tpu.memory_space<hbm>> -> memref<128xi32, #tpu.memory_space<hbm>>
        %dma_start3A_295 = arith.constant 0 : i32
        %dma_start3A_296 = tpu.memref_slice %arg16[%run_scoped3A, %dma_start3A_295] : memref<2x128xi32, #tpu.memory_space<vmem>> -> memref<1x128xi32, #tpu.memory_space<vmem>>
        %dma_start3A_297 = tpu.memref_squeeze %dma_start3A_296 : memref<1x128xi32, #tpu.memory_space<vmem>> -> memref<128xi32, #tpu.memory_space<vmem>>
        %dma_start3A_298 = tpu.memref_slice %arg5[%add3A_288] : memref<655360xi32, #tpu.memory_space<hbm>> -> memref<128xi32, #tpu.memory_space<hbm>>
        tpu.enqueue_dma source(%dma_start3A_298 : memref<128xi32, #tpu.memory_space<hbm>>) target(%dma_start3A_297 : memref<128xi32, #tpu.memory_space<vmem>>) target_semaphore(%run_scoped3A_291 : memref<!tpu.dma_semaphore, #tpu.memory_space<semaphore_mem>>)
        %dma_wait3A = arith.constant 0 : i32
        %dma_wait3A_299 = tpu.memref_slice %arg16[%run_scoped3A, %dma_wait3A] : memref<2x128xi32, #tpu.memory_space<vmem>> -> memref<1x128xi32, #tpu.memory_space<vmem>>
        %dma_wait3A_300 = tpu.memref_squeeze %dma_wait3A_299 : memref<1x128xi32, #tpu.memory_space<vmem>> -> memref<128xi32, #tpu.memory_space<vmem>>
        %dma_wait3A_301 = tpu.memref_slice %arg5[%add3A_288] : memref<655360xi32, #tpu.memory_space<hbm>> -> memref<128xi32, #tpu.memory_space<hbm>>
        %dma_wait3A_302 = arith.constant 0 : i32
        %dma_wait3A_303 = tpu.memref_slice %arg16[%run_scoped3A, %dma_wait3A_302] : memref<2x128xi32, #tpu.memory_space<vmem>> -> memref<1x128xi32, #tpu.memory_space<vmem>>
        %dma_wait3A_304 = tpu.memref_squeeze %dma_wait3A_303 : memref<1x128xi32, #tpu.memory_space<vmem>> -> memref<128xi32, #tpu.memory_space<vmem>>
        %dma_wait3A_305 = tpu.memref_slice %arg5[%add3A_288] : memref<655360xi32, #tpu.memory_space<hbm>> -> memref<128xi32, #tpu.memory_space<hbm>>
        tpu.wait_dma2 semaphore(%run_scoped3A_291 : memref<!tpu.dma_semaphore, #tpu.memory_space<semaphore_mem>>) src(%dma_wait3A_305 : memref<128xi32, #tpu.memory_space<hbm>>) dst(%dma_wait3A_304 : memref<128xi32, #tpu.memory_space<vmem>>)
        tpu.yield
      }) : () -> ()
      %run_scoped3A_289 = arith.constant 0 : i32
      "tpu.region"() ({
        %run_scoped3A_291 = tpu.sem_alloc : memref<!tpu.dma_semaphore, #tpu.memory_space<semaphore_mem>>
        %dma_start3A = arith.constant 0 : i32
        %dma_start3A_292 = tpu.memref_slice %arg16[%run_scoped3A_289, %dma_start3A] : memref<2x128xi32, #tpu.memory_space<vmem>> -> memref<1x128xi32, #tpu.memory_space<vmem>>
        %dma_start3A_293 = tpu.memref_squeeze %dma_start3A_292 : memref<1x128xi32, #tpu.memory_space<vmem>> -> memref<128xi32, #tpu.memory_space<vmem>>
        %dma_start3A_294 = arith.constant 0 : i32
        %dma_start3A_295 = arith.constant 0 : i32
        %dma_start3A_296 = tpu.memref_slice %arg18[%dma_start3A_294, %dma_start3A_295] : memref<2512x16xf32, #tpu.memory_space<vmem_shared>> -> memref<2512x16xf32, #tpu.memory_space<vmem_shared>>
        tpu.enqueue_indirect_dma source(%arg15 : memref<128x16xf32, #tpu.memory_space<vmem>>) target(%dma_start3A_296 : memref<2512x16xf32, #tpu.memory_space<vmem_shared>>) offsets(%dma_start3A_293 : memref<128xi32, #tpu.memory_space<vmem>>) semaphore(%run_scoped3A_291 : memref<!tpu.dma_semaphore, #tpu.memory_space<semaphore_mem>>) {add = true}
        %dma_wait3A = arith.constant 0 : i32
        %dma_wait3A_297 = tpu.memref_slice %arg16[%run_scoped3A_289, %dma_wait3A] : memref<2x128xi32, #tpu.memory_space<vmem>> -> memref<1x128xi32, #tpu.memory_space<vmem>>
        %dma_wait3A_298 = tpu.memref_squeeze %dma_wait3A_297 : memref<1x128xi32, #tpu.memory_space<vmem>> -> memref<128xi32, #tpu.memory_space<vmem>>
        %dma_wait3A_299 = arith.constant 0 : i32
        %dma_wait3A_300 = arith.constant 0 : i32
        %dma_wait3A_301 = tpu.memref_slice %arg18[%dma_wait3A_299, %dma_wait3A_300] : memref<2512x16xf32, #tpu.memory_space<vmem_shared>> -> memref<2512x16xf32, #tpu.memory_space<vmem_shared>>
        tpu.wait_indirect_dma semaphore(%run_scoped3A_291 : memref<!tpu.dma_semaphore, #tpu.memory_space<semaphore_mem>>) src(%arg15 : memref<128x16xf32, #tpu.memory_space<vmem>>) dst(%dma_wait3A_301 : memref<2512x16xf32, #tpu.memory_space<vmem_shared>>)
        tpu.yield
      }) : () -> ()
      %while3A_290 = arith.constant 0 : i32
      scf.yield %while3A_290 : i32
    }
    %while3A_185 = arith.constant 1 : i32
    %while3A_186 = scf.for %while3A_284 = %while3A_182 to %while3A_178 step %while3A_185 iter_args(%while3A_285 = %while3A_184) -> (i32)  : i32 {
      %mul3A_286 = arith.constant 128 : i32
      %mul3A_287 = arith.muli %while3A_284, %mul3A_286 : i32
      %add3A_288 = arith.addi %mul3A_175, %mul3A_287 : i32
      %run_scoped3A = arith.constant 0 : i32
      "tpu.region"() ({
        %run_scoped3A_291 = tpu.sem_alloc : memref<!tpu.dma_semaphore, #tpu.memory_space<semaphore_mem>>
        %dma_start3A = arith.constant 0 : i32
        %dma_start3A_292 = tpu.memref_slice %arg16[%run_scoped3A, %dma_start3A] : memref<2x128xi32, #tpu.memory_space<vmem>> -> memref<1x128xi32, #tpu.memory_space<vmem>>
        %dma_start3A_293 = tpu.memref_squeeze %dma_start3A_292 : memref<1x128xi32, #tpu.memory_space<vmem>> -> memref<128xi32, #tpu.memory_space<vmem>>
        %dma_start3A_294 = tpu.memref_slice %arg5[%add3A_288] : memref<655360xi32, #tpu.memory_space<hbm>> -> memref<128xi32, #tpu.memory_space<hbm>>
        %dma_start3A_295 = arith.constant 0 : i32
        %dma_start3A_296 = tpu.memref_slice %arg16[%run_scoped3A, %dma_start3A_295] : memref<2x128xi32, #tpu.memory_space<vmem>> -> memref<1x128xi32, #tpu.memory_space<vmem>>
        %dma_start3A_297 = tpu.memref_squeeze %dma_start3A_296 : memref<1x128xi32, #tpu.memory_space<vmem>> -> memref<128xi32, #tpu.memory_space<vmem>>
        %dma_start3A_298 = tpu.memref_slice %arg5[%add3A_288] : memref<655360xi32, #tpu.memory_space<hbm>> -> memref<128xi32, #tpu.memory_space<hbm>>
        tpu.enqueue_dma source(%dma_start3A_298 : memref<128xi32, #tpu.memory_space<hbm>>) target(%dma_start3A_297 : memref<128xi32, #tpu.memory_space<vmem>>) target_semaphore(%run_scoped3A_291 : memref<!tpu.dma_semaphore, #tpu.memory_space<semaphore_mem>>)
        %dma_wait3A = arith.constant 0 : i32
        %dma_wait3A_299 = tpu.memref_slice %arg16[%run_scoped3A, %dma_wait3A] : memref<2x128xi32, #tpu.memory_space<vmem>> -> memref<1x128xi32, #tpu.memory_space<vmem>>
        %dma_wait3A_300 = tpu.memref_squeeze %dma_wait3A_299 : memref<1x128xi32, #tpu.memory_space<vmem>> -> memref<128xi32, #tpu.memory_space<vmem>>
        %dma_wait3A_301 = tpu.memref_slice %arg5[%add3A_288] : memref<655360xi32, #tpu.memory_space<hbm>> -> memref<128xi32, #tpu.memory_space<hbm>>
        %dma_wait3A_302 = arith.constant 0 : i32
        %dma_wait3A_303 = tpu.memref_slice %arg16[%run_scoped3A, %dma_wait3A_302] : memref<2x128xi32, #tpu.memory_space<vmem>> -> memref<1x128xi32, #tpu.memory_space<vmem>>
        %dma_wait3A_304 = tpu.memref_squeeze %dma_wait3A_303 : memref<1x128xi32, #tpu.memory_space<vmem>> -> memref<128xi32, #tpu.memory_space<vmem>>
        %dma_wait3A_305 = tpu.memref_slice %arg5[%add3A_288] : memref<655360xi32, #tpu.memory_space<hbm>> -> memref<128xi32, #tpu.memory_space<hbm>>
        tpu.wait_dma2 semaphore(%run_scoped3A_291 : memref<!tpu.dma_semaphore, #tpu.memory_space<semaphore_mem>>) src(%dma_wait3A_305 : memref<128xi32, #tpu.memory_space<hbm>>) dst(%dma_wait3A_304 : memref<128xi32, #tpu.memory_space<vmem>>)
        tpu.yield
      }) : () -> ()
      %run_scoped3A_289 = arith.constant 0 : i32
      "tpu.region"() ({
        %run_scoped3A_291 = tpu.sem_alloc : memref<!tpu.dma_semaphore, #tpu.memory_space<semaphore_mem>>
        %dma_start3A = arith.constant 0 : i32
        %dma_start3A_292 = tpu.memref_slice %arg16[%run_scoped3A_289, %dma_start3A] : memref<2x128xi32, #tpu.memory_space<vmem>> -> memref<1x128xi32, #tpu.memory_space<vmem>>
        %dma_start3A_293 = tpu.memref_squeeze %dma_start3A_292 : memref<1x128xi32, #tpu.memory_space<vmem>> -> memref<128xi32, #tpu.memory_space<vmem>>
        %dma_start3A_294 = arith.constant 0 : i32
        %dma_start3A_295 = arith.constant 0 : i32
        %dma_start3A_296 = tpu.memref_slice %arg18[%dma_start3A_294, %dma_start3A_295] : memref<2512x16xf32, #tpu.memory_space<vmem_shared>> -> memref<2512x16xf32, #tpu.memory_space<vmem_shared>>
        tpu.enqueue_indirect_dma source(%arg15 : memref<128x16xf32, #tpu.memory_space<vmem>>) target(%dma_start3A_296 : memref<2512x16xf32, #tpu.memory_space<vmem_shared>>) offsets(%dma_start3A_293 : memref<128xi32, #tpu.memory_space<vmem>>) semaphore(%run_scoped3A_291 : memref<!tpu.dma_semaphore, #tpu.memory_space<semaphore_mem>>) {add = true}
        %dma_wait3A = arith.constant 0 : i32
        %dma_wait3A_297 = tpu.memref_slice %arg16[%run_scoped3A_289, %dma_wait3A] : memref<2x128xi32, #tpu.memory_space<vmem>> -> memref<1x128xi32, #tpu.memory_space<vmem>>
        %dma_wait3A_298 = tpu.memref_squeeze %dma_wait3A_297 : memref<1x128xi32, #tpu.memory_space<vmem>> -> memref<128xi32, #tpu.memory_space<vmem>>
        %dma_wait3A_299 = arith.constant 0 : i32
        %dma_wait3A_300 = arith.constant 0 : i32
        %dma_wait3A_301 = tpu.memref_slice %arg18[%dma_wait3A_299, %dma_wait3A_300] : memref<2512x16xf32, #tpu.memory_space<vmem_shared>> -> memref<2512x16xf32, #tpu.memory_space<vmem_shared>>
        tpu.wait_indirect_dma semaphore(%run_scoped3A_291 : memref<!tpu.dma_semaphore, #tpu.memory_space<semaphore_mem>>) src(%arg15 : memref<128x16xf32, #tpu.memory_space<vmem>>) dst(%dma_wait3A_301 : memref<2512x16xf32, #tpu.memory_space<vmem_shared>>)
        tpu.yield
      }) : () -> ()
      %while3A_290 = arith.constant 0 : i32
      scf.yield %while3A_290 : i32
    }
    %barrier3A_187 = arith.constant 0 : index
    tpu.barrier barrier_id(%barrier3A_187)
    %mul3A_188 = arith.constant 152 : i32
    %mul3A_189 = arith.muli %arg1, %mul3A_188 : i32
    %mul3A_190 = arith.constant 2504 : i32
    %mul3A_191 = arith.muli %add3A_141, %mul3A_190 : i32
    %mul3A_192 = arith.constant 152 : i32
    %mul3A_193 = arith.muli %arg1, %mul3A_192 : i32
    %add3A_194 = arith.addi %mul3A_191, %mul3A_193 : i32
    "tpu.region"() ({
      %run_scoped3A = tpu.sem_alloc : memref<!tpu.dma_semaphore, #tpu.memory_space<semaphore_mem>>
      %dma_start3A = arith.constant 0 : i32
      %dma_start3A_284 = tpu.memref_slice %arg7[%add3A_194, %dma_start3A] : memref<10000x16xf32, #tpu.memory_space<hbm>> -> memref<152x16xf32, #tpu.memory_space<hbm>>
      %dma_start3A_285 = arith.constant 0 : i32
      %dma_start3A_286 = tpu.memref_slice %arg18[%mul3A_189, %dma_start3A_285] : memref<2512x16xf32, #tpu.memory_space<vmem_shared>> -> memref<152x16xf32, #tpu.memory_space<vmem_shared>>
      tpu.enqueue_dma source(%dma_start3A_286 : memref<152x16xf32, #tpu.memory_space<vmem_shared>>) target(%dma_start3A_284 : memref<152x16xf32, #tpu.memory_space<hbm>>) target_semaphore(%run_scoped3A : memref<!tpu.dma_semaphore, #tpu.memory_space<semaphore_mem>>)
      %dma_wait3A = arith.constant 0 : i32
      %dma_wait3A_287 = tpu.memref_slice %arg7[%add3A_194, %dma_wait3A] : memref<10000x16xf32, #tpu.memory_space<hbm>> -> memref<152x16xf32, #tpu.memory_space<hbm>>
      %dma_wait3A_288 = arith.constant 0 : i32
      %dma_wait3A_289 = tpu.memref_slice %arg18[%mul3A_189, %dma_wait3A_288] : memref<2512x16xf32, #tpu.memory_space<vmem_shared>> -> memref<152x16xf32, #tpu.memory_space<vmem_shared>>
      tpu.wait_dma2 semaphore(%run_scoped3A : memref<!tpu.dma_semaphore, #tpu.memory_space<semaphore_mem>>) src(%dma_wait3A_289 : memref<152x16xf32, #tpu.memory_space<vmem_shared>>) dst(%dma_wait3A_287 : memref<152x16xf32, #tpu.memory_space<hbm>>)
      tpu.yield
    }) : () -> ()
    %eq3A_195 = arith.constant 0 : i32
    %eq3A_196 = arith.cmpi eq, %arg1, %eq3A_195 : i32
    %convert_element_type3A_197 = arith.extui %eq3A_196 : i1 to i32
    %cond3A_198 = arith.constant 0 : i32
    %cond3A_199 = arith.cmpi ne, %convert_element_type3A_197, %cond3A_198 : i32
    scf.if %cond3A_199 {
      %mul3A_284 = arith.constant 2504 : i32
      %mul3A_285 = arith.muli %add3A_141, %mul3A_284 : i32
      %add3A_286 = arith.constant 2432 : i32
      %add3A_287 = arith.addi %mul3A_285, %add3A_286 : i32
      "tpu.region"() ({
        %run_scoped3A = tpu.sem_alloc : memref<!tpu.dma_semaphore, #tpu.memory_space<semaphore_mem>>
        %dma_start3A = arith.constant 0 : i32
        %dma_start3A_288 = tpu.memref_slice %arg7[%add3A_287, %dma_start3A] : memref<10000x16xf32, #tpu.memory_space<hbm>> -> memref<56x16xf32, #tpu.memory_space<hbm>>
        %dma_start3A_289 = arith.constant 2432 : i32
        %dma_start3A_290 = arith.constant 0 : i32
        %dma_start3A_291 = tpu.memref_slice %arg18[%dma_start3A_289, %dma_start3A_290] : memref<2512x16xf32, #tpu.memory_space<vmem_shared>> -> memref<56x16xf32, #tpu.memory_space<vmem_shared>>
        tpu.enqueue_dma source(%dma_start3A_291 : memref<56x16xf32, #tpu.memory_space<vmem_shared>>) target(%dma_start3A_288 : memref<56x16xf32, #tpu.memory_space<hbm>>) target_semaphore(%run_scoped3A : memref<!tpu.dma_semaphore, #tpu.memory_space<semaphore_mem>>)
        %dma_wait3A = arith.constant 0 : i32
        %dma_wait3A_292 = tpu.memref_slice %arg7[%add3A_287, %dma_wait3A] : memref<10000x16xf32, #tpu.memory_space<hbm>> -> memref<56x16xf32, #tpu.memory_space<hbm>>
        %dma_wait3A_293 = arith.constant 2432 : i32
        %dma_wait3A_294 = arith.constant 0 : i32
        %dma_wait3A_295 = tpu.memref_slice %arg18[%dma_wait3A_293, %dma_wait3A_294] : memref<2512x16xf32, #tpu.memory_space<vmem_shared>> -> memref<56x16xf32, #tpu.memory_space<vmem_shared>>
        tpu.wait_dma2 semaphore(%run_scoped3A : memref<!tpu.dma_semaphore, #tpu.memory_space<semaphore_mem>>) src(%dma_wait3A_295 : memref<56x16xf32, #tpu.memory_space<vmem_shared>>) dst(%dma_wait3A_292 : memref<56x16xf32, #tpu.memory_space<hbm>>)
        tpu.yield
      }) : () -> ()
    } else {
    }
    %eq3A_200 = arith.constant 1 : i32
    %eq3A_201 = arith.cmpi eq, %arg1, %eq3A_200 : i32
    %lt3A = arith.constant 3 : i32
    %lt3A_202 = arith.cmpi slt, %add3A_141, %lt3A : i32
    %and3A_203 = arith.andi %eq3A_201, %lt3A_202 : i1
    %convert_element_type3A_204 = arith.extui %and3A_203 : i1 to i32
    %cond3A_205 = arith.constant 0 : i32
    %cond3A_206 = arith.cmpi ne, %convert_element_type3A_204, %cond3A_205 : i32
    scf.if %cond3A_206 {
      %mul3A_284 = arith.constant 2504 : i32
      %mul3A_285 = arith.muli %add3A_141, %mul3A_284 : i32
      %add3A_286 = arith.constant 2432 : i32
      %add3A_287 = arith.addi %mul3A_285, %add3A_286 : i32
      %add3A_288 = arith.constant 56 : i32
      %add3A_289 = arith.addi %add3A_287, %add3A_288 : i32
      "tpu.region"() ({
        %run_scoped3A = tpu.sem_alloc : memref<!tpu.dma_semaphore, #tpu.memory_space<semaphore_mem>>
        %dma_start3A = arith.constant 0 : i32
        %dma_start3A_290 = tpu.memref_slice %arg7[%add3A_289, %dma_start3A] : memref<10000x16xf32, #tpu.memory_space<hbm>> -> memref<16x16xf32, #tpu.memory_space<hbm>>
        %dma_start3A_291 = arith.constant 2488 : i32
        %dma_start3A_292 = arith.constant 0 : i32
        %dma_start3A_293 = tpu.memref_slice %arg18[%dma_start3A_291, %dma_start3A_292] : memref<2512x16xf32, #tpu.memory_space<vmem_shared>> -> memref<16x16xf32, #tpu.memory_space<vmem_shared>>
        tpu.enqueue_dma source(%dma_start3A_293 : memref<16x16xf32, #tpu.memory_space<vmem_shared>>) target(%dma_start3A_290 : memref<16x16xf32, #tpu.memory_space<hbm>>) target_semaphore(%run_scoped3A : memref<!tpu.dma_semaphore, #tpu.memory_space<semaphore_mem>>)
        %dma_wait3A = arith.constant 0 : i32
        %dma_wait3A_294 = tpu.memref_slice %arg7[%add3A_289, %dma_wait3A] : memref<10000x16xf32, #tpu.memory_space<hbm>> -> memref<16x16xf32, #tpu.memory_space<hbm>>
        %dma_wait3A_295 = arith.constant 2488 : i32
        %dma_wait3A_296 = arith.constant 0 : i32
        %dma_wait3A_297 = tpu.memref_slice %arg18[%dma_wait3A_295, %dma_wait3A_296] : memref<2512x16xf32, #tpu.memory_space<vmem_shared>> -> memref<16x16xf32, #tpu.memory_space<vmem_shared>>
        tpu.wait_dma2 semaphore(%run_scoped3A : memref<!tpu.dma_semaphore, #tpu.memory_space<semaphore_mem>>) src(%dma_wait3A_297 : memref<16x16xf32, #tpu.memory_space<vmem_shared>>) dst(%dma_wait3A_294 : memref<16x16xf32, #tpu.memory_space<hbm>>)
        tpu.yield
      }) : () -> ()
    } else {
    }
    %barrier3A_207 = arith.constant 0 : index
    tpu.barrier barrier_id(%barrier3A_207)
    %mul3A_208 = arith.constant 2 : i32
    %mul3A_209 = arith.muli %mul3A_208, %arg0 : i32
    %add3A_210 = arith.constant 1 : i32
    %add3A_211 = arith.addi %mul3A_209, %add3A_210 : i32
    %mul3A_212 = arith.constant 152 : i32
    %mul3A_213 = arith.muli %arg1, %mul3A_212 : i32
    "tpu.region"() ({
      %run_scoped3A = tpu.sem_alloc : memref<!tpu.dma_semaphore, #tpu.memory_space<semaphore_mem>>
      %dma_start3A = arith.constant 0 : i32
      %dma_start3A_284 = tpu.memref_slice %arg18[%mul3A_213, %dma_start3A] : memref<2512x16xf32, #tpu.memory_space<vmem_shared>> -> memref<152x16xf32, #tpu.memory_space<vmem_shared>>
      %dma_start3A_285 = arith.constant 0 : i32
      %dma_start3A_286 = tpu.memref_slice %arg18[%mul3A_213, %dma_start3A_285] : memref<2512x16xf32, #tpu.memory_space<vmem_shared>> -> memref<152x16xf32, #tpu.memory_space<vmem_shared>>
      tpu.enqueue_dma source(%arg17 : memref<152x16xf32, #tpu.memory_space<vmem>>) target(%dma_start3A_286 : memref<152x16xf32, #tpu.memory_space<vmem_shared>>) target_semaphore(%run_scoped3A : memref<!tpu.dma_semaphore, #tpu.memory_space<semaphore_mem>>)
      %dma_wait3A = arith.constant 0 : i32
      %dma_wait3A_287 = tpu.memref_slice %arg18[%mul3A_213, %dma_wait3A] : memref<2512x16xf32, #tpu.memory_space<vmem_shared>> -> memref<152x16xf32, #tpu.memory_space<vmem_shared>>
      %dma_wait3A_288 = arith.constant 0 : i32
      %dma_wait3A_289 = tpu.memref_slice %arg18[%mul3A_213, %dma_wait3A_288] : memref<2512x16xf32, #tpu.memory_space<vmem_shared>> -> memref<152x16xf32, #tpu.memory_space<vmem_shared>>
      tpu.wait_dma2 semaphore(%run_scoped3A : memref<!tpu.dma_semaphore, #tpu.memory_space<semaphore_mem>>) src(%arg17 : memref<152x16xf32, #tpu.memory_space<vmem>>) dst(%dma_wait3A_289 : memref<152x16xf32, #tpu.memory_space<vmem_shared>>)
      tpu.yield
    }) : () -> ()
    %eq3A_214 = arith.constant 0 : i32
    %eq3A_215 = arith.cmpi eq, %arg1, %eq3A_214 : i32
    %convert_element_type3A_216 = arith.extui %eq3A_215 : i1 to i32
    %cond3A_217 = arith.constant 0 : i32
    %cond3A_218 = arith.cmpi ne, %convert_element_type3A_216, %cond3A_217 : i32
    scf.if %cond3A_218 {
      "tpu.region"() ({
        %run_scoped3A = tpu.sem_alloc : memref<!tpu.dma_semaphore, #tpu.memory_space<semaphore_mem>>
        %dma_start3A = arith.constant 0 : i32
        %dma_start3A_284 = arith.constant 0 : i32
        %dma_start3A_285 = tpu.memref_slice %arg17[%dma_start3A, %dma_start3A_284] : memref<152x16xf32, #tpu.memory_space<vmem>> -> memref<80x16xf32, #tpu.memory_space<vmem>>
        %dma_start3A_286 = arith.constant 2432 : i32
        %dma_start3A_287 = arith.constant 0 : i32
        %dma_start3A_288 = tpu.memref_slice %arg18[%dma_start3A_286, %dma_start3A_287] : memref<2512x16xf32, #tpu.memory_space<vmem_shared>> -> memref<80x16xf32, #tpu.memory_space<vmem_shared>>
        %dma_start3A_289 = arith.constant 2432 : i32
        %dma_start3A_290 = arith.constant 0 : i32
        %dma_start3A_291 = tpu.memref_slice %arg18[%dma_start3A_289, %dma_start3A_290] : memref<2512x16xf32, #tpu.memory_space<vmem_shared>> -> memref<80x16xf32, #tpu.memory_space<vmem_shared>>
        %dma_start3A_292 = arith.constant 0 : i32
        %dma_start3A_293 = arith.constant 0 : i32
        %dma_start3A_294 = tpu.memref_slice %arg17[%dma_start3A_292, %dma_start3A_293] : memref<152x16xf32, #tpu.memory_space<vmem>> -> memref<80x16xf32, #tpu.memory_space<vmem>>
        tpu.enqueue_dma source(%dma_start3A_294 : memref<80x16xf32, #tpu.memory_space<vmem>>) target(%dma_start3A_291 : memref<80x16xf32, #tpu.memory_space<vmem_shared>>) target_semaphore(%run_scoped3A : memref<!tpu.dma_semaphore, #tpu.memory_space<semaphore_mem>>)
        %dma_wait3A = arith.constant 0 : i32
        %dma_wait3A_295 = arith.constant 0 : i32
        %dma_wait3A_296 = tpu.memref_slice %arg17[%dma_wait3A, %dma_wait3A_295] : memref<152x16xf32, #tpu.memory_space<vmem>> -> memref<80x16xf32, #tpu.memory_space<vmem>>
        %dma_wait3A_297 = arith.constant 2432 : i32
        %dma_wait3A_298 = arith.constant 0 : i32
        %dma_wait3A_299 = tpu.memref_slice %arg18[%dma_wait3A_297, %dma_wait3A_298] : memref<2512x16xf32, #tpu.memory_space<vmem_shared>> -> memref<80x16xf32, #tpu.memory_space<vmem_shared>>
        %dma_wait3A_300 = arith.constant 2432 : i32
        %dma_wait3A_301 = arith.constant 0 : i32
        %dma_wait3A_302 = tpu.memref_slice %arg18[%dma_wait3A_300, %dma_wait3A_301] : memref<2512x16xf32, #tpu.memory_space<vmem_shared>> -> memref<80x16xf32, #tpu.memory_space<vmem_shared>>
        %dma_wait3A_303 = arith.constant 0 : i32
        %dma_wait3A_304 = arith.constant 0 : i32
        %dma_wait3A_305 = tpu.memref_slice %arg17[%dma_wait3A_303, %dma_wait3A_304] : memref<152x16xf32, #tpu.memory_space<vmem>> -> memref<80x16xf32, #tpu.memory_space<vmem>>
        tpu.wait_dma2 semaphore(%run_scoped3A : memref<!tpu.dma_semaphore, #tpu.memory_space<semaphore_mem>>) src(%dma_wait3A_305 : memref<80x16xf32, #tpu.memory_space<vmem>>) dst(%dma_wait3A_302 : memref<80x16xf32, #tpu.memory_space<vmem_shared>>)
        tpu.yield
      }) : () -> ()
    } else {
    }
    %barrier3A_219 = arith.constant 0 : index
    tpu.barrier barrier_id(%barrier3A_219)
    %jit3A_220 = arith.constant 128 : i32
    %div3A_221 = arith.divsi %mul3A_83, %jit3A_220 : i32
    %sign3A_222 = arith.constant 0 : i32
    %sign3A_223 = arith.cmpi sgt, %mul3A_83, %sign3A_222 : i32
    %sign3A_224 = arith.extui %sign3A_223 : i1 to i32
    %sign3A_225 = arith.constant 0 : i32
    %sign3A_226 = arith.cmpi slt, %mul3A_83, %sign3A_225 : i32
    %sign3A_227 = arith.extui %sign3A_226 : i1 to i32
    %sign3A_228 = arith.subi %sign3A_224, %sign3A_227 : i32
    %sign3A_229 = arith.constant 0 : i32
    %sign3A_230 = arith.cmpi sgt, %jit3A_220, %sign3A_229 : i32
    %sign3A_231 = arith.extui %sign3A_230 : i1 to i32
    %sign3A_232 = arith.constant 0 : i32
    %sign3A_233 = arith.cmpi slt, %jit3A_220, %sign3A_232 : i32
    %sign3A_234 = arith.extui %sign3A_233 : i1 to i32
    %sign3A_235 = arith.subi %sign3A_231, %sign3A_234 : i32
    %ne3A_236 = arith.cmpi ne, %sign3A_228, %sign3A_235 : i32
    %rem3A_237 = arith.remsi %mul3A_83, %jit3A_220 : i32
    %ne3A_238 = arith.constant 0 : i32
    %ne3A_239 = arith.cmpi ne, %rem3A_237, %ne3A_238 : i32
    %and3A_240 = arith.andi %ne3A_236, %ne3A_239 : i1
    %sub3A_241 = arith.constant 1 : i32
    %sub3A_242 = arith.subi %div3A_221, %sub3A_241 : i32
    %select_n3A_243 = arith.select %and3A_240, %sub3A_242, %div3A_221 : i32
    %mul3A_244 = arith.constant 2 : i32
    %mul3A_245 = arith.muli %add3A, %mul3A_244 : i32
    %add3A_246 = arith.constant 1 : i32
    %add3A_247 = arith.addi %mul3A_245, %add3A_246 : i32
    %mul3A_248 = arith.constant 10240 : i32
    %mul3A_249 = arith.muli %add3A_247, %mul3A_248 : i32
    %while3A_250 = arith.constant 0 : i32
    %while3A_251 = arith.constant 0 : i32
    %while3A_252 = arith.subi %select_n3A_243, %while3A_250 : i32
    %while3A_253 = arith.addi %while3A_250, %while3A_252 : i32
    %while3A_254 = arith.constant 1 : i32
    %while3A_255 = arith.divsi %while3A_252, %while3A_254 : i32
    %while3A_256 = arith.muli %while3A_255, %while3A_254 : i32
    %while3A_257 = arith.addi %while3A_250, %while3A_256 : i32
    %while3A_258 = arith.constant 1 : i32
    %while3A_259 = scf.for %while3A_284 = %while3A_250 to %while3A_257 step %while3A_258 iter_args(%while3A_285 = %while3A_251) -> (i32)  : i32 {
      %mul3A_286 = arith.constant 128 : i32
      %mul3A_287 = arith.muli %while3A_284, %mul3A_286 : i32
      %add3A_288 = arith.addi %mul3A_249, %mul3A_287 : i32
      %run_scoped3A = arith.constant 0 : i32
      "tpu.region"() ({
        %run_scoped3A_291 = tpu.sem_alloc : memref<!tpu.dma_semaphore, #tpu.memory_space<semaphore_mem>>
        %dma_start3A = arith.constant 0 : i32
        %dma_start3A_292 = tpu.memref_slice %arg16[%run_scoped3A, %dma_start3A] : memref<2x128xi32, #tpu.memory_space<vmem>> -> memref<1x128xi32, #tpu.memory_space<vmem>>
        %dma_start3A_293 = tpu.memref_squeeze %dma_start3A_292 : memref<1x128xi32, #tpu.memory_space<vmem>> -> memref<128xi32, #tpu.memory_space<vmem>>
        %dma_start3A_294 = tpu.memref_slice %arg5[%add3A_288] : memref<655360xi32, #tpu.memory_space<hbm>> -> memref<128xi32, #tpu.memory_space<hbm>>
        %dma_start3A_295 = arith.constant 0 : i32
        %dma_start3A_296 = tpu.memref_slice %arg16[%run_scoped3A, %dma_start3A_295] : memref<2x128xi32, #tpu.memory_space<vmem>> -> memref<1x128xi32, #tpu.memory_space<vmem>>
        %dma_start3A_297 = tpu.memref_squeeze %dma_start3A_296 : memref<1x128xi32, #tpu.memory_space<vmem>> -> memref<128xi32, #tpu.memory_space<vmem>>
        %dma_start3A_298 = tpu.memref_slice %arg5[%add3A_288] : memref<655360xi32, #tpu.memory_space<hbm>> -> memref<128xi32, #tpu.memory_space<hbm>>
        tpu.enqueue_dma source(%dma_start3A_298 : memref<128xi32, #tpu.memory_space<hbm>>) target(%dma_start3A_297 : memref<128xi32, #tpu.memory_space<vmem>>) target_semaphore(%run_scoped3A_291 : memref<!tpu.dma_semaphore, #tpu.memory_space<semaphore_mem>>)
        %dma_wait3A = arith.constant 0 : i32
        %dma_wait3A_299 = tpu.memref_slice %arg16[%run_scoped3A, %dma_wait3A] : memref<2x128xi32, #tpu.memory_space<vmem>> -> memref<1x128xi32, #tpu.memory_space<vmem>>
        %dma_wait3A_300 = tpu.memref_squeeze %dma_wait3A_299 : memref<1x128xi32, #tpu.memory_space<vmem>> -> memref<128xi32, #tpu.memory_space<vmem>>
        %dma_wait3A_301 = tpu.memref_slice %arg5[%add3A_288] : memref<655360xi32, #tpu.memory_space<hbm>> -> memref<128xi32, #tpu.memory_space<hbm>>
        %dma_wait3A_302 = arith.constant 0 : i32
        %dma_wait3A_303 = tpu.memref_slice %arg16[%run_scoped3A, %dma_wait3A_302] : memref<2x128xi32, #tpu.memory_space<vmem>> -> memref<1x128xi32, #tpu.memory_space<vmem>>
        %dma_wait3A_304 = tpu.memref_squeeze %dma_wait3A_303 : memref<1x128xi32, #tpu.memory_space<vmem>> -> memref<128xi32, #tpu.memory_space<vmem>>
        %dma_wait3A_305 = tpu.memref_slice %arg5[%add3A_288] : memref<655360xi32, #tpu.memory_space<hbm>> -> memref<128xi32, #tpu.memory_space<hbm>>
        tpu.wait_dma2 semaphore(%run_scoped3A_291 : memref<!tpu.dma_semaphore, #tpu.memory_space<semaphore_mem>>) src(%dma_wait3A_305 : memref<128xi32, #tpu.memory_space<hbm>>) dst(%dma_wait3A_304 : memref<128xi32, #tpu.memory_space<vmem>>)
        tpu.yield
      }) : () -> ()
      %run_scoped3A_289 = arith.constant 0 : i32
      "tpu.region"() ({
        %run_scoped3A_291 = tpu.sem_alloc : memref<!tpu.dma_semaphore, #tpu.memory_space<semaphore_mem>>
        %dma_start3A = arith.constant 0 : i32
        %dma_start3A_292 = tpu.memref_slice %arg16[%run_scoped3A_289, %dma_start3A] : memref<2x128xi32, #tpu.memory_space<vmem>> -> memref<1x128xi32, #tpu.memory_space<vmem>>
        %dma_start3A_293 = tpu.memref_squeeze %dma_start3A_292 : memref<1x128xi32, #tpu.memory_space<vmem>> -> memref<128xi32, #tpu.memory_space<vmem>>
        %dma_start3A_294 = arith.constant 0 : i32
        %dma_start3A_295 = arith.constant 0 : i32
        %dma_start3A_296 = tpu.memref_slice %arg18[%dma_start3A_294, %dma_start3A_295] : memref<2512x16xf32, #tpu.memory_space<vmem_shared>> -> memref<2512x16xf32, #tpu.memory_space<vmem_shared>>
        tpu.enqueue_indirect_dma source(%arg15 : memref<128x16xf32, #tpu.memory_space<vmem>>) target(%dma_start3A_296 : memref<2512x16xf32, #tpu.memory_space<vmem_shared>>) offsets(%dma_start3A_293 : memref<128xi32, #tpu.memory_space<vmem>>) semaphore(%run_scoped3A_291 : memref<!tpu.dma_semaphore, #tpu.memory_space<semaphore_mem>>) {add = true}
        %dma_wait3A = arith.constant 0 : i32
        %dma_wait3A_297 = tpu.memref_slice %arg16[%run_scoped3A_289, %dma_wait3A] : memref<2x128xi32, #tpu.memory_space<vmem>> -> memref<1x128xi32, #tpu.memory_space<vmem>>
        %dma_wait3A_298 = tpu.memref_squeeze %dma_wait3A_297 : memref<1x128xi32, #tpu.memory_space<vmem>> -> memref<128xi32, #tpu.memory_space<vmem>>
        %dma_wait3A_299 = arith.constant 0 : i32
        %dma_wait3A_300 = arith.constant 0 : i32
        %dma_wait3A_301 = tpu.memref_slice %arg18[%dma_wait3A_299, %dma_wait3A_300] : memref<2512x16xf32, #tpu.memory_space<vmem_shared>> -> memref<2512x16xf32, #tpu.memory_space<vmem_shared>>
        tpu.wait_indirect_dma semaphore(%run_scoped3A_291 : memref<!tpu.dma_semaphore, #tpu.memory_space<semaphore_mem>>) src(%arg15 : memref<128x16xf32, #tpu.memory_space<vmem>>) dst(%dma_wait3A_301 : memref<2512x16xf32, #tpu.memory_space<vmem_shared>>)
        tpu.yield
      }) : () -> ()
      %while3A_290 = arith.constant 0 : i32
      scf.yield %while3A_290 : i32
    }
    %while3A_260 = arith.constant 1 : i32
    %while3A_261 = scf.for %while3A_284 = %while3A_257 to %while3A_253 step %while3A_260 iter_args(%while3A_285 = %while3A_259) -> (i32)  : i32 {
      %mul3A_286 = arith.constant 128 : i32
      %mul3A_287 = arith.muli %while3A_284, %mul3A_286 : i32
      %add3A_288 = arith.addi %mul3A_249, %mul3A_287 : i32
      %run_scoped3A = arith.constant 0 : i32
      "tpu.region"() ({
        %run_scoped3A_291 = tpu.sem_alloc : memref<!tpu.dma_semaphore, #tpu.memory_space<semaphore_mem>>
        %dma_start3A = arith.constant 0 : i32
        %dma_start3A_292 = tpu.memref_slice %arg16[%run_scoped3A, %dma_start3A] : memref<2x128xi32, #tpu.memory_space<vmem>> -> memref<1x128xi32, #tpu.memory_space<vmem>>
        %dma_start3A_293 = tpu.memref_squeeze %dma_start3A_292 : memref<1x128xi32, #tpu.memory_space<vmem>> -> memref<128xi32, #tpu.memory_space<vmem>>
        %dma_start3A_294 = tpu.memref_slice %arg5[%add3A_288] : memref<655360xi32, #tpu.memory_space<hbm>> -> memref<128xi32, #tpu.memory_space<hbm>>
        %dma_start3A_295 = arith.constant 0 : i32
        %dma_start3A_296 = tpu.memref_slice %arg16[%run_scoped3A, %dma_start3A_295] : memref<2x128xi32, #tpu.memory_space<vmem>> -> memref<1x128xi32, #tpu.memory_space<vmem>>
        %dma_start3A_297 = tpu.memref_squeeze %dma_start3A_296 : memref<1x128xi32, #tpu.memory_space<vmem>> -> memref<128xi32, #tpu.memory_space<vmem>>
        %dma_start3A_298 = tpu.memref_slice %arg5[%add3A_288] : memref<655360xi32, #tpu.memory_space<hbm>> -> memref<128xi32, #tpu.memory_space<hbm>>
        tpu.enqueue_dma source(%dma_start3A_298 : memref<128xi32, #tpu.memory_space<hbm>>) target(%dma_start3A_297 : memref<128xi32, #tpu.memory_space<vmem>>) target_semaphore(%run_scoped3A_291 : memref<!tpu.dma_semaphore, #tpu.memory_space<semaphore_mem>>)
        %dma_wait3A = arith.constant 0 : i32
        %dma_wait3A_299 = tpu.memref_slice %arg16[%run_scoped3A, %dma_wait3A] : memref<2x128xi32, #tpu.memory_space<vmem>> -> memref<1x128xi32, #tpu.memory_space<vmem>>
        %dma_wait3A_300 = tpu.memref_squeeze %dma_wait3A_299 : memref<1x128xi32, #tpu.memory_space<vmem>> -> memref<128xi32, #tpu.memory_space<vmem>>
        %dma_wait3A_301 = tpu.memref_slice %arg5[%add3A_288] : memref<655360xi32, #tpu.memory_space<hbm>> -> memref<128xi32, #tpu.memory_space<hbm>>
        %dma_wait3A_302 = arith.constant 0 : i32
        %dma_wait3A_303 = tpu.memref_slice %arg16[%run_scoped3A, %dma_wait3A_302] : memref<2x128xi32, #tpu.memory_space<vmem>> -> memref<1x128xi32, #tpu.memory_space<vmem>>
        %dma_wait3A_304 = tpu.memref_squeeze %dma_wait3A_303 : memref<1x128xi32, #tpu.memory_space<vmem>> -> memref<128xi32, #tpu.memory_space<vmem>>
        %dma_wait3A_305 = tpu.memref_slice %arg5[%add3A_288] : memref<655360xi32, #tpu.memory_space<hbm>> -> memref<128xi32, #tpu.memory_space<hbm>>
        tpu.wait_dma2 semaphore(%run_scoped3A_291 : memref<!tpu.dma_semaphore, #tpu.memory_space<semaphore_mem>>) src(%dma_wait3A_305 : memref<128xi32, #tpu.memory_space<hbm>>) dst(%dma_wait3A_304 : memref<128xi32, #tpu.memory_space<vmem>>)
        tpu.yield
      }) : () -> ()
      %run_scoped3A_289 = arith.constant 0 : i32
      "tpu.region"() ({
        %run_scoped3A_291 = tpu.sem_alloc : memref<!tpu.dma_semaphore, #tpu.memory_space<semaphore_mem>>
        %dma_start3A = arith.constant 0 : i32
        %dma_start3A_292 = tpu.memref_slice %arg16[%run_scoped3A_289, %dma_start3A] : memref<2x128xi32, #tpu.memory_space<vmem>> -> memref<1x128xi32, #tpu.memory_space<vmem>>
        %dma_start3A_293 = tpu.memref_squeeze %dma_start3A_292 : memref<1x128xi32, #tpu.memory_space<vmem>> -> memref<128xi32, #tpu.memory_space<vmem>>
        %dma_start3A_294 = arith.constant 0 : i32
        %dma_start3A_295 = arith.constant 0 : i32
        %dma_start3A_296 = tpu.memref_slice %arg18[%dma_start3A_294, %dma_start3A_295] : memref<2512x16xf32, #tpu.memory_space<vmem_shared>> -> memref<2512x16xf32, #tpu.memory_space<vmem_shared>>
        tpu.enqueue_indirect_dma source(%arg15 : memref<128x16xf32, #tpu.memory_space<vmem>>) target(%dma_start3A_296 : memref<2512x16xf32, #tpu.memory_space<vmem_shared>>) offsets(%dma_start3A_293 : memref<128xi32, #tpu.memory_space<vmem>>) semaphore(%run_scoped3A_291 : memref<!tpu.dma_semaphore, #tpu.memory_space<semaphore_mem>>) {add = true}
        %dma_wait3A = arith.constant 0 : i32
        %dma_wait3A_297 = tpu.memref_slice %arg16[%run_scoped3A_289, %dma_wait3A] : memref<2x128xi32, #tpu.memory_space<vmem>> -> memref<1x128xi32, #tpu.memory_space<vmem>>
        %dma_wait3A_298 = tpu.memref_squeeze %dma_wait3A_297 : memref<1x128xi32, #tpu.memory_space<vmem>> -> memref<128xi32, #tpu.memory_space<vmem>>
        %dma_wait3A_299 = arith.constant 0 : i32
        %dma_wait3A_300 = arith.constant 0 : i32
        %dma_wait3A_301 = tpu.memref_slice %arg18[%dma_wait3A_299, %dma_wait3A_300] : memref<2512x16xf32, #tpu.memory_space<vmem_shared>> -> memref<2512x16xf32, #tpu.memory_space<vmem_shared>>
        tpu.wait_indirect_dma semaphore(%run_scoped3A_291 : memref<!tpu.dma_semaphore, #tpu.memory_space<semaphore_mem>>) src(%arg15 : memref<128x16xf32, #tpu.memory_space<vmem>>) dst(%dma_wait3A_301 : memref<2512x16xf32, #tpu.memory_space<vmem_shared>>)
        tpu.yield
      }) : () -> ()
      %while3A_290 = arith.constant 0 : i32
      scf.yield %while3A_290 : i32
    }
    %barrier3A_262 = arith.constant 0 : index
    tpu.barrier barrier_id(%barrier3A_262)
    %mul3A_263 = arith.constant 152 : i32
    %mul3A_264 = arith.muli %arg1, %mul3A_263 : i32
    %mul3A_265 = arith.constant 2504 : i32
    %mul3A_266 = arith.muli %add3A_211, %mul3A_265 : i32
    %mul3A_267 = arith.constant 152 : i32
    %mul3A_268 = arith.muli %arg1, %mul3A_267 : i32
    %add3A_269 = arith.addi %mul3A_266, %mul3A_268 : i32
    "tpu.region"() ({
      %run_scoped3A = tpu.sem_alloc : memref<!tpu.dma_semaphore, #tpu.memory_space<semaphore_mem>>
      %dma_start3A = arith.constant 0 : i32
      %dma_start3A_284 = tpu.memref_slice %arg7[%add3A_269, %dma_start3A] : memref<10000x16xf32, #tpu.memory_space<hbm>> -> memref<152x16xf32, #tpu.memory_space<hbm>>
      %dma_start3A_285 = arith.constant 0 : i32
      %dma_start3A_286 = tpu.memref_slice %arg18[%mul3A_264, %dma_start3A_285] : memref<2512x16xf32, #tpu.memory_space<vmem_shared>> -> memref<152x16xf32, #tpu.memory_space<vmem_shared>>
      tpu.enqueue_dma source(%dma_start3A_286 : memref<152x16xf32, #tpu.memory_space<vmem_shared>>) target(%dma_start3A_284 : memref<152x16xf32, #tpu.memory_space<hbm>>) target_semaphore(%run_scoped3A : memref<!tpu.dma_semaphore, #tpu.memory_space<semaphore_mem>>)
      %dma_wait3A = arith.constant 0 : i32
      %dma_wait3A_287 = tpu.memref_slice %arg7[%add3A_269, %dma_wait3A] : memref<10000x16xf32, #tpu.memory_space<hbm>> -> memref<152x16xf32, #tpu.memory_space<hbm>>
      %dma_wait3A_288 = arith.constant 0 : i32
      %dma_wait3A_289 = tpu.memref_slice %arg18[%mul3A_264, %dma_wait3A_288] : memref<2512x16xf32, #tpu.memory_space<vmem_shared>> -> memref<152x16xf32, #tpu.memory_space<vmem_shared>>
      tpu.wait_dma2 semaphore(%run_scoped3A : memref<!tpu.dma_semaphore, #tpu.memory_space<semaphore_mem>>) src(%dma_wait3A_289 : memref<152x16xf32, #tpu.memory_space<vmem_shared>>) dst(%dma_wait3A_287 : memref<152x16xf32, #tpu.memory_space<hbm>>)
      tpu.yield
    }) : () -> ()
    %eq3A_270 = arith.constant 0 : i32
    %eq3A_271 = arith.cmpi eq, %arg1, %eq3A_270 : i32
    %convert_element_type3A_272 = arith.extui %eq3A_271 : i1 to i32
    %cond3A_273 = arith.constant 0 : i32
    %cond3A_274 = arith.cmpi ne, %convert_element_type3A_272, %cond3A_273 : i32
    scf.if %cond3A_274 {
      %mul3A_284 = arith.constant 2504 : i32
      %mul3A_285 = arith.muli %add3A_211, %mul3A_284 : i32
      %add3A_286 = arith.constant 2432 : i32
      %add3A_287 = arith.addi %mul3A_285, %add3A_286 : i32
      "tpu.region"() ({
        %run_scoped3A = tpu.sem_alloc : memref<!tpu.dma_semaphore, #tpu.memory_space<semaphore_mem>>
        %dma_start3A = arith.constant 0 : i32
        %dma_start3A_288 = tpu.memref_slice %arg7[%add3A_287, %dma_start3A] : memref<10000x16xf32, #tpu.memory_space<hbm>> -> memref<56x16xf32, #tpu.memory_space<hbm>>
        %dma_start3A_289 = arith.constant 2432 : i32
        %dma_start3A_290 = arith.constant 0 : i32
        %dma_start3A_291 = tpu.memref_slice %arg18[%dma_start3A_289, %dma_start3A_290] : memref<2512x16xf32, #tpu.memory_space<vmem_shared>> -> memref<56x16xf32, #tpu.memory_space<vmem_shared>>
        tpu.enqueue_dma source(%dma_start3A_291 : memref<56x16xf32, #tpu.memory_space<vmem_shared>>) target(%dma_start3A_288 : memref<56x16xf32, #tpu.memory_space<hbm>>) target_semaphore(%run_scoped3A : memref<!tpu.dma_semaphore, #tpu.memory_space<semaphore_mem>>)
        %dma_wait3A = arith.constant 0 : i32
        %dma_wait3A_292 = tpu.memref_slice %arg7[%add3A_287, %dma_wait3A] : memref<10000x16xf32, #tpu.memory_space<hbm>> -> memref<56x16xf32, #tpu.memory_space<hbm>>
        %dma_wait3A_293 = arith.constant 2432 : i32
        %dma_wait3A_294 = arith.constant 0 : i32
        %dma_wait3A_295 = tpu.memref_slice %arg18[%dma_wait3A_293, %dma_wait3A_294] : memref<2512x16xf32, #tpu.memory_space<vmem_shared>> -> memref<56x16xf32, #tpu.memory_space<vmem_shared>>
        tpu.wait_dma2 semaphore(%run_scoped3A : memref<!tpu.dma_semaphore, #tpu.memory_space<semaphore_mem>>) src(%dma_wait3A_295 : memref<56x16xf32, #tpu.memory_space<vmem_shared>>) dst(%dma_wait3A_292 : memref<56x16xf32, #tpu.memory_space<hbm>>)
        tpu.yield
      }) : () -> ()
    } else {
    }
    %eq3A_275 = arith.constant 1 : i32
    %eq3A_276 = arith.cmpi eq, %arg1, %eq3A_275 : i32
    %lt3A_277 = arith.constant 3 : i32
    %lt3A_278 = arith.cmpi slt, %add3A_211, %lt3A_277 : i32
    %and3A_279 = arith.andi %eq3A_276, %lt3A_278 : i1
    %convert_element_type3A_280 = arith.extui %and3A_279 : i1 to i32
    %cond3A_281 = arith.constant 0 : i32
    %cond3A_282 = arith.cmpi ne, %convert_element_type3A_280, %cond3A_281 : i32
    scf.if %cond3A_282 {
      %mul3A_284 = arith.constant 2504 : i32
      %mul3A_285 = arith.muli %add3A_211, %mul3A_284 : i32
      %add3A_286 = arith.constant 2432 : i32
      %add3A_287 = arith.addi %mul3A_285, %add3A_286 : i32
      %add3A_288 = arith.constant 56 : i32
      %add3A_289 = arith.addi %add3A_287, %add3A_288 : i32
      "tpu.region"() ({
        %run_scoped3A = tpu.sem_alloc : memref<!tpu.dma_semaphore, #tpu.memory_space<semaphore_mem>>
        %dma_start3A = arith.constant 0 : i32
        %dma_start3A_290 = tpu.memref_slice %arg7[%add3A_289, %dma_start3A] : memref<10000x16xf32, #tpu.memory_space<hbm>> -> memref<16x16xf32, #tpu.memory_space<hbm>>
        %dma_start3A_291 = arith.constant 2488 : i32
        %dma_start3A_292 = arith.constant 0 : i32
        %dma_start3A_293 = tpu.memref_slice %arg18[%dma_start3A_291, %dma_start3A_292] : memref<2512x16xf32, #tpu.memory_space<vmem_shared>> -> memref<16x16xf32, #tpu.memory_space<vmem_shared>>
        tpu.enqueue_dma source(%dma_start3A_293 : memref<16x16xf32, #tpu.memory_space<vmem_shared>>) target(%dma_start3A_290 : memref<16x16xf32, #tpu.memory_space<hbm>>) target_semaphore(%run_scoped3A : memref<!tpu.dma_semaphore, #tpu.memory_space<semaphore_mem>>)
        %dma_wait3A = arith.constant 0 : i32
        %dma_wait3A_294 = tpu.memref_slice %arg7[%add3A_289, %dma_wait3A] : memref<10000x16xf32, #tpu.memory_space<hbm>> -> memref<16x16xf32, #tpu.memory_space<hbm>>
        %dma_wait3A_295 = arith.constant 2488 : i32
        %dma_wait3A_296 = arith.constant 0 : i32
        %dma_wait3A_297 = tpu.memref_slice %arg18[%dma_wait3A_295, %dma_wait3A_296] : memref<2512x16xf32, #tpu.memory_space<vmem_shared>> -> memref<16x16xf32, #tpu.memory_space<vmem_shared>>
        tpu.wait_dma2 semaphore(%run_scoped3A : memref<!tpu.dma_semaphore, #tpu.memory_space<semaphore_mem>>) src(%dma_wait3A_297 : memref<16x16xf32, #tpu.memory_space<vmem_shared>>) dst(%dma_wait3A_294 : memref<16x16xf32, #tpu.memory_space<hbm>>)
        tpu.yield
      }) : () -> ()
    } else {
    }
    %barrier3A_283 = arith.constant 0 : index
    tpu.barrier barrier_id(%barrier3A_283)
    return
  }
}

#map = affine_map<(d0, d1) -> (0, 0)>
#map1 = affine_map<(d0, d1) -> (0)>
module attributes {stable_mosaic.version = 14 : i64} {
  func.func @_edge_stage(%arg0: i32, %arg1: i32, %arg2: memref<20000x128xf32, #tpu.memory_space<hbm>>, %arg3: memref<655360xi32, #tpu.memory_space<hbm>>, %arg4: memref<655360xi32, #tpu.memory_space<hbm>>, %arg5: memref<8192xi32, #tpu.memory_space<hbm>>, %arg6: memref<20000x128xf32, #tpu.memory_space<hbm>>, %arg7: memref<128xi32, #tpu.memory_space<vmem>>, %arg8: memref<2x128xi32, #tpu.memory_space<vmem>>, %arg9: memref<2x128xi32, #tpu.memory_space<vmem>>, %arg10: memref<2x128xi32, #tpu.memory_space<vmem>>, %arg11: memref<2x128xi32, #tpu.memory_space<vmem>>, %arg12: memref<2x128x128xf32, #tpu.memory_space<vmem>>, %arg13: memref<64x128xf32, #tpu.memory_space<vmem>>, %arg14: memref<5024x128xf32, #tpu.memory_space<vmem_shared>>, %arg15: memref<!tpu.dma_semaphore, #tpu.memory_space<semaphore_mem>>, %arg16: memref<!tpu.dma_semaphore, #tpu.memory_space<semaphore_mem>>) attributes {dimension_semantics = [#tpu.dimension_semantics<core_parallel>, #tpu.dimension_semantics<subcore_parallel>], iteration_bounds = array<i64: 2, 16>, scalar_prefetch = 0 : i64, scratch_operands = 10 : i64, tpu.core_type = #tpu.core_type<sc_vector_subcore>, window_params = [{transform_indices = #map}, {transform_indices = #map1}, {transform_indices = #map1}, {transform_indices = #map1}, {transform_indices = #map}]} {
    %mul3A = arith.constant 16 : i32
    %mul3A_0 = arith.muli %arg0, %mul3A : i32
    %add3A = arith.addi %mul3A_0, %arg1 : i32
    %scan3A = arith.constant 0 : i32
    %scan3A_1 = arith.constant 64 : i32
    %scan3A_2 = arith.addi %scan3A, %scan3A_1 : i32
    %scan3A_3 = arith.constant 1 : i32
    scf.for %scan3A_178 = %scan3A to %scan3A_2 step %scan3A_3  : i32 {
      %mul3A_179 = arith.constant 1 : i32
      %mul3A_180 = arith.muli %scan3A_178, %mul3A_179 : i32
      %add3A_181 = arith.constant 0 : i32
      %add3A_182 = arith.addi %add3A_181, %mul3A_180 : i32
      %scan3A_183 = arith.constant 0 : i32
      %scan3A_184 = arith.constant 8 : i32
      %scan3A_185 = arith.addi %scan3A_183, %scan3A_184 : i32
      %scan3A_186 = arith.constant 1 : i32
      scf.for %scan3A_188 = %scan3A_183 to %scan3A_185 step %scan3A_186  : i32 {
        %mul3A_189 = arith.constant 1 : i32
        %mul3A_190 = arith.muli %scan3A_188, %mul3A_189 : i32
        %add3A_191 = arith.constant 0 : i32
        %add3A_192 = arith.addi %add3A_191, %mul3A_190 : i32
        %broadcast_in_dim3A = arith.constant 0.000000e+00 : f32
        %broadcast_in_dim3A_193 = vector.broadcast %broadcast_in_dim3A : f32 to vector<16xf32>
        %mul3A_194 = arith.constant 16 : i32
        %mul3A_195 = arith.muli %add3A_192, %mul3A_194 : i32
        %swap3A = arith.index_cast %add3A_182 : i32 to index
        %swap3A_196 = arith.index_cast %mul3A_195 : i32 to index
        %swap3A_197 = tpu.vector_load %arg13[%swap3A, %swap3A_196] {strides = array<i32>} : memref<64x128xf32, #tpu.memory_space<vmem>>, vector<16xf32>,
        tpu.vector_store %arg13[%swap3A, %swap3A_196], %broadcast_in_dim3A_193 {strides = array<i32>} : memref<64x128xf32, #tpu.memory_space<vmem>>, vector<16xf32>,
      }
      %scan3A_187 = arith.constant 8 : i32
    }
    %scan3A_4 = arith.constant 64 : i32
    %mul3A_5 = arith.constant 2 : i32
    %mul3A_6 = arith.muli %mul3A_5, %arg0 : i32
    %add3A_7 = arith.constant 0 : i32
    %add3A_8 = arith.addi %mul3A_6, %add3A_7 : i32
    %mul3A_9 = arith.constant 2 : i32
    %mul3A_10 = arith.muli %add3A, %mul3A_9 : i32
    %add3A_11 = arith.constant 0 : i32
    %add3A_12 = arith.addi %mul3A_10, %add3A_11 : i32
    %mul3A_13 = arith.constant 128 : i32
    %mul3A_14 = arith.muli %add3A_12, %mul3A_13 : i32
    "tpu.region"() ({
      %run_scoped3A = tpu.sem_alloc : memref<!tpu.dma_semaphore, #tpu.memory_space<semaphore_mem>>
      %dma_start3A = tpu.memref_slice %arg5[%mul3A_14] : memref<8192xi32, #tpu.memory_space<hbm>> -> memref<128xi32, #tpu.memory_space<hbm>>
      %dma_start3A_178 = tpu.memref_slice %arg5[%mul3A_14] : memref<8192xi32, #tpu.memory_space<hbm>> -> memref<128xi32, #tpu.memory_space<hbm>>
      tpu.enqueue_dma source(%dma_start3A_178 : memref<128xi32, #tpu.memory_space<hbm>>) target(%arg7 : memref<128xi32, #tpu.memory_space<vmem>>) target_semaphore(%run_scoped3A : memref<!tpu.dma_semaphore, #tpu.memory_space<semaphore_mem>>)
      %dma_wait3A = tpu.memref_slice %arg5[%mul3A_14] : memref<8192xi32, #tpu.memory_space<hbm>> -> memref<128xi32, #tpu.memory_space<hbm>>
      %dma_wait3A_179 = tpu.memref_slice %arg5[%mul3A_14] : memref<8192xi32, #tpu.memory_space<hbm>> -> memref<128xi32, #tpu.memory_space<hbm>>
      tpu.wait_dma2 semaphore(%run_scoped3A : memref<!tpu.dma_semaphore, #tpu.memory_space<semaphore_mem>>) src(%dma_wait3A_179 : memref<128xi32, #tpu.memory_space<hbm>>) dst(%arg7 : memref<128xi32, #tpu.memory_space<vmem>>)
      tpu.yield
    }) : () -> ()
    %get3A = arith.constant 0 : index
    %get3A_15 = tpu.vector_load %arg7[%get3A] {strides = array<i32>} : memref<128xi32, #tpu.memory_space<vmem>>, vector<16xi32>,
    %slice3A = vector.extract_strided_slice %get3A_15 {offsets = [0], sizes = [1], strides = [1]} : vector<16xi32> to vector<1xi32>
    %squeeze3A = vector.extract %slice3A[0] : i32 from vector<1xi32>
    %jit3A = arith.constant 128 : i32
    %div3A = arith.divsi %squeeze3A, %jit3A : i32
    %sign3A = arith.constant 0 : i32
    %sign3A_16 = arith.cmpi sgt, %squeeze3A, %sign3A : i32
    %sign3A_17 = arith.extui %sign3A_16 : i1 to i32
    %sign3A_18 = arith.constant 0 : i32
    %sign3A_19 = arith.cmpi slt, %squeeze3A, %sign3A_18 : i32
    %sign3A_20 = arith.extui %sign3A_19 : i1 to i32
    %sign3A_21 = arith.subi %sign3A_17, %sign3A_20 : i32
    %sign3A_22 = arith.constant 0 : i32
    %sign3A_23 = arith.cmpi sgt, %jit3A, %sign3A_22 : i32
    %sign3A_24 = arith.extui %sign3A_23 : i1 to i32
    %sign3A_25 = arith.constant 0 : i32
    %sign3A_26 = arith.cmpi slt, %jit3A, %sign3A_25 : i32
    %sign3A_27 = arith.extui %sign3A_26 : i1 to i32
    %sign3A_28 = arith.subi %sign3A_24, %sign3A_27 : i32
    %ne3A = arith.cmpi ne, %sign3A_21, %sign3A_28 : i32
    %rem3A = arith.remsi %squeeze3A, %jit3A : i32
    %ne3A_29 = arith.constant 0 : i32
    %ne3A_30 = arith.cmpi ne, %rem3A, %ne3A_29 : i32
    %and3A = arith.andi %ne3A, %ne3A_30 : i1
    %sub3A = arith.constant 1 : i32
    %sub3A_31 = arith.subi %div3A, %sub3A : i32
    %select_n3A = arith.select %and3A, %sub3A_31, %div3A : i32
    %mul3A_32 = arith.constant 152 : i32
    %mul3A_33 = arith.muli %arg1, %mul3A_32 : i32
    %mul3A_34 = arith.constant 2 : i32
    %mul3A_35 = arith.muli %mul3A_33, %mul3A_34 : i32
    %scan3A_36 = arith.constant 0 : i32
    %scan3A_37 = arith.constant 4 : i32
    %scan3A_38 = arith.addi %scan3A_36, %scan3A_37 : i32
    %scan3A_39 = arith.constant 1 : i32
    scf.for %scan3A_178 = %scan3A_36 to %scan3A_38 step %scan3A_39  : i32 {
      %mul3A_179 = arith.constant 1 : i32
      %mul3A_180 = arith.muli %scan3A_178, %mul3A_179 : i32
      %add3A_181 = arith.constant 0 : i32
      %add3A_182 = arith.addi %add3A_181, %mul3A_180 : i32
      %mul3A_183 = arith.constant 64 : i32
      %mul3A_184 = arith.muli %add3A_182, %mul3A_183 : i32
      %add3A_185 = arith.addi %mul3A_35, %mul3A_184 : i32
      "tpu.region"() ({
        %run_scoped3A = tpu.sem_alloc : memref<!tpu.dma_semaphore, #tpu.memory_space<semaphore_mem>>
        %dma_start3A = arith.constant 0 : i32
        %dma_start3A_186 = tpu.memref_slice %arg14[%add3A_185, %dma_start3A] : memref<5024x128xf32, #tpu.memory_space<vmem_shared>> -> memref<64x128xf32, #tpu.memory_space<vmem_shared>>
        %dma_start3A_187 = arith.constant 0 : i32
        %dma_start3A_188 = tpu.memref_slice %arg14[%add3A_185, %dma_start3A_187] : memref<5024x128xf32, #tpu.memory_space<vmem_shared>> -> memref<64x128xf32, #tpu.memory_space<vmem_shared>>
        tpu.enqueue_dma source(%arg13 : memref<64x128xf32, #tpu.memory_space<vmem>>) target(%dma_start3A_188 : memref<64x128xf32, #tpu.memory_space<vmem_shared>>) target_semaphore(%run_scoped3A : memref<!tpu.dma_semaphore, #tpu.memory_space<semaphore_mem>>)
        %dma_wait3A = arith.constant 0 : i32
        %dma_wait3A_189 = tpu.memref_slice %arg14[%add3A_185, %dma_wait3A] : memref<5024x128xf32, #tpu.memory_space<vmem_shared>> -> memref<64x128xf32, #tpu.memory_space<vmem_shared>>
        %dma_wait3A_190 = arith.constant 0 : i32
        %dma_wait3A_191 = tpu.memref_slice %arg14[%add3A_185, %dma_wait3A_190] : memref<5024x128xf32, #tpu.memory_space<vmem_shared>> -> memref<64x128xf32, #tpu.memory_space<vmem_shared>>
        tpu.wait_dma2 semaphore(%run_scoped3A : memref<!tpu.dma_semaphore, #tpu.memory_space<semaphore_mem>>) src(%arg13 : memref<64x128xf32, #tpu.memory_space<vmem>>) dst(%dma_wait3A_191 : memref<64x128xf32, #tpu.memory_space<vmem_shared>>)
        tpu.yield
      }) : () -> ()
    }
    %scan3A_40 = arith.constant 4 : i32
    %add3A_41 = arith.constant 256 : i32
    %add3A_42 = arith.addi %mul3A_35, %add3A_41 : i32
    "tpu.region"() ({
      %run_scoped3A = tpu.sem_alloc : memref<!tpu.dma_semaphore, #tpu.memory_space<semaphore_mem>>
      %dma_start3A = arith.constant 0 : i32
      %dma_start3A_178 = arith.constant 0 : i32
      %dma_start3A_179 = tpu.memref_slice %arg13[%dma_start3A, %dma_start3A_178] : memref<64x128xf32, #tpu.memory_space<vmem>> -> memref<48x128xf32, #tpu.memory_space<vmem>>
      %dma_start3A_180 = arith.constant 0 : i32
      %dma_start3A_181 = tpu.memref_slice %arg14[%add3A_42, %dma_start3A_180] : memref<5024x128xf32, #tpu.memory_space<vmem_shared>> -> memref<48x128xf32, #tpu.memory_space<vmem_shared>>
      %dma_start3A_182 = arith.constant 0 : i32
      %dma_start3A_183 = tpu.memref_slice %arg14[%add3A_42, %dma_start3A_182] : memref<5024x128xf32, #tpu.memory_space<vmem_shared>> -> memref<48x128xf32, #tpu.memory_space<vmem_shared>>
      %dma_start3A_184 = arith.constant 0 : i32
      %dma_start3A_185 = arith.constant 0 : i32
      %dma_start3A_186 = tpu.memref_slice %arg13[%dma_start3A_184, %dma_start3A_185] : memref<64x128xf32, #tpu.memory_space<vmem>> -> memref<48x128xf32, #tpu.memory_space<vmem>>
      tpu.enqueue_dma source(%dma_start3A_186 : memref<48x128xf32, #tpu.memory_space<vmem>>) target(%dma_start3A_183 : memref<48x128xf32, #tpu.memory_space<vmem_shared>>) target_semaphore(%run_scoped3A : memref<!tpu.dma_semaphore, #tpu.memory_space<semaphore_mem>>)
      %dma_wait3A = arith.constant 0 : i32
      %dma_wait3A_187 = arith.constant 0 : i32
      %dma_wait3A_188 = tpu.memref_slice %arg13[%dma_wait3A, %dma_wait3A_187] : memref<64x128xf32, #tpu.memory_space<vmem>> -> memref<48x128xf32, #tpu.memory_space<vmem>>
      %dma_wait3A_189 = arith.constant 0 : i32
      %dma_wait3A_190 = tpu.memref_slice %arg14[%add3A_42, %dma_wait3A_189] : memref<5024x128xf32, #tpu.memory_space<vmem_shared>> -> memref<48x128xf32, #tpu.memory_space<vmem_shared>>
      %dma_wait3A_191 = arith.constant 0 : i32
      %dma_wait3A_192 = tpu.memref_slice %arg14[%add3A_42, %dma_wait3A_191] : memref<5024x128xf32, #tpu.memory_space<vmem_shared>> -> memref<48x128xf32, #tpu.memory_space<vmem_shared>>
      %dma_wait3A_193 = arith.constant 0 : i32
      %dma_wait3A_194 = arith.constant 0 : i32
      %dma_wait3A_195 = tpu.memref_slice %arg13[%dma_wait3A_193, %dma_wait3A_194] : memref<64x128xf32, #tpu.memory_space<vmem>> -> memref<48x128xf32, #tpu.memory_space<vmem>>
      tpu.wait_dma2 semaphore(%run_scoped3A : memref<!tpu.dma_semaphore, #tpu.memory_space<semaphore_mem>>) src(%dma_wait3A_195 : memref<48x128xf32, #tpu.memory_space<vmem>>) dst(%dma_wait3A_192 : memref<48x128xf32, #tpu.memory_space<vmem_shared>>)
      tpu.yield
    }) : () -> ()
    %eq3A = arith.constant 0 : i32
    %eq3A_43 = arith.cmpi eq, %arg1, %eq3A : i32
    %convert_element_type3A = arith.extui %eq3A_43 : i1 to i32
    %cond3A = arith.constant 0 : i32
    %cond3A_44 = arith.cmpi ne, %convert_element_type3A, %cond3A : i32
    scf.if %cond3A_44 {
      "tpu.region"() ({
        %run_scoped3A = tpu.sem_alloc : memref<!tpu.dma_semaphore, #tpu.memory_space<semaphore_mem>>
        %dma_start3A = arith.constant 4864 : i32
        %dma_start3A_178 = arith.constant 0 : i32
        %dma_start3A_179 = tpu.memref_slice %arg14[%dma_start3A, %dma_start3A_178] : memref<5024x128xf32, #tpu.memory_space<vmem_shared>> -> memref<64x128xf32, #tpu.memory_space<vmem_shared>>
        %dma_start3A_180 = arith.constant 4864 : i32
        %dma_start3A_181 = arith.constant 0 : i32
        %dma_start3A_182 = tpu.memref_slice %arg14[%dma_start3A_180, %dma_start3A_181] : memref<5024x128xf32, #tpu.memory_space<vmem_shared>> -> memref<64x128xf32, #tpu.memory_space<vmem_shared>>
        tpu.enqueue_dma source(%arg13 : memref<64x128xf32, #tpu.memory_space<vmem>>) target(%dma_start3A_182 : memref<64x128xf32, #tpu.memory_space<vmem_shared>>) target_semaphore(%run_scoped3A : memref<!tpu.dma_semaphore, #tpu.memory_space<semaphore_mem>>)
        %dma_wait3A = arith.constant 4864 : i32
        %dma_wait3A_183 = arith.constant 0 : i32
        %dma_wait3A_184 = tpu.memref_slice %arg14[%dma_wait3A, %dma_wait3A_183] : memref<5024x128xf32, #tpu.memory_space<vmem_shared>> -> memref<64x128xf32, #tpu.memory_space<vmem_shared>>
        %dma_wait3A_185 = arith.constant 4864 : i32
        %dma_wait3A_186 = arith.constant 0 : i32
        %dma_wait3A_187 = tpu.memref_slice %arg14[%dma_wait3A_185, %dma_wait3A_186] : memref<5024x128xf32, #tpu.memory_space<vmem_shared>> -> memref<64x128xf32, #tpu.memory_space<vmem_shared>>
        tpu.wait_dma2 semaphore(%run_scoped3A : memref<!tpu.dma_semaphore, #tpu.memory_space<semaphore_mem>>) src(%arg13 : memref<64x128xf32, #tpu.memory_space<vmem>>) dst(%dma_wait3A_187 : memref<64x128xf32, #tpu.memory_space<vmem_shared>>)
        tpu.yield
      }) : () -> ()
      "tpu.region"() ({
        %run_scoped3A = tpu.sem_alloc : memref<!tpu.dma_semaphore, #tpu.memory_space<semaphore_mem>>
        %dma_start3A = arith.constant 4928 : i32
        %dma_start3A_178 = arith.constant 0 : i32
        %dma_start3A_179 = tpu.memref_slice %arg14[%dma_start3A, %dma_start3A_178] : memref<5024x128xf32, #tpu.memory_space<vmem_shared>> -> memref<64x128xf32, #tpu.memory_space<vmem_shared>>
        %dma_start3A_180 = arith.constant 4928 : i32
        %dma_start3A_181 = arith.constant 0 : i32
        %dma_start3A_182 = tpu.memref_slice %arg14[%dma_start3A_180, %dma_start3A_181] : memref<5024x128xf32, #tpu.memory_space<vmem_shared>> -> memref<64x128xf32, #tpu.memory_space<vmem_shared>>
        tpu.enqueue_dma source(%arg13 : memref<64x128xf32, #tpu.memory_space<vmem>>) target(%dma_start3A_182 : memref<64x128xf32, #tpu.memory_space<vmem_shared>>) target_semaphore(%run_scoped3A : memref<!tpu.dma_semaphore, #tpu.memory_space<semaphore_mem>>)
        %dma_wait3A = arith.constant 4928 : i32
        %dma_wait3A_183 = arith.constant 0 : i32
        %dma_wait3A_184 = tpu.memref_slice %arg14[%dma_wait3A, %dma_wait3A_183] : memref<5024x128xf32, #tpu.memory_space<vmem_shared>> -> memref<64x128xf32, #tpu.memory_space<vmem_shared>>
        %dma_wait3A_185 = arith.constant 4928 : i32
        %dma_wait3A_186 = arith.constant 0 : i32
        %dma_wait3A_187 = tpu.memref_slice %arg14[%dma_wait3A_185, %dma_wait3A_186] : memref<5024x128xf32, #tpu.memory_space<vmem_shared>> -> memref<64x128xf32, #tpu.memory_space<vmem_shared>>
        tpu.wait_dma2 semaphore(%run_scoped3A : memref<!tpu.dma_semaphore, #tpu.memory_space<semaphore_mem>>) src(%arg13 : memref<64x128xf32, #tpu.memory_space<vmem>>) dst(%dma_wait3A_187 : memref<64x128xf32, #tpu.memory_space<vmem_shared>>)
        tpu.yield
      }) : () -> ()
      "tpu.region"() ({
        %run_scoped3A = tpu.sem_alloc : memref<!tpu.dma_semaphore, #tpu.memory_space<semaphore_mem>>
        %dma_start3A = arith.constant 0 : i32
        %dma_start3A_178 = arith.constant 0 : i32
        %dma_start3A_179 = tpu.memref_slice %arg13[%dma_start3A, %dma_start3A_178] : memref<64x128xf32, #tpu.memory_space<vmem>> -> memref<32x128xf32, #tpu.memory_space<vmem>>
        %dma_start3A_180 = arith.constant 4992 : i32
        %dma_start3A_181 = arith.constant 0 : i32
        %dma_start3A_182 = tpu.memref_slice %arg14[%dma_start3A_180, %dma_start3A_181] : memref<5024x128xf32, #tpu.memory_space<vmem_shared>> -> memref<32x128xf32, #tpu.memory_space<vmem_shared>>
        %dma_start3A_183 = arith.constant 4992 : i32
        %dma_start3A_184 = arith.constant 0 : i32
        %dma_start3A_185 = tpu.memref_slice %arg14[%dma_start3A_183, %dma_start3A_184] : memref<5024x128xf32, #tpu.memory_space<vmem_shared>> -> memref<32x128xf32, #tpu.memory_space<vmem_shared>>
        %dma_start3A_186 = arith.constant 0 : i32
        %dma_start3A_187 = arith.constant 0 : i32
        %dma_start3A_188 = tpu.memref_slice %arg13[%dma_start3A_186, %dma_start3A_187] : memref<64x128xf32, #tpu.memory_space<vmem>> -> memref<32x128xf32, #tpu.memory_space<vmem>>
        tpu.enqueue_dma source(%dma_start3A_188 : memref<32x128xf32, #tpu.memory_space<vmem>>) target(%dma_start3A_185 : memref<32x128xf32, #tpu.memory_space<vmem_shared>>) target_semaphore(%run_scoped3A : memref<!tpu.dma_semaphore, #tpu.memory_space<semaphore_mem>>)
        %dma_wait3A = arith.constant 0 : i32
        %dma_wait3A_189 = arith.constant 0 : i32
        %dma_wait3A_190 = tpu.memref_slice %arg13[%dma_wait3A, %dma_wait3A_189] : memref<64x128xf32, #tpu.memory_space<vmem>> -> memref<32x128xf32, #tpu.memory_space<vmem>>
        %dma_wait3A_191 = arith.constant 4992 : i32
        %dma_wait3A_192 = arith.constant 0 : i32
        %dma_wait3A_193 = tpu.memref_slice %arg14[%dma_wait3A_191, %dma_wait3A_192] : memref<5024x128xf32, #tpu.memory_space<vmem_shared>> -> memref<32x128xf32, #tpu.memory_space<vmem_shared>>
        %dma_wait3A_194 = arith.constant 4992 : i32
        %dma_wait3A_195 = arith.constant 0 : i32
        %dma_wait3A_196 = tpu.memref_slice %arg14[%dma_wait3A_194, %dma_wait3A_195] : memref<5024x128xf32, #tpu.memory_space<vmem_shared>> -> memref<32x128xf32, #tpu.memory_space<vmem_shared>>
        %dma_wait3A_197 = arith.constant 0 : i32
        %dma_wait3A_198 = arith.constant 0 : i32
        %dma_wait3A_199 = tpu.memref_slice %arg13[%dma_wait3A_197, %dma_wait3A_198] : memref<64x128xf32, #tpu.memory_space<vmem>> -> memref<32x128xf32, #tpu.memory_space<vmem>>
        tpu.wait_dma2 semaphore(%run_scoped3A : memref<!tpu.dma_semaphore, #tpu.memory_space<semaphore_mem>>) src(%dma_wait3A_199 : memref<32x128xf32, #tpu.memory_space<vmem>>) dst(%dma_wait3A_196 : memref<32x128xf32, #tpu.memory_space<vmem_shared>>)
        tpu.yield
      }) : () -> ()
    } else {
    }
    %barrier3A = arith.constant 0 : index
    tpu.barrier barrier_id(%barrier3A)
    %mul3A_45 = arith.constant 2 : i32
    %mul3A_46 = arith.muli %add3A, %mul3A_45 : i32
    %add3A_47 = arith.constant 0 : i32
    %add3A_48 = arith.addi %mul3A_46, %add3A_47 : i32
    %mul3A_49 = arith.constant 10240 : i32
    %mul3A_50 = arith.muli %add3A_48, %mul3A_49 : i32
    %while3A = arith.constant 0 : i32
    %while3A_51 = arith.constant 0 : i32
    %while3A_52 = arith.subi %select_n3A, %while3A : i32
    %while3A_53 = arith.addi %while3A, %while3A_52 : i32
    %while3A_54 = arith.constant 1 : i32
    %while3A_55 = arith.divsi %while3A_52, %while3A_54 : i32
    %while3A_56 = arith.muli %while3A_55, %while3A_54 : i32
    %while3A_57 = arith.addi %while3A, %while3A_56 : i32
    %while3A_58 = arith.constant 1 : i32
    %while3A_59 = scf.for %while3A_178 = %while3A to %while3A_57 step %while3A_58 iter_args(%while3A_179 = %while3A_51) -> (i32)  : i32 {
      %mul3A_180 = arith.constant 128 : i32
      %mul3A_181 = arith.muli %while3A_178, %mul3A_180 : i32
      %add3A_182 = arith.addi %mul3A_50, %mul3A_181 : i32
      %run_scoped3A = arith.constant 0 : i32
      "tpu.region"() ({
        %run_scoped3A_243 = tpu.sem_alloc : memref<!tpu.dma_semaphore, #tpu.memory_space<semaphore_mem>>
        %dma_start3A_244 = arith.constant 0 : i32
        %dma_start3A_245 = tpu.memref_slice %arg8[%run_scoped3A, %dma_start3A_244] : memref<2x128xi32, #tpu.memory_space<vmem>> -> memref<1x128xi32, #tpu.memory_space<vmem>>
        %dma_start3A_246 = tpu.memref_squeeze %dma_start3A_245 : memref<1x128xi32, #tpu.memory_space<vmem>> -> memref<128xi32, #tpu.memory_space<vmem>>
        %dma_start3A_247 = tpu.memref_slice %arg3[%add3A_182] : memref<655360xi32, #tpu.memory_space<hbm>> -> memref<128xi32, #tpu.memory_space<hbm>>
        %dma_start3A_248 = arith.constant 0 : i32
        %dma_start3A_249 = tpu.memref_slice %arg8[%run_scoped3A, %dma_start3A_248] : memref<2x128xi32, #tpu.memory_space<vmem>> -> memref<1x128xi32, #tpu.memory_space<vmem>>
        %dma_start3A_250 = tpu.memref_squeeze %dma_start3A_249 : memref<1x128xi32, #tpu.memory_space<vmem>> -> memref<128xi32, #tpu.memory_space<vmem>>
        %dma_start3A_251 = tpu.memref_slice %arg3[%add3A_182] : memref<655360xi32, #tpu.memory_space<hbm>> -> memref<128xi32, #tpu.memory_space<hbm>>
        tpu.enqueue_dma source(%dma_start3A_251 : memref<128xi32, #tpu.memory_space<hbm>>) target(%dma_start3A_250 : memref<128xi32, #tpu.memory_space<vmem>>) target_semaphore(%run_scoped3A_243 : memref<!tpu.dma_semaphore, #tpu.memory_space<semaphore_mem>>)
        %dma_wait3A_252 = arith.constant 0 : i32
        %dma_wait3A_253 = tpu.memref_slice %arg8[%run_scoped3A, %dma_wait3A_252] : memref<2x128xi32, #tpu.memory_space<vmem>> -> memref<1x128xi32, #tpu.memory_space<vmem>>
        %dma_wait3A_254 = tpu.memref_squeeze %dma_wait3A_253 : memref<1x128xi32, #tpu.memory_space<vmem>> -> memref<128xi32, #tpu.memory_space<vmem>>
        %dma_wait3A_255 = tpu.memref_slice %arg3[%add3A_182] : memref<655360xi32, #tpu.memory_space<hbm>> -> memref<128xi32, #tpu.memory_space<hbm>>
        %dma_wait3A_256 = arith.constant 0 : i32
        %dma_wait3A_257 = tpu.memref_slice %arg8[%run_scoped3A, %dma_wait3A_256] : memref<2x128xi32, #tpu.memory_space<vmem>> -> memref<1x128xi32, #tpu.memory_space<vmem>>
        %dma_wait3A_258 = tpu.memref_squeeze %dma_wait3A_257 : memref<1x128xi32, #tpu.memory_space<vmem>> -> memref<128xi32, #tpu.memory_space<vmem>>
        %dma_wait3A_259 = tpu.memref_slice %arg3[%add3A_182] : memref<655360xi32, #tpu.memory_space<hbm>> -> memref<128xi32, #tpu.memory_space<hbm>>
        tpu.wait_dma2 semaphore(%run_scoped3A_243 : memref<!tpu.dma_semaphore, #tpu.memory_space<semaphore_mem>>) src(%dma_wait3A_259 : memref<128xi32, #tpu.memory_space<hbm>>) dst(%dma_wait3A_258 : memref<128xi32, #tpu.memory_space<vmem>>)
        tpu.yield
      }) : () -> ()
      %mul3A_183 = arith.constant 128 : i32
      %mul3A_184 = arith.muli %while3A_178, %mul3A_183 : i32
      %add3A_185 = arith.addi %mul3A_50, %mul3A_184 : i32
      %run_scoped3A_186 = arith.constant 0 : i32
      "tpu.region"() ({
        %run_scoped3A_243 = tpu.sem_alloc : memref<!tpu.dma_semaphore, #tpu.memory_space<semaphore_mem>>
        %dma_start3A_244 = arith.constant 0 : i32
        %dma_start3A_245 = tpu.memref_slice %arg9[%run_scoped3A_186, %dma_start3A_244] : memref<2x128xi32, #tpu.memory_space<vmem>> -> memref<1x128xi32, #tpu.memory_space<vmem>>
        %dma_start3A_246 = tpu.memref_squeeze %dma_start3A_245 : memref<1x128xi32, #tpu.memory_space<vmem>> -> memref<128xi32, #tpu.memory_space<vmem>>
        %dma_start3A_247 = tpu.memref_slice %arg4[%add3A_185] : memref<655360xi32, #tpu.memory_space<hbm>> -> memref<128xi32, #tpu.memory_space<hbm>>
        %dma_start3A_248 = arith.constant 0 : i32
        %dma_start3A_249 = tpu.memref_slice %arg9[%run_scoped3A_186, %dma_start3A_248] : memref<2x128xi32, #tpu.memory_space<vmem>> -> memref<1x128xi32, #tpu.memory_space<vmem>>
        %dma_start3A_250 = tpu.memref_squeeze %dma_start3A_249 : memref<1x128xi32, #tpu.memory_space<vmem>> -> memref<128xi32, #tpu.memory_space<vmem>>
        %dma_start3A_251 = tpu.memref_slice %arg4[%add3A_185] : memref<655360xi32, #tpu.memory_space<hbm>> -> memref<128xi32, #tpu.memory_space<hbm>>
        tpu.enqueue_dma source(%dma_start3A_251 : memref<128xi32, #tpu.memory_space<hbm>>) target(%dma_start3A_250 : memref<128xi32, #tpu.memory_space<vmem>>) target_semaphore(%run_scoped3A_243 : memref<!tpu.dma_semaphore, #tpu.memory_space<semaphore_mem>>)
        %dma_wait3A_252 = arith.constant 0 : i32
        %dma_wait3A_253 = tpu.memref_slice %arg9[%run_scoped3A_186, %dma_wait3A_252] : memref<2x128xi32, #tpu.memory_space<vmem>> -> memref<1x128xi32, #tpu.memory_space<vmem>>
        %dma_wait3A_254 = tpu.memref_squeeze %dma_wait3A_253 : memref<1x128xi32, #tpu.memory_space<vmem>> -> memref<128xi32, #tpu.memory_space<vmem>>
        %dma_wait3A_255 = tpu.memref_slice %arg4[%add3A_185] : memref<655360xi32, #tpu.memory_space<hbm>> -> memref<128xi32, #tpu.memory_space<hbm>>
        %dma_wait3A_256 = arith.constant 0 : i32
        %dma_wait3A_257 = tpu.memref_slice %arg9[%run_scoped3A_186, %dma_wait3A_256] : memref<2x128xi32, #tpu.memory_space<vmem>> -> memref<1x128xi32, #tpu.memory_space<vmem>>
        %dma_wait3A_258 = tpu.memref_squeeze %dma_wait3A_257 : memref<1x128xi32, #tpu.memory_space<vmem>> -> memref<128xi32, #tpu.memory_space<vmem>>
        %dma_wait3A_259 = tpu.memref_slice %arg4[%add3A_185] : memref<655360xi32, #tpu.memory_space<hbm>> -> memref<128xi32, #tpu.memory_space<hbm>>
        tpu.wait_dma2 semaphore(%run_scoped3A_243 : memref<!tpu.dma_semaphore, #tpu.memory_space<semaphore_mem>>) src(%dma_wait3A_259 : memref<128xi32, #tpu.memory_space<hbm>>) dst(%dma_wait3A_258 : memref<128xi32, #tpu.memory_space<vmem>>)
        tpu.yield
      }) : () -> ()
      %scan3A_187 = arith.constant 0 : i32
      %scan3A_188 = arith.constant 8 : i32
      %scan3A_189 = arith.addi %scan3A_187, %scan3A_188 : i32
      %scan3A_190 = arith.constant 1 : i32
      scf.for %scan3A_243 = %scan3A_187 to %scan3A_189 step %scan3A_190  : i32 {
        %mul3A_244 = arith.constant 1 : i32
        %mul3A_245 = arith.muli %scan3A_243, %mul3A_244 : i32
        %add3A_246 = arith.constant 0 : i32
        %add3A_247 = arith.addi %add3A_246, %mul3A_245 : i32
        %mul3A_248 = arith.constant 16 : i32
        %mul3A_249 = arith.muli %add3A_247, %mul3A_248 : i32
        %get3A_250 = arith.constant 0 : i32
        %get3A_251 = arith.index_cast %get3A_250 : i32 to index
        %get3A_252 = arith.index_cast %mul3A_249 : i32 to index
        %get3A_253 = tpu.vector_load %arg8[%get3A_251, %get3A_252] {strides = array<i32>} : memref<2x128xi32, #tpu.memory_space<vmem>>, vector<16xi32>,
        %mul3A_254 = arith.constant 2 : i32
        %mul3A_255 = vector.broadcast %mul3A_254 : i32 to vector<16xi32>
        %mul3A_256 = arith.muli %get3A_253, %mul3A_255 : vector<16xi32>
        %mul3A_257 = arith.constant 16 : i32
        %mul3A_258 = arith.muli %add3A_247, %mul3A_257 : i32
        %get3A_259 = arith.constant 0 : i32
        %get3A_260 = arith.index_cast %get3A_259 : i32 to index
        %get3A_261 = arith.index_cast %mul3A_258 : i32 to index
        %get3A_262 = tpu.vector_load %arg9[%get3A_260, %get3A_261] {strides = array<i32>} : memref<2x128xi32, #tpu.memory_space<vmem>>, vector<16xi32>,
        %mul3A_263 = arith.constant 2 : i32
        %mul3A_264 = vector.broadcast %mul3A_263 : i32 to vector<16xi32>
        %mul3A_265 = arith.muli %get3A_262, %mul3A_264 : vector<16xi32>
        %mul3A_266 = arith.constant 16 : i32
        %mul3A_267 = arith.muli %add3A_247, %mul3A_266 : i32
        %swap3A = arith.constant 0 : i32
        %swap3A_268 = arith.index_cast %swap3A : i32 to index
        %swap3A_269 = arith.index_cast %mul3A_267 : i32 to index
        %swap3A_270 = tpu.vector_load %arg10[%swap3A_268, %swap3A_269] {strides = array<i32>} : memref<2x128xi32, #tpu.memory_space<vmem>>, vector<16xi32>,
        tpu.vector_store %arg10[%swap3A_268, %swap3A_269], %mul3A_256 {strides = array<i32>} : memref<2x128xi32, #tpu.memory_space<vmem>>, vector<16xi32>,
        %add3A_271 = arith.constant 1 : i32
        %add3A_272 = vector.broadcast %add3A_271 : i32 to vector<16xi32>
        %add3A_273 = arith.addi %mul3A_256, %add3A_272 : vector<16xi32>
        %mul3A_274 = arith.constant 16 : i32
        %mul3A_275 = arith.muli %add3A_247, %mul3A_274 : i32
        %swap3A_276 = arith.constant 1 : i32
        %swap3A_277 = arith.index_cast %swap3A_276 : i32 to index
        %swap3A_278 = arith.index_cast %mul3A_275 : i32 to index
        %swap3A_279 = tpu.vector_load %arg10[%swap3A_277, %swap3A_278] {strides = array<i32>} : memref<2x128xi32, #tpu.memory_space<vmem>>, vector<16xi32>,
        tpu.vector_store %arg10[%swap3A_277, %swap3A_278], %add3A_273 {strides = array<i32>} : memref<2x128xi32, #tpu.memory_space<vmem>>, vector<16xi32>,
        %mul3A_280 = arith.constant 16 : i32
        %mul3A_281 = arith.muli %add3A_247, %mul3A_280 : i32
        %swap3A_282 = arith.constant 0 : i32
        %swap3A_283 = arith.index_cast %swap3A_282 : i32 to index
        %swap3A_284 = arith.index_cast %mul3A_281 : i32 to index
        %swap3A_285 = tpu.vector_load %arg11[%swap3A_283, %swap3A_284] {strides = array<i32>} : memref<2x128xi32, #tpu.memory_space<vmem>>, vector<16xi32>,
        tpu.vector_store %arg11[%swap3A_283, %swap3A_284], %mul3A_265 {strides = array<i32>} : memref<2x128xi32, #tpu.memory_space<vmem>>, vector<16xi32>,
        %add3A_286 = arith.constant 1 : i32
        %add3A_287 = vector.broadcast %add3A_286 : i32 to vector<16xi32>
        %add3A_288 = arith.addi %mul3A_265, %add3A_287 : vector<16xi32>
        %mul3A_289 = arith.constant 16 : i32
        %mul3A_290 = arith.muli %add3A_247, %mul3A_289 : i32
        %swap3A_291 = arith.constant 1 : i32
        %swap3A_292 = arith.index_cast %swap3A_291 : i32 to index
        %swap3A_293 = arith.index_cast %mul3A_290 : i32 to index
        %swap3A_294 = tpu.vector_load %arg11[%swap3A_292, %swap3A_293] {strides = array<i32>} : memref<2x128xi32, #tpu.memory_space<vmem>>, vector<16xi32>,
        tpu.vector_store %arg11[%swap3A_292, %swap3A_293], %add3A_288 {strides = array<i32>} : memref<2x128xi32, #tpu.memory_space<vmem>>, vector<16xi32>,
      }
      %scan3A_191 = arith.constant 8 : i32
      %dma_start3A = arith.constant 0 : i32
      %dma_start3A_192 = arith.constant 0 : i32
      %dma_start3A_193 = arith.constant 0 : i32
      %dma_start3A_194 = arith.constant 0 : i32
      %dma_start3A_195 = tpu.memref_slice %arg12[%dma_start3A_192, %dma_start3A_193, %dma_start3A_194] : memref<2x128x128xf32, #tpu.memory_space<vmem>> -> memref<1x128x128xf32, #tpu.memory_space<vmem>>
      %dma_start3A_196 = tpu.memref_squeeze %dma_start3A_195 : memref<1x128x128xf32, #tpu.memory_space<vmem>> -> memref<128x128xf32, #tpu.memory_space<vmem>>
      %dma_start3A_197 = arith.constant 0 : i32
      %dma_start3A_198 = tpu.memref_slice %arg10[%dma_start3A, %dma_start3A_197] : memref<2x128xi32, #tpu.memory_space<vmem>> -> memref<1x128xi32, #tpu.memory_space<vmem>>
      %dma_start3A_199 = tpu.memref_squeeze %dma_start3A_198 : memref<1x128xi32, #tpu.memory_space<vmem>> -> memref<128xi32, #tpu.memory_space<vmem>>
      %dma_start3A_200 = arith.constant 0 : i32
      %dma_start3A_201 = arith.constant 0 : i32
      %dma_start3A_202 = tpu.memref_slice %arg2[%dma_start3A_200, %dma_start3A_201] : memref<20000x128xf32, #tpu.memory_space<hbm>> -> memref<20000x128xf32, #tpu.memory_space<hbm>>
      tpu.enqueue_indirect_dma source(%dma_start3A_202 : memref<20000x128xf32, #tpu.memory_space<hbm>>) target(%dma_start3A_196 : memref<128x128xf32, #tpu.memory_space<vmem>>) offsets(%dma_start3A_199 : memref<128xi32, #tpu.memory_space<vmem>>) semaphore(%arg15 : memref<!tpu.dma_semaphore, #tpu.memory_space<semaphore_mem>>)
      %dma_start3A_203 = arith.constant 1 : i32
      %dma_start3A_204 = arith.constant 1 : i32
      %dma_start3A_205 = arith.constant 0 : i32
      %dma_start3A_206 = arith.constant 0 : i32
      %dma_start3A_207 = tpu.memref_slice %arg12[%dma_start3A_204, %dma_start3A_205, %dma_start3A_206] : memref<2x128x128xf32, #tpu.memory_space<vmem>> -> memref<1x128x128xf32, #tpu.memory_space<vmem>>
      %dma_start3A_208 = tpu.memref_squeeze %dma_start3A_207 : memref<1x128x128xf32, #tpu.memory_space<vmem>> -> memref<128x128xf32, #tpu.memory_space<vmem>>
      %dma_start3A_209 = arith.constant 0 : i32
      %dma_start3A_210 = tpu.memref_slice %arg10[%dma_start3A_203, %dma_start3A_209] : memref<2x128xi32, #tpu.memory_space<vmem>> -> memref<1x128xi32, #tpu.memory_space<vmem>>
      %dma_start3A_211 = tpu.memref_squeeze %dma_start3A_210 : memref<1x128xi32, #tpu.memory_space<vmem>> -> memref<128xi32, #tpu.memory_space<vmem>>
      %dma_start3A_212 = arith.constant 0 : i32
      %dma_start3A_213 = arith.constant 0 : i32
      %dma_start3A_214 = tpu.memref_slice %arg2[%dma_start3A_212, %dma_start3A_213] : memref<20000x128xf32, #tpu.memory_space<hbm>> -> memref<20000x128xf32, #tpu.memory_space<hbm>>
      tpu.enqueue_indirect_dma source(%dma_start3A_214 : memref<20000x128xf32, #tpu.memory_space<hbm>>) target(%dma_start3A_208 : memref<128x128xf32, #tpu.memory_space<vmem>>) offsets(%dma_start3A_211 : memref<128xi32, #tpu.memory_space<vmem>>) semaphore(%arg16 : memref<!tpu.dma_semaphore, #tpu.memory_space<semaphore_mem>>)
      %dma_wait3A = arith.constant 0 : i32
      %dma_wait3A_215 = arith.constant 0 : i32
      %dma_wait3A_216 = arith.constant 0 : i32
      %dma_wait3A_217 = arith.constant 0 : i32
      %dma_wait3A_218 = tpu.memref_slice %arg12[%dma_wait3A_215, %dma_wait3A_216, %dma_wait3A_217] : memref<2x128x128xf32, #tpu.memory_space<vmem>> -> memref<1x128x128xf32, #tpu.memory_space<vmem>>
      %dma_wait3A_219 = tpu.memref_squeeze %dma_wait3A_218 : memref<1x128x128xf32, #tpu.memory_space<vmem>> -> memref<128x128xf32, #tpu.memory_space<vmem>>
      %dma_wait3A_220 = arith.constant 0 : i32
      %dma_wait3A_221 = tpu.memref_slice %arg10[%dma_wait3A, %dma_wait3A_220] : memref<2x128xi32, #tpu.memory_space<vmem>> -> memref<1x128xi32, #tpu.memory_space<vmem>>
      %dma_wait3A_222 = tpu.memref_squeeze %dma_wait3A_221 : memref<1x128xi32, #tpu.memory_space<vmem>> -> memref<128xi32, #tpu.memory_space<vmem>>
      %dma_wait3A_223 = arith.constant 0 : i32
      %dma_wait3A_224 = arith.constant 0 : i32
      %dma_wait3A_225 = tpu.memref_slice %arg2[%dma_wait3A_223, %dma_wait3A_224] : memref<20000x128xf32, #tpu.memory_space<hbm>> -> memref<20000x128xf32, #tpu.memory_space<hbm>>
      tpu.wait_indirect_dma semaphore(%arg15 : memref<!tpu.dma_semaphore, #tpu.memory_space<semaphore_mem>>) src(%dma_wait3A_225 : memref<20000x128xf32, #tpu.memory_space<hbm>>) dst(%dma_wait3A_219 : memref<128x128xf32, #tpu.memory_space<vmem>>)
      %dma_wait3A_226 = arith.constant 1 : i32
      %dma_wait3A_227 = arith.constant 1 : i32
      %dma_wait3A_228 = arith.constant 0 : i32
      %dma_wait3A_229 = arith.constant 0 : i32
      %dma_wait3A_230 = tpu.memref_slice %arg12[%dma_wait3A_227, %dma_wait3A_228, %dma_wait3A_229] : memref<2x128x128xf32, #tpu.memory_space<vmem>> -> memref<1x128x128xf32, #tpu.memory_space<vmem>>
      %dma_wait3A_231 = tpu.memref_squeeze %dma_wait3A_230 : memref<1x128x128xf32, #tpu.memory_space<vmem>> -> memref<128x128xf32, #tpu.memory_space<vmem>>
      %dma_wait3A_232 = arith.constant 0 : i32
      %dma_wait3A_233 = tpu.memref_slice %arg10[%dma_wait3A_226, %dma_wait3A_232] : memref<2x128xi32, #tpu.memory_space<vmem>> -> memref<1x128xi32, #tpu.memory_space<vmem>>
      %dma_wait3A_234 = tpu.memref_squeeze %dma_wait3A_233 : memref<1x128xi32, #tpu.memory_space<vmem>> -> memref<128xi32, #tpu.memory_space<vmem>>
      %dma_wait3A_235 = arith.constant 0 : i32
      %dma_wait3A_236 = arith.constant 0 : i32
      %dma_wait3A_237 = tpu.memref_slice %arg2[%dma_wait3A_235, %dma_wait3A_236] : memref<20000x128xf32, #tpu.memory_space<hbm>> -> memref<20000x128xf32, #tpu.memory_space<hbm>>
      tpu.wait_indirect_dma semaphore(%arg16 : memref<!tpu.dma_semaphore, #tpu.memory_space<semaphore_mem>>) src(%dma_wait3A_237 : memref<20000x128xf32, #tpu.memory_space<hbm>>) dst(%dma_wait3A_231 : memref<128x128xf32, #tpu.memory_space<vmem>>)
      %run_scoped3A_238 = arith.constant 0 : i32
      %run_scoped3A_239 = arith.constant 0 : i32
      "tpu.region"() ({
        %run_scoped3A_243 = tpu.sem_alloc : memref<!tpu.dma_semaphore, #tpu.memory_space<semaphore_mem>>
        %dma_start3A_244 = arith.constant 0 : i32
        %dma_start3A_245 = arith.constant 0 : i32
        %dma_start3A_246 = tpu.memref_slice %arg12[%run_scoped3A_238, %dma_start3A_244, %dma_start3A_245] : memref<2x128x128xf32, #tpu.memory_space<vmem>> -> memref<1x128x128xf32, #tpu.memory_space<vmem>>
        %dma_start3A_247 = tpu.memref_squeeze %dma_start3A_246 : memref<1x128x128xf32, #tpu.memory_space<vmem>> -> memref<128x128xf32, #tpu.memory_space<vmem>>
        %dma_start3A_248 = arith.constant 0 : i32
        %dma_start3A_249 = tpu.memref_slice %arg11[%run_scoped3A_239, %dma_start3A_248] : memref<2x128xi32, #tpu.memory_space<vmem>> -> memref<1x128xi32, #tpu.memory_space<vmem>>
        %dma_start3A_250 = tpu.memref_squeeze %dma_start3A_249 : memref<1x128xi32, #tpu.memory_space<vmem>> -> memref<128xi32, #tpu.memory_space<vmem>>
        %dma_start3A_251 = arith.constant 0 : i32
        %dma_start3A_252 = arith.constant 0 : i32
        %dma_start3A_253 = tpu.memref_slice %arg14[%dma_start3A_251, %dma_start3A_252] : memref<5024x128xf32, #tpu.memory_space<vmem_shared>> -> memref<5024x128xf32, #tpu.memory_space<vmem_shared>>
        tpu.enqueue_indirect_dma source(%dma_start3A_247 : memref<128x128xf32, #tpu.memory_space<vmem>>) target(%dma_start3A_253 : memref<5024x128xf32, #tpu.memory_space<vmem_shared>>) offsets(%dma_start3A_250 : memref<128xi32, #tpu.memory_space<vmem>>) semaphore(%run_scoped3A_243 : memref<!tpu.dma_semaphore, #tpu.memory_space<semaphore_mem>>) {add = true}
        %dma_wait3A_254 = arith.constant 0 : i32
        %dma_wait3A_255 = arith.constant 0 : i32
        %dma_wait3A_256 = tpu.memref_slice %arg12[%run_scoped3A_238, %dma_wait3A_254, %dma_wait3A_255] : memref<2x128x128xf32, #tpu.memory_space<vmem>> -> memref<1x128x128xf32, #tpu.memory_space<vmem>>
        %dma_wait3A_257 = tpu.memref_squeeze %dma_wait3A_256 : memref<1x128x128xf32, #tpu.memory_space<vmem>> -> memref<128x128xf32, #tpu.memory_space<vmem>>
        %dma_wait3A_258 = arith.constant 0 : i32
        %dma_wait3A_259 = tpu.memref_slice %arg11[%run_scoped3A_239, %dma_wait3A_258] : memref<2x128xi32, #tpu.memory_space<vmem>> -> memref<1x128xi32, #tpu.memory_space<vmem>>
        %dma_wait3A_260 = tpu.memref_squeeze %dma_wait3A_259 : memref<1x128xi32, #tpu.memory_space<vmem>> -> memref<128xi32, #tpu.memory_space<vmem>>
        %dma_wait3A_261 = arith.constant 0 : i32
        %dma_wait3A_262 = arith.constant 0 : i32
        %dma_wait3A_263 = tpu.memref_slice %arg14[%dma_wait3A_261, %dma_wait3A_262] : memref<5024x128xf32, #tpu.memory_space<vmem_shared>> -> memref<5024x128xf32, #tpu.memory_space<vmem_shared>>
        tpu.wait_indirect_dma semaphore(%run_scoped3A_243 : memref<!tpu.dma_semaphore, #tpu.memory_space<semaphore_mem>>) src(%dma_wait3A_257 : memref<128x128xf32, #tpu.memory_space<vmem>>) dst(%dma_wait3A_263 : memref<5024x128xf32, #tpu.memory_space<vmem_shared>>)
        tpu.yield
      }) : () -> ()
      %run_scoped3A_240 = arith.constant 1 : i32
      %run_scoped3A_241 = arith.constant 1 : i32
      "tpu.region"() ({
        %run_scoped3A_243 = tpu.sem_alloc : memref<!tpu.dma_semaphore, #tpu.memory_space<semaphore_mem>>
        %dma_start3A_244 = arith.constant 0 : i32
        %dma_start3A_245 = arith.constant 0 : i32
        %dma_start3A_246 = tpu.memref_slice %arg12[%run_scoped3A_240, %dma_start3A_244, %dma_start3A_245] : memref<2x128x128xf32, #tpu.memory_space<vmem>> -> memref<1x128x128xf32, #tpu.memory_space<vmem>>
        %dma_start3A_247 = tpu.memref_squeeze %dma_start3A_246 : memref<1x128x128xf32, #tpu.memory_space<vmem>> -> memref<128x128xf32, #tpu.memory_space<vmem>>
        %dma_start3A_248 = arith.constant 0 : i32
        %dma_start3A_249 = tpu.memref_slice %arg11[%run_scoped3A_241, %dma_start3A_248] : memref<2x128xi32, #tpu.memory_space<vmem>> -> memref<1x128xi32, #tpu.memory_space<vmem>>
        %dma_start3A_250 = tpu.memref_squeeze %dma_start3A_249 : memref<1x128xi32, #tpu.memory_space<vmem>> -> memref<128xi32, #tpu.memory_space<vmem>>
        %dma_start3A_251 = arith.constant 0 : i32
        %dma_start3A_252 = arith.constant 0 : i32
        %dma_start3A_253 = tpu.memref_slice %arg14[%dma_start3A_251, %dma_start3A_252] : memref<5024x128xf32, #tpu.memory_space<vmem_shared>> -> memref<5024x128xf32, #tpu.memory_space<vmem_shared>>
        tpu.enqueue_indirect_dma source(%dma_start3A_247 : memref<128x128xf32, #tpu.memory_space<vmem>>) target(%dma_start3A_253 : memref<5024x128xf32, #tpu.memory_space<vmem_shared>>) offsets(%dma_start3A_250 : memref<128xi32, #tpu.memory_space<vmem>>) semaphore(%run_scoped3A_243 : memref<!tpu.dma_semaphore, #tpu.memory_space<semaphore_mem>>) {add = true}
        %dma_wait3A_254 = arith.constant 0 : i32
        %dma_wait3A_255 = arith.constant 0 : i32
        %dma_wait3A_256 = tpu.memref_slice %arg12[%run_scoped3A_240, %dma_wait3A_254, %dma_wait3A_255] : memref<2x128x128xf32, #tpu.memory_space<vmem>> -> memref<1x128x128xf32, #tpu.memory_space<vmem>>
        %dma_wait3A_257 = tpu.memref_squeeze %dma_wait3A_256 : memref<1x128x128xf32, #tpu.memory_space<vmem>> -> memref<128x128xf32, #tpu.memory_space<vmem>>
        %dma_wait3A_258 = arith.constant 0 : i32
        %dma_wait3A_259 = tpu.memref_slice %arg11[%run_scoped3A_241, %dma_wait3A_258] : memref<2x128xi32, #tpu.memory_space<vmem>> -> memref<1x128xi32, #tpu.memory_space<vmem>>
        %dma_wait3A_260 = tpu.memref_squeeze %dma_wait3A_259 : memref<1x128xi32, #tpu.memory_space<vmem>> -> memref<128xi32, #tpu.memory_space<vmem>>
        %dma_wait3A_261 = arith.constant 0 : i32
        %dma_wait3A_262 = arith.constant 0 : i32
        %dma_wait3A_263 = tpu.memref_slice %arg14[%dma_wait3A_261, %dma_wait3A_262] : memref<5024x128xf32, #tpu.memory_space<vmem_shared>> -> memref<5024x128xf32, #tpu.memory_space<vmem_shared>>
        tpu.wait_indirect_dma semaphore(%run_scoped3A_243 : memref<!tpu.dma_semaphore, #tpu.memory_space<semaphore_mem>>) src(%dma_wait3A_257 : memref<128x128xf32, #tpu.memory_space<vmem>>) dst(%dma_wait3A_263 : memref<5024x128xf32, #tpu.memory_space<vmem_shared>>)
        tpu.yield
      }) : () -> ()
      %while3A_242 = arith.constant 0 : i32
      scf.yield %while3A_242 : i32
    }
    %while3A_60 = arith.constant 1 : i32
    %while3A_61 = scf.for %while3A_178 = %while3A_57 to %while3A_53 step %while3A_60 iter_args(%while3A_179 = %while3A_59) -> (i32)  : i32 {
      %mul3A_180 = arith.constant 128 : i32
      %mul3A_181 = arith.muli %while3A_178, %mul3A_180 : i32
      %add3A_182 = arith.addi %mul3A_50, %mul3A_181 : i32
      %run_scoped3A = arith.constant 0 : i32
      "tpu.region"() ({
        %run_scoped3A_243 = tpu.sem_alloc : memref<!tpu.dma_semaphore, #tpu.memory_space<semaphore_mem>>
        %dma_start3A_244 = arith.constant 0 : i32
        %dma_start3A_245 = tpu.memref_slice %arg8[%run_scoped3A, %dma_start3A_244] : memref<2x128xi32, #tpu.memory_space<vmem>> -> memref<1x128xi32, #tpu.memory_space<vmem>>
        %dma_start3A_246 = tpu.memref_squeeze %dma_start3A_245 : memref<1x128xi32, #tpu.memory_space<vmem>> -> memref<128xi32, #tpu.memory_space<vmem>>
        %dma_start3A_247 = tpu.memref_slice %arg3[%add3A_182] : memref<655360xi32, #tpu.memory_space<hbm>> -> memref<128xi32, #tpu.memory_space<hbm>>
        %dma_start3A_248 = arith.constant 0 : i32
        %dma_start3A_249 = tpu.memref_slice %arg8[%run_scoped3A, %dma_start3A_248] : memref<2x128xi32, #tpu.memory_space<vmem>> -> memref<1x128xi32, #tpu.memory_space<vmem>>
        %dma_start3A_250 = tpu.memref_squeeze %dma_start3A_249 : memref<1x128xi32, #tpu.memory_space<vmem>> -> memref<128xi32, #tpu.memory_space<vmem>>
        %dma_start3A_251 = tpu.memref_slice %arg3[%add3A_182] : memref<655360xi32, #tpu.memory_space<hbm>> -> memref<128xi32, #tpu.memory_space<hbm>>
        tpu.enqueue_dma source(%dma_start3A_251 : memref<128xi32, #tpu.memory_space<hbm>>) target(%dma_start3A_250 : memref<128xi32, #tpu.memory_space<vmem>>) target_semaphore(%run_scoped3A_243 : memref<!tpu.dma_semaphore, #tpu.memory_space<semaphore_mem>>)
        %dma_wait3A_252 = arith.constant 0 : i32
        %dma_wait3A_253 = tpu.memref_slice %arg8[%run_scoped3A, %dma_wait3A_252] : memref<2x128xi32, #tpu.memory_space<vmem>> -> memref<1x128xi32, #tpu.memory_space<vmem>>
        %dma_wait3A_254 = tpu.memref_squeeze %dma_wait3A_253 : memref<1x128xi32, #tpu.memory_space<vmem>> -> memref<128xi32, #tpu.memory_space<vmem>>
        %dma_wait3A_255 = tpu.memref_slice %arg3[%add3A_182] : memref<655360xi32, #tpu.memory_space<hbm>> -> memref<128xi32, #tpu.memory_space<hbm>>
        %dma_wait3A_256 = arith.constant 0 : i32
        %dma_wait3A_257 = tpu.memref_slice %arg8[%run_scoped3A, %dma_wait3A_256] : memref<2x128xi32, #tpu.memory_space<vmem>> -> memref<1x128xi32, #tpu.memory_space<vmem>>
        %dma_wait3A_258 = tpu.memref_squeeze %dma_wait3A_257 : memref<1x128xi32, #tpu.memory_space<vmem>> -> memref<128xi32, #tpu.memory_space<vmem>>
        %dma_wait3A_259 = tpu.memref_slice %arg3[%add3A_182] : memref<655360xi32, #tpu.memory_space<hbm>> -> memref<128xi32, #tpu.memory_space<hbm>>
        tpu.wait_dma2 semaphore(%run_scoped3A_243 : memref<!tpu.dma_semaphore, #tpu.memory_space<semaphore_mem>>) src(%dma_wait3A_259 : memref<128xi32, #tpu.memory_space<hbm>>) dst(%dma_wait3A_258 : memref<128xi32, #tpu.memory_space<vmem>>)
        tpu.yield
      }) : () -> ()
      %mul3A_183 = arith.constant 128 : i32
      %mul3A_184 = arith.muli %while3A_178, %mul3A_183 : i32
      %add3A_185 = arith.addi %mul3A_50, %mul3A_184 : i32
      %run_scoped3A_186 = arith.constant 0 : i32
      "tpu.region"() ({
        %run_scoped3A_243 = tpu.sem_alloc : memref<!tpu.dma_semaphore, #tpu.memory_space<semaphore_mem>>
        %dma_start3A_244 = arith.constant 0 : i32
        %dma_start3A_245 = tpu.memref_slice %arg9[%run_scoped3A_186, %dma_start3A_244] : memref<2x128xi32, #tpu.memory_space<vmem>> -> memref<1x128xi32, #tpu.memory_space<vmem>>
        %dma_start3A_246 = tpu.memref_squeeze %dma_start3A_245 : memref<1x128xi32, #tpu.memory_space<vmem>> -> memref<128xi32, #tpu.memory_space<vmem>>
        %dma_start3A_247 = tpu.memref_slice %arg4[%add3A_185] : memref<655360xi32, #tpu.memory_space<hbm>> -> memref<128xi32, #tpu.memory_space<hbm>>
        %dma_start3A_248 = arith.constant 0 : i32
        %dma_start3A_249 = tpu.memref_slice %arg9[%run_scoped3A_186, %dma_start3A_248] : memref<2x128xi32, #tpu.memory_space<vmem>> -> memref<1x128xi32, #tpu.memory_space<vmem>>
        %dma_start3A_250 = tpu.memref_squeeze %dma_start3A_249 : memref<1x128xi32, #tpu.memory_space<vmem>> -> memref<128xi32, #tpu.memory_space<vmem>>
        %dma_start3A_251 = tpu.memref_slice %arg4[%add3A_185] : memref<655360xi32, #tpu.memory_space<hbm>> -> memref<128xi32, #tpu.memory_space<hbm>>
        tpu.enqueue_dma source(%dma_start3A_251 : memref<128xi32, #tpu.memory_space<hbm>>) target(%dma_start3A_250 : memref<128xi32, #tpu.memory_space<vmem>>) target_semaphore(%run_scoped3A_243 : memref<!tpu.dma_semaphore, #tpu.memory_space<semaphore_mem>>)
        %dma_wait3A_252 = arith.constant 0 : i32
        %dma_wait3A_253 = tpu.memref_slice %arg9[%run_scoped3A_186, %dma_wait3A_252] : memref<2x128xi32, #tpu.memory_space<vmem>> -> memref<1x128xi32, #tpu.memory_space<vmem>>
        %dma_wait3A_254 = tpu.memref_squeeze %dma_wait3A_253 : memref<1x128xi32, #tpu.memory_space<vmem>> -> memref<128xi32, #tpu.memory_space<vmem>>
        %dma_wait3A_255 = tpu.memref_slice %arg4[%add3A_185] : memref<655360xi32, #tpu.memory_space<hbm>> -> memref<128xi32, #tpu.memory_space<hbm>>
        %dma_wait3A_256 = arith.constant 0 : i32
        %dma_wait3A_257 = tpu.memref_slice %arg9[%run_scoped3A_186, %dma_wait3A_256] : memref<2x128xi32, #tpu.memory_space<vmem>> -> memref<1x128xi32, #tpu.memory_space<vmem>>
        %dma_wait3A_258 = tpu.memref_squeeze %dma_wait3A_257 : memref<1x128xi32, #tpu.memory_space<vmem>> -> memref<128xi32, #tpu.memory_space<vmem>>
        %dma_wait3A_259 = tpu.memref_slice %arg4[%add3A_185] : memref<655360xi32, #tpu.memory_space<hbm>> -> memref<128xi32, #tpu.memory_space<hbm>>
        tpu.wait_dma2 semaphore(%run_scoped3A_243 : memref<!tpu.dma_semaphore, #tpu.memory_space<semaphore_mem>>) src(%dma_wait3A_259 : memref<128xi32, #tpu.memory_space<hbm>>) dst(%dma_wait3A_258 : memref<128xi32, #tpu.memory_space<vmem>>)
        tpu.yield
      }) : () -> ()
      %scan3A_187 = arith.constant 0 : i32
      %scan3A_188 = arith.constant 8 : i32
      %scan3A_189 = arith.addi %scan3A_187, %scan3A_188 : i32
      %scan3A_190 = arith.constant 1 : i32
      scf.for %scan3A_243 = %scan3A_187 to %scan3A_189 step %scan3A_190  : i32 {
        %mul3A_244 = arith.constant 1 : i32
        %mul3A_245 = arith.muli %scan3A_243, %mul3A_244 : i32
        %add3A_246 = arith.constant 0 : i32
        %add3A_247 = arith.addi %add3A_246, %mul3A_245 : i32
        %mul3A_248 = arith.constant 16 : i32
        %mul3A_249 = arith.muli %add3A_247, %mul3A_248 : i32
        %get3A_250 = arith.constant 0 : i32
        %get3A_251 = arith.index_cast %get3A_250 : i32 to index
        %get3A_252 = arith.index_cast %mul3A_249 : i32 to index
        %get3A_253 = tpu.vector_load %arg8[%get3A_251, %get3A_252] {strides = array<i32>} : memref<2x128xi32, #tpu.memory_space<vmem>>, vector<16xi32>,
        %mul3A_254 = arith.constant 2 : i32
        %mul3A_255 = vector.broadcast %mul3A_254 : i32 to vector<16xi32>
        %mul3A_256 = arith.muli %get3A_253, %mul3A_255 : vector<16xi32>
        %mul3A_257 = arith.constant 16 : i32
        %mul3A_258 = arith.muli %add3A_247, %mul3A_257 : i32
        %get3A_259 = arith.constant 0 : i32
        %get3A_260 = arith.index_cast %get3A_259 : i32 to index
        %get3A_261 = arith.index_cast %mul3A_258 : i32 to index
        %get3A_262 = tpu.vector_load %arg9[%get3A_260, %get3A_261] {strides = array<i32>} : memref<2x128xi32, #tpu.memory_space<vmem>>, vector<16xi32>,
        %mul3A_263 = arith.constant 2 : i32
        %mul3A_264 = vector.broadcast %mul3A_263 : i32 to vector<16xi32>
        %mul3A_265 = arith.muli %get3A_262, %mul3A_264 : vector<16xi32>
        %mul3A_266 = arith.constant 16 : i32
        %mul3A_267 = arith.muli %add3A_247, %mul3A_266 : i32
        %swap3A = arith.constant 0 : i32
        %swap3A_268 = arith.index_cast %swap3A : i32 to index
        %swap3A_269 = arith.index_cast %mul3A_267 : i32 to index
        %swap3A_270 = tpu.vector_load %arg10[%swap3A_268, %swap3A_269] {strides = array<i32>} : memref<2x128xi32, #tpu.memory_space<vmem>>, vector<16xi32>,
        tpu.vector_store %arg10[%swap3A_268, %swap3A_269], %mul3A_256 {strides = array<i32>} : memref<2x128xi32, #tpu.memory_space<vmem>>, vector<16xi32>,
        %add3A_271 = arith.constant 1 : i32
        %add3A_272 = vector.broadcast %add3A_271 : i32 to vector<16xi32>
        %add3A_273 = arith.addi %mul3A_256, %add3A_272 : vector<16xi32>
        %mul3A_274 = arith.constant 16 : i32
        %mul3A_275 = arith.muli %add3A_247, %mul3A_274 : i32
        %swap3A_276 = arith.constant 1 : i32
        %swap3A_277 = arith.index_cast %swap3A_276 : i32 to index
        %swap3A_278 = arith.index_cast %mul3A_275 : i32 to index
        %swap3A_279 = tpu.vector_load %arg10[%swap3A_277, %swap3A_278] {strides = array<i32>} : memref<2x128xi32, #tpu.memory_space<vmem>>, vector<16xi32>,
        tpu.vector_store %arg10[%swap3A_277, %swap3A_278], %add3A_273 {strides = array<i32>} : memref<2x128xi32, #tpu.memory_space<vmem>>, vector<16xi32>,
        %mul3A_280 = arith.constant 16 : i32
        %mul3A_281 = arith.muli %add3A_247, %mul3A_280 : i32
        %swap3A_282 = arith.constant 0 : i32
        %swap3A_283 = arith.index_cast %swap3A_282 : i32 to index
        %swap3A_284 = arith.index_cast %mul3A_281 : i32 to index
        %swap3A_285 = tpu.vector_load %arg11[%swap3A_283, %swap3A_284] {strides = array<i32>} : memref<2x128xi32, #tpu.memory_space<vmem>>, vector<16xi32>,
        tpu.vector_store %arg11[%swap3A_283, %swap3A_284], %mul3A_265 {strides = array<i32>} : memref<2x128xi32, #tpu.memory_space<vmem>>, vector<16xi32>,
        %add3A_286 = arith.constant 1 : i32
        %add3A_287 = vector.broadcast %add3A_286 : i32 to vector<16xi32>
        %add3A_288 = arith.addi %mul3A_265, %add3A_287 : vector<16xi32>
        %mul3A_289 = arith.constant 16 : i32
        %mul3A_290 = arith.muli %add3A_247, %mul3A_289 : i32
        %swap3A_291 = arith.constant 1 : i32
        %swap3A_292 = arith.index_cast %swap3A_291 : i32 to index
        %swap3A_293 = arith.index_cast %mul3A_290 : i32 to index
        %swap3A_294 = tpu.vector_load %arg11[%swap3A_292, %swap3A_293] {strides = array<i32>} : memref<2x128xi32, #tpu.memory_space<vmem>>, vector<16xi32>,
        tpu.vector_store %arg11[%swap3A_292, %swap3A_293], %add3A_288 {strides = array<i32>} : memref<2x128xi32, #tpu.memory_space<vmem>>, vector<16xi32>,
      }
      %scan3A_191 = arith.constant 8 : i32
      %dma_start3A = arith.constant 0 : i32
      %dma_start3A_192 = arith.constant 0 : i32
      %dma_start3A_193 = arith.constant 0 : i32
      %dma_start3A_194 = arith.constant 0 : i32
      %dma_start3A_195 = tpu.memref_slice %arg12[%dma_start3A_192, %dma_start3A_193, %dma_start3A_194] : memref<2x128x128xf32, #tpu.memory_space<vmem>> -> memref<1x128x128xf32, #tpu.memory_space<vmem>>
      %dma_start3A_196 = tpu.memref_squeeze %dma_start3A_195 : memref<1x128x128xf32, #tpu.memory_space<vmem>> -> memref<128x128xf32, #tpu.memory_space<vmem>>
      %dma_start3A_197 = arith.constant 0 : i32
      %dma_start3A_198 = tpu.memref_slice %arg10[%dma_start3A, %dma_start3A_197] : memref<2x128xi32, #tpu.memory_space<vmem>> -> memref<1x128xi32, #tpu.memory_space<vmem>>
      %dma_start3A_199 = tpu.memref_squeeze %dma_start3A_198 : memref<1x128xi32, #tpu.memory_space<vmem>> -> memref<128xi32, #tpu.memory_space<vmem>>
      %dma_start3A_200 = arith.constant 0 : i32
      %dma_start3A_201 = arith.constant 0 : i32
      %dma_start3A_202 = tpu.memref_slice %arg2[%dma_start3A_200, %dma_start3A_201] : memref<20000x128xf32, #tpu.memory_space<hbm>> -> memref<20000x128xf32, #tpu.memory_space<hbm>>
      tpu.enqueue_indirect_dma source(%dma_start3A_202 : memref<20000x128xf32, #tpu.memory_space<hbm>>) target(%dma_start3A_196 : memref<128x128xf32, #tpu.memory_space<vmem>>) offsets(%dma_start3A_199 : memref<128xi32, #tpu.memory_space<vmem>>) semaphore(%arg15 : memref<!tpu.dma_semaphore, #tpu.memory_space<semaphore_mem>>)
      %dma_start3A_203 = arith.constant 1 : i32
      %dma_start3A_204 = arith.constant 1 : i32
      %dma_start3A_205 = arith.constant 0 : i32
      %dma_start3A_206 = arith.constant 0 : i32
      %dma_start3A_207 = tpu.memref_slice %arg12[%dma_start3A_204, %dma_start3A_205, %dma_start3A_206] : memref<2x128x128xf32, #tpu.memory_space<vmem>> -> memref<1x128x128xf32, #tpu.memory_space<vmem>>
      %dma_start3A_208 = tpu.memref_squeeze %dma_start3A_207 : memref<1x128x128xf32, #tpu.memory_space<vmem>> -> memref<128x128xf32, #tpu.memory_space<vmem>>
      %dma_start3A_209 = arith.constant 0 : i32
      %dma_start3A_210 = tpu.memref_slice %arg10[%dma_start3A_203, %dma_start3A_209] : memref<2x128xi32, #tpu.memory_space<vmem>> -> memref<1x128xi32, #tpu.memory_space<vmem>>
      %dma_start3A_211 = tpu.memref_squeeze %dma_start3A_210 : memref<1x128xi32, #tpu.memory_space<vmem>> -> memref<128xi32, #tpu.memory_space<vmem>>
      %dma_start3A_212 = arith.constant 0 : i32
      %dma_start3A_213 = arith.constant 0 : i32
      %dma_start3A_214 = tpu.memref_slice %arg2[%dma_start3A_212, %dma_start3A_213] : memref<20000x128xf32, #tpu.memory_space<hbm>> -> memref<20000x128xf32, #tpu.memory_space<hbm>>
      tpu.enqueue_indirect_dma source(%dma_start3A_214 : memref<20000x128xf32, #tpu.memory_space<hbm>>) target(%dma_start3A_208 : memref<128x128xf32, #tpu.memory_space<vmem>>) offsets(%dma_start3A_211 : memref<128xi32, #tpu.memory_space<vmem>>) semaphore(%arg16 : memref<!tpu.dma_semaphore, #tpu.memory_space<semaphore_mem>>)
      %dma_wait3A = arith.constant 0 : i32
      %dma_wait3A_215 = arith.constant 0 : i32
      %dma_wait3A_216 = arith.constant 0 : i32
      %dma_wait3A_217 = arith.constant 0 : i32
      %dma_wait3A_218 = tpu.memref_slice %arg12[%dma_wait3A_215, %dma_wait3A_216, %dma_wait3A_217] : memref<2x128x128xf32, #tpu.memory_space<vmem>> -> memref<1x128x128xf32, #tpu.memory_space<vmem>>
      %dma_wait3A_219 = tpu.memref_squeeze %dma_wait3A_218 : memref<1x128x128xf32, #tpu.memory_space<vmem>> -> memref<128x128xf32, #tpu.memory_space<vmem>>
      %dma_wait3A_220 = arith.constant 0 : i32
      %dma_wait3A_221 = tpu.memref_slice %arg10[%dma_wait3A, %dma_wait3A_220] : memref<2x128xi32, #tpu.memory_space<vmem>> -> memref<1x128xi32, #tpu.memory_space<vmem>>
      %dma_wait3A_222 = tpu.memref_squeeze %dma_wait3A_221 : memref<1x128xi32, #tpu.memory_space<vmem>> -> memref<128xi32, #tpu.memory_space<vmem>>
      %dma_wait3A_223 = arith.constant 0 : i32
      %dma_wait3A_224 = arith.constant 0 : i32
      %dma_wait3A_225 = tpu.memref_slice %arg2[%dma_wait3A_223, %dma_wait3A_224] : memref<20000x128xf32, #tpu.memory_space<hbm>> -> memref<20000x128xf32, #tpu.memory_space<hbm>>
      tpu.wait_indirect_dma semaphore(%arg15 : memref<!tpu.dma_semaphore, #tpu.memory_space<semaphore_mem>>) src(%dma_wait3A_225 : memref<20000x128xf32, #tpu.memory_space<hbm>>) dst(%dma_wait3A_219 : memref<128x128xf32, #tpu.memory_space<vmem>>)
      %dma_wait3A_226 = arith.constant 1 : i32
      %dma_wait3A_227 = arith.constant 1 : i32
      %dma_wait3A_228 = arith.constant 0 : i32
      %dma_wait3A_229 = arith.constant 0 : i32
      %dma_wait3A_230 = tpu.memref_slice %arg12[%dma_wait3A_227, %dma_wait3A_228, %dma_wait3A_229] : memref<2x128x128xf32, #tpu.memory_space<vmem>> -> memref<1x128x128xf32, #tpu.memory_space<vmem>>
      %dma_wait3A_231 = tpu.memref_squeeze %dma_wait3A_230 : memref<1x128x128xf32, #tpu.memory_space<vmem>> -> memref<128x128xf32, #tpu.memory_space<vmem>>
      %dma_wait3A_232 = arith.constant 0 : i32
      %dma_wait3A_233 = tpu.memref_slice %arg10[%dma_wait3A_226, %dma_wait3A_232] : memref<2x128xi32, #tpu.memory_space<vmem>> -> memref<1x128xi32, #tpu.memory_space<vmem>>
      %dma_wait3A_234 = tpu.memref_squeeze %dma_wait3A_233 : memref<1x128xi32, #tpu.memory_space<vmem>> -> memref<128xi32, #tpu.memory_space<vmem>>
      %dma_wait3A_235 = arith.constant 0 : i32
      %dma_wait3A_236 = arith.constant 0 : i32
      %dma_wait3A_237 = tpu.memref_slice %arg2[%dma_wait3A_235, %dma_wait3A_236] : memref<20000x128xf32, #tpu.memory_space<hbm>> -> memref<20000x128xf32, #tpu.memory_space<hbm>>
      tpu.wait_indirect_dma semaphore(%arg16 : memref<!tpu.dma_semaphore, #tpu.memory_space<semaphore_mem>>) src(%dma_wait3A_237 : memref<20000x128xf32, #tpu.memory_space<hbm>>) dst(%dma_wait3A_231 : memref<128x128xf32, #tpu.memory_space<vmem>>)
      %run_scoped3A_238 = arith.constant 0 : i32
      %run_scoped3A_239 = arith.constant 0 : i32
      "tpu.region"() ({
        %run_scoped3A_243 = tpu.sem_alloc : memref<!tpu.dma_semaphore, #tpu.memory_space<semaphore_mem>>
        %dma_start3A_244 = arith.constant 0 : i32
        %dma_start3A_245 = arith.constant 0 : i32
        %dma_start3A_246 = tpu.memref_slice %arg12[%run_scoped3A_238, %dma_start3A_244, %dma_start3A_245] : memref<2x128x128xf32, #tpu.memory_space<vmem>> -> memref<1x128x128xf32, #tpu.memory_space<vmem>>
        %dma_start3A_247 = tpu.memref_squeeze %dma_start3A_246 : memref<1x128x128xf32, #tpu.memory_space<vmem>> -> memref<128x128xf32, #tpu.memory_space<vmem>>
        %dma_start3A_248 = arith.constant 0 : i32
        %dma_start3A_249 = tpu.memref_slice %arg11[%run_scoped3A_239, %dma_start3A_248] : memref<2x128xi32, #tpu.memory_space<vmem>> -> memref<1x128xi32, #tpu.memory_space<vmem>>
        %dma_start3A_250 = tpu.memref_squeeze %dma_start3A_249 : memref<1x128xi32, #tpu.memory_space<vmem>> -> memref<128xi32, #tpu.memory_space<vmem>>
        %dma_start3A_251 = arith.constant 0 : i32
        %dma_start3A_252 = arith.constant 0 : i32
        %dma_start3A_253 = tpu.memref_slice %arg14[%dma_start3A_251, %dma_start3A_252] : memref<5024x128xf32, #tpu.memory_space<vmem_shared>> -> memref<5024x128xf32, #tpu.memory_space<vmem_shared>>
        tpu.enqueue_indirect_dma source(%dma_start3A_247 : memref<128x128xf32, #tpu.memory_space<vmem>>) target(%dma_start3A_253 : memref<5024x128xf32, #tpu.memory_space<vmem_shared>>) offsets(%dma_start3A_250 : memref<128xi32, #tpu.memory_space<vmem>>) semaphore(%run_scoped3A_243 : memref<!tpu.dma_semaphore, #tpu.memory_space<semaphore_mem>>) {add = true}
        %dma_wait3A_254 = arith.constant 0 : i32
        %dma_wait3A_255 = arith.constant 0 : i32
        %dma_wait3A_256 = tpu.memref_slice %arg12[%run_scoped3A_238, %dma_wait3A_254, %dma_wait3A_255] : memref<2x128x128xf32, #tpu.memory_space<vmem>> -> memref<1x128x128xf32, #tpu.memory_space<vmem>>
        %dma_wait3A_257 = tpu.memref_squeeze %dma_wait3A_256 : memref<1x128x128xf32, #tpu.memory_space<vmem>> -> memref<128x128xf32, #tpu.memory_space<vmem>>
        %dma_wait3A_258 = arith.constant 0 : i32
        %dma_wait3A_259 = tpu.memref_slice %arg11[%run_scoped3A_239, %dma_wait3A_258] : memref<2x128xi32, #tpu.memory_space<vmem>> -> memref<1x128xi32, #tpu.memory_space<vmem>>
        %dma_wait3A_260 = tpu.memref_squeeze %dma_wait3A_259 : memref<1x128xi32, #tpu.memory_space<vmem>> -> memref<128xi32, #tpu.memory_space<vmem>>
        %dma_wait3A_261 = arith.constant 0 : i32
        %dma_wait3A_262 = arith.constant 0 : i32
        %dma_wait3A_263 = tpu.memref_slice %arg14[%dma_wait3A_261, %dma_wait3A_262] : memref<5024x128xf32, #tpu.memory_space<vmem_shared>> -> memref<5024x128xf32, #tpu.memory_space<vmem_shared>>
        tpu.wait_indirect_dma semaphore(%run_scoped3A_243 : memref<!tpu.dma_semaphore, #tpu.memory_space<semaphore_mem>>) src(%dma_wait3A_257 : memref<128x128xf32, #tpu.memory_space<vmem>>) dst(%dma_wait3A_263 : memref<5024x128xf32, #tpu.memory_space<vmem_shared>>)
        tpu.yield
      }) : () -> ()
      %run_scoped3A_240 = arith.constant 1 : i32
      %run_scoped3A_241 = arith.constant 1 : i32
      "tpu.region"() ({
        %run_scoped3A_243 = tpu.sem_alloc : memref<!tpu.dma_semaphore, #tpu.memory_space<semaphore_mem>>
        %dma_start3A_244 = arith.constant 0 : i32
        %dma_start3A_245 = arith.constant 0 : i32
        %dma_start3A_246 = tpu.memref_slice %arg12[%run_scoped3A_240, %dma_start3A_244, %dma_start3A_245] : memref<2x128x128xf32, #tpu.memory_space<vmem>> -> memref<1x128x128xf32, #tpu.memory_space<vmem>>
        %dma_start3A_247 = tpu.memref_squeeze %dma_start3A_246 : memref<1x128x128xf32, #tpu.memory_space<vmem>> -> memref<128x128xf32, #tpu.memory_space<vmem>>
        %dma_start3A_248 = arith.constant 0 : i32
        %dma_start3A_249 = tpu.memref_slice %arg11[%run_scoped3A_241, %dma_start3A_248] : memref<2x128xi32, #tpu.memory_space<vmem>> -> memref<1x128xi32, #tpu.memory_space<vmem>>
        %dma_start3A_250 = tpu.memref_squeeze %dma_start3A_249 : memref<1x128xi32, #tpu.memory_space<vmem>> -> memref<128xi32, #tpu.memory_space<vmem>>
        %dma_start3A_251 = arith.constant 0 : i32
        %dma_start3A_252 = arith.constant 0 : i32
        %dma_start3A_253 = tpu.memref_slice %arg14[%dma_start3A_251, %dma_start3A_252] : memref<5024x128xf32, #tpu.memory_space<vmem_shared>> -> memref<5024x128xf32, #tpu.memory_space<vmem_shared>>
        tpu.enqueue_indirect_dma source(%dma_start3A_247 : memref<128x128xf32, #tpu.memory_space<vmem>>) target(%dma_start3A_253 : memref<5024x128xf32, #tpu.memory_space<vmem_shared>>) offsets(%dma_start3A_250 : memref<128xi32, #tpu.memory_space<vmem>>) semaphore(%run_scoped3A_243 : memref<!tpu.dma_semaphore, #tpu.memory_space<semaphore_mem>>) {add = true}
        %dma_wait3A_254 = arith.constant 0 : i32
        %dma_wait3A_255 = arith.constant 0 : i32
        %dma_wait3A_256 = tpu.memref_slice %arg12[%run_scoped3A_240, %dma_wait3A_254, %dma_wait3A_255] : memref<2x128x128xf32, #tpu.memory_space<vmem>> -> memref<1x128x128xf32, #tpu.memory_space<vmem>>
        %dma_wait3A_257 = tpu.memref_squeeze %dma_wait3A_256 : memref<1x128x128xf32, #tpu.memory_space<vmem>> -> memref<128x128xf32, #tpu.memory_space<vmem>>
        %dma_wait3A_258 = arith.constant 0 : i32
        %dma_wait3A_259 = tpu.memref_slice %arg11[%run_scoped3A_241, %dma_wait3A_258] : memref<2x128xi32, #tpu.memory_space<vmem>> -> memref<1x128xi32, #tpu.memory_space<vmem>>
        %dma_wait3A_260 = tpu.memref_squeeze %dma_wait3A_259 : memref<1x128xi32, #tpu.memory_space<vmem>> -> memref<128xi32, #tpu.memory_space<vmem>>
        %dma_wait3A_261 = arith.constant 0 : i32
        %dma_wait3A_262 = arith.constant 0 : i32
        %dma_wait3A_263 = tpu.memref_slice %arg14[%dma_wait3A_261, %dma_wait3A_262] : memref<5024x128xf32, #tpu.memory_space<vmem_shared>> -> memref<5024x128xf32, #tpu.memory_space<vmem_shared>>
        tpu.wait_indirect_dma semaphore(%run_scoped3A_243 : memref<!tpu.dma_semaphore, #tpu.memory_space<semaphore_mem>>) src(%dma_wait3A_257 : memref<128x128xf32, #tpu.memory_space<vmem>>) dst(%dma_wait3A_263 : memref<5024x128xf32, #tpu.memory_space<vmem_shared>>)
        tpu.yield
      }) : () -> ()
      %while3A_242 = arith.constant 0 : i32
      scf.yield %while3A_242 : i32
    }
    %barrier3A_62 = arith.constant 0 : index
    tpu.barrier barrier_id(%barrier3A_62)
    %mul3A_63 = arith.constant 2504 : i32
    %mul3A_64 = arith.muli %add3A_8, %mul3A_63 : i32
    %mul3A_65 = arith.constant 152 : i32
    %mul3A_66 = arith.muli %arg1, %mul3A_65 : i32
    %add3A_67 = arith.addi %mul3A_64, %mul3A_66 : i32
    %mul3A_68 = arith.constant 2 : i32
    %mul3A_69 = arith.muli %add3A_67, %mul3A_68 : i32
    "tpu.region"() ({
      %run_scoped3A = tpu.sem_alloc : memref<!tpu.dma_semaphore, #tpu.memory_space<semaphore_mem>>
      %dma_start3A = arith.constant 0 : i32
      %dma_start3A_178 = tpu.memref_slice %arg6[%mul3A_69, %dma_start3A] : memref<20000x128xf32, #tpu.memory_space<hbm>> -> memref<304x128xf32, #tpu.memory_space<hbm>>
      %dma_start3A_179 = arith.constant 0 : i32
      %dma_start3A_180 = tpu.memref_slice %arg14[%mul3A_35, %dma_start3A_179] : memref<5024x128xf32, #tpu.memory_space<vmem_shared>> -> memref<304x128xf32, #tpu.memory_space<vmem_shared>>
      tpu.enqueue_dma source(%dma_start3A_180 : memref<304x128xf32, #tpu.memory_space<vmem_shared>>) target(%dma_start3A_178 : memref<304x128xf32, #tpu.memory_space<hbm>>) target_semaphore(%run_scoped3A : memref<!tpu.dma_semaphore, #tpu.memory_space<semaphore_mem>>)
      %dma_wait3A = arith.constant 0 : i32
      %dma_wait3A_181 = tpu.memref_slice %arg6[%mul3A_69, %dma_wait3A] : memref<20000x128xf32, #tpu.memory_space<hbm>> -> memref<304x128xf32, #tpu.memory_space<hbm>>
      %dma_wait3A_182 = arith.constant 0 : i32
      %dma_wait3A_183 = tpu.memref_slice %arg14[%mul3A_35, %dma_wait3A_182] : memref<5024x128xf32, #tpu.memory_space<vmem_shared>> -> memref<304x128xf32, #tpu.memory_space<vmem_shared>>
      tpu.wait_dma2 semaphore(%run_scoped3A : memref<!tpu.dma_semaphore, #tpu.memory_space<semaphore_mem>>) src(%dma_wait3A_183 : memref<304x128xf32, #tpu.memory_space<vmem_shared>>) dst(%dma_wait3A_181 : memref<304x128xf32, #tpu.memory_space<hbm>>)
      tpu.yield
    }) : () -> ()
    %eq3A_70 = arith.constant 0 : i32
    %eq3A_71 = arith.cmpi eq, %arg1, %eq3A_70 : i32
    %convert_element_type3A_72 = arith.extui %eq3A_71 : i1 to i32
    %cond3A_73 = arith.constant 0 : i32
    %cond3A_74 = arith.cmpi ne, %convert_element_type3A_72, %cond3A_73 : i32
    scf.if %cond3A_74 {
      %mul3A_178 = arith.constant 2504 : i32
      %mul3A_179 = arith.muli %add3A_8, %mul3A_178 : i32
      %add3A_180 = arith.constant 2432 : i32
      %add3A_181 = arith.addi %mul3A_179, %add3A_180 : i32
      %mul3A_182 = arith.constant 2 : i32
      %mul3A_183 = arith.muli %add3A_181, %mul3A_182 : i32
      "tpu.region"() ({
        %run_scoped3A = tpu.sem_alloc : memref<!tpu.dma_semaphore, #tpu.memory_space<semaphore_mem>>
        %dma_start3A = arith.constant 0 : i32
        %dma_start3A_184 = tpu.memref_slice %arg6[%mul3A_183, %dma_start3A] : memref<20000x128xf32, #tpu.memory_space<hbm>> -> memref<112x128xf32, #tpu.memory_space<hbm>>
        %dma_start3A_185 = arith.constant 4864 : i32
        %dma_start3A_186 = arith.constant 0 : i32
        %dma_start3A_187 = tpu.memref_slice %arg14[%dma_start3A_185, %dma_start3A_186] : memref<5024x128xf32, #tpu.memory_space<vmem_shared>> -> memref<112x128xf32, #tpu.memory_space<vmem_shared>>
        tpu.enqueue_dma source(%dma_start3A_187 : memref<112x128xf32, #tpu.memory_space<vmem_shared>>) target(%dma_start3A_184 : memref<112x128xf32, #tpu.memory_space<hbm>>) target_semaphore(%run_scoped3A : memref<!tpu.dma_semaphore, #tpu.memory_space<semaphore_mem>>)
        %dma_wait3A = arith.constant 0 : i32
        %dma_wait3A_188 = tpu.memref_slice %arg6[%mul3A_183, %dma_wait3A] : memref<20000x128xf32, #tpu.memory_space<hbm>> -> memref<112x128xf32, #tpu.memory_space<hbm>>
        %dma_wait3A_189 = arith.constant 4864 : i32
        %dma_wait3A_190 = arith.constant 0 : i32
        %dma_wait3A_191 = tpu.memref_slice %arg14[%dma_wait3A_189, %dma_wait3A_190] : memref<5024x128xf32, #tpu.memory_space<vmem_shared>> -> memref<112x128xf32, #tpu.memory_space<vmem_shared>>
        tpu.wait_dma2 semaphore(%run_scoped3A : memref<!tpu.dma_semaphore, #tpu.memory_space<semaphore_mem>>) src(%dma_wait3A_191 : memref<112x128xf32, #tpu.memory_space<vmem_shared>>) dst(%dma_wait3A_188 : memref<112x128xf32, #tpu.memory_space<hbm>>)
        tpu.yield
      }) : () -> ()
    } else {
    }
    %eq3A_75 = arith.constant 1 : i32
    %eq3A_76 = arith.cmpi eq, %arg1, %eq3A_75 : i32
    %lt3A = arith.constant 3 : i32
    %lt3A_77 = arith.cmpi slt, %add3A_8, %lt3A : i32
    %and3A_78 = arith.andi %eq3A_76, %lt3A_77 : i1
    %convert_element_type3A_79 = arith.extui %and3A_78 : i1 to i32
    %cond3A_80 = arith.constant 0 : i32
    %cond3A_81 = arith.cmpi ne, %convert_element_type3A_79, %cond3A_80 : i32
    scf.if %cond3A_81 {
      %mul3A_178 = arith.constant 2504 : i32
      %mul3A_179 = arith.muli %add3A_8, %mul3A_178 : i32
      %add3A_180 = arith.constant 2488 : i32
      %add3A_181 = arith.addi %mul3A_179, %add3A_180 : i32
      %mul3A_182 = arith.constant 2 : i32
      %mul3A_183 = arith.muli %add3A_181, %mul3A_182 : i32
      "tpu.region"() ({
        %run_scoped3A = tpu.sem_alloc : memref<!tpu.dma_semaphore, #tpu.memory_space<semaphore_mem>>
        %dma_start3A = arith.constant 0 : i32
        %dma_start3A_184 = tpu.memref_slice %arg6[%mul3A_183, %dma_start3A] : memref<20000x128xf32, #tpu.memory_space<hbm>> -> memref<32x128xf32, #tpu.memory_space<hbm>>
        %dma_start3A_185 = arith.constant 4976 : i32
        %dma_start3A_186 = arith.constant 0 : i32
        %dma_start3A_187 = tpu.memref_slice %arg14[%dma_start3A_185, %dma_start3A_186] : memref<5024x128xf32, #tpu.memory_space<vmem_shared>> -> memref<32x128xf32, #tpu.memory_space<vmem_shared>>
        tpu.enqueue_dma source(%dma_start3A_187 : memref<32x128xf32, #tpu.memory_space<vmem_shared>>) target(%dma_start3A_184 : memref<32x128xf32, #tpu.memory_space<hbm>>) target_semaphore(%run_scoped3A : memref<!tpu.dma_semaphore, #tpu.memory_space<semaphore_mem>>)
        %dma_wait3A = arith.constant 0 : i32
        %dma_wait3A_188 = tpu.memref_slice %arg6[%mul3A_183, %dma_wait3A] : memref<20000x128xf32, #tpu.memory_space<hbm>> -> memref<32x128xf32, #tpu.memory_space<hbm>>
        %dma_wait3A_189 = arith.constant 4976 : i32
        %dma_wait3A_190 = arith.constant 0 : i32
        %dma_wait3A_191 = tpu.memref_slice %arg14[%dma_wait3A_189, %dma_wait3A_190] : memref<5024x128xf32, #tpu.memory_space<vmem_shared>> -> memref<32x128xf32, #tpu.memory_space<vmem_shared>>
        tpu.wait_dma2 semaphore(%run_scoped3A : memref<!tpu.dma_semaphore, #tpu.memory_space<semaphore_mem>>) src(%dma_wait3A_191 : memref<32x128xf32, #tpu.memory_space<vmem_shared>>) dst(%dma_wait3A_188 : memref<32x128xf32, #tpu.memory_space<hbm>>)
        tpu.yield
      }) : () -> ()
    } else {
    }
    %barrier3A_82 = arith.constant 0 : index
    tpu.barrier barrier_id(%barrier3A_82)
    %mul3A_83 = arith.constant 2 : i32
    %mul3A_84 = arith.muli %mul3A_83, %arg0 : i32
    %add3A_85 = arith.constant 1 : i32
    %add3A_86 = arith.addi %mul3A_84, %add3A_85 : i32
    %mul3A_87 = arith.constant 2 : i32
    %mul3A_88 = arith.muli %add3A, %mul3A_87 : i32
    %add3A_89 = arith.constant 1 : i32
    %add3A_90 = arith.addi %mul3A_88, %add3A_89 : i32
    %mul3A_91 = arith.constant 128 : i32
    %mul3A_92 = arith.muli %add3A_90, %mul3A_91 : i32
    "tpu.region"() ({
      %run_scoped3A = tpu.sem_alloc : memref<!tpu.dma_semaphore, #tpu.memory_space<semaphore_mem>>
      %dma_start3A = tpu.memref_slice %arg5[%mul3A_92] : memref<8192xi32, #tpu.memory_space<hbm>> -> memref<128xi32, #tpu.memory_space<hbm>>
      %dma_start3A_178 = tpu.memref_slice %arg5[%mul3A_92] : memref<8192xi32, #tpu.memory_space<hbm>> -> memref<128xi32, #tpu.memory_space<hbm>>
      tpu.enqueue_dma source(%dma_start3A_178 : memref<128xi32, #tpu.memory_space<hbm>>) target(%arg7 : memref<128xi32, #tpu.memory_space<vmem>>) target_semaphore(%run_scoped3A : memref<!tpu.dma_semaphore, #tpu.memory_space<semaphore_mem>>)
      %dma_wait3A = tpu.memref_slice %arg5[%mul3A_92] : memref<8192xi32, #tpu.memory_space<hbm>> -> memref<128xi32, #tpu.memory_space<hbm>>
      %dma_wait3A_179 = tpu.memref_slice %arg5[%mul3A_92] : memref<8192xi32, #tpu.memory_space<hbm>> -> memref<128xi32, #tpu.memory_space<hbm>>
      tpu.wait_dma2 semaphore(%run_scoped3A : memref<!tpu.dma_semaphore, #tpu.memory_space<semaphore_mem>>) src(%dma_wait3A_179 : memref<128xi32, #tpu.memory_space<hbm>>) dst(%arg7 : memref<128xi32, #tpu.memory_space<vmem>>)
      tpu.yield
    }) : () -> ()
    %get3A_93 = arith.constant 0 : index
    %get3A_94 = tpu.vector_load %arg7[%get3A_93] {strides = array<i32>} : memref<128xi32, #tpu.memory_space<vmem>>, vector<16xi32>,
    %slice3A_95 = vector.extract_strided_slice %get3A_94 {offsets = [0], sizes = [1], strides = [1]} : vector<16xi32> to vector<1xi32>
    %squeeze3A_96 = vector.extract %slice3A_95[0] : i32 from vector<1xi32>
    %jit3A_97 = arith.constant 128 : i32
    %div3A_98 = arith.divsi %squeeze3A_96, %jit3A_97 : i32
    %sign3A_99 = arith.constant 0 : i32
    %sign3A_100 = arith.cmpi sgt, %squeeze3A_96, %sign3A_99 : i32
    %sign3A_101 = arith.extui %sign3A_100 : i1 to i32
    %sign3A_102 = arith.constant 0 : i32
    %sign3A_103 = arith.cmpi slt, %squeeze3A_96, %sign3A_102 : i32
    %sign3A_104 = arith.extui %sign3A_103 : i1 to i32
    %sign3A_105 = arith.subi %sign3A_101, %sign3A_104 : i32
    %sign3A_106 = arith.constant 0 : i32
    %sign3A_107 = arith.cmpi sgt, %jit3A_97, %sign3A_106 : i32
    %sign3A_108 = arith.extui %sign3A_107 : i1 to i32
    %sign3A_109 = arith.constant 0 : i32
    %sign3A_110 = arith.cmpi slt, %jit3A_97, %sign3A_109 : i32
    %sign3A_111 = arith.extui %sign3A_110 : i1 to i32
    %sign3A_112 = arith.subi %sign3A_108, %sign3A_111 : i32
    %ne3A_113 = arith.cmpi ne, %sign3A_105, %sign3A_112 : i32
    %rem3A_114 = arith.remsi %squeeze3A_96, %jit3A_97 : i32
    %ne3A_115 = arith.constant 0 : i32
    %ne3A_116 = arith.cmpi ne, %rem3A_114, %ne3A_115 : i32
    %and3A_117 = arith.andi %ne3A_113, %ne3A_116 : i1
    %sub3A_118 = arith.constant 1 : i32
    %sub3A_119 = arith.subi %div3A_98, %sub3A_118 : i32
    %select_n3A_120 = arith.select %and3A_117, %sub3A_119, %div3A_98 : i32
    %mul3A_121 = arith.constant 152 : i32
    %mul3A_122 = arith.muli %arg1, %mul3A_121 : i32
    %mul3A_123 = arith.constant 2 : i32
    %mul3A_124 = arith.muli %mul3A_122, %mul3A_123 : i32
    %scan3A_125 = arith.constant 0 : i32
    %scan3A_126 = arith.constant 4 : i32
    %scan3A_127 = arith.addi %scan3A_125, %scan3A_126 : i32
    %scan3A_128 = arith.constant 1 : i32
    scf.for %scan3A_178 = %scan3A_125 to %scan3A_127 step %scan3A_128  : i32 {
      %mul3A_179 = arith.constant 1 : i32
      %mul3A_180 = arith.muli %scan3A_178, %mul3A_179 : i32
      %add3A_181 = arith.constant 0 : i32
      %add3A_182 = arith.addi %add3A_181, %mul3A_180 : i32
      %mul3A_183 = arith.constant 64 : i32
      %mul3A_184 = arith.muli %add3A_182, %mul3A_183 : i32
      %add3A_185 = arith.addi %mul3A_124, %mul3A_184 : i32
      "tpu.region"() ({
        %run_scoped3A = tpu.sem_alloc : memref<!tpu.dma_semaphore, #tpu.memory_space<semaphore_mem>>
        %dma_start3A = arith.constant 0 : i32
        %dma_start3A_186 = tpu.memref_slice %arg14[%add3A_185, %dma_start3A] : memref<5024x128xf32, #tpu.memory_space<vmem_shared>> -> memref<64x128xf32, #tpu.memory_space<vmem_shared>>
        %dma_start3A_187 = arith.constant 0 : i32
        %dma_start3A_188 = tpu.memref_slice %arg14[%add3A_185, %dma_start3A_187] : memref<5024x128xf32, #tpu.memory_space<vmem_shared>> -> memref<64x128xf32, #tpu.memory_space<vmem_shared>>
        tpu.enqueue_dma source(%arg13 : memref<64x128xf32, #tpu.memory_space<vmem>>) target(%dma_start3A_188 : memref<64x128xf32, #tpu.memory_space<vmem_shared>>) target_semaphore(%run_scoped3A : memref<!tpu.dma_semaphore, #tpu.memory_space<semaphore_mem>>)
        %dma_wait3A = arith.constant 0 : i32
        %dma_wait3A_189 = tpu.memref_slice %arg14[%add3A_185, %dma_wait3A] : memref<5024x128xf32, #tpu.memory_space<vmem_shared>> -> memref<64x128xf32, #tpu.memory_space<vmem_shared>>
        %dma_wait3A_190 = arith.constant 0 : i32
        %dma_wait3A_191 = tpu.memref_slice %arg14[%add3A_185, %dma_wait3A_190] : memref<5024x128xf32, #tpu.memory_space<vmem_shared>> -> memref<64x128xf32, #tpu.memory_space<vmem_shared>>
        tpu.wait_dma2 semaphore(%run_scoped3A : memref<!tpu.dma_semaphore, #tpu.memory_space<semaphore_mem>>) src(%arg13 : memref<64x128xf32, #tpu.memory_space<vmem>>) dst(%dma_wait3A_191 : memref<64x128xf32, #tpu.memory_space<vmem_shared>>)
        tpu.yield
      }) : () -> ()
    }
    %scan3A_129 = arith.constant 4 : i32
    %add3A_130 = arith.constant 256 : i32
    %add3A_131 = arith.addi %mul3A_124, %add3A_130 : i32
    "tpu.region"() ({
      %run_scoped3A = tpu.sem_alloc : memref<!tpu.dma_semaphore, #tpu.memory_space<semaphore_mem>>
      %dma_start3A = arith.constant 0 : i32
      %dma_start3A_178 = arith.constant 0 : i32
      %dma_start3A_179 = tpu.memref_slice %arg13[%dma_start3A, %dma_start3A_178] : memref<64x128xf32, #tpu.memory_space<vmem>> -> memref<48x128xf32, #tpu.memory_space<vmem>>
      %dma_start3A_180 = arith.constant 0 : i32
      %dma_start3A_181 = tpu.memref_slice %arg14[%add3A_131, %dma_start3A_180] : memref<5024x128xf32, #tpu.memory_space<vmem_shared>> -> memref<48x128xf32, #tpu.memory_space<vmem_shared>>
      %dma_start3A_182 = arith.constant 0 : i32
      %dma_start3A_183 = tpu.memref_slice %arg14[%add3A_131, %dma_start3A_182] : memref<5024x128xf32, #tpu.memory_space<vmem_shared>> -> memref<48x128xf32, #tpu.memory_space<vmem_shared>>
      %dma_start3A_184 = arith.constant 0 : i32
      %dma_start3A_185 = arith.constant 0 : i32
      %dma_start3A_186 = tpu.memref_slice %arg13[%dma_start3A_184, %dma_start3A_185] : memref<64x128xf32, #tpu.memory_space<vmem>> -> memref<48x128xf32, #tpu.memory_space<vmem>>
      tpu.enqueue_dma source(%dma_start3A_186 : memref<48x128xf32, #tpu.memory_space<vmem>>) target(%dma_start3A_183 : memref<48x128xf32, #tpu.memory_space<vmem_shared>>) target_semaphore(%run_scoped3A : memref<!tpu.dma_semaphore, #tpu.memory_space<semaphore_mem>>)
      %dma_wait3A = arith.constant 0 : i32
      %dma_wait3A_187 = arith.constant 0 : i32
      %dma_wait3A_188 = tpu.memref_slice %arg13[%dma_wait3A, %dma_wait3A_187] : memref<64x128xf32, #tpu.memory_space<vmem>> -> memref<48x128xf32, #tpu.memory_space<vmem>>
      %dma_wait3A_189 = arith.constant 0 : i32
      %dma_wait3A_190 = tpu.memref_slice %arg14[%add3A_131, %dma_wait3A_189] : memref<5024x128xf32, #tpu.memory_space<vmem_shared>> -> memref<48x128xf32, #tpu.memory_space<vmem_shared>>
      %dma_wait3A_191 = arith.constant 0 : i32
      %dma_wait3A_192 = tpu.memref_slice %arg14[%add3A_131, %dma_wait3A_191] : memref<5024x128xf32, #tpu.memory_space<vmem_shared>> -> memref<48x128xf32, #tpu.memory_space<vmem_shared>>
      %dma_wait3A_193 = arith.constant 0 : i32
      %dma_wait3A_194 = arith.constant 0 : i32
      %dma_wait3A_195 = tpu.memref_slice %arg13[%dma_wait3A_193, %dma_wait3A_194] : memref<64x128xf32, #tpu.memory_space<vmem>> -> memref<48x128xf32, #tpu.memory_space<vmem>>
      tpu.wait_dma2 semaphore(%run_scoped3A : memref<!tpu.dma_semaphore, #tpu.memory_space<semaphore_mem>>) src(%dma_wait3A_195 : memref<48x128xf32, #tpu.memory_space<vmem>>) dst(%dma_wait3A_192 : memref<48x128xf32, #tpu.memory_space<vmem_shared>>)
      tpu.yield
    }) : () -> ()
    %eq3A_132 = arith.constant 0 : i32
    %eq3A_133 = arith.cmpi eq, %arg1, %eq3A_132 : i32
    %convert_element_type3A_134 = arith.extui %eq3A_133 : i1 to i32
    %cond3A_135 = arith.constant 0 : i32
    %cond3A_136 = arith.cmpi ne, %convert_element_type3A_134, %cond3A_135 : i32
    scf.if %cond3A_136 {
      "tpu.region"() ({
        %run_scoped3A = tpu.sem_alloc : memref<!tpu.dma_semaphore, #tpu.memory_space<semaphore_mem>>
        %dma_start3A = arith.constant 4864 : i32
        %dma_start3A_178 = arith.constant 0 : i32
        %dma_start3A_179 = tpu.memref_slice %arg14[%dma_start3A, %dma_start3A_178] : memref<5024x128xf32, #tpu.memory_space<vmem_shared>> -> memref<64x128xf32, #tpu.memory_space<vmem_shared>>
        %dma_start3A_180 = arith.constant 4864 : i32
        %dma_start3A_181 = arith.constant 0 : i32
        %dma_start3A_182 = tpu.memref_slice %arg14[%dma_start3A_180, %dma_start3A_181] : memref<5024x128xf32, #tpu.memory_space<vmem_shared>> -> memref<64x128xf32, #tpu.memory_space<vmem_shared>>
        tpu.enqueue_dma source(%arg13 : memref<64x128xf32, #tpu.memory_space<vmem>>) target(%dma_start3A_182 : memref<64x128xf32, #tpu.memory_space<vmem_shared>>) target_semaphore(%run_scoped3A : memref<!tpu.dma_semaphore, #tpu.memory_space<semaphore_mem>>)
        %dma_wait3A = arith.constant 4864 : i32
        %dma_wait3A_183 = arith.constant 0 : i32
        %dma_wait3A_184 = tpu.memref_slice %arg14[%dma_wait3A, %dma_wait3A_183] : memref<5024x128xf32, #tpu.memory_space<vmem_shared>> -> memref<64x128xf32, #tpu.memory_space<vmem_shared>>
        %dma_wait3A_185 = arith.constant 4864 : i32
        %dma_wait3A_186 = arith.constant 0 : i32
        %dma_wait3A_187 = tpu.memref_slice %arg14[%dma_wait3A_185, %dma_wait3A_186] : memref<5024x128xf32, #tpu.memory_space<vmem_shared>> -> memref<64x128xf32, #tpu.memory_space<vmem_shared>>
        tpu.wait_dma2 semaphore(%run_scoped3A : memref<!tpu.dma_semaphore, #tpu.memory_space<semaphore_mem>>) src(%arg13 : memref<64x128xf32, #tpu.memory_space<vmem>>) dst(%dma_wait3A_187 : memref<64x128xf32, #tpu.memory_space<vmem_shared>>)
        tpu.yield
      }) : () -> ()
      "tpu.region"() ({
        %run_scoped3A = tpu.sem_alloc : memref<!tpu.dma_semaphore, #tpu.memory_space<semaphore_mem>>
        %dma_start3A = arith.constant 4928 : i32
        %dma_start3A_178 = arith.constant 0 : i32
        %dma_start3A_179 = tpu.memref_slice %arg14[%dma_start3A, %dma_start3A_178] : memref<5024x128xf32, #tpu.memory_space<vmem_shared>> -> memref<64x128xf32, #tpu.memory_space<vmem_shared>>
        %dma_start3A_180 = arith.constant 4928 : i32
        %dma_start3A_181 = arith.constant 0 : i32
        %dma_start3A_182 = tpu.memref_slice %arg14[%dma_start3A_180, %dma_start3A_181] : memref<5024x128xf32, #tpu.memory_space<vmem_shared>> -> memref<64x128xf32, #tpu.memory_space<vmem_shared>>
        tpu.enqueue_dma source(%arg13 : memref<64x128xf32, #tpu.memory_space<vmem>>) target(%dma_start3A_182 : memref<64x128xf32, #tpu.memory_space<vmem_shared>>) target_semaphore(%run_scoped3A : memref<!tpu.dma_semaphore, #tpu.memory_space<semaphore_mem>>)
        %dma_wait3A = arith.constant 4928 : i32
        %dma_wait3A_183 = arith.constant 0 : i32
        %dma_wait3A_184 = tpu.memref_slice %arg14[%dma_wait3A, %dma_wait3A_183] : memref<5024x128xf32, #tpu.memory_space<vmem_shared>> -> memref<64x128xf32, #tpu.memory_space<vmem_shared>>
        %dma_wait3A_185 = arith.constant 4928 : i32
        %dma_wait3A_186 = arith.constant 0 : i32
        %dma_wait3A_187 = tpu.memref_slice %arg14[%dma_wait3A_185, %dma_wait3A_186] : memref<5024x128xf32, #tpu.memory_space<vmem_shared>> -> memref<64x128xf32, #tpu.memory_space<vmem_shared>>
        tpu.wait_dma2 semaphore(%run_scoped3A : memref<!tpu.dma_semaphore, #tpu.memory_space<semaphore_mem>>) src(%arg13 : memref<64x128xf32, #tpu.memory_space<vmem>>) dst(%dma_wait3A_187 : memref<64x128xf32, #tpu.memory_space<vmem_shared>>)
        tpu.yield
      }) : () -> ()
      "tpu.region"() ({
        %run_scoped3A = tpu.sem_alloc : memref<!tpu.dma_semaphore, #tpu.memory_space<semaphore_mem>>
        %dma_start3A = arith.constant 0 : i32
        %dma_start3A_178 = arith.constant 0 : i32
        %dma_start3A_179 = tpu.memref_slice %arg13[%dma_start3A, %dma_start3A_178] : memref<64x128xf32, #tpu.memory_space<vmem>> -> memref<32x128xf32, #tpu.memory_space<vmem>>
        %dma_start3A_180 = arith.constant 4992 : i32
        %dma_start3A_181 = arith.constant 0 : i32
        %dma_start3A_182 = tpu.memref_slice %arg14[%dma_start3A_180, %dma_start3A_181] : memref<5024x128xf32, #tpu.memory_space<vmem_shared>> -> memref<32x128xf32, #tpu.memory_space<vmem_shared>>
        %dma_start3A_183 = arith.constant 4992 : i32
        %dma_start3A_184 = arith.constant 0 : i32
        %dma_start3A_185 = tpu.memref_slice %arg14[%dma_start3A_183, %dma_start3A_184] : memref<5024x128xf32, #tpu.memory_space<vmem_shared>> -> memref<32x128xf32, #tpu.memory_space<vmem_shared>>
        %dma_start3A_186 = arith.constant 0 : i32
        %dma_start3A_187 = arith.constant 0 : i32
        %dma_start3A_188 = tpu.memref_slice %arg13[%dma_start3A_186, %dma_start3A_187] : memref<64x128xf32, #tpu.memory_space<vmem>> -> memref<32x128xf32, #tpu.memory_space<vmem>>
        tpu.enqueue_dma source(%dma_start3A_188 : memref<32x128xf32, #tpu.memory_space<vmem>>) target(%dma_start3A_185 : memref<32x128xf32, #tpu.memory_space<vmem_shared>>) target_semaphore(%run_scoped3A : memref<!tpu.dma_semaphore, #tpu.memory_space<semaphore_mem>>)
        %dma_wait3A = arith.constant 0 : i32
        %dma_wait3A_189 = arith.constant 0 : i32
        %dma_wait3A_190 = tpu.memref_slice %arg13[%dma_wait3A, %dma_wait3A_189] : memref<64x128xf32, #tpu.memory_space<vmem>> -> memref<32x128xf32, #tpu.memory_space<vmem>>
        %dma_wait3A_191 = arith.constant 4992 : i32
        %dma_wait3A_192 = arith.constant 0 : i32
        %dma_wait3A_193 = tpu.memref_slice %arg14[%dma_wait3A_191, %dma_wait3A_192] : memref<5024x128xf32, #tpu.memory_space<vmem_shared>> -> memref<32x128xf32, #tpu.memory_space<vmem_shared>>
        %dma_wait3A_194 = arith.constant 4992 : i32
        %dma_wait3A_195 = arith.constant 0 : i32
        %dma_wait3A_196 = tpu.memref_slice %arg14[%dma_wait3A_194, %dma_wait3A_195] : memref<5024x128xf32, #tpu.memory_space<vmem_shared>> -> memref<32x128xf32, #tpu.memory_space<vmem_shared>>
        %dma_wait3A_197 = arith.constant 0 : i32
        %dma_wait3A_198 = arith.constant 0 : i32
        %dma_wait3A_199 = tpu.memref_slice %arg13[%dma_wait3A_197, %dma_wait3A_198] : memref<64x128xf32, #tpu.memory_space<vmem>> -> memref<32x128xf32, #tpu.memory_space<vmem>>
        tpu.wait_dma2 semaphore(%run_scoped3A : memref<!tpu.dma_semaphore, #tpu.memory_space<semaphore_mem>>) src(%dma_wait3A_199 : memref<32x128xf32, #tpu.memory_space<vmem>>) dst(%dma_wait3A_196 : memref<32x128xf32, #tpu.memory_space<vmem_shared>>)
        tpu.yield
      }) : () -> ()
    } else {
    }
    %barrier3A_137 = arith.constant 0 : index
    tpu.barrier barrier_id(%barrier3A_137)
    %mul3A_138 = arith.constant 2 : i32
    %mul3A_139 = arith.muli %add3A, %mul3A_138 : i32
    %add3A_140 = arith.constant 1 : i32
    %add3A_141 = arith.addi %mul3A_139, %add3A_140 : i32
    %mul3A_142 = arith.constant 10240 : i32
    %mul3A_143 = arith.muli %add3A_141, %mul3A_142 : i32
    %while3A_144 = arith.constant 0 : i32
    %while3A_145 = arith.constant 0 : i32
    %while3A_146 = arith.subi %select_n3A_120, %while3A_144 : i32
    %while3A_147 = arith.addi %while3A_144, %while3A_146 : i32
    %while3A_148 = arith.constant 1 : i32
    %while3A_149 = arith.divsi %while3A_146, %while3A_148 : i32
    %while3A_150 = arith.muli %while3A_149, %while3A_148 : i32
    %while3A_151 = arith.addi %while3A_144, %while3A_150 : i32
    %while3A_152 = arith.constant 1 : i32
    %while3A_153 = scf.for %while3A_178 = %while3A_144 to %while3A_151 step %while3A_152 iter_args(%while3A_179 = %while3A_145) -> (i32)  : i32 {
      %mul3A_180 = arith.constant 128 : i32
      %mul3A_181 = arith.muli %while3A_178, %mul3A_180 : i32
      %add3A_182 = arith.addi %mul3A_143, %mul3A_181 : i32
      %run_scoped3A = arith.constant 0 : i32
      "tpu.region"() ({
        %run_scoped3A_243 = tpu.sem_alloc : memref<!tpu.dma_semaphore, #tpu.memory_space<semaphore_mem>>
        %dma_start3A_244 = arith.constant 0 : i32
        %dma_start3A_245 = tpu.memref_slice %arg8[%run_scoped3A, %dma_start3A_244] : memref<2x128xi32, #tpu.memory_space<vmem>> -> memref<1x128xi32, #tpu.memory_space<vmem>>
        %dma_start3A_246 = tpu.memref_squeeze %dma_start3A_245 : memref<1x128xi32, #tpu.memory_space<vmem>> -> memref<128xi32, #tpu.memory_space<vmem>>
        %dma_start3A_247 = tpu.memref_slice %arg3[%add3A_182] : memref<655360xi32, #tpu.memory_space<hbm>> -> memref<128xi32, #tpu.memory_space<hbm>>
        %dma_start3A_248 = arith.constant 0 : i32
        %dma_start3A_249 = tpu.memref_slice %arg8[%run_scoped3A, %dma_start3A_248] : memref<2x128xi32, #tpu.memory_space<vmem>> -> memref<1x128xi32, #tpu.memory_space<vmem>>
        %dma_start3A_250 = tpu.memref_squeeze %dma_start3A_249 : memref<1x128xi32, #tpu.memory_space<vmem>> -> memref<128xi32, #tpu.memory_space<vmem>>
        %dma_start3A_251 = tpu.memref_slice %arg3[%add3A_182] : memref<655360xi32, #tpu.memory_space<hbm>> -> memref<128xi32, #tpu.memory_space<hbm>>
        tpu.enqueue_dma source(%dma_start3A_251 : memref<128xi32, #tpu.memory_space<hbm>>) target(%dma_start3A_250 : memref<128xi32, #tpu.memory_space<vmem>>) target_semaphore(%run_scoped3A_243 : memref<!tpu.dma_semaphore, #tpu.memory_space<semaphore_mem>>)
        %dma_wait3A_252 = arith.constant 0 : i32
        %dma_wait3A_253 = tpu.memref_slice %arg8[%run_scoped3A, %dma_wait3A_252] : memref<2x128xi32, #tpu.memory_space<vmem>> -> memref<1x128xi32, #tpu.memory_space<vmem>>
        %dma_wait3A_254 = tpu.memref_squeeze %dma_wait3A_253 : memref<1x128xi32, #tpu.memory_space<vmem>> -> memref<128xi32, #tpu.memory_space<vmem>>
        %dma_wait3A_255 = tpu.memref_slice %arg3[%add3A_182] : memref<655360xi32, #tpu.memory_space<hbm>> -> memref<128xi32, #tpu.memory_space<hbm>>
        %dma_wait3A_256 = arith.constant 0 : i32
        %dma_wait3A_257 = tpu.memref_slice %arg8[%run_scoped3A, %dma_wait3A_256] : memref<2x128xi32, #tpu.memory_space<vmem>> -> memref<1x128xi32, #tpu.memory_space<vmem>>
        %dma_wait3A_258 = tpu.memref_squeeze %dma_wait3A_257 : memref<1x128xi32, #tpu.memory_space<vmem>> -> memref<128xi32, #tpu.memory_space<vmem>>
        %dma_wait3A_259 = tpu.memref_slice %arg3[%add3A_182] : memref<655360xi32, #tpu.memory_space<hbm>> -> memref<128xi32, #tpu.memory_space<hbm>>
        tpu.wait_dma2 semaphore(%run_scoped3A_243 : memref<!tpu.dma_semaphore, #tpu.memory_space<semaphore_mem>>) src(%dma_wait3A_259 : memref<128xi32, #tpu.memory_space<hbm>>) dst(%dma_wait3A_258 : memref<128xi32, #tpu.memory_space<vmem>>)
        tpu.yield
      }) : () -> ()
      %mul3A_183 = arith.constant 128 : i32
      %mul3A_184 = arith.muli %while3A_178, %mul3A_183 : i32
      %add3A_185 = arith.addi %mul3A_143, %mul3A_184 : i32
      %run_scoped3A_186 = arith.constant 0 : i32
      "tpu.region"() ({
        %run_scoped3A_243 = tpu.sem_alloc : memref<!tpu.dma_semaphore, #tpu.memory_space<semaphore_mem>>
        %dma_start3A_244 = arith.constant 0 : i32
        %dma_start3A_245 = tpu.memref_slice %arg9[%run_scoped3A_186, %dma_start3A_244] : memref<2x128xi32, #tpu.memory_space<vmem>> -> memref<1x128xi32, #tpu.memory_space<vmem>>
        %dma_start3A_246 = tpu.memref_squeeze %dma_start3A_245 : memref<1x128xi32, #tpu.memory_space<vmem>> -> memref<128xi32, #tpu.memory_space<vmem>>
        %dma_start3A_247 = tpu.memref_slice %arg4[%add3A_185] : memref<655360xi32, #tpu.memory_space<hbm>> -> memref<128xi32, #tpu.memory_space<hbm>>
        %dma_start3A_248 = arith.constant 0 : i32
        %dma_start3A_249 = tpu.memref_slice %arg9[%run_scoped3A_186, %dma_start3A_248] : memref<2x128xi32, #tpu.memory_space<vmem>> -> memref<1x128xi32, #tpu.memory_space<vmem>>
        %dma_start3A_250 = tpu.memref_squeeze %dma_start3A_249 : memref<1x128xi32, #tpu.memory_space<vmem>> -> memref<128xi32, #tpu.memory_space<vmem>>
        %dma_start3A_251 = tpu.memref_slice %arg4[%add3A_185] : memref<655360xi32, #tpu.memory_space<hbm>> -> memref<128xi32, #tpu.memory_space<hbm>>
        tpu.enqueue_dma source(%dma_start3A_251 : memref<128xi32, #tpu.memory_space<hbm>>) target(%dma_start3A_250 : memref<128xi32, #tpu.memory_space<vmem>>) target_semaphore(%run_scoped3A_243 : memref<!tpu.dma_semaphore, #tpu.memory_space<semaphore_mem>>)
        %dma_wait3A_252 = arith.constant 0 : i32
        %dma_wait3A_253 = tpu.memref_slice %arg9[%run_scoped3A_186, %dma_wait3A_252] : memref<2x128xi32, #tpu.memory_space<vmem>> -> memref<1x128xi32, #tpu.memory_space<vmem>>
        %dma_wait3A_254 = tpu.memref_squeeze %dma_wait3A_253 : memref<1x128xi32, #tpu.memory_space<vmem>> -> memref<128xi32, #tpu.memory_space<vmem>>
        %dma_wait3A_255 = tpu.memref_slice %arg4[%add3A_185] : memref<655360xi32, #tpu.memory_space<hbm>> -> memref<128xi32, #tpu.memory_space<hbm>>
        %dma_wait3A_256 = arith.constant 0 : i32
        %dma_wait3A_257 = tpu.memref_slice %arg9[%run_scoped3A_186, %dma_wait3A_256] : memref<2x128xi32, #tpu.memory_space<vmem>> -> memref<1x128xi32, #tpu.memory_space<vmem>>
        %dma_wait3A_258 = tpu.memref_squeeze %dma_wait3A_257 : memref<1x128xi32, #tpu.memory_space<vmem>> -> memref<128xi32, #tpu.memory_space<vmem>>
        %dma_wait3A_259 = tpu.memref_slice %arg4[%add3A_185] : memref<655360xi32, #tpu.memory_space<hbm>> -> memref<128xi32, #tpu.memory_space<hbm>>
        tpu.wait_dma2 semaphore(%run_scoped3A_243 : memref<!tpu.dma_semaphore, #tpu.memory_space<semaphore_mem>>) src(%dma_wait3A_259 : memref<128xi32, #tpu.memory_space<hbm>>) dst(%dma_wait3A_258 : memref<128xi32, #tpu.memory_space<vmem>>)
        tpu.yield
      }) : () -> ()
      %scan3A_187 = arith.constant 0 : i32
      %scan3A_188 = arith.constant 8 : i32
      %scan3A_189 = arith.addi %scan3A_187, %scan3A_188 : i32
      %scan3A_190 = arith.constant 1 : i32
      scf.for %scan3A_243 = %scan3A_187 to %scan3A_189 step %scan3A_190  : i32 {
        %mul3A_244 = arith.constant 1 : i32
        %mul3A_245 = arith.muli %scan3A_243, %mul3A_244 : i32
        %add3A_246 = arith.constant 0 : i32
        %add3A_247 = arith.addi %add3A_246, %mul3A_245 : i32
        %mul3A_248 = arith.constant 16 : i32
        %mul3A_249 = arith.muli %add3A_247, %mul3A_248 : i32
        %get3A_250 = arith.constant 0 : i32
        %get3A_251 = arith.index_cast %get3A_250 : i32 to index
        %get3A_252 = arith.index_cast %mul3A_249 : i32 to index
        %get3A_253 = tpu.vector_load %arg8[%get3A_251, %get3A_252] {strides = array<i32>} : memref<2x128xi32, #tpu.memory_space<vmem>>, vector<16xi32>,
        %mul3A_254 = arith.constant 2 : i32
        %mul3A_255 = vector.broadcast %mul3A_254 : i32 to vector<16xi32>
        %mul3A_256 = arith.muli %get3A_253, %mul3A_255 : vector<16xi32>
        %mul3A_257 = arith.constant 16 : i32
        %mul3A_258 = arith.muli %add3A_247, %mul3A_257 : i32
        %get3A_259 = arith.constant 0 : i32
        %get3A_260 = arith.index_cast %get3A_259 : i32 to index
        %get3A_261 = arith.index_cast %mul3A_258 : i32 to index
        %get3A_262 = tpu.vector_load %arg9[%get3A_260, %get3A_261] {strides = array<i32>} : memref<2x128xi32, #tpu.memory_space<vmem>>, vector<16xi32>,
        %mul3A_263 = arith.constant 2 : i32
        %mul3A_264 = vector.broadcast %mul3A_263 : i32 to vector<16xi32>
        %mul3A_265 = arith.muli %get3A_262, %mul3A_264 : vector<16xi32>
        %mul3A_266 = arith.constant 16 : i32
        %mul3A_267 = arith.muli %add3A_247, %mul3A_266 : i32
        %swap3A = arith.constant 0 : i32
        %swap3A_268 = arith.index_cast %swap3A : i32 to index
        %swap3A_269 = arith.index_cast %mul3A_267 : i32 to index
        %swap3A_270 = tpu.vector_load %arg10[%swap3A_268, %swap3A_269] {strides = array<i32>} : memref<2x128xi32, #tpu.memory_space<vmem>>, vector<16xi32>,
        tpu.vector_store %arg10[%swap3A_268, %swap3A_269], %mul3A_256 {strides = array<i32>} : memref<2x128xi32, #tpu.memory_space<vmem>>, vector<16xi32>,
        %add3A_271 = arith.constant 1 : i32
        %add3A_272 = vector.broadcast %add3A_271 : i32 to vector<16xi32>
        %add3A_273 = arith.addi %mul3A_256, %add3A_272 : vector<16xi32>
        %mul3A_274 = arith.constant 16 : i32
        %mul3A_275 = arith.muli %add3A_247, %mul3A_274 : i32
        %swap3A_276 = arith.constant 1 : i32
        %swap3A_277 = arith.index_cast %swap3A_276 : i32 to index
        %swap3A_278 = arith.index_cast %mul3A_275 : i32 to index
        %swap3A_279 = tpu.vector_load %arg10[%swap3A_277, %swap3A_278] {strides = array<i32>} : memref<2x128xi32, #tpu.memory_space<vmem>>, vector<16xi32>,
        tpu.vector_store %arg10[%swap3A_277, %swap3A_278], %add3A_273 {strides = array<i32>} : memref<2x128xi32, #tpu.memory_space<vmem>>, vector<16xi32>,
        %mul3A_280 = arith.constant 16 : i32
        %mul3A_281 = arith.muli %add3A_247, %mul3A_280 : i32
        %swap3A_282 = arith.constant 0 : i32
        %swap3A_283 = arith.index_cast %swap3A_282 : i32 to index
        %swap3A_284 = arith.index_cast %mul3A_281 : i32 to index
        %swap3A_285 = tpu.vector_load %arg11[%swap3A_283, %swap3A_284] {strides = array<i32>} : memref<2x128xi32, #tpu.memory_space<vmem>>, vector<16xi32>,
        tpu.vector_store %arg11[%swap3A_283, %swap3A_284], %mul3A_265 {strides = array<i32>} : memref<2x128xi32, #tpu.memory_space<vmem>>, vector<16xi32>,
        %add3A_286 = arith.constant 1 : i32
        %add3A_287 = vector.broadcast %add3A_286 : i32 to vector<16xi32>
        %add3A_288 = arith.addi %mul3A_265, %add3A_287 : vector<16xi32>
        %mul3A_289 = arith.constant 16 : i32
        %mul3A_290 = arith.muli %add3A_247, %mul3A_289 : i32
        %swap3A_291 = arith.constant 1 : i32
        %swap3A_292 = arith.index_cast %swap3A_291 : i32 to index
        %swap3A_293 = arith.index_cast %mul3A_290 : i32 to index
        %swap3A_294 = tpu.vector_load %arg11[%swap3A_292, %swap3A_293] {strides = array<i32>} : memref<2x128xi32, #tpu.memory_space<vmem>>, vector<16xi32>,
        tpu.vector_store %arg11[%swap3A_292, %swap3A_293], %add3A_288 {strides = array<i32>} : memref<2x128xi32, #tpu.memory_space<vmem>>, vector<16xi32>,
      }
      %scan3A_191 = arith.constant 8 : i32
      %dma_start3A = arith.constant 0 : i32
      %dma_start3A_192 = arith.constant 0 : i32
      %dma_start3A_193 = arith.constant 0 : i32
      %dma_start3A_194 = arith.constant 0 : i32
      %dma_start3A_195 = tpu.memref_slice %arg12[%dma_start3A_192, %dma_start3A_193, %dma_start3A_194] : memref<2x128x128xf32, #tpu.memory_space<vmem>> -> memref<1x128x128xf32, #tpu.memory_space<vmem>>
      %dma_start3A_196 = tpu.memref_squeeze %dma_start3A_195 : memref<1x128x128xf32, #tpu.memory_space<vmem>> -> memref<128x128xf32, #tpu.memory_space<vmem>>
      %dma_start3A_197 = arith.constant 0 : i32
      %dma_start3A_198 = tpu.memref_slice %arg10[%dma_start3A, %dma_start3A_197] : memref<2x128xi32, #tpu.memory_space<vmem>> -> memref<1x128xi32, #tpu.memory_space<vmem>>
      %dma_start3A_199 = tpu.memref_squeeze %dma_start3A_198 : memref<1x128xi32, #tpu.memory_space<vmem>> -> memref<128xi32, #tpu.memory_space<vmem>>
      %dma_start3A_200 = arith.constant 0 : i32
      %dma_start3A_201 = arith.constant 0 : i32
      %dma_start3A_202 = tpu.memref_slice %arg2[%dma_start3A_200, %dma_start3A_201] : memref<20000x128xf32, #tpu.memory_space<hbm>> -> memref<20000x128xf32, #tpu.memory_space<hbm>>
      tpu.enqueue_indirect_dma source(%dma_start3A_202 : memref<20000x128xf32, #tpu.memory_space<hbm>>) target(%dma_start3A_196 : memref<128x128xf32, #tpu.memory_space<vmem>>) offsets(%dma_start3A_199 : memref<128xi32, #tpu.memory_space<vmem>>) semaphore(%arg15 : memref<!tpu.dma_semaphore, #tpu.memory_space<semaphore_mem>>)
      %dma_start3A_203 = arith.constant 1 : i32
      %dma_start3A_204 = arith.constant 1 : i32
      %dma_start3A_205 = arith.constant 0 : i32
      %dma_start3A_206 = arith.constant 0 : i32
      %dma_start3A_207 = tpu.memref_slice %arg12[%dma_start3A_204, %dma_start3A_205, %dma_start3A_206] : memref<2x128x128xf32, #tpu.memory_space<vmem>> -> memref<1x128x128xf32, #tpu.memory_space<vmem>>
      %dma_start3A_208 = tpu.memref_squeeze %dma_start3A_207 : memref<1x128x128xf32, #tpu.memory_space<vmem>> -> memref<128x128xf32, #tpu.memory_space<vmem>>
      %dma_start3A_209 = arith.constant 0 : i32
      %dma_start3A_210 = tpu.memref_slice %arg10[%dma_start3A_203, %dma_start3A_209] : memref<2x128xi32, #tpu.memory_space<vmem>> -> memref<1x128xi32, #tpu.memory_space<vmem>>
      %dma_start3A_211 = tpu.memref_squeeze %dma_start3A_210 : memref<1x128xi32, #tpu.memory_space<vmem>> -> memref<128xi32, #tpu.memory_space<vmem>>
      %dma_start3A_212 = arith.constant 0 : i32
      %dma_start3A_213 = arith.constant 0 : i32
      %dma_start3A_214 = tpu.memref_slice %arg2[%dma_start3A_212, %dma_start3A_213] : memref<20000x128xf32, #tpu.memory_space<hbm>> -> memref<20000x128xf32, #tpu.memory_space<hbm>>
      tpu.enqueue_indirect_dma source(%dma_start3A_214 : memref<20000x128xf32, #tpu.memory_space<hbm>>) target(%dma_start3A_208 : memref<128x128xf32, #tpu.memory_space<vmem>>) offsets(%dma_start3A_211 : memref<128xi32, #tpu.memory_space<vmem>>) semaphore(%arg16 : memref<!tpu.dma_semaphore, #tpu.memory_space<semaphore_mem>>)
      %dma_wait3A = arith.constant 0 : i32
      %dma_wait3A_215 = arith.constant 0 : i32
      %dma_wait3A_216 = arith.constant 0 : i32
      %dma_wait3A_217 = arith.constant 0 : i32
      %dma_wait3A_218 = tpu.memref_slice %arg12[%dma_wait3A_215, %dma_wait3A_216, %dma_wait3A_217] : memref<2x128x128xf32, #tpu.memory_space<vmem>> -> memref<1x128x128xf32, #tpu.memory_space<vmem>>
      %dma_wait3A_219 = tpu.memref_squeeze %dma_wait3A_218 : memref<1x128x128xf32, #tpu.memory_space<vmem>> -> memref<128x128xf32, #tpu.memory_space<vmem>>
      %dma_wait3A_220 = arith.constant 0 : i32
      %dma_wait3A_221 = tpu.memref_slice %arg10[%dma_wait3A, %dma_wait3A_220] : memref<2x128xi32, #tpu.memory_space<vmem>> -> memref<1x128xi32, #tpu.memory_space<vmem>>
      %dma_wait3A_222 = tpu.memref_squeeze %dma_wait3A_221 : memref<1x128xi32, #tpu.memory_space<vmem>> -> memref<128xi32, #tpu.memory_space<vmem>>
      %dma_wait3A_223 = arith.constant 0 : i32
      %dma_wait3A_224 = arith.constant 0 : i32
      %dma_wait3A_225 = tpu.memref_slice %arg2[%dma_wait3A_223, %dma_wait3A_224] : memref<20000x128xf32, #tpu.memory_space<hbm>> -> memref<20000x128xf32, #tpu.memory_space<hbm>>
      tpu.wait_indirect_dma semaphore(%arg15 : memref<!tpu.dma_semaphore, #tpu.memory_space<semaphore_mem>>) src(%dma_wait3A_225 : memref<20000x128xf32, #tpu.memory_space<hbm>>) dst(%dma_wait3A_219 : memref<128x128xf32, #tpu.memory_space<vmem>>)
      %dma_wait3A_226 = arith.constant 1 : i32
      %dma_wait3A_227 = arith.constant 1 : i32
      %dma_wait3A_228 = arith.constant 0 : i32
      %dma_wait3A_229 = arith.constant 0 : i32
      %dma_wait3A_230 = tpu.memref_slice %arg12[%dma_wait3A_227, %dma_wait3A_228, %dma_wait3A_229] : memref<2x128x128xf32, #tpu.memory_space<vmem>> -> memref<1x128x128xf32, #tpu.memory_space<vmem>>
      %dma_wait3A_231 = tpu.memref_squeeze %dma_wait3A_230 : memref<1x128x128xf32, #tpu.memory_space<vmem>> -> memref<128x128xf32, #tpu.memory_space<vmem>>
      %dma_wait3A_232 = arith.constant 0 : i32
      %dma_wait3A_233 = tpu.memref_slice %arg10[%dma_wait3A_226, %dma_wait3A_232] : memref<2x128xi32, #tpu.memory_space<vmem>> -> memref<1x128xi32, #tpu.memory_space<vmem>>
      %dma_wait3A_234 = tpu.memref_squeeze %dma_wait3A_233 : memref<1x128xi32, #tpu.memory_space<vmem>> -> memref<128xi32, #tpu.memory_space<vmem>>
      %dma_wait3A_235 = arith.constant 0 : i32
      %dma_wait3A_236 = arith.constant 0 : i32
      %dma_wait3A_237 = tpu.memref_slice %arg2[%dma_wait3A_235, %dma_wait3A_236] : memref<20000x128xf32, #tpu.memory_space<hbm>> -> memref<20000x128xf32, #tpu.memory_space<hbm>>
      tpu.wait_indirect_dma semaphore(%arg16 : memref<!tpu.dma_semaphore, #tpu.memory_space<semaphore_mem>>) src(%dma_wait3A_237 : memref<20000x128xf32, #tpu.memory_space<hbm>>) dst(%dma_wait3A_231 : memref<128x128xf32, #tpu.memory_space<vmem>>)
      %run_scoped3A_238 = arith.constant 0 : i32
      %run_scoped3A_239 = arith.constant 0 : i32
      "tpu.region"() ({
        %run_scoped3A_243 = tpu.sem_alloc : memref<!tpu.dma_semaphore, #tpu.memory_space<semaphore_mem>>
        %dma_start3A_244 = arith.constant 0 : i32
        %dma_start3A_245 = arith.constant 0 : i32
        %dma_start3A_246 = tpu.memref_slice %arg12[%run_scoped3A_238, %dma_start3A_244, %dma_start3A_245] : memref<2x128x128xf32, #tpu.memory_space<vmem>> -> memref<1x128x128xf32, #tpu.memory_space<vmem>>
        %dma_start3A_247 = tpu.memref_squeeze %dma_start3A_246 : memref<1x128x128xf32, #tpu.memory_space<vmem>> -> memref<128x128xf32, #tpu.memory_space<vmem>>
        %dma_start3A_248 = arith.constant 0 : i32
        %dma_start3A_249 = tpu.memref_slice %arg11[%run_scoped3A_239, %dma_start3A_248] : memref<2x128xi32, #tpu.memory_space<vmem>> -> memref<1x128xi32, #tpu.memory_space<vmem>>
        %dma_start3A_250 = tpu.memref_squeeze %dma_start3A_249 : memref<1x128xi32, #tpu.memory_space<vmem>> -> memref<128xi32, #tpu.memory_space<vmem>>
        %dma_start3A_251 = arith.constant 0 : i32
        %dma_start3A_252 = arith.constant 0 : i32
        %dma_start3A_253 = tpu.memref_slice %arg14[%dma_start3A_251, %dma_start3A_252] : memref<5024x128xf32, #tpu.memory_space<vmem_shared>> -> memref<5024x128xf32, #tpu.memory_space<vmem_shared>>
        tpu.enqueue_indirect_dma source(%dma_start3A_247 : memref<128x128xf32, #tpu.memory_space<vmem>>) target(%dma_start3A_253 : memref<5024x128xf32, #tpu.memory_space<vmem_shared>>) offsets(%dma_start3A_250 : memref<128xi32, #tpu.memory_space<vmem>>) semaphore(%run_scoped3A_243 : memref<!tpu.dma_semaphore, #tpu.memory_space<semaphore_mem>>) {add = true}
        %dma_wait3A_254 = arith.constant 0 : i32
        %dma_wait3A_255 = arith.constant 0 : i32
        %dma_wait3A_256 = tpu.memref_slice %arg12[%run_scoped3A_238, %dma_wait3A_254, %dma_wait3A_255] : memref<2x128x128xf32, #tpu.memory_space<vmem>> -> memref<1x128x128xf32, #tpu.memory_space<vmem>>
        %dma_wait3A_257 = tpu.memref_squeeze %dma_wait3A_256 : memref<1x128x128xf32, #tpu.memory_space<vmem>> -> memref<128x128xf32, #tpu.memory_space<vmem>>
        %dma_wait3A_258 = arith.constant 0 : i32
        %dma_wait3A_259 = tpu.memref_slice %arg11[%run_scoped3A_239, %dma_wait3A_258] : memref<2x128xi32, #tpu.memory_space<vmem>> -> memref<1x128xi32, #tpu.memory_space<vmem>>
        %dma_wait3A_260 = tpu.memref_squeeze %dma_wait3A_259 : memref<1x128xi32, #tpu.memory_space<vmem>> -> memref<128xi32, #tpu.memory_space<vmem>>
        %dma_wait3A_261 = arith.constant 0 : i32
        %dma_wait3A_262 = arith.constant 0 : i32
        %dma_wait3A_263 = tpu.memref_slice %arg14[%dma_wait3A_261, %dma_wait3A_262] : memref<5024x128xf32, #tpu.memory_space<vmem_shared>> -> memref<5024x128xf32, #tpu.memory_space<vmem_shared>>
        tpu.wait_indirect_dma semaphore(%run_scoped3A_243 : memref<!tpu.dma_semaphore, #tpu.memory_space<semaphore_mem>>) src(%dma_wait3A_257 : memref<128x128xf32, #tpu.memory_space<vmem>>) dst(%dma_wait3A_263 : memref<5024x128xf32, #tpu.memory_space<vmem_shared>>)
        tpu.yield
      }) : () -> ()
      %run_scoped3A_240 = arith.constant 1 : i32
      %run_scoped3A_241 = arith.constant 1 : i32
      "tpu.region"() ({
        %run_scoped3A_243 = tpu.sem_alloc : memref<!tpu.dma_semaphore, #tpu.memory_space<semaphore_mem>>
        %dma_start3A_244 = arith.constant 0 : i32
        %dma_start3A_245 = arith.constant 0 : i32
        %dma_start3A_246 = tpu.memref_slice %arg12[%run_scoped3A_240, %dma_start3A_244, %dma_start3A_245] : memref<2x128x128xf32, #tpu.memory_space<vmem>> -> memref<1x128x128xf32, #tpu.memory_space<vmem>>
        %dma_start3A_247 = tpu.memref_squeeze %dma_start3A_246 : memref<1x128x128xf32, #tpu.memory_space<vmem>> -> memref<128x128xf32, #tpu.memory_space<vmem>>
        %dma_start3A_248 = arith.constant 0 : i32
        %dma_start3A_249 = tpu.memref_slice %arg11[%run_scoped3A_241, %dma_start3A_248] : memref<2x128xi32, #tpu.memory_space<vmem>> -> memref<1x128xi32, #tpu.memory_space<vmem>>
        %dma_start3A_250 = tpu.memref_squeeze %dma_start3A_249 : memref<1x128xi32, #tpu.memory_space<vmem>> -> memref<128xi32, #tpu.memory_space<vmem>>
        %dma_start3A_251 = arith.constant 0 : i32
        %dma_start3A_252 = arith.constant 0 : i32
        %dma_start3A_253 = tpu.memref_slice %arg14[%dma_start3A_251, %dma_start3A_252] : memref<5024x128xf32, #tpu.memory_space<vmem_shared>> -> memref<5024x128xf32, #tpu.memory_space<vmem_shared>>
        tpu.enqueue_indirect_dma source(%dma_start3A_247 : memref<128x128xf32, #tpu.memory_space<vmem>>) target(%dma_start3A_253 : memref<5024x128xf32, #tpu.memory_space<vmem_shared>>) offsets(%dma_start3A_250 : memref<128xi32, #tpu.memory_space<vmem>>) semaphore(%run_scoped3A_243 : memref<!tpu.dma_semaphore, #tpu.memory_space<semaphore_mem>>) {add = true}
        %dma_wait3A_254 = arith.constant 0 : i32
        %dma_wait3A_255 = arith.constant 0 : i32
        %dma_wait3A_256 = tpu.memref_slice %arg12[%run_scoped3A_240, %dma_wait3A_254, %dma_wait3A_255] : memref<2x128x128xf32, #tpu.memory_space<vmem>> -> memref<1x128x128xf32, #tpu.memory_space<vmem>>
        %dma_wait3A_257 = tpu.memref_squeeze %dma_wait3A_256 : memref<1x128x128xf32, #tpu.memory_space<vmem>> -> memref<128x128xf32, #tpu.memory_space<vmem>>
        %dma_wait3A_258 = arith.constant 0 : i32
        %dma_wait3A_259 = tpu.memref_slice %arg11[%run_scoped3A_241, %dma_wait3A_258] : memref<2x128xi32, #tpu.memory_space<vmem>> -> memref<1x128xi32, #tpu.memory_space<vmem>>
        %dma_wait3A_260 = tpu.memref_squeeze %dma_wait3A_259 : memref<1x128xi32, #tpu.memory_space<vmem>> -> memref<128xi32, #tpu.memory_space<vmem>>
        %dma_wait3A_261 = arith.constant 0 : i32
        %dma_wait3A_262 = arith.constant 0 : i32
        %dma_wait3A_263 = tpu.memref_slice %arg14[%dma_wait3A_261, %dma_wait3A_262] : memref<5024x128xf32, #tpu.memory_space<vmem_shared>> -> memref<5024x128xf32, #tpu.memory_space<vmem_shared>>
        tpu.wait_indirect_dma semaphore(%run_scoped3A_243 : memref<!tpu.dma_semaphore, #tpu.memory_space<semaphore_mem>>) src(%dma_wait3A_257 : memref<128x128xf32, #tpu.memory_space<vmem>>) dst(%dma_wait3A_263 : memref<5024x128xf32, #tpu.memory_space<vmem_shared>>)
        tpu.yield
      }) : () -> ()
      %while3A_242 = arith.constant 0 : i32
      scf.yield %while3A_242 : i32
    }
    %while3A_154 = arith.constant 1 : i32
    %while3A_155 = scf.for %while3A_178 = %while3A_151 to %while3A_147 step %while3A_154 iter_args(%while3A_179 = %while3A_153) -> (i32)  : i32 {
      %mul3A_180 = arith.constant 128 : i32
      %mul3A_181 = arith.muli %while3A_178, %mul3A_180 : i32
      %add3A_182 = arith.addi %mul3A_143, %mul3A_181 : i32
      %run_scoped3A = arith.constant 0 : i32
      "tpu.region"() ({
        %run_scoped3A_243 = tpu.sem_alloc : memref<!tpu.dma_semaphore, #tpu.memory_space<semaphore_mem>>
        %dma_start3A_244 = arith.constant 0 : i32
        %dma_start3A_245 = tpu.memref_slice %arg8[%run_scoped3A, %dma_start3A_244] : memref<2x128xi32, #tpu.memory_space<vmem>> -> memref<1x128xi32, #tpu.memory_space<vmem>>
        %dma_start3A_246 = tpu.memref_squeeze %dma_start3A_245 : memref<1x128xi32, #tpu.memory_space<vmem>> -> memref<128xi32, #tpu.memory_space<vmem>>
        %dma_start3A_247 = tpu.memref_slice %arg3[%add3A_182] : memref<655360xi32, #tpu.memory_space<hbm>> -> memref<128xi32, #tpu.memory_space<hbm>>
        %dma_start3A_248 = arith.constant 0 : i32
        %dma_start3A_249 = tpu.memref_slice %arg8[%run_scoped3A, %dma_start3A_248] : memref<2x128xi32, #tpu.memory_space<vmem>> -> memref<1x128xi32, #tpu.memory_space<vmem>>
        %dma_start3A_250 = tpu.memref_squeeze %dma_start3A_249 : memref<1x128xi32, #tpu.memory_space<vmem>> -> memref<128xi32, #tpu.memory_space<vmem>>
        %dma_start3A_251 = tpu.memref_slice %arg3[%add3A_182] : memref<655360xi32, #tpu.memory_space<hbm>> -> memref<128xi32, #tpu.memory_space<hbm>>
        tpu.enqueue_dma source(%dma_start3A_251 : memref<128xi32, #tpu.memory_space<hbm>>) target(%dma_start3A_250 : memref<128xi32, #tpu.memory_space<vmem>>) target_semaphore(%run_scoped3A_243 : memref<!tpu.dma_semaphore, #tpu.memory_space<semaphore_mem>>)
        %dma_wait3A_252 = arith.constant 0 : i32
        %dma_wait3A_253 = tpu.memref_slice %arg8[%run_scoped3A, %dma_wait3A_252] : memref<2x128xi32, #tpu.memory_space<vmem>> -> memref<1x128xi32, #tpu.memory_space<vmem>>
        %dma_wait3A_254 = tpu.memref_squeeze %dma_wait3A_253 : memref<1x128xi32, #tpu.memory_space<vmem>> -> memref<128xi32, #tpu.memory_space<vmem>>
        %dma_wait3A_255 = tpu.memref_slice %arg3[%add3A_182] : memref<655360xi32, #tpu.memory_space<hbm>> -> memref<128xi32, #tpu.memory_space<hbm>>
        %dma_wait3A_256 = arith.constant 0 : i32
        %dma_wait3A_257 = tpu.memref_slice %arg8[%run_scoped3A, %dma_wait3A_256] : memref<2x128xi32, #tpu.memory_space<vmem>> -> memref<1x128xi32, #tpu.memory_space<vmem>>
        %dma_wait3A_258 = tpu.memref_squeeze %dma_wait3A_257 : memref<1x128xi32, #tpu.memory_space<vmem>> -> memref<128xi32, #tpu.memory_space<vmem>>
        %dma_wait3A_259 = tpu.memref_slice %arg3[%add3A_182] : memref<655360xi32, #tpu.memory_space<hbm>> -> memref<128xi32, #tpu.memory_space<hbm>>
        tpu.wait_dma2 semaphore(%run_scoped3A_243 : memref<!tpu.dma_semaphore, #tpu.memory_space<semaphore_mem>>) src(%dma_wait3A_259 : memref<128xi32, #tpu.memory_space<hbm>>) dst(%dma_wait3A_258 : memref<128xi32, #tpu.memory_space<vmem>>)
        tpu.yield
      }) : () -> ()
      %mul3A_183 = arith.constant 128 : i32
      %mul3A_184 = arith.muli %while3A_178, %mul3A_183 : i32
      %add3A_185 = arith.addi %mul3A_143, %mul3A_184 : i32
      %run_scoped3A_186 = arith.constant 0 : i32
      "tpu.region"() ({
        %run_scoped3A_243 = tpu.sem_alloc : memref<!tpu.dma_semaphore, #tpu.memory_space<semaphore_mem>>
        %dma_start3A_244 = arith.constant 0 : i32
        %dma_start3A_245 = tpu.memref_slice %arg9[%run_scoped3A_186, %dma_start3A_244] : memref<2x128xi32, #tpu.memory_space<vmem>> -> memref<1x128xi32, #tpu.memory_space<vmem>>
        %dma_start3A_246 = tpu.memref_squeeze %dma_start3A_245 : memref<1x128xi32, #tpu.memory_space<vmem>> -> memref<128xi32, #tpu.memory_space<vmem>>
        %dma_start3A_247 = tpu.memref_slice %arg4[%add3A_185] : memref<655360xi32, #tpu.memory_space<hbm>> -> memref<128xi32, #tpu.memory_space<hbm>>
        %dma_start3A_248 = arith.constant 0 : i32
        %dma_start3A_249 = tpu.memref_slice %arg9[%run_scoped3A_186, %dma_start3A_248] : memref<2x128xi32, #tpu.memory_space<vmem>> -> memref<1x128xi32, #tpu.memory_space<vmem>>
        %dma_start3A_250 = tpu.memref_squeeze %dma_start3A_249 : memref<1x128xi32, #tpu.memory_space<vmem>> -> memref<128xi32, #tpu.memory_space<vmem>>
        %dma_start3A_251 = tpu.memref_slice %arg4[%add3A_185] : memref<655360xi32, #tpu.memory_space<hbm>> -> memref<128xi32, #tpu.memory_space<hbm>>
        tpu.enqueue_dma source(%dma_start3A_251 : memref<128xi32, #tpu.memory_space<hbm>>) target(%dma_start3A_250 : memref<128xi32, #tpu.memory_space<vmem>>) target_semaphore(%run_scoped3A_243 : memref<!tpu.dma_semaphore, #tpu.memory_space<semaphore_mem>>)
        %dma_wait3A_252 = arith.constant 0 : i32
        %dma_wait3A_253 = tpu.memref_slice %arg9[%run_scoped3A_186, %dma_wait3A_252] : memref<2x128xi32, #tpu.memory_space<vmem>> -> memref<1x128xi32, #tpu.memory_space<vmem>>
        %dma_wait3A_254 = tpu.memref_squeeze %dma_wait3A_253 : memref<1x128xi32, #tpu.memory_space<vmem>> -> memref<128xi32, #tpu.memory_space<vmem>>
        %dma_wait3A_255 = tpu.memref_slice %arg4[%add3A_185] : memref<655360xi32, #tpu.memory_space<hbm>> -> memref<128xi32, #tpu.memory_space<hbm>>
        %dma_wait3A_256 = arith.constant 0 : i32
        %dma_wait3A_257 = tpu.memref_slice %arg9[%run_scoped3A_186, %dma_wait3A_256] : memref<2x128xi32, #tpu.memory_space<vmem>> -> memref<1x128xi32, #tpu.memory_space<vmem>>
        %dma_wait3A_258 = tpu.memref_squeeze %dma_wait3A_257 : memref<1x128xi32, #tpu.memory_space<vmem>> -> memref<128xi32, #tpu.memory_space<vmem>>
        %dma_wait3A_259 = tpu.memref_slice %arg4[%add3A_185] : memref<655360xi32, #tpu.memory_space<hbm>> -> memref<128xi32, #tpu.memory_space<hbm>>
        tpu.wait_dma2 semaphore(%run_scoped3A_243 : memref<!tpu.dma_semaphore, #tpu.memory_space<semaphore_mem>>) src(%dma_wait3A_259 : memref<128xi32, #tpu.memory_space<hbm>>) dst(%dma_wait3A_258 : memref<128xi32, #tpu.memory_space<vmem>>)
        tpu.yield
      }) : () -> ()
      %scan3A_187 = arith.constant 0 : i32
      %scan3A_188 = arith.constant 8 : i32
      %scan3A_189 = arith.addi %scan3A_187, %scan3A_188 : i32
      %scan3A_190 = arith.constant 1 : i32
      scf.for %scan3A_243 = %scan3A_187 to %scan3A_189 step %scan3A_190  : i32 {
        %mul3A_244 = arith.constant 1 : i32
        %mul3A_245 = arith.muli %scan3A_243, %mul3A_244 : i32
        %add3A_246 = arith.constant 0 : i32
        %add3A_247 = arith.addi %add3A_246, %mul3A_245 : i32
        %mul3A_248 = arith.constant 16 : i32
        %mul3A_249 = arith.muli %add3A_247, %mul3A_248 : i32
        %get3A_250 = arith.constant 0 : i32
        %get3A_251 = arith.index_cast %get3A_250 : i32 to index
        %get3A_252 = arith.index_cast %mul3A_249 : i32 to index
        %get3A_253 = tpu.vector_load %arg8[%get3A_251, %get3A_252] {strides = array<i32>} : memref<2x128xi32, #tpu.memory_space<vmem>>, vector<16xi32>,
        %mul3A_254 = arith.constant 2 : i32
        %mul3A_255 = vector.broadcast %mul3A_254 : i32 to vector<16xi32>
        %mul3A_256 = arith.muli %get3A_253, %mul3A_255 : vector<16xi32>
        %mul3A_257 = arith.constant 16 : i32
        %mul3A_258 = arith.muli %add3A_247, %mul3A_257 : i32
        %get3A_259 = arith.constant 0 : i32
        %get3A_260 = arith.index_cast %get3A_259 : i32 to index
        %get3A_261 = arith.index_cast %mul3A_258 : i32 to index
        %get3A_262 = tpu.vector_load %arg9[%get3A_260, %get3A_261] {strides = array<i32>} : memref<2x128xi32, #tpu.memory_space<vmem>>, vector<16xi32>,
        %mul3A_263 = arith.constant 2 : i32
        %mul3A_264 = vector.broadcast %mul3A_263 : i32 to vector<16xi32>
        %mul3A_265 = arith.muli %get3A_262, %mul3A_264 : vector<16xi32>
        %mul3A_266 = arith.constant 16 : i32
        %mul3A_267 = arith.muli %add3A_247, %mul3A_266 : i32
        %swap3A = arith.constant 0 : i32
        %swap3A_268 = arith.index_cast %swap3A : i32 to index
        %swap3A_269 = arith.index_cast %mul3A_267 : i32 to index
        %swap3A_270 = tpu.vector_load %arg10[%swap3A_268, %swap3A_269] {strides = array<i32>} : memref<2x128xi32, #tpu.memory_space<vmem>>, vector<16xi32>,
        tpu.vector_store %arg10[%swap3A_268, %swap3A_269], %mul3A_256 {strides = array<i32>} : memref<2x128xi32, #tpu.memory_space<vmem>>, vector<16xi32>,
        %add3A_271 = arith.constant 1 : i32
        %add3A_272 = vector.broadcast %add3A_271 : i32 to vector<16xi32>
        %add3A_273 = arith.addi %mul3A_256, %add3A_272 : vector<16xi32>
        %mul3A_274 = arith.constant 16 : i32
        %mul3A_275 = arith.muli %add3A_247, %mul3A_274 : i32
        %swap3A_276 = arith.constant 1 : i32
        %swap3A_277 = arith.index_cast %swap3A_276 : i32 to index
        %swap3A_278 = arith.index_cast %mul3A_275 : i32 to index
        %swap3A_279 = tpu.vector_load %arg10[%swap3A_277, %swap3A_278] {strides = array<i32>} : memref<2x128xi32, #tpu.memory_space<vmem>>, vector<16xi32>,
        tpu.vector_store %arg10[%swap3A_277, %swap3A_278], %add3A_273 {strides = array<i32>} : memref<2x128xi32, #tpu.memory_space<vmem>>, vector<16xi32>,
        %mul3A_280 = arith.constant 16 : i32
        %mul3A_281 = arith.muli %add3A_247, %mul3A_280 : i32
        %swap3A_282 = arith.constant 0 : i32
        %swap3A_283 = arith.index_cast %swap3A_282 : i32 to index
        %swap3A_284 = arith.index_cast %mul3A_281 : i32 to index
        %swap3A_285 = tpu.vector_load %arg11[%swap3A_283, %swap3A_284] {strides = array<i32>} : memref<2x128xi32, #tpu.memory_space<vmem>>, vector<16xi32>,
        tpu.vector_store %arg11[%swap3A_283, %swap3A_284], %mul3A_265 {strides = array<i32>} : memref<2x128xi32, #tpu.memory_space<vmem>>, vector<16xi32>,
        %add3A_286 = arith.constant 1 : i32
        %add3A_287 = vector.broadcast %add3A_286 : i32 to vector<16xi32>
        %add3A_288 = arith.addi %mul3A_265, %add3A_287 : vector<16xi32>
        %mul3A_289 = arith.constant 16 : i32
        %mul3A_290 = arith.muli %add3A_247, %mul3A_289 : i32
        %swap3A_291 = arith.constant 1 : i32
        %swap3A_292 = arith.index_cast %swap3A_291 : i32 to index
        %swap3A_293 = arith.index_cast %mul3A_290 : i32 to index
        %swap3A_294 = tpu.vector_load %arg11[%swap3A_292, %swap3A_293] {strides = array<i32>} : memref<2x128xi32, #tpu.memory_space<vmem>>, vector<16xi32>,
        tpu.vector_store %arg11[%swap3A_292, %swap3A_293], %add3A_288 {strides = array<i32>} : memref<2x128xi32, #tpu.memory_space<vmem>>, vector<16xi32>,
      }
      %scan3A_191 = arith.constant 8 : i32
      %dma_start3A = arith.constant 0 : i32
      %dma_start3A_192 = arith.constant 0 : i32
      %dma_start3A_193 = arith.constant 0 : i32
      %dma_start3A_194 = arith.constant 0 : i32
      %dma_start3A_195 = tpu.memref_slice %arg12[%dma_start3A_192, %dma_start3A_193, %dma_start3A_194] : memref<2x128x128xf32, #tpu.memory_space<vmem>> -> memref<1x128x128xf32, #tpu.memory_space<vmem>>
      %dma_start3A_196 = tpu.memref_squeeze %dma_start3A_195 : memref<1x128x128xf32, #tpu.memory_space<vmem>> -> memref<128x128xf32, #tpu.memory_space<vmem>>
      %dma_start3A_197 = arith.constant 0 : i32
      %dma_start3A_198 = tpu.memref_slice %arg10[%dma_start3A, %dma_start3A_197] : memref<2x128xi32, #tpu.memory_space<vmem>> -> memref<1x128xi32, #tpu.memory_space<vmem>>
      %dma_start3A_199 = tpu.memref_squeeze %dma_start3A_198 : memref<1x128xi32, #tpu.memory_space<vmem>> -> memref<128xi32, #tpu.memory_space<vmem>>
      %dma_start3A_200 = arith.constant 0 : i32
      %dma_start3A_201 = arith.constant 0 : i32
      %dma_start3A_202 = tpu.memref_slice %arg2[%dma_start3A_200, %dma_start3A_201] : memref<20000x128xf32, #tpu.memory_space<hbm>> -> memref<20000x128xf32, #tpu.memory_space<hbm>>
      tpu.enqueue_indirect_dma source(%dma_start3A_202 : memref<20000x128xf32, #tpu.memory_space<hbm>>) target(%dma_start3A_196 : memref<128x128xf32, #tpu.memory_space<vmem>>) offsets(%dma_start3A_199 : memref<128xi32, #tpu.memory_space<vmem>>) semaphore(%arg15 : memref<!tpu.dma_semaphore, #tpu.memory_space<semaphore_mem>>)
      %dma_start3A_203 = arith.constant 1 : i32
      %dma_start3A_204 = arith.constant 1 : i32
      %dma_start3A_205 = arith.constant 0 : i32
      %dma_start3A_206 = arith.constant 0 : i32
      %dma_start3A_207 = tpu.memref_slice %arg12[%dma_start3A_204, %dma_start3A_205, %dma_start3A_206] : memref<2x128x128xf32, #tpu.memory_space<vmem>> -> memref<1x128x128xf32, #tpu.memory_space<vmem>>
      %dma_start3A_208 = tpu.memref_squeeze %dma_start3A_207 : memref<1x128x128xf32, #tpu.memory_space<vmem>> -> memref<128x128xf32, #tpu.memory_space<vmem>>
      %dma_start3A_209 = arith.constant 0 : i32
      %dma_start3A_210 = tpu.memref_slice %arg10[%dma_start3A_203, %dma_start3A_209] : memref<2x128xi32, #tpu.memory_space<vmem>> -> memref<1x128xi32, #tpu.memory_space<vmem>>
      %dma_start3A_211 = tpu.memref_squeeze %dma_start3A_210 : memref<1x128xi32, #tpu.memory_space<vmem>> -> memref<128xi32, #tpu.memory_space<vmem>>
      %dma_start3A_212 = arith.constant 0 : i32
      %dma_start3A_213 = arith.constant 0 : i32
      %dma_start3A_214 = tpu.memref_slice %arg2[%dma_start3A_212, %dma_start3A_213] : memref<20000x128xf32, #tpu.memory_space<hbm>> -> memref<20000x128xf32, #tpu.memory_space<hbm>>
      tpu.enqueue_indirect_dma source(%dma_start3A_214 : memref<20000x128xf32, #tpu.memory_space<hbm>>) target(%dma_start3A_208 : memref<128x128xf32, #tpu.memory_space<vmem>>) offsets(%dma_start3A_211 : memref<128xi32, #tpu.memory_space<vmem>>) semaphore(%arg16 : memref<!tpu.dma_semaphore, #tpu.memory_space<semaphore_mem>>)
      %dma_wait3A = arith.constant 0 : i32
      %dma_wait3A_215 = arith.constant 0 : i32
      %dma_wait3A_216 = arith.constant 0 : i32
      %dma_wait3A_217 = arith.constant 0 : i32
      %dma_wait3A_218 = tpu.memref_slice %arg12[%dma_wait3A_215, %dma_wait3A_216, %dma_wait3A_217] : memref<2x128x128xf32, #tpu.memory_space<vmem>> -> memref<1x128x128xf32, #tpu.memory_space<vmem>>
      %dma_wait3A_219 = tpu.memref_squeeze %dma_wait3A_218 : memref<1x128x128xf32, #tpu.memory_space<vmem>> -> memref<128x128xf32, #tpu.memory_space<vmem>>
      %dma_wait3A_220 = arith.constant 0 : i32
      %dma_wait3A_221 = tpu.memref_slice %arg10[%dma_wait3A, %dma_wait3A_220] : memref<2x128xi32, #tpu.memory_space<vmem>> -> memref<1x128xi32, #tpu.memory_space<vmem>>
      %dma_wait3A_222 = tpu.memref_squeeze %dma_wait3A_221 : memref<1x128xi32, #tpu.memory_space<vmem>> -> memref<128xi32, #tpu.memory_space<vmem>>
      %dma_wait3A_223 = arith.constant 0 : i32
      %dma_wait3A_224 = arith.constant 0 : i32
      %dma_wait3A_225 = tpu.memref_slice %arg2[%dma_wait3A_223, %dma_wait3A_224] : memref<20000x128xf32, #tpu.memory_space<hbm>> -> memref<20000x128xf32, #tpu.memory_space<hbm>>
      tpu.wait_indirect_dma semaphore(%arg15 : memref<!tpu.dma_semaphore, #tpu.memory_space<semaphore_mem>>) src(%dma_wait3A_225 : memref<20000x128xf32, #tpu.memory_space<hbm>>) dst(%dma_wait3A_219 : memref<128x128xf32, #tpu.memory_space<vmem>>)
      %dma_wait3A_226 = arith.constant 1 : i32
      %dma_wait3A_227 = arith.constant 1 : i32
      %dma_wait3A_228 = arith.constant 0 : i32
      %dma_wait3A_229 = arith.constant 0 : i32
      %dma_wait3A_230 = tpu.memref_slice %arg12[%dma_wait3A_227, %dma_wait3A_228, %dma_wait3A_229] : memref<2x128x128xf32, #tpu.memory_space<vmem>> -> memref<1x128x128xf32, #tpu.memory_space<vmem>>
      %dma_wait3A_231 = tpu.memref_squeeze %dma_wait3A_230 : memref<1x128x128xf32, #tpu.memory_space<vmem>> -> memref<128x128xf32, #tpu.memory_space<vmem>>
      %dma_wait3A_232 = arith.constant 0 : i32
      %dma_wait3A_233 = tpu.memref_slice %arg10[%dma_wait3A_226, %dma_wait3A_232] : memref<2x128xi32, #tpu.memory_space<vmem>> -> memref<1x128xi32, #tpu.memory_space<vmem>>
      %dma_wait3A_234 = tpu.memref_squeeze %dma_wait3A_233 : memref<1x128xi32, #tpu.memory_space<vmem>> -> memref<128xi32, #tpu.memory_space<vmem>>
      %dma_wait3A_235 = arith.constant 0 : i32
      %dma_wait3A_236 = arith.constant 0 : i32
      %dma_wait3A_237 = tpu.memref_slice %arg2[%dma_wait3A_235, %dma_wait3A_236] : memref<20000x128xf32, #tpu.memory_space<hbm>> -> memref<20000x128xf32, #tpu.memory_space<hbm>>
      tpu.wait_indirect_dma semaphore(%arg16 : memref<!tpu.dma_semaphore, #tpu.memory_space<semaphore_mem>>) src(%dma_wait3A_237 : memref<20000x128xf32, #tpu.memory_space<hbm>>) dst(%dma_wait3A_231 : memref<128x128xf32, #tpu.memory_space<vmem>>)
      %run_scoped3A_238 = arith.constant 0 : i32
      %run_scoped3A_239 = arith.constant 0 : i32
      "tpu.region"() ({
        %run_scoped3A_243 = tpu.sem_alloc : memref<!tpu.dma_semaphore, #tpu.memory_space<semaphore_mem>>
        %dma_start3A_244 = arith.constant 0 : i32
        %dma_start3A_245 = arith.constant 0 : i32
        %dma_start3A_246 = tpu.memref_slice %arg12[%run_scoped3A_238, %dma_start3A_244, %dma_start3A_245] : memref<2x128x128xf32, #tpu.memory_space<vmem>> -> memref<1x128x128xf32, #tpu.memory_space<vmem>>
        %dma_start3A_247 = tpu.memref_squeeze %dma_start3A_246 : memref<1x128x128xf32, #tpu.memory_space<vmem>> -> memref<128x128xf32, #tpu.memory_space<vmem>>
        %dma_start3A_248 = arith.constant 0 : i32
        %dma_start3A_249 = tpu.memref_slice %arg11[%run_scoped3A_239, %dma_start3A_248] : memref<2x128xi32, #tpu.memory_space<vmem>> -> memref<1x128xi32, #tpu.memory_space<vmem>>
        %dma_start3A_250 = tpu.memref_squeeze %dma_start3A_249 : memref<1x128xi32, #tpu.memory_space<vmem>> -> memref<128xi32, #tpu.memory_space<vmem>>
        %dma_start3A_251 = arith.constant 0 : i32
        %dma_start3A_252 = arith.constant 0 : i32
        %dma_start3A_253 = tpu.memref_slice %arg14[%dma_start3A_251, %dma_start3A_252] : memref<5024x128xf32, #tpu.memory_space<vmem_shared>> -> memref<5024x128xf32, #tpu.memory_space<vmem_shared>>
        tpu.enqueue_indirect_dma source(%dma_start3A_247 : memref<128x128xf32, #tpu.memory_space<vmem>>) target(%dma_start3A_253 : memref<5024x128xf32, #tpu.memory_space<vmem_shared>>) offsets(%dma_start3A_250 : memref<128xi32, #tpu.memory_space<vmem>>) semaphore(%run_scoped3A_243 : memref<!tpu.dma_semaphore, #tpu.memory_space<semaphore_mem>>) {add = true}
        %dma_wait3A_254 = arith.constant 0 : i32
        %dma_wait3A_255 = arith.constant 0 : i32
        %dma_wait3A_256 = tpu.memref_slice %arg12[%run_scoped3A_238, %dma_wait3A_254, %dma_wait3A_255] : memref<2x128x128xf32, #tpu.memory_space<vmem>> -> memref<1x128x128xf32, #tpu.memory_space<vmem>>
        %dma_wait3A_257 = tpu.memref_squeeze %dma_wait3A_256 : memref<1x128x128xf32, #tpu.memory_space<vmem>> -> memref<128x128xf32, #tpu.memory_space<vmem>>
        %dma_wait3A_258 = arith.constant 0 : i32
        %dma_wait3A_259 = tpu.memref_slice %arg11[%run_scoped3A_239, %dma_wait3A_258] : memref<2x128xi32, #tpu.memory_space<vmem>> -> memref<1x128xi32, #tpu.memory_space<vmem>>
        %dma_wait3A_260 = tpu.memref_squeeze %dma_wait3A_259 : memref<1x128xi32, #tpu.memory_space<vmem>> -> memref<128xi32, #tpu.memory_space<vmem>>
        %dma_wait3A_261 = arith.constant 0 : i32
        %dma_wait3A_262 = arith.constant 0 : i32
        %dma_wait3A_263 = tpu.memref_slice %arg14[%dma_wait3A_261, %dma_wait3A_262] : memref<5024x128xf32, #tpu.memory_space<vmem_shared>> -> memref<5024x128xf32, #tpu.memory_space<vmem_shared>>
        tpu.wait_indirect_dma semaphore(%run_scoped3A_243 : memref<!tpu.dma_semaphore, #tpu.memory_space<semaphore_mem>>) src(%dma_wait3A_257 : memref<128x128xf32, #tpu.memory_space<vmem>>) dst(%dma_wait3A_263 : memref<5024x128xf32, #tpu.memory_space<vmem_shared>>)
        tpu.yield
      }) : () -> ()
      %run_scoped3A_240 = arith.constant 1 : i32
      %run_scoped3A_241 = arith.constant 1 : i32
      "tpu.region"() ({
        %run_scoped3A_243 = tpu.sem_alloc : memref<!tpu.dma_semaphore, #tpu.memory_space<semaphore_mem>>
        %dma_start3A_244 = arith.constant 0 : i32
        %dma_start3A_245 = arith.constant 0 : i32
        %dma_start3A_246 = tpu.memref_slice %arg12[%run_scoped3A_240, %dma_start3A_244, %dma_start3A_245] : memref<2x128x128xf32, #tpu.memory_space<vmem>> -> memref<1x128x128xf32, #tpu.memory_space<vmem>>
        %dma_start3A_247 = tpu.memref_squeeze %dma_start3A_246 : memref<1x128x128xf32, #tpu.memory_space<vmem>> -> memref<128x128xf32, #tpu.memory_space<vmem>>
        %dma_start3A_248 = arith.constant 0 : i32
        %dma_start3A_249 = tpu.memref_slice %arg11[%run_scoped3A_241, %dma_start3A_248] : memref<2x128xi32, #tpu.memory_space<vmem>> -> memref<1x128xi32, #tpu.memory_space<vmem>>
        %dma_start3A_250 = tpu.memref_squeeze %dma_start3A_249 : memref<1x128xi32, #tpu.memory_space<vmem>> -> memref<128xi32, #tpu.memory_space<vmem>>
        %dma_start3A_251 = arith.constant 0 : i32
        %dma_start3A_252 = arith.constant 0 : i32
        %dma_start3A_253 = tpu.memref_slice %arg14[%dma_start3A_251, %dma_start3A_252] : memref<5024x128xf32, #tpu.memory_space<vmem_shared>> -> memref<5024x128xf32, #tpu.memory_space<vmem_shared>>
        tpu.enqueue_indirect_dma source(%dma_start3A_247 : memref<128x128xf32, #tpu.memory_space<vmem>>) target(%dma_start3A_253 : memref<5024x128xf32, #tpu.memory_space<vmem_shared>>) offsets(%dma_start3A_250 : memref<128xi32, #tpu.memory_space<vmem>>) semaphore(%run_scoped3A_243 : memref<!tpu.dma_semaphore, #tpu.memory_space<semaphore_mem>>) {add = true}
        %dma_wait3A_254 = arith.constant 0 : i32
        %dma_wait3A_255 = arith.constant 0 : i32
        %dma_wait3A_256 = tpu.memref_slice %arg12[%run_scoped3A_240, %dma_wait3A_254, %dma_wait3A_255] : memref<2x128x128xf32, #tpu.memory_space<vmem>> -> memref<1x128x128xf32, #tpu.memory_space<vmem>>
        %dma_wait3A_257 = tpu.memref_squeeze %dma_wait3A_256 : memref<1x128x128xf32, #tpu.memory_space<vmem>> -> memref<128x128xf32, #tpu.memory_space<vmem>>
        %dma_wait3A_258 = arith.constant 0 : i32
        %dma_wait3A_259 = tpu.memref_slice %arg11[%run_scoped3A_241, %dma_wait3A_258] : memref<2x128xi32, #tpu.memory_space<vmem>> -> memref<1x128xi32, #tpu.memory_space<vmem>>
        %dma_wait3A_260 = tpu.memref_squeeze %dma_wait3A_259 : memref<1x128xi32, #tpu.memory_space<vmem>> -> memref<128xi32, #tpu.memory_space<vmem>>
        %dma_wait3A_261 = arith.constant 0 : i32
        %dma_wait3A_262 = arith.constant 0 : i32
        %dma_wait3A_263 = tpu.memref_slice %arg14[%dma_wait3A_261, %dma_wait3A_262] : memref<5024x128xf32, #tpu.memory_space<vmem_shared>> -> memref<5024x128xf32, #tpu.memory_space<vmem_shared>>
        tpu.wait_indirect_dma semaphore(%run_scoped3A_243 : memref<!tpu.dma_semaphore, #tpu.memory_space<semaphore_mem>>) src(%dma_wait3A_257 : memref<128x128xf32, #tpu.memory_space<vmem>>) dst(%dma_wait3A_263 : memref<5024x128xf32, #tpu.memory_space<vmem_shared>>)
        tpu.yield
      }) : () -> ()
      %while3A_242 = arith.constant 0 : i32
      scf.yield %while3A_242 : i32
    }
    %barrier3A_156 = arith.constant 0 : index
    tpu.barrier barrier_id(%barrier3A_156)
    %mul3A_157 = arith.constant 2504 : i32
    %mul3A_158 = arith.muli %add3A_86, %mul3A_157 : i32
    %mul3A_159 = arith.constant 152 : i32
    %mul3A_160 = arith.muli %arg1, %mul3A_159 : i32
    %add3A_161 = arith.addi %mul3A_158, %mul3A_160 : i32
    %mul3A_162 = arith.constant 2 : i32
    %mul3A_163 = arith.muli %add3A_161, %mul3A_162 : i32
    "tpu.region"() ({
      %run_scoped3A = tpu.sem_alloc : memref<!tpu.dma_semaphore, #tpu.memory_space<semaphore_mem>>
      %dma_start3A = arith.constant 0 : i32
      %dma_start3A_178 = tpu.memref_slice %arg6[%mul3A_163, %dma_start3A] : memref<20000x128xf32, #tpu.memory_space<hbm>> -> memref<304x128xf32, #tpu.memory_space<hbm>>
      %dma_start3A_179 = arith.constant 0 : i32
      %dma_start3A_180 = tpu.memref_slice %arg14[%mul3A_124, %dma_start3A_179] : memref<5024x128xf32, #tpu.memory_space<vmem_shared>> -> memref<304x128xf32, #tpu.memory_space<vmem_shared>>
      tpu.enqueue_dma source(%dma_start3A_180 : memref<304x128xf32, #tpu.memory_space<vmem_shared>>) target(%dma_start3A_178 : memref<304x128xf32, #tpu.memory_space<hbm>>) target_semaphore(%run_scoped3A : memref<!tpu.dma_semaphore, #tpu.memory_space<semaphore_mem>>)
      %dma_wait3A = arith.constant 0 : i32
      %dma_wait3A_181 = tpu.memref_slice %arg6[%mul3A_163, %dma_wait3A] : memref<20000x128xf32, #tpu.memory_space<hbm>> -> memref<304x128xf32, #tpu.memory_space<hbm>>
      %dma_wait3A_182 = arith.constant 0 : i32
      %dma_wait3A_183 = tpu.memref_slice %arg14[%mul3A_124, %dma_wait3A_182] : memref<5024x128xf32, #tpu.memory_space<vmem_shared>> -> memref<304x128xf32, #tpu.memory_space<vmem_shared>>
      tpu.wait_dma2 semaphore(%run_scoped3A : memref<!tpu.dma_semaphore, #tpu.memory_space<semaphore_mem>>) src(%dma_wait3A_183 : memref<304x128xf32, #tpu.memory_space<vmem_shared>>) dst(%dma_wait3A_181 : memref<304x128xf32, #tpu.memory_space<hbm>>)
      tpu.yield
    }) : () -> ()
    %eq3A_164 = arith.constant 0 : i32
    %eq3A_165 = arith.cmpi eq, %arg1, %eq3A_164 : i32
    %convert_element_type3A_166 = arith.extui %eq3A_165 : i1 to i32
    %cond3A_167 = arith.constant 0 : i32
    %cond3A_168 = arith.cmpi ne, %convert_element_type3A_166, %cond3A_167 : i32
    scf.if %cond3A_168 {
      %mul3A_178 = arith.constant 2504 : i32
      %mul3A_179 = arith.muli %add3A_86, %mul3A_178 : i32
      %add3A_180 = arith.constant 2432 : i32
      %add3A_181 = arith.addi %mul3A_179, %add3A_180 : i32
      %mul3A_182 = arith.constant 2 : i32
      %mul3A_183 = arith.muli %add3A_181, %mul3A_182 : i32
      "tpu.region"() ({
        %run_scoped3A = tpu.sem_alloc : memref<!tpu.dma_semaphore, #tpu.memory_space<semaphore_mem>>
        %dma_start3A = arith.constant 0 : i32
        %dma_start3A_184 = tpu.memref_slice %arg6[%mul3A_183, %dma_start3A] : memref<20000x128xf32, #tpu.memory_space<hbm>> -> memref<112x128xf32, #tpu.memory_space<hbm>>
        %dma_start3A_185 = arith.constant 4864 : i32
        %dma_start3A_186 = arith.constant 0 : i32
        %dma_start3A_187 = tpu.memref_slice %arg14[%dma_start3A_185, %dma_start3A_186] : memref<5024x128xf32, #tpu.memory_space<vmem_shared>> -> memref<112x128xf32, #tpu.memory_space<vmem_shared>>
        tpu.enqueue_dma source(%dma_start3A_187 : memref<112x128xf32, #tpu.memory_space<vmem_shared>>) target(%dma_start3A_184 : memref<112x128xf32, #tpu.memory_space<hbm>>) target_semaphore(%run_scoped3A : memref<!tpu.dma_semaphore, #tpu.memory_space<semaphore_mem>>)
        %dma_wait3A = arith.constant 0 : i32
        %dma_wait3A_188 = tpu.memref_slice %arg6[%mul3A_183, %dma_wait3A] : memref<20000x128xf32, #tpu.memory_space<hbm>> -> memref<112x128xf32, #tpu.memory_space<hbm>>
        %dma_wait3A_189 = arith.constant 4864 : i32
        %dma_wait3A_190 = arith.constant 0 : i32
        %dma_wait3A_191 = tpu.memref_slice %arg14[%dma_wait3A_189, %dma_wait3A_190] : memref<5024x128xf32, #tpu.memory_space<vmem_shared>> -> memref<112x128xf32, #tpu.memory_space<vmem_shared>>
        tpu.wait_dma2 semaphore(%run_scoped3A : memref<!tpu.dma_semaphore, #tpu.memory_space<semaphore_mem>>) src(%dma_wait3A_191 : memref<112x128xf32, #tpu.memory_space<vmem_shared>>) dst(%dma_wait3A_188 : memref<112x128xf32, #tpu.memory_space<hbm>>)
        tpu.yield
      }) : () -> ()
    } else {
    }
    %eq3A_169 = arith.constant 1 : i32
    %eq3A_170 = arith.cmpi eq, %arg1, %eq3A_169 : i32
    %lt3A_171 = arith.constant 3 : i32
    %lt3A_172 = arith.cmpi slt, %add3A_86, %lt3A_171 : i32
    %and3A_173 = arith.andi %eq3A_170, %lt3A_172 : i1
    %convert_element_type3A_174 = arith.extui %and3A_173 : i1 to i32
    %cond3A_175 = arith.constant 0 : i32
    %cond3A_176 = arith.cmpi ne, %convert_element_type3A_174, %cond3A_175 : i32
    scf.if %cond3A_176 {
      %mul3A_178 = arith.constant 2504 : i32
      %mul3A_179 = arith.muli %add3A_86, %mul3A_178 : i32
      %add3A_180 = arith.constant 2488 : i32
      %add3A_181 = arith.addi %mul3A_179, %add3A_180 : i32
      %mul3A_182 = arith.constant 2 : i32
      %mul3A_183 = arith.muli %add3A_181, %mul3A_182 : i32
      "tpu.region"() ({
        %run_scoped3A = tpu.sem_alloc : memref<!tpu.dma_semaphore, #tpu.memory_space<semaphore_mem>>
        %dma_start3A = arith.constant 0 : i32
        %dma_start3A_184 = tpu.memref_slice %arg6[%mul3A_183, %dma_start3A] : memref<20000x128xf32, #tpu.memory_space<hbm>> -> memref<32x128xf32, #tpu.memory_space<hbm>>
        %dma_start3A_185 = arith.constant 4976 : i32
        %dma_start3A_186 = arith.constant 0 : i32
        %dma_start3A_187 = tpu.memref_slice %arg14[%dma_start3A_185, %dma_start3A_186] : memref<5024x128xf32, #tpu.memory_space<vmem_shared>> -> memref<32x128xf32, #tpu.memory_space<vmem_shared>>
        tpu.enqueue_dma source(%dma_start3A_187 : memref<32x128xf32, #tpu.memory_space<vmem_shared>>) target(%dma_start3A_184 : memref<32x128xf32, #tpu.memory_space<hbm>>) target_semaphore(%run_scoped3A : memref<!tpu.dma_semaphore, #tpu.memory_space<semaphore_mem>>)
        %dma_wait3A = arith.constant 0 : i32
        %dma_wait3A_188 = tpu.memref_slice %arg6[%mul3A_183, %dma_wait3A] : memref<20000x128xf32, #tpu.memory_space<hbm>> -> memref<32x128xf32, #tpu.memory_space<hbm>>
        %dma_wait3A_189 = arith.constant 4976 : i32
        %dma_wait3A_190 = arith.constant 0 : i32
        %dma_wait3A_191 = tpu.memref_slice %arg14[%dma_wait3A_189, %dma_wait3A_190] : memref<5024x128xf32, #tpu.memory_space<vmem_shared>> -> memref<32x128xf32, #tpu.memory_space<vmem_shared>>
        tpu.wait_dma2 semaphore(%run_scoped3A : memref<!tpu.dma_semaphore, #tpu.memory_space<semaphore_mem>>) src(%dma_wait3A_191 : memref<32x128xf32, #tpu.memory_space<vmem_shared>>) dst(%dma_wait3A_188 : memref<32x128xf32, #tpu.memory_space<hbm>>)
        tpu.yield
      }) : () -> ()
    } else {
    }
    %barrier3A_177 = arith.constant 0 : index
    tpu.barrier barrier_id(%barrier3A_177)
    return
  }
}

#map = affine_map<(d0, d1) -> (0, 0)>
#map1 = affine_map<(d0, d1) -> (0)>
module attributes {stable_mosaic.version = 14 : i64} {
  func.func @_edge_stage(%arg0: i32, %arg1: i32, %arg2: memref<20000x128xf32, #tpu.memory_space<hbm>>, %arg3: memref<655360xi32, #tpu.memory_space<hbm>>, %arg4: memref<655360xi32, #tpu.memory_space<hbm>>, %arg5: memref<8192xi32, #tpu.memory_space<hbm>>, %arg6: memref<20000x128xf32, #tpu.memory_space<hbm>>, %arg7: memref<128xi32, #tpu.memory_space<vmem>>, %arg8: memref<2x128xi32, #tpu.memory_space<vmem>>, %arg9: memref<2x128xi32, #tpu.memory_space<vmem>>, %arg10: memref<2x128xi32, #tpu.memory_space<vmem>>, %arg11: memref<2x128xi32, #tpu.memory_space<vmem>>, %arg12: memref<2x128x128xf32, #tpu.memory_space<vmem>>, %arg13: memref<64x128xf32, #tpu.memory_space<vmem>>, %arg14: memref<5024x128xf32, #tpu.memory_space<vmem_shared>>, %arg15: memref<!tpu.dma_semaphore, #tpu.memory_space<semaphore_mem>>, %arg16: memref<!tpu.dma_semaphore, #tpu.memory_space<semaphore_mem>>) attributes {dimension_semantics = [#tpu.dimension_semantics<core_parallel>, #tpu.dimension_semantics<subcore_parallel>], iteration_bounds = array<i64: 2, 16>, scalar_prefetch = 0 : i64, scratch_operands = 10 : i64, tpu.core_type = #tpu.core_type<sc_vector_subcore>, window_params = [{transform_indices = #map}, {transform_indices = #map1}, {transform_indices = #map1}, {transform_indices = #map1}, {transform_indices = #map}]} {
    %mul3A = arith.constant 16 : i32
    %mul3A_0 = arith.muli %arg0, %mul3A : i32
    %add3A = arith.addi %mul3A_0, %arg1 : i32
    %scan3A = arith.constant 0 : i32
    %scan3A_1 = arith.constant 64 : i32
    %scan3A_2 = arith.addi %scan3A, %scan3A_1 : i32
    %scan3A_3 = arith.constant 1 : i32
    scf.for %scan3A_178 = %scan3A to %scan3A_2 step %scan3A_3  : i32 {
      %mul3A_179 = arith.constant 1 : i32
      %mul3A_180 = arith.muli %scan3A_178, %mul3A_179 : i32
      %add3A_181 = arith.constant 0 : i32
      %add3A_182 = arith.addi %add3A_181, %mul3A_180 : i32
      %scan3A_183 = arith.constant 0 : i32
      %scan3A_184 = arith.constant 8 : i32
      %scan3A_185 = arith.addi %scan3A_183, %scan3A_184 : i32
      %scan3A_186 = arith.constant 1 : i32
      scf.for %scan3A_188 = %scan3A_183 to %scan3A_185 step %scan3A_186  : i32 {
        %mul3A_189 = arith.constant 1 : i32
        %mul3A_190 = arith.muli %scan3A_188, %mul3A_189 : i32
        %add3A_191 = arith.constant 0 : i32
        %add3A_192 = arith.addi %add3A_191, %mul3A_190 : i32
        %broadcast_in_dim3A = arith.constant 0.000000e+00 : f32
        %broadcast_in_dim3A_193 = vector.broadcast %broadcast_in_dim3A : f32 to vector<16xf32>
        %mul3A_194 = arith.constant 16 : i32
        %mul3A_195 = arith.muli %add3A_192, %mul3A_194 : i32
        %swap3A = arith.index_cast %add3A_182 : i32 to index
        %swap3A_196 = arith.index_cast %mul3A_195 : i32 to index
        %swap3A_197 = tpu.vector_load %arg13[%swap3A, %swap3A_196] {strides = array<i32>} : memref<64x128xf32, #tpu.memory_space<vmem>>, vector<16xf32>,
        tpu.vector_store %arg13[%swap3A, %swap3A_196], %broadcast_in_dim3A_193 {strides = array<i32>} : memref<64x128xf32, #tpu.memory_space<vmem>>, vector<16xf32>,
      }
      %scan3A_187 = arith.constant 8 : i32
    }
    %scan3A_4 = arith.constant 64 : i32
    %mul3A_5 = arith.constant 2 : i32
    %mul3A_6 = arith.muli %mul3A_5, %arg0 : i32
    %add3A_7 = arith.constant 0 : i32
    %add3A_8 = arith.addi %mul3A_6, %add3A_7 : i32
    %mul3A_9 = arith.constant 2 : i32
    %mul3A_10 = arith.muli %add3A, %mul3A_9 : i32
    %add3A_11 = arith.constant 0 : i32
    %add3A_12 = arith.addi %mul3A_10, %add3A_11 : i32
    %mul3A_13 = arith.constant 128 : i32
    %mul3A_14 = arith.muli %add3A_12, %mul3A_13 : i32
    "tpu.region"() ({
      %run_scoped3A = tpu.sem_alloc : memref<!tpu.dma_semaphore, #tpu.memory_space<semaphore_mem>>
      %dma_start3A = tpu.memref_slice %arg5[%mul3A_14] : memref<8192xi32, #tpu.memory_space<hbm>> -> memref<128xi32, #tpu.memory_space<hbm>>
      %dma_start3A_178 = tpu.memref_slice %arg5[%mul3A_14] : memref<8192xi32, #tpu.memory_space<hbm>> -> memref<128xi32, #tpu.memory_space<hbm>>
      tpu.enqueue_dma source(%dma_start3A_178 : memref<128xi32, #tpu.memory_space<hbm>>) target(%arg7 : memref<128xi32, #tpu.memory_space<vmem>>) target_semaphore(%run_scoped3A : memref<!tpu.dma_semaphore, #tpu.memory_space<semaphore_mem>>)
      %dma_wait3A = tpu.memref_slice %arg5[%mul3A_14] : memref<8192xi32, #tpu.memory_space<hbm>> -> memref<128xi32, #tpu.memory_space<hbm>>
      %dma_wait3A_179 = tpu.memref_slice %arg5[%mul3A_14] : memref<8192xi32, #tpu.memory_space<hbm>> -> memref<128xi32, #tpu.memory_space<hbm>>
      tpu.wait_dma2 semaphore(%run_scoped3A : memref<!tpu.dma_semaphore, #tpu.memory_space<semaphore_mem>>) src(%dma_wait3A_179 : memref<128xi32, #tpu.memory_space<hbm>>) dst(%arg7 : memref<128xi32, #tpu.memory_space<vmem>>)
      tpu.yield
    }) : () -> ()
    %get3A = arith.constant 0 : index
    %get3A_15 = tpu.vector_load %arg7[%get3A] {strides = array<i32>} : memref<128xi32, #tpu.memory_space<vmem>>, vector<16xi32>,
    %slice3A = vector.extract_strided_slice %get3A_15 {offsets = [0], sizes = [1], strides = [1]} : vector<16xi32> to vector<1xi32>
    %squeeze3A = vector.extract %slice3A[0] : i32 from vector<1xi32>
    %jit3A = arith.constant 128 : i32
    %div3A = arith.divsi %squeeze3A, %jit3A : i32
    %sign3A = arith.constant 0 : i32
    %sign3A_16 = arith.cmpi sgt, %squeeze3A, %sign3A : i32
    %sign3A_17 = arith.extui %sign3A_16 : i1 to i32
    %sign3A_18 = arith.constant 0 : i32
    %sign3A_19 = arith.cmpi slt, %squeeze3A, %sign3A_18 : i32
    %sign3A_20 = arith.extui %sign3A_19 : i1 to i32
    %sign3A_21 = arith.subi %sign3A_17, %sign3A_20 : i32
    %sign3A_22 = arith.constant 0 : i32
    %sign3A_23 = arith.cmpi sgt, %jit3A, %sign3A_22 : i32
    %sign3A_24 = arith.extui %sign3A_23 : i1 to i32
    %sign3A_25 = arith.constant 0 : i32
    %sign3A_26 = arith.cmpi slt, %jit3A, %sign3A_25 : i32
    %sign3A_27 = arith.extui %sign3A_26 : i1 to i32
    %sign3A_28 = arith.subi %sign3A_24, %sign3A_27 : i32
    %ne3A = arith.cmpi ne, %sign3A_21, %sign3A_28 : i32
    %rem3A = arith.remsi %squeeze3A, %jit3A : i32
    %ne3A_29 = arith.constant 0 : i32
    %ne3A_30 = arith.cmpi ne, %rem3A, %ne3A_29 : i32
    %and3A = arith.andi %ne3A, %ne3A_30 : i1
    %sub3A = arith.constant 1 : i32
    %sub3A_31 = arith.subi %div3A, %sub3A : i32
    %select_n3A = arith.select %and3A, %sub3A_31, %div3A : i32
    %mul3A_32 = arith.constant 152 : i32
    %mul3A_33 = arith.muli %arg1, %mul3A_32 : i32
    %mul3A_34 = arith.constant 2 : i32
    %mul3A_35 = arith.muli %mul3A_33, %mul3A_34 : i32
    %scan3A_36 = arith.constant 0 : i32
    %scan3A_37 = arith.constant 4 : i32
    %scan3A_38 = arith.addi %scan3A_36, %scan3A_37 : i32
    %scan3A_39 = arith.constant 1 : i32
    scf.for %scan3A_178 = %scan3A_36 to %scan3A_38 step %scan3A_39  : i32 {
      %mul3A_179 = arith.constant 1 : i32
      %mul3A_180 = arith.muli %scan3A_178, %mul3A_179 : i32
      %add3A_181 = arith.constant 0 : i32
      %add3A_182 = arith.addi %add3A_181, %mul3A_180 : i32
      %mul3A_183 = arith.constant 64 : i32
      %mul3A_184 = arith.muli %add3A_182, %mul3A_183 : i32
      %add3A_185 = arith.addi %mul3A_35, %mul3A_184 : i32
      "tpu.region"() ({
        %run_scoped3A = tpu.sem_alloc : memref<!tpu.dma_semaphore, #tpu.memory_space<semaphore_mem>>
        %dma_start3A = arith.constant 0 : i32
        %dma_start3A_186 = tpu.memref_slice %arg14[%add3A_185, %dma_start3A] : memref<5024x128xf32, #tpu.memory_space<vmem_shared>> -> memref<64x128xf32, #tpu.memory_space<vmem_shared>>
        %dma_start3A_187 = arith.constant 0 : i32
        %dma_start3A_188 = tpu.memref_slice %arg14[%add3A_185, %dma_start3A_187] : memref<5024x128xf32, #tpu.memory_space<vmem_shared>> -> memref<64x128xf32, #tpu.memory_space<vmem_shared>>
        tpu.enqueue_dma source(%arg13 : memref<64x128xf32, #tpu.memory_space<vmem>>) target(%dma_start3A_188 : memref<64x128xf32, #tpu.memory_space<vmem_shared>>) target_semaphore(%run_scoped3A : memref<!tpu.dma_semaphore, #tpu.memory_space<semaphore_mem>>)
        %dma_wait3A = arith.constant 0 : i32
        %dma_wait3A_189 = tpu.memref_slice %arg14[%add3A_185, %dma_wait3A] : memref<5024x128xf32, #tpu.memory_space<vmem_shared>> -> memref<64x128xf32, #tpu.memory_space<vmem_shared>>
        %dma_wait3A_190 = arith.constant 0 : i32
        %dma_wait3A_191 = tpu.memref_slice %arg14[%add3A_185, %dma_wait3A_190] : memref<5024x128xf32, #tpu.memory_space<vmem_shared>> -> memref<64x128xf32, #tpu.memory_space<vmem_shared>>
        tpu.wait_dma2 semaphore(%run_scoped3A : memref<!tpu.dma_semaphore, #tpu.memory_space<semaphore_mem>>) src(%arg13 : memref<64x128xf32, #tpu.memory_space<vmem>>) dst(%dma_wait3A_191 : memref<64x128xf32, #tpu.memory_space<vmem_shared>>)
        tpu.yield
      }) : () -> ()
    }
    %scan3A_40 = arith.constant 4 : i32
    %add3A_41 = arith.constant 256 : i32
    %add3A_42 = arith.addi %mul3A_35, %add3A_41 : i32
    "tpu.region"() ({
      %run_scoped3A = tpu.sem_alloc : memref<!tpu.dma_semaphore, #tpu.memory_space<semaphore_mem>>
      %dma_start3A = arith.constant 0 : i32
      %dma_start3A_178 = arith.constant 0 : i32
      %dma_start3A_179 = tpu.memref_slice %arg13[%dma_start3A, %dma_start3A_178] : memref<64x128xf32, #tpu.memory_space<vmem>> -> memref<48x128xf32, #tpu.memory_space<vmem>>
      %dma_start3A_180 = arith.constant 0 : i32
      %dma_start3A_181 = tpu.memref_slice %arg14[%add3A_42, %dma_start3A_180] : memref<5024x128xf32, #tpu.memory_space<vmem_shared>> -> memref<48x128xf32, #tpu.memory_space<vmem_shared>>
      %dma_start3A_182 = arith.constant 0 : i32
      %dma_start3A_183 = tpu.memref_slice %arg14[%add3A_42, %dma_start3A_182] : memref<5024x128xf32, #tpu.memory_space<vmem_shared>> -> memref<48x128xf32, #tpu.memory_space<vmem_shared>>
      %dma_start3A_184 = arith.constant 0 : i32
      %dma_start3A_185 = arith.constant 0 : i32
      %dma_start3A_186 = tpu.memref_slice %arg13[%dma_start3A_184, %dma_start3A_185] : memref<64x128xf32, #tpu.memory_space<vmem>> -> memref<48x128xf32, #tpu.memory_space<vmem>>
      tpu.enqueue_dma source(%dma_start3A_186 : memref<48x128xf32, #tpu.memory_space<vmem>>) target(%dma_start3A_183 : memref<48x128xf32, #tpu.memory_space<vmem_shared>>) target_semaphore(%run_scoped3A : memref<!tpu.dma_semaphore, #tpu.memory_space<semaphore_mem>>)
      %dma_wait3A = arith.constant 0 : i32
      %dma_wait3A_187 = arith.constant 0 : i32
      %dma_wait3A_188 = tpu.memref_slice %arg13[%dma_wait3A, %dma_wait3A_187] : memref<64x128xf32, #tpu.memory_space<vmem>> -> memref<48x128xf32, #tpu.memory_space<vmem>>
      %dma_wait3A_189 = arith.constant 0 : i32
      %dma_wait3A_190 = tpu.memref_slice %arg14[%add3A_42, %dma_wait3A_189] : memref<5024x128xf32, #tpu.memory_space<vmem_shared>> -> memref<48x128xf32, #tpu.memory_space<vmem_shared>>
      %dma_wait3A_191 = arith.constant 0 : i32
      %dma_wait3A_192 = tpu.memref_slice %arg14[%add3A_42, %dma_wait3A_191] : memref<5024x128xf32, #tpu.memory_space<vmem_shared>> -> memref<48x128xf32, #tpu.memory_space<vmem_shared>>
      %dma_wait3A_193 = arith.constant 0 : i32
      %dma_wait3A_194 = arith.constant 0 : i32
      %dma_wait3A_195 = tpu.memref_slice %arg13[%dma_wait3A_193, %dma_wait3A_194] : memref<64x128xf32, #tpu.memory_space<vmem>> -> memref<48x128xf32, #tpu.memory_space<vmem>>
      tpu.wait_dma2 semaphore(%run_scoped3A : memref<!tpu.dma_semaphore, #tpu.memory_space<semaphore_mem>>) src(%dma_wait3A_195 : memref<48x128xf32, #tpu.memory_space<vmem>>) dst(%dma_wait3A_192 : memref<48x128xf32, #tpu.memory_space<vmem_shared>>)
      tpu.yield
    }) : () -> ()
    %eq3A = arith.constant 0 : i32
    %eq3A_43 = arith.cmpi eq, %arg1, %eq3A : i32
    %convert_element_type3A = arith.extui %eq3A_43 : i1 to i32
    %cond3A = arith.constant 0 : i32
    %cond3A_44 = arith.cmpi ne, %convert_element_type3A, %cond3A : i32
    scf.if %cond3A_44 {
      "tpu.region"() ({
        %run_scoped3A = tpu.sem_alloc : memref<!tpu.dma_semaphore, #tpu.memory_space<semaphore_mem>>
        %dma_start3A = arith.constant 4864 : i32
        %dma_start3A_178 = arith.constant 0 : i32
        %dma_start3A_179 = tpu.memref_slice %arg14[%dma_start3A, %dma_start3A_178] : memref<5024x128xf32, #tpu.memory_space<vmem_shared>> -> memref<64x128xf32, #tpu.memory_space<vmem_shared>>
        %dma_start3A_180 = arith.constant 4864 : i32
        %dma_start3A_181 = arith.constant 0 : i32
        %dma_start3A_182 = tpu.memref_slice %arg14[%dma_start3A_180, %dma_start3A_181] : memref<5024x128xf32, #tpu.memory_space<vmem_shared>> -> memref<64x128xf32, #tpu.memory_space<vmem_shared>>
        tpu.enqueue_dma source(%arg13 : memref<64x128xf32, #tpu.memory_space<vmem>>) target(%dma_start3A_182 : memref<64x128xf32, #tpu.memory_space<vmem_shared>>) target_semaphore(%run_scoped3A : memref<!tpu.dma_semaphore, #tpu.memory_space<semaphore_mem>>)
        %dma_wait3A = arith.constant 4864 : i32
        %dma_wait3A_183 = arith.constant 0 : i32
        %dma_wait3A_184 = tpu.memref_slice %arg14[%dma_wait3A, %dma_wait3A_183] : memref<5024x128xf32, #tpu.memory_space<vmem_shared>> -> memref<64x128xf32, #tpu.memory_space<vmem_shared>>
        %dma_wait3A_185 = arith.constant 4864 : i32
        %dma_wait3A_186 = arith.constant 0 : i32
        %dma_wait3A_187 = tpu.memref_slice %arg14[%dma_wait3A_185, %dma_wait3A_186] : memref<5024x128xf32, #tpu.memory_space<vmem_shared>> -> memref<64x128xf32, #tpu.memory_space<vmem_shared>>
        tpu.wait_dma2 semaphore(%run_scoped3A : memref<!tpu.dma_semaphore, #tpu.memory_space<semaphore_mem>>) src(%arg13 : memref<64x128xf32, #tpu.memory_space<vmem>>) dst(%dma_wait3A_187 : memref<64x128xf32, #tpu.memory_space<vmem_shared>>)
        tpu.yield
      }) : () -> ()
      "tpu.region"() ({
        %run_scoped3A = tpu.sem_alloc : memref<!tpu.dma_semaphore, #tpu.memory_space<semaphore_mem>>
        %dma_start3A = arith.constant 4928 : i32
        %dma_start3A_178 = arith.constant 0 : i32
        %dma_start3A_179 = tpu.memref_slice %arg14[%dma_start3A, %dma_start3A_178] : memref<5024x128xf32, #tpu.memory_space<vmem_shared>> -> memref<64x128xf32, #tpu.memory_space<vmem_shared>>
        %dma_start3A_180 = arith.constant 4928 : i32
        %dma_start3A_181 = arith.constant 0 : i32
        %dma_start3A_182 = tpu.memref_slice %arg14[%dma_start3A_180, %dma_start3A_181] : memref<5024x128xf32, #tpu.memory_space<vmem_shared>> -> memref<64x128xf32, #tpu.memory_space<vmem_shared>>
        tpu.enqueue_dma source(%arg13 : memref<64x128xf32, #tpu.memory_space<vmem>>) target(%dma_start3A_182 : memref<64x128xf32, #tpu.memory_space<vmem_shared>>) target_semaphore(%run_scoped3A : memref<!tpu.dma_semaphore, #tpu.memory_space<semaphore_mem>>)
        %dma_wait3A = arith.constant 4928 : i32
        %dma_wait3A_183 = arith.constant 0 : i32
        %dma_wait3A_184 = tpu.memref_slice %arg14[%dma_wait3A, %dma_wait3A_183] : memref<5024x128xf32, #tpu.memory_space<vmem_shared>> -> memref<64x128xf32, #tpu.memory_space<vmem_shared>>
        %dma_wait3A_185 = arith.constant 4928 : i32
        %dma_wait3A_186 = arith.constant 0 : i32
        %dma_wait3A_187 = tpu.memref_slice %arg14[%dma_wait3A_185, %dma_wait3A_186] : memref<5024x128xf32, #tpu.memory_space<vmem_shared>> -> memref<64x128xf32, #tpu.memory_space<vmem_shared>>
        tpu.wait_dma2 semaphore(%run_scoped3A : memref<!tpu.dma_semaphore, #tpu.memory_space<semaphore_mem>>) src(%arg13 : memref<64x128xf32, #tpu.memory_space<vmem>>) dst(%dma_wait3A_187 : memref<64x128xf32, #tpu.memory_space<vmem_shared>>)
        tpu.yield
      }) : () -> ()
      "tpu.region"() ({
        %run_scoped3A = tpu.sem_alloc : memref<!tpu.dma_semaphore, #tpu.memory_space<semaphore_mem>>
        %dma_start3A = arith.constant 0 : i32
        %dma_start3A_178 = arith.constant 0 : i32
        %dma_start3A_179 = tpu.memref_slice %arg13[%dma_start3A, %dma_start3A_178] : memref<64x128xf32, #tpu.memory_space<vmem>> -> memref<32x128xf32, #tpu.memory_space<vmem>>
        %dma_start3A_180 = arith.constant 4992 : i32
        %dma_start3A_181 = arith.constant 0 : i32
        %dma_start3A_182 = tpu.memref_slice %arg14[%dma_start3A_180, %dma_start3A_181] : memref<5024x128xf32, #tpu.memory_space<vmem_shared>> -> memref<32x128xf32, #tpu.memory_space<vmem_shared>>
        %dma_start3A_183 = arith.constant 4992 : i32
        %dma_start3A_184 = arith.constant 0 : i32
        %dma_start3A_185 = tpu.memref_slice %arg14[%dma_start3A_183, %dma_start3A_184] : memref<5024x128xf32, #tpu.memory_space<vmem_shared>> -> memref<32x128xf32, #tpu.memory_space<vmem_shared>>
        %dma_start3A_186 = arith.constant 0 : i32
        %dma_start3A_187 = arith.constant 0 : i32
        %dma_start3A_188 = tpu.memref_slice %arg13[%dma_start3A_186, %dma_start3A_187] : memref<64x128xf32, #tpu.memory_space<vmem>> -> memref<32x128xf32, #tpu.memory_space<vmem>>
        tpu.enqueue_dma source(%dma_start3A_188 : memref<32x128xf32, #tpu.memory_space<vmem>>) target(%dma_start3A_185 : memref<32x128xf32, #tpu.memory_space<vmem_shared>>) target_semaphore(%run_scoped3A : memref<!tpu.dma_semaphore, #tpu.memory_space<semaphore_mem>>)
        %dma_wait3A = arith.constant 0 : i32
        %dma_wait3A_189 = arith.constant 0 : i32
        %dma_wait3A_190 = tpu.memref_slice %arg13[%dma_wait3A, %dma_wait3A_189] : memref<64x128xf32, #tpu.memory_space<vmem>> -> memref<32x128xf32, #tpu.memory_space<vmem>>
        %dma_wait3A_191 = arith.constant 4992 : i32
        %dma_wait3A_192 = arith.constant 0 : i32
        %dma_wait3A_193 = tpu.memref_slice %arg14[%dma_wait3A_191, %dma_wait3A_192] : memref<5024x128xf32, #tpu.memory_space<vmem_shared>> -> memref<32x128xf32, #tpu.memory_space<vmem_shared>>
        %dma_wait3A_194 = arith.constant 4992 : i32
        %dma_wait3A_195 = arith.constant 0 : i32
        %dma_wait3A_196 = tpu.memref_slice %arg14[%dma_wait3A_194, %dma_wait3A_195] : memref<5024x128xf32, #tpu.memory_space<vmem_shared>> -> memref<32x128xf32, #tpu.memory_space<vmem_shared>>
        %dma_wait3A_197 = arith.constant 0 : i32
        %dma_wait3A_198 = arith.constant 0 : i32
        %dma_wait3A_199 = tpu.memref_slice %arg13[%dma_wait3A_197, %dma_wait3A_198] : memref<64x128xf32, #tpu.memory_space<vmem>> -> memref<32x128xf32, #tpu.memory_space<vmem>>
        tpu.wait_dma2 semaphore(%run_scoped3A : memref<!tpu.dma_semaphore, #tpu.memory_space<semaphore_mem>>) src(%dma_wait3A_199 : memref<32x128xf32, #tpu.memory_space<vmem>>) dst(%dma_wait3A_196 : memref<32x128xf32, #tpu.memory_space<vmem_shared>>)
        tpu.yield
      }) : () -> ()
    } else {
    }
    %barrier3A = arith.constant 0 : index
    tpu.barrier barrier_id(%barrier3A)
    %mul3A_45 = arith.constant 2 : i32
    %mul3A_46 = arith.muli %add3A, %mul3A_45 : i32
    %add3A_47 = arith.constant 0 : i32
    %add3A_48 = arith.addi %mul3A_46, %add3A_47 : i32
    %mul3A_49 = arith.constant 10240 : i32
    %mul3A_50 = arith.muli %add3A_48, %mul3A_49 : i32
    %while3A = arith.constant 0 : i32
    %while3A_51 = arith.constant 0 : i32
    %while3A_52 = arith.subi %select_n3A, %while3A : i32
    %while3A_53 = arith.addi %while3A, %while3A_52 : i32
    %while3A_54 = arith.constant 1 : i32
    %while3A_55 = arith.divsi %while3A_52, %while3A_54 : i32
    %while3A_56 = arith.muli %while3A_55, %while3A_54 : i32
    %while3A_57 = arith.addi %while3A, %while3A_56 : i32
    %while3A_58 = arith.constant 1 : i32
    %while3A_59 = scf.for %while3A_178 = %while3A to %while3A_57 step %while3A_58 iter_args(%while3A_179 = %while3A_51) -> (i32)  : i32 {
      %mul3A_180 = arith.constant 128 : i32
      %mul3A_181 = arith.muli %while3A_178, %mul3A_180 : i32
      %add3A_182 = arith.addi %mul3A_50, %mul3A_181 : i32
      %run_scoped3A = arith.constant 0 : i32
      "tpu.region"() ({
        %run_scoped3A_243 = tpu.sem_alloc : memref<!tpu.dma_semaphore, #tpu.memory_space<semaphore_mem>>
        %dma_start3A_244 = arith.constant 0 : i32
        %dma_start3A_245 = tpu.memref_slice %arg8[%run_scoped3A, %dma_start3A_244] : memref<2x128xi32, #tpu.memory_space<vmem>> -> memref<1x128xi32, #tpu.memory_space<vmem>>
        %dma_start3A_246 = tpu.memref_squeeze %dma_start3A_245 : memref<1x128xi32, #tpu.memory_space<vmem>> -> memref<128xi32, #tpu.memory_space<vmem>>
        %dma_start3A_247 = tpu.memref_slice %arg3[%add3A_182] : memref<655360xi32, #tpu.memory_space<hbm>> -> memref<128xi32, #tpu.memory_space<hbm>>
        %dma_start3A_248 = arith.constant 0 : i32
        %dma_start3A_249 = tpu.memref_slice %arg8[%run_scoped3A, %dma_start3A_248] : memref<2x128xi32, #tpu.memory_space<vmem>> -> memref<1x128xi32, #tpu.memory_space<vmem>>
        %dma_start3A_250 = tpu.memref_squeeze %dma_start3A_249 : memref<1x128xi32, #tpu.memory_space<vmem>> -> memref<128xi32, #tpu.memory_space<vmem>>
        %dma_start3A_251 = tpu.memref_slice %arg3[%add3A_182] : memref<655360xi32, #tpu.memory_space<hbm>> -> memref<128xi32, #tpu.memory_space<hbm>>
        tpu.enqueue_dma source(%dma_start3A_251 : memref<128xi32, #tpu.memory_space<hbm>>) target(%dma_start3A_250 : memref<128xi32, #tpu.memory_space<vmem>>) target_semaphore(%run_scoped3A_243 : memref<!tpu.dma_semaphore, #tpu.memory_space<semaphore_mem>>)
        %dma_wait3A_252 = arith.constant 0 : i32
        %dma_wait3A_253 = tpu.memref_slice %arg8[%run_scoped3A, %dma_wait3A_252] : memref<2x128xi32, #tpu.memory_space<vmem>> -> memref<1x128xi32, #tpu.memory_space<vmem>>
        %dma_wait3A_254 = tpu.memref_squeeze %dma_wait3A_253 : memref<1x128xi32, #tpu.memory_space<vmem>> -> memref<128xi32, #tpu.memory_space<vmem>>
        %dma_wait3A_255 = tpu.memref_slice %arg3[%add3A_182] : memref<655360xi32, #tpu.memory_space<hbm>> -> memref<128xi32, #tpu.memory_space<hbm>>
        %dma_wait3A_256 = arith.constant 0 : i32
        %dma_wait3A_257 = tpu.memref_slice %arg8[%run_scoped3A, %dma_wait3A_256] : memref<2x128xi32, #tpu.memory_space<vmem>> -> memref<1x128xi32, #tpu.memory_space<vmem>>
        %dma_wait3A_258 = tpu.memref_squeeze %dma_wait3A_257 : memref<1x128xi32, #tpu.memory_space<vmem>> -> memref<128xi32, #tpu.memory_space<vmem>>
        %dma_wait3A_259 = tpu.memref_slice %arg3[%add3A_182] : memref<655360xi32, #tpu.memory_space<hbm>> -> memref<128xi32, #tpu.memory_space<hbm>>
        tpu.wait_dma2 semaphore(%run_scoped3A_243 : memref<!tpu.dma_semaphore, #tpu.memory_space<semaphore_mem>>) src(%dma_wait3A_259 : memref<128xi32, #tpu.memory_space<hbm>>) dst(%dma_wait3A_258 : memref<128xi32, #tpu.memory_space<vmem>>)
        tpu.yield
      }) : () -> ()
      %mul3A_183 = arith.constant 128 : i32
      %mul3A_184 = arith.muli %while3A_178, %mul3A_183 : i32
      %add3A_185 = arith.addi %mul3A_50, %mul3A_184 : i32
      %run_scoped3A_186 = arith.constant 0 : i32
      "tpu.region"() ({
        %run_scoped3A_243 = tpu.sem_alloc : memref<!tpu.dma_semaphore, #tpu.memory_space<semaphore_mem>>
        %dma_start3A_244 = arith.constant 0 : i32
        %dma_start3A_245 = tpu.memref_slice %arg9[%run_scoped3A_186, %dma_start3A_244] : memref<2x128xi32, #tpu.memory_space<vmem>> -> memref<1x128xi32, #tpu.memory_space<vmem>>
        %dma_start3A_246 = tpu.memref_squeeze %dma_start3A_245 : memref<1x128xi32, #tpu.memory_space<vmem>> -> memref<128xi32, #tpu.memory_space<vmem>>
        %dma_start3A_247 = tpu.memref_slice %arg4[%add3A_185] : memref<655360xi32, #tpu.memory_space<hbm>> -> memref<128xi32, #tpu.memory_space<hbm>>
        %dma_start3A_248 = arith.constant 0 : i32
        %dma_start3A_249 = tpu.memref_slice %arg9[%run_scoped3A_186, %dma_start3A_248] : memref<2x128xi32, #tpu.memory_space<vmem>> -> memref<1x128xi32, #tpu.memory_space<vmem>>
        %dma_start3A_250 = tpu.memref_squeeze %dma_start3A_249 : memref<1x128xi32, #tpu.memory_space<vmem>> -> memref<128xi32, #tpu.memory_space<vmem>>
        %dma_start3A_251 = tpu.memref_slice %arg4[%add3A_185] : memref<655360xi32, #tpu.memory_space<hbm>> -> memref<128xi32, #tpu.memory_space<hbm>>
        tpu.enqueue_dma source(%dma_start3A_251 : memref<128xi32, #tpu.memory_space<hbm>>) target(%dma_start3A_250 : memref<128xi32, #tpu.memory_space<vmem>>) target_semaphore(%run_scoped3A_243 : memref<!tpu.dma_semaphore, #tpu.memory_space<semaphore_mem>>)
        %dma_wait3A_252 = arith.constant 0 : i32
        %dma_wait3A_253 = tpu.memref_slice %arg9[%run_scoped3A_186, %dma_wait3A_252] : memref<2x128xi32, #tpu.memory_space<vmem>> -> memref<1x128xi32, #tpu.memory_space<vmem>>
        %dma_wait3A_254 = tpu.memref_squeeze %dma_wait3A_253 : memref<1x128xi32, #tpu.memory_space<vmem>> -> memref<128xi32, #tpu.memory_space<vmem>>
        %dma_wait3A_255 = tpu.memref_slice %arg4[%add3A_185] : memref<655360xi32, #tpu.memory_space<hbm>> -> memref<128xi32, #tpu.memory_space<hbm>>
        %dma_wait3A_256 = arith.constant 0 : i32
        %dma_wait3A_257 = tpu.memref_slice %arg9[%run_scoped3A_186, %dma_wait3A_256] : memref<2x128xi32, #tpu.memory_space<vmem>> -> memref<1x128xi32, #tpu.memory_space<vmem>>
        %dma_wait3A_258 = tpu.memref_squeeze %dma_wait3A_257 : memref<1x128xi32, #tpu.memory_space<vmem>> -> memref<128xi32, #tpu.memory_space<vmem>>
        %dma_wait3A_259 = tpu.memref_slice %arg4[%add3A_185] : memref<655360xi32, #tpu.memory_space<hbm>> -> memref<128xi32, #tpu.memory_space<hbm>>
        tpu.wait_dma2 semaphore(%run_scoped3A_243 : memref<!tpu.dma_semaphore, #tpu.memory_space<semaphore_mem>>) src(%dma_wait3A_259 : memref<128xi32, #tpu.memory_space<hbm>>) dst(%dma_wait3A_258 : memref<128xi32, #tpu.memory_space<vmem>>)
        tpu.yield
      }) : () -> ()
      %scan3A_187 = arith.constant 0 : i32
      %scan3A_188 = arith.constant 8 : i32
      %scan3A_189 = arith.addi %scan3A_187, %scan3A_188 : i32
      %scan3A_190 = arith.constant 1 : i32
      scf.for %scan3A_243 = %scan3A_187 to %scan3A_189 step %scan3A_190  : i32 {
        %mul3A_244 = arith.constant 1 : i32
        %mul3A_245 = arith.muli %scan3A_243, %mul3A_244 : i32
        %add3A_246 = arith.constant 0 : i32
        %add3A_247 = arith.addi %add3A_246, %mul3A_245 : i32
        %mul3A_248 = arith.constant 16 : i32
        %mul3A_249 = arith.muli %add3A_247, %mul3A_248 : i32
        %get3A_250 = arith.constant 0 : i32
        %get3A_251 = arith.index_cast %get3A_250 : i32 to index
        %get3A_252 = arith.index_cast %mul3A_249 : i32 to index
        %get3A_253 = tpu.vector_load %arg8[%get3A_251, %get3A_252] {strides = array<i32>} : memref<2x128xi32, #tpu.memory_space<vmem>>, vector<16xi32>,
        %mul3A_254 = arith.constant 2 : i32
        %mul3A_255 = vector.broadcast %mul3A_254 : i32 to vector<16xi32>
        %mul3A_256 = arith.muli %get3A_253, %mul3A_255 : vector<16xi32>
        %mul3A_257 = arith.constant 16 : i32
        %mul3A_258 = arith.muli %add3A_247, %mul3A_257 : i32
        %get3A_259 = arith.constant 0 : i32
        %get3A_260 = arith.index_cast %get3A_259 : i32 to index
        %get3A_261 = arith.index_cast %mul3A_258 : i32 to index
        %get3A_262 = tpu.vector_load %arg9[%get3A_260, %get3A_261] {strides = array<i32>} : memref<2x128xi32, #tpu.memory_space<vmem>>, vector<16xi32>,
        %mul3A_263 = arith.constant 2 : i32
        %mul3A_264 = vector.broadcast %mul3A_263 : i32 to vector<16xi32>
        %mul3A_265 = arith.muli %get3A_262, %mul3A_264 : vector<16xi32>
        %mul3A_266 = arith.constant 16 : i32
        %mul3A_267 = arith.muli %add3A_247, %mul3A_266 : i32
        %swap3A = arith.constant 0 : i32
        %swap3A_268 = arith.index_cast %swap3A : i32 to index
        %swap3A_269 = arith.index_cast %mul3A_267 : i32 to index
        %swap3A_270 = tpu.vector_load %arg10[%swap3A_268, %swap3A_269] {strides = array<i32>} : memref<2x128xi32, #tpu.memory_space<vmem>>, vector<16xi32>,
        tpu.vector_store %arg10[%swap3A_268, %swap3A_269], %mul3A_256 {strides = array<i32>} : memref<2x128xi32, #tpu.memory_space<vmem>>, vector<16xi32>,
        %add3A_271 = arith.constant 1 : i32
        %add3A_272 = vector.broadcast %add3A_271 : i32 to vector<16xi32>
        %add3A_273 = arith.addi %mul3A_256, %add3A_272 : vector<16xi32>
        %mul3A_274 = arith.constant 16 : i32
        %mul3A_275 = arith.muli %add3A_247, %mul3A_274 : i32
        %swap3A_276 = arith.constant 1 : i32
        %swap3A_277 = arith.index_cast %swap3A_276 : i32 to index
        %swap3A_278 = arith.index_cast %mul3A_275 : i32 to index
        %swap3A_279 = tpu.vector_load %arg10[%swap3A_277, %swap3A_278] {strides = array<i32>} : memref<2x128xi32, #tpu.memory_space<vmem>>, vector<16xi32>,
        tpu.vector_store %arg10[%swap3A_277, %swap3A_278], %add3A_273 {strides = array<i32>} : memref<2x128xi32, #tpu.memory_space<vmem>>, vector<16xi32>,
        %mul3A_280 = arith.constant 16 : i32
        %mul3A_281 = arith.muli %add3A_247, %mul3A_280 : i32
        %swap3A_282 = arith.constant 0 : i32
        %swap3A_283 = arith.index_cast %swap3A_282 : i32 to index
        %swap3A_284 = arith.index_cast %mul3A_281 : i32 to index
        %swap3A_285 = tpu.vector_load %arg11[%swap3A_283, %swap3A_284] {strides = array<i32>} : memref<2x128xi32, #tpu.memory_space<vmem>>, vector<16xi32>,
        tpu.vector_store %arg11[%swap3A_283, %swap3A_284], %mul3A_265 {strides = array<i32>} : memref<2x128xi32, #tpu.memory_space<vmem>>, vector<16xi32>,
        %add3A_286 = arith.constant 1 : i32
        %add3A_287 = vector.broadcast %add3A_286 : i32 to vector<16xi32>
        %add3A_288 = arith.addi %mul3A_265, %add3A_287 : vector<16xi32>
        %mul3A_289 = arith.constant 16 : i32
        %mul3A_290 = arith.muli %add3A_247, %mul3A_289 : i32
        %swap3A_291 = arith.constant 1 : i32
        %swap3A_292 = arith.index_cast %swap3A_291 : i32 to index
        %swap3A_293 = arith.index_cast %mul3A_290 : i32 to index
        %swap3A_294 = tpu.vector_load %arg11[%swap3A_292, %swap3A_293] {strides = array<i32>} : memref<2x128xi32, #tpu.memory_space<vmem>>, vector<16xi32>,
        tpu.vector_store %arg11[%swap3A_292, %swap3A_293], %add3A_288 {strides = array<i32>} : memref<2x128xi32, #tpu.memory_space<vmem>>, vector<16xi32>,
      }
      %scan3A_191 = arith.constant 8 : i32
      %dma_start3A = arith.constant 0 : i32
      %dma_start3A_192 = arith.constant 0 : i32
      %dma_start3A_193 = arith.constant 0 : i32
      %dma_start3A_194 = arith.constant 0 : i32
      %dma_start3A_195 = tpu.memref_slice %arg12[%dma_start3A_192, %dma_start3A_193, %dma_start3A_194] : memref<2x128x128xf32, #tpu.memory_space<vmem>> -> memref<1x128x128xf32, #tpu.memory_space<vmem>>
      %dma_start3A_196 = tpu.memref_squeeze %dma_start3A_195 : memref<1x128x128xf32, #tpu.memory_space<vmem>> -> memref<128x128xf32, #tpu.memory_space<vmem>>
      %dma_start3A_197 = arith.constant 0 : i32
      %dma_start3A_198 = tpu.memref_slice %arg10[%dma_start3A, %dma_start3A_197] : memref<2x128xi32, #tpu.memory_space<vmem>> -> memref<1x128xi32, #tpu.memory_space<vmem>>
      %dma_start3A_199 = tpu.memref_squeeze %dma_start3A_198 : memref<1x128xi32, #tpu.memory_space<vmem>> -> memref<128xi32, #tpu.memory_space<vmem>>
      %dma_start3A_200 = arith.constant 0 : i32
      %dma_start3A_201 = arith.constant 0 : i32
      %dma_start3A_202 = tpu.memref_slice %arg2[%dma_start3A_200, %dma_start3A_201] : memref<20000x128xf32, #tpu.memory_space<hbm>> -> memref<20000x128xf32, #tpu.memory_space<hbm>>
      tpu.enqueue_indirect_dma source(%dma_start3A_202 : memref<20000x128xf32, #tpu.memory_space<hbm>>) target(%dma_start3A_196 : memref<128x128xf32, #tpu.memory_space<vmem>>) offsets(%dma_start3A_199 : memref<128xi32, #tpu.memory_space<vmem>>) semaphore(%arg15 : memref<!tpu.dma_semaphore, #tpu.memory_space<semaphore_mem>>)
      %dma_start3A_203 = arith.constant 1 : i32
      %dma_start3A_204 = arith.constant 1 : i32
      %dma_start3A_205 = arith.constant 0 : i32
      %dma_start3A_206 = arith.constant 0 : i32
      %dma_start3A_207 = tpu.memref_slice %arg12[%dma_start3A_204, %dma_start3A_205, %dma_start3A_206] : memref<2x128x128xf32, #tpu.memory_space<vmem>> -> memref<1x128x128xf32, #tpu.memory_space<vmem>>
      %dma_start3A_208 = tpu.memref_squeeze %dma_start3A_207 : memref<1x128x128xf32, #tpu.memory_space<vmem>> -> memref<128x128xf32, #tpu.memory_space<vmem>>
      %dma_start3A_209 = arith.constant 0 : i32
      %dma_start3A_210 = tpu.memref_slice %arg10[%dma_start3A_203, %dma_start3A_209] : memref<2x128xi32, #tpu.memory_space<vmem>> -> memref<1x128xi32, #tpu.memory_space<vmem>>
      %dma_start3A_211 = tpu.memref_squeeze %dma_start3A_210 : memref<1x128xi32, #tpu.memory_space<vmem>> -> memref<128xi32, #tpu.memory_space<vmem>>
      %dma_start3A_212 = arith.constant 0 : i32
      %dma_start3A_213 = arith.constant 0 : i32
      %dma_start3A_214 = tpu.memref_slice %arg2[%dma_start3A_212, %dma_start3A_213] : memref<20000x128xf32, #tpu.memory_space<hbm>> -> memref<20000x128xf32, #tpu.memory_space<hbm>>
      tpu.enqueue_indirect_dma source(%dma_start3A_214 : memref<20000x128xf32, #tpu.memory_space<hbm>>) target(%dma_start3A_208 : memref<128x128xf32, #tpu.memory_space<vmem>>) offsets(%dma_start3A_211 : memref<128xi32, #tpu.memory_space<vmem>>) semaphore(%arg16 : memref<!tpu.dma_semaphore, #tpu.memory_space<semaphore_mem>>)
      %dma_wait3A = arith.constant 0 : i32
      %dma_wait3A_215 = arith.constant 0 : i32
      %dma_wait3A_216 = arith.constant 0 : i32
      %dma_wait3A_217 = arith.constant 0 : i32
      %dma_wait3A_218 = tpu.memref_slice %arg12[%dma_wait3A_215, %dma_wait3A_216, %dma_wait3A_217] : memref<2x128x128xf32, #tpu.memory_space<vmem>> -> memref<1x128x128xf32, #tpu.memory_space<vmem>>
      %dma_wait3A_219 = tpu.memref_squeeze %dma_wait3A_218 : memref<1x128x128xf32, #tpu.memory_space<vmem>> -> memref<128x128xf32, #tpu.memory_space<vmem>>
      %dma_wait3A_220 = arith.constant 0 : i32
      %dma_wait3A_221 = tpu.memref_slice %arg10[%dma_wait3A, %dma_wait3A_220] : memref<2x128xi32, #tpu.memory_space<vmem>> -> memref<1x128xi32, #tpu.memory_space<vmem>>
      %dma_wait3A_222 = tpu.memref_squeeze %dma_wait3A_221 : memref<1x128xi32, #tpu.memory_space<vmem>> -> memref<128xi32, #tpu.memory_space<vmem>>
      %dma_wait3A_223 = arith.constant 0 : i32
      %dma_wait3A_224 = arith.constant 0 : i32
      %dma_wait3A_225 = tpu.memref_slice %arg2[%dma_wait3A_223, %dma_wait3A_224] : memref<20000x128xf32, #tpu.memory_space<hbm>> -> memref<20000x128xf32, #tpu.memory_space<hbm>>
      tpu.wait_indirect_dma semaphore(%arg15 : memref<!tpu.dma_semaphore, #tpu.memory_space<semaphore_mem>>) src(%dma_wait3A_225 : memref<20000x128xf32, #tpu.memory_space<hbm>>) dst(%dma_wait3A_219 : memref<128x128xf32, #tpu.memory_space<vmem>>)
      %dma_wait3A_226 = arith.constant 1 : i32
      %dma_wait3A_227 = arith.constant 1 : i32
      %dma_wait3A_228 = arith.constant 0 : i32
      %dma_wait3A_229 = arith.constant 0 : i32
      %dma_wait3A_230 = tpu.memref_slice %arg12[%dma_wait3A_227, %dma_wait3A_228, %dma_wait3A_229] : memref<2x128x128xf32, #tpu.memory_space<vmem>> -> memref<1x128x128xf32, #tpu.memory_space<vmem>>
      %dma_wait3A_231 = tpu.memref_squeeze %dma_wait3A_230 : memref<1x128x128xf32, #tpu.memory_space<vmem>> -> memref<128x128xf32, #tpu.memory_space<vmem>>
      %dma_wait3A_232 = arith.constant 0 : i32
      %dma_wait3A_233 = tpu.memref_slice %arg10[%dma_wait3A_226, %dma_wait3A_232] : memref<2x128xi32, #tpu.memory_space<vmem>> -> memref<1x128xi32, #tpu.memory_space<vmem>>
      %dma_wait3A_234 = tpu.memref_squeeze %dma_wait3A_233 : memref<1x128xi32, #tpu.memory_space<vmem>> -> memref<128xi32, #tpu.memory_space<vmem>>
      %dma_wait3A_235 = arith.constant 0 : i32
      %dma_wait3A_236 = arith.constant 0 : i32
      %dma_wait3A_237 = tpu.memref_slice %arg2[%dma_wait3A_235, %dma_wait3A_236] : memref<20000x128xf32, #tpu.memory_space<hbm>> -> memref<20000x128xf32, #tpu.memory_space<hbm>>
      tpu.wait_indirect_dma semaphore(%arg16 : memref<!tpu.dma_semaphore, #tpu.memory_space<semaphore_mem>>) src(%dma_wait3A_237 : memref<20000x128xf32, #tpu.memory_space<hbm>>) dst(%dma_wait3A_231 : memref<128x128xf32, #tpu.memory_space<vmem>>)
      %run_scoped3A_238 = arith.constant 0 : i32
      %run_scoped3A_239 = arith.constant 0 : i32
      "tpu.region"() ({
        %run_scoped3A_243 = tpu.sem_alloc : memref<!tpu.dma_semaphore, #tpu.memory_space<semaphore_mem>>
        %dma_start3A_244 = arith.constant 0 : i32
        %dma_start3A_245 = arith.constant 0 : i32
        %dma_start3A_246 = tpu.memref_slice %arg12[%run_scoped3A_238, %dma_start3A_244, %dma_start3A_245] : memref<2x128x128xf32, #tpu.memory_space<vmem>> -> memref<1x128x128xf32, #tpu.memory_space<vmem>>
        %dma_start3A_247 = tpu.memref_squeeze %dma_start3A_246 : memref<1x128x128xf32, #tpu.memory_space<vmem>> -> memref<128x128xf32, #tpu.memory_space<vmem>>
        %dma_start3A_248 = arith.constant 0 : i32
        %dma_start3A_249 = tpu.memref_slice %arg11[%run_scoped3A_239, %dma_start3A_248] : memref<2x128xi32, #tpu.memory_space<vmem>> -> memref<1x128xi32, #tpu.memory_space<vmem>>
        %dma_start3A_250 = tpu.memref_squeeze %dma_start3A_249 : memref<1x128xi32, #tpu.memory_space<vmem>> -> memref<128xi32, #tpu.memory_space<vmem>>
        %dma_start3A_251 = arith.constant 0 : i32
        %dma_start3A_252 = arith.constant 0 : i32
        %dma_start3A_253 = tpu.memref_slice %arg14[%dma_start3A_251, %dma_start3A_252] : memref<5024x128xf32, #tpu.memory_space<vmem_shared>> -> memref<5024x128xf32, #tpu.memory_space<vmem_shared>>
        tpu.enqueue_indirect_dma source(%dma_start3A_247 : memref<128x128xf32, #tpu.memory_space<vmem>>) target(%dma_start3A_253 : memref<5024x128xf32, #tpu.memory_space<vmem_shared>>) offsets(%dma_start3A_250 : memref<128xi32, #tpu.memory_space<vmem>>) semaphore(%run_scoped3A_243 : memref<!tpu.dma_semaphore, #tpu.memory_space<semaphore_mem>>) {add = true}
        %dma_wait3A_254 = arith.constant 0 : i32
        %dma_wait3A_255 = arith.constant 0 : i32
        %dma_wait3A_256 = tpu.memref_slice %arg12[%run_scoped3A_238, %dma_wait3A_254, %dma_wait3A_255] : memref<2x128x128xf32, #tpu.memory_space<vmem>> -> memref<1x128x128xf32, #tpu.memory_space<vmem>>
        %dma_wait3A_257 = tpu.memref_squeeze %dma_wait3A_256 : memref<1x128x128xf32, #tpu.memory_space<vmem>> -> memref<128x128xf32, #tpu.memory_space<vmem>>
        %dma_wait3A_258 = arith.constant 0 : i32
        %dma_wait3A_259 = tpu.memref_slice %arg11[%run_scoped3A_239, %dma_wait3A_258] : memref<2x128xi32, #tpu.memory_space<vmem>> -> memref<1x128xi32, #tpu.memory_space<vmem>>
        %dma_wait3A_260 = tpu.memref_squeeze %dma_wait3A_259 : memref<1x128xi32, #tpu.memory_space<vmem>> -> memref<128xi32, #tpu.memory_space<vmem>>
        %dma_wait3A_261 = arith.constant 0 : i32
        %dma_wait3A_262 = arith.constant 0 : i32
        %dma_wait3A_263 = tpu.memref_slice %arg14[%dma_wait3A_261, %dma_wait3A_262] : memref<5024x128xf32, #tpu.memory_space<vmem_shared>> -> memref<5024x128xf32, #tpu.memory_space<vmem_shared>>
        tpu.wait_indirect_dma semaphore(%run_scoped3A_243 : memref<!tpu.dma_semaphore, #tpu.memory_space<semaphore_mem>>) src(%dma_wait3A_257 : memref<128x128xf32, #tpu.memory_space<vmem>>) dst(%dma_wait3A_263 : memref<5024x128xf32, #tpu.memory_space<vmem_shared>>)
        tpu.yield
      }) : () -> ()
      %run_scoped3A_240 = arith.constant 1 : i32
      %run_scoped3A_241 = arith.constant 1 : i32
      "tpu.region"() ({
        %run_scoped3A_243 = tpu.sem_alloc : memref<!tpu.dma_semaphore, #tpu.memory_space<semaphore_mem>>
        %dma_start3A_244 = arith.constant 0 : i32
        %dma_start3A_245 = arith.constant 0 : i32
        %dma_start3A_246 = tpu.memref_slice %arg12[%run_scoped3A_240, %dma_start3A_244, %dma_start3A_245] : memref<2x128x128xf32, #tpu.memory_space<vmem>> -> memref<1x128x128xf32, #tpu.memory_space<vmem>>
        %dma_start3A_247 = tpu.memref_squeeze %dma_start3A_246 : memref<1x128x128xf32, #tpu.memory_space<vmem>> -> memref<128x128xf32, #tpu.memory_space<vmem>>
        %dma_start3A_248 = arith.constant 0 : i32
        %dma_start3A_249 = tpu.memref_slice %arg11[%run_scoped3A_241, %dma_start3A_248] : memref<2x128xi32, #tpu.memory_space<vmem>> -> memref<1x128xi32, #tpu.memory_space<vmem>>
        %dma_start3A_250 = tpu.memref_squeeze %dma_start3A_249 : memref<1x128xi32, #tpu.memory_space<vmem>> -> memref<128xi32, #tpu.memory_space<vmem>>
        %dma_start3A_251 = arith.constant 0 : i32
        %dma_start3A_252 = arith.constant 0 : i32
        %dma_start3A_253 = tpu.memref_slice %arg14[%dma_start3A_251, %dma_start3A_252] : memref<5024x128xf32, #tpu.memory_space<vmem_shared>> -> memref<5024x128xf32, #tpu.memory_space<vmem_shared>>
        tpu.enqueue_indirect_dma source(%dma_start3A_247 : memref<128x128xf32, #tpu.memory_space<vmem>>) target(%dma_start3A_253 : memref<5024x128xf32, #tpu.memory_space<vmem_shared>>) offsets(%dma_start3A_250 : memref<128xi32, #tpu.memory_space<vmem>>) semaphore(%run_scoped3A_243 : memref<!tpu.dma_semaphore, #tpu.memory_space<semaphore_mem>>) {add = true}
        %dma_wait3A_254 = arith.constant 0 : i32
        %dma_wait3A_255 = arith.constant 0 : i32
        %dma_wait3A_256 = tpu.memref_slice %arg12[%run_scoped3A_240, %dma_wait3A_254, %dma_wait3A_255] : memref<2x128x128xf32, #tpu.memory_space<vmem>> -> memref<1x128x128xf32, #tpu.memory_space<vmem>>
        %dma_wait3A_257 = tpu.memref_squeeze %dma_wait3A_256 : memref<1x128x128xf32, #tpu.memory_space<vmem>> -> memref<128x128xf32, #tpu.memory_space<vmem>>
        %dma_wait3A_258 = arith.constant 0 : i32
        %dma_wait3A_259 = tpu.memref_slice %arg11[%run_scoped3A_241, %dma_wait3A_258] : memref<2x128xi32, #tpu.memory_space<vmem>> -> memref<1x128xi32, #tpu.memory_space<vmem>>
        %dma_wait3A_260 = tpu.memref_squeeze %dma_wait3A_259 : memref<1x128xi32, #tpu.memory_space<vmem>> -> memref<128xi32, #tpu.memory_space<vmem>>
        %dma_wait3A_261 = arith.constant 0 : i32
        %dma_wait3A_262 = arith.constant 0 : i32
        %dma_wait3A_263 = tpu.memref_slice %arg14[%dma_wait3A_261, %dma_wait3A_262] : memref<5024x128xf32, #tpu.memory_space<vmem_shared>> -> memref<5024x128xf32, #tpu.memory_space<vmem_shared>>
        tpu.wait_indirect_dma semaphore(%run_scoped3A_243 : memref<!tpu.dma_semaphore, #tpu.memory_space<semaphore_mem>>) src(%dma_wait3A_257 : memref<128x128xf32, #tpu.memory_space<vmem>>) dst(%dma_wait3A_263 : memref<5024x128xf32, #tpu.memory_space<vmem_shared>>)
        tpu.yield
      }) : () -> ()
      %while3A_242 = arith.constant 0 : i32
      scf.yield %while3A_242 : i32
    }
    %while3A_60 = arith.constant 1 : i32
    %while3A_61 = scf.for %while3A_178 = %while3A_57 to %while3A_53 step %while3A_60 iter_args(%while3A_179 = %while3A_59) -> (i32)  : i32 {
      %mul3A_180 = arith.constant 128 : i32
      %mul3A_181 = arith.muli %while3A_178, %mul3A_180 : i32
      %add3A_182 = arith.addi %mul3A_50, %mul3A_181 : i32
      %run_scoped3A = arith.constant 0 : i32
      "tpu.region"() ({
        %run_scoped3A_243 = tpu.sem_alloc : memref<!tpu.dma_semaphore, #tpu.memory_space<semaphore_mem>>
        %dma_start3A_244 = arith.constant 0 : i32
        %dma_start3A_245 = tpu.memref_slice %arg8[%run_scoped3A, %dma_start3A_244] : memref<2x128xi32, #tpu.memory_space<vmem>> -> memref<1x128xi32, #tpu.memory_space<vmem>>
        %dma_start3A_246 = tpu.memref_squeeze %dma_start3A_245 : memref<1x128xi32, #tpu.memory_space<vmem>> -> memref<128xi32, #tpu.memory_space<vmem>>
        %dma_start3A_247 = tpu.memref_slice %arg3[%add3A_182] : memref<655360xi32, #tpu.memory_space<hbm>> -> memref<128xi32, #tpu.memory_space<hbm>>
        %dma_start3A_248 = arith.constant 0 : i32
        %dma_start3A_249 = tpu.memref_slice %arg8[%run_scoped3A, %dma_start3A_248] : memref<2x128xi32, #tpu.memory_space<vmem>> -> memref<1x128xi32, #tpu.memory_space<vmem>>
        %dma_start3A_250 = tpu.memref_squeeze %dma_start3A_249 : memref<1x128xi32, #tpu.memory_space<vmem>> -> memref<128xi32, #tpu.memory_space<vmem>>
        %dma_start3A_251 = tpu.memref_slice %arg3[%add3A_182] : memref<655360xi32, #tpu.memory_space<hbm>> -> memref<128xi32, #tpu.memory_space<hbm>>
        tpu.enqueue_dma source(%dma_start3A_251 : memref<128xi32, #tpu.memory_space<hbm>>) target(%dma_start3A_250 : memref<128xi32, #tpu.memory_space<vmem>>) target_semaphore(%run_scoped3A_243 : memref<!tpu.dma_semaphore, #tpu.memory_space<semaphore_mem>>)
        %dma_wait3A_252 = arith.constant 0 : i32
        %dma_wait3A_253 = tpu.memref_slice %arg8[%run_scoped3A, %dma_wait3A_252] : memref<2x128xi32, #tpu.memory_space<vmem>> -> memref<1x128xi32, #tpu.memory_space<vmem>>
        %dma_wait3A_254 = tpu.memref_squeeze %dma_wait3A_253 : memref<1x128xi32, #tpu.memory_space<vmem>> -> memref<128xi32, #tpu.memory_space<vmem>>
        %dma_wait3A_255 = tpu.memref_slice %arg3[%add3A_182] : memref<655360xi32, #tpu.memory_space<hbm>> -> memref<128xi32, #tpu.memory_space<hbm>>
        %dma_wait3A_256 = arith.constant 0 : i32
        %dma_wait3A_257 = tpu.memref_slice %arg8[%run_scoped3A, %dma_wait3A_256] : memref<2x128xi32, #tpu.memory_space<vmem>> -> memref<1x128xi32, #tpu.memory_space<vmem>>
        %dma_wait3A_258 = tpu.memref_squeeze %dma_wait3A_257 : memref<1x128xi32, #tpu.memory_space<vmem>> -> memref<128xi32, #tpu.memory_space<vmem>>
        %dma_wait3A_259 = tpu.memref_slice %arg3[%add3A_182] : memref<655360xi32, #tpu.memory_space<hbm>> -> memref<128xi32, #tpu.memory_space<hbm>>
        tpu.wait_dma2 semaphore(%run_scoped3A_243 : memref<!tpu.dma_semaphore, #tpu.memory_space<semaphore_mem>>) src(%dma_wait3A_259 : memref<128xi32, #tpu.memory_space<hbm>>) dst(%dma_wait3A_258 : memref<128xi32, #tpu.memory_space<vmem>>)
        tpu.yield
      }) : () -> ()
      %mul3A_183 = arith.constant 128 : i32
      %mul3A_184 = arith.muli %while3A_178, %mul3A_183 : i32
      %add3A_185 = arith.addi %mul3A_50, %mul3A_184 : i32
      %run_scoped3A_186 = arith.constant 0 : i32
      "tpu.region"() ({
        %run_scoped3A_243 = tpu.sem_alloc : memref<!tpu.dma_semaphore, #tpu.memory_space<semaphore_mem>>
        %dma_start3A_244 = arith.constant 0 : i32
        %dma_start3A_245 = tpu.memref_slice %arg9[%run_scoped3A_186, %dma_start3A_244] : memref<2x128xi32, #tpu.memory_space<vmem>> -> memref<1x128xi32, #tpu.memory_space<vmem>>
        %dma_start3A_246 = tpu.memref_squeeze %dma_start3A_245 : memref<1x128xi32, #tpu.memory_space<vmem>> -> memref<128xi32, #tpu.memory_space<vmem>>
        %dma_start3A_247 = tpu.memref_slice %arg4[%add3A_185] : memref<655360xi32, #tpu.memory_space<hbm>> -> memref<128xi32, #tpu.memory_space<hbm>>
        %dma_start3A_248 = arith.constant 0 : i32
        %dma_start3A_249 = tpu.memref_slice %arg9[%run_scoped3A_186, %dma_start3A_248] : memref<2x128xi32, #tpu.memory_space<vmem>> -> memref<1x128xi32, #tpu.memory_space<vmem>>
        %dma_start3A_250 = tpu.memref_squeeze %dma_start3A_249 : memref<1x128xi32, #tpu.memory_space<vmem>> -> memref<128xi32, #tpu.memory_space<vmem>>
        %dma_start3A_251 = tpu.memref_slice %arg4[%add3A_185] : memref<655360xi32, #tpu.memory_space<hbm>> -> memref<128xi32, #tpu.memory_space<hbm>>
        tpu.enqueue_dma source(%dma_start3A_251 : memref<128xi32, #tpu.memory_space<hbm>>) target(%dma_start3A_250 : memref<128xi32, #tpu.memory_space<vmem>>) target_semaphore(%run_scoped3A_243 : memref<!tpu.dma_semaphore, #tpu.memory_space<semaphore_mem>>)
        %dma_wait3A_252 = arith.constant 0 : i32
        %dma_wait3A_253 = tpu.memref_slice %arg9[%run_scoped3A_186, %dma_wait3A_252] : memref<2x128xi32, #tpu.memory_space<vmem>> -> memref<1x128xi32, #tpu.memory_space<vmem>>
        %dma_wait3A_254 = tpu.memref_squeeze %dma_wait3A_253 : memref<1x128xi32, #tpu.memory_space<vmem>> -> memref<128xi32, #tpu.memory_space<vmem>>
        %dma_wait3A_255 = tpu.memref_slice %arg4[%add3A_185] : memref<655360xi32, #tpu.memory_space<hbm>> -> memref<128xi32, #tpu.memory_space<hbm>>
        %dma_wait3A_256 = arith.constant 0 : i32
        %dma_wait3A_257 = tpu.memref_slice %arg9[%run_scoped3A_186, %dma_wait3A_256] : memref<2x128xi32, #tpu.memory_space<vmem>> -> memref<1x128xi32, #tpu.memory_space<vmem>>
        %dma_wait3A_258 = tpu.memref_squeeze %dma_wait3A_257 : memref<1x128xi32, #tpu.memory_space<vmem>> -> memref<128xi32, #tpu.memory_space<vmem>>
        %dma_wait3A_259 = tpu.memref_slice %arg4[%add3A_185] : memref<655360xi32, #tpu.memory_space<hbm>> -> memref<128xi32, #tpu.memory_space<hbm>>
        tpu.wait_dma2 semaphore(%run_scoped3A_243 : memref<!tpu.dma_semaphore, #tpu.memory_space<semaphore_mem>>) src(%dma_wait3A_259 : memref<128xi32, #tpu.memory_space<hbm>>) dst(%dma_wait3A_258 : memref<128xi32, #tpu.memory_space<vmem>>)
        tpu.yield
      }) : () -> ()
      %scan3A_187 = arith.constant 0 : i32
      %scan3A_188 = arith.constant 8 : i32
      %scan3A_189 = arith.addi %scan3A_187, %scan3A_188 : i32
      %scan3A_190 = arith.constant 1 : i32
      scf.for %scan3A_243 = %scan3A_187 to %scan3A_189 step %scan3A_190  : i32 {
        %mul3A_244 = arith.constant 1 : i32
        %mul3A_245 = arith.muli %scan3A_243, %mul3A_244 : i32
        %add3A_246 = arith.constant 0 : i32
        %add3A_247 = arith.addi %add3A_246, %mul3A_245 : i32
        %mul3A_248 = arith.constant 16 : i32
        %mul3A_249 = arith.muli %add3A_247, %mul3A_248 : i32
        %get3A_250 = arith.constant 0 : i32
        %get3A_251 = arith.index_cast %get3A_250 : i32 to index
        %get3A_252 = arith.index_cast %mul3A_249 : i32 to index
        %get3A_253 = tpu.vector_load %arg8[%get3A_251, %get3A_252] {strides = array<i32>} : memref<2x128xi32, #tpu.memory_space<vmem>>, vector<16xi32>,
        %mul3A_254 = arith.constant 2 : i32
        %mul3A_255 = vector.broadcast %mul3A_254 : i32 to vector<16xi32>
        %mul3A_256 = arith.muli %get3A_253, %mul3A_255 : vector<16xi32>
        %mul3A_257 = arith.constant 16 : i32
        %mul3A_258 = arith.muli %add3A_247, %mul3A_257 : i32
        %get3A_259 = arith.constant 0 : i32
        %get3A_260 = arith.index_cast %get3A_259 : i32 to index
        %get3A_261 = arith.index_cast %mul3A_258 : i32 to index
        %get3A_262 = tpu.vector_load %arg9[%get3A_260, %get3A_261] {strides = array<i32>} : memref<2x128xi32, #tpu.memory_space<vmem>>, vector<16xi32>,
        %mul3A_263 = arith.constant 2 : i32
        %mul3A_264 = vector.broadcast %mul3A_263 : i32 to vector<16xi32>
        %mul3A_265 = arith.muli %get3A_262, %mul3A_264 : vector<16xi32>
        %mul3A_266 = arith.constant 16 : i32
        %mul3A_267 = arith.muli %add3A_247, %mul3A_266 : i32
        %swap3A = arith.constant 0 : i32
        %swap3A_268 = arith.index_cast %swap3A : i32 to index
        %swap3A_269 = arith.index_cast %mul3A_267 : i32 to index
        %swap3A_270 = tpu.vector_load %arg10[%swap3A_268, %swap3A_269] {strides = array<i32>} : memref<2x128xi32, #tpu.memory_space<vmem>>, vector<16xi32>,
        tpu.vector_store %arg10[%swap3A_268, %swap3A_269], %mul3A_256 {strides = array<i32>} : memref<2x128xi32, #tpu.memory_space<vmem>>, vector<16xi32>,
        %add3A_271 = arith.constant 1 : i32
        %add3A_272 = vector.broadcast %add3A_271 : i32 to vector<16xi32>
        %add3A_273 = arith.addi %mul3A_256, %add3A_272 : vector<16xi32>
        %mul3A_274 = arith.constant 16 : i32
        %mul3A_275 = arith.muli %add3A_247, %mul3A_274 : i32
        %swap3A_276 = arith.constant 1 : i32
        %swap3A_277 = arith.index_cast %swap3A_276 : i32 to index
        %swap3A_278 = arith.index_cast %mul3A_275 : i32 to index
        %swap3A_279 = tpu.vector_load %arg10[%swap3A_277, %swap3A_278] {strides = array<i32>} : memref<2x128xi32, #tpu.memory_space<vmem>>, vector<16xi32>,
        tpu.vector_store %arg10[%swap3A_277, %swap3A_278], %add3A_273 {strides = array<i32>} : memref<2x128xi32, #tpu.memory_space<vmem>>, vector<16xi32>,
        %mul3A_280 = arith.constant 16 : i32
        %mul3A_281 = arith.muli %add3A_247, %mul3A_280 : i32
        %swap3A_282 = arith.constant 0 : i32
        %swap3A_283 = arith.index_cast %swap3A_282 : i32 to index
        %swap3A_284 = arith.index_cast %mul3A_281 : i32 to index
        %swap3A_285 = tpu.vector_load %arg11[%swap3A_283, %swap3A_284] {strides = array<i32>} : memref<2x128xi32, #tpu.memory_space<vmem>>, vector<16xi32>,
        tpu.vector_store %arg11[%swap3A_283, %swap3A_284], %mul3A_265 {strides = array<i32>} : memref<2x128xi32, #tpu.memory_space<vmem>>, vector<16xi32>,
        %add3A_286 = arith.constant 1 : i32
        %add3A_287 = vector.broadcast %add3A_286 : i32 to vector<16xi32>
        %add3A_288 = arith.addi %mul3A_265, %add3A_287 : vector<16xi32>
        %mul3A_289 = arith.constant 16 : i32
        %mul3A_290 = arith.muli %add3A_247, %mul3A_289 : i32
        %swap3A_291 = arith.constant 1 : i32
        %swap3A_292 = arith.index_cast %swap3A_291 : i32 to index
        %swap3A_293 = arith.index_cast %mul3A_290 : i32 to index
        %swap3A_294 = tpu.vector_load %arg11[%swap3A_292, %swap3A_293] {strides = array<i32>} : memref<2x128xi32, #tpu.memory_space<vmem>>, vector<16xi32>,
        tpu.vector_store %arg11[%swap3A_292, %swap3A_293], %add3A_288 {strides = array<i32>} : memref<2x128xi32, #tpu.memory_space<vmem>>, vector<16xi32>,
      }
      %scan3A_191 = arith.constant 8 : i32
      %dma_start3A = arith.constant 0 : i32
      %dma_start3A_192 = arith.constant 0 : i32
      %dma_start3A_193 = arith.constant 0 : i32
      %dma_start3A_194 = arith.constant 0 : i32
      %dma_start3A_195 = tpu.memref_slice %arg12[%dma_start3A_192, %dma_start3A_193, %dma_start3A_194] : memref<2x128x128xf32, #tpu.memory_space<vmem>> -> memref<1x128x128xf32, #tpu.memory_space<vmem>>
      %dma_start3A_196 = tpu.memref_squeeze %dma_start3A_195 : memref<1x128x128xf32, #tpu.memory_space<vmem>> -> memref<128x128xf32, #tpu.memory_space<vmem>>
      %dma_start3A_197 = arith.constant 0 : i32
      %dma_start3A_198 = tpu.memref_slice %arg10[%dma_start3A, %dma_start3A_197] : memref<2x128xi32, #tpu.memory_space<vmem>> -> memref<1x128xi32, #tpu.memory_space<vmem>>
      %dma_start3A_199 = tpu.memref_squeeze %dma_start3A_198 : memref<1x128xi32, #tpu.memory_space<vmem>> -> memref<128xi32, #tpu.memory_space<vmem>>
      %dma_start3A_200 = arith.constant 0 : i32
      %dma_start3A_201 = arith.constant 0 : i32
      %dma_start3A_202 = tpu.memref_slice %arg2[%dma_start3A_200, %dma_start3A_201] : memref<20000x128xf32, #tpu.memory_space<hbm>> -> memref<20000x128xf32, #tpu.memory_space<hbm>>
      tpu.enqueue_indirect_dma source(%dma_start3A_202 : memref<20000x128xf32, #tpu.memory_space<hbm>>) target(%dma_start3A_196 : memref<128x128xf32, #tpu.memory_space<vmem>>) offsets(%dma_start3A_199 : memref<128xi32, #tpu.memory_space<vmem>>) semaphore(%arg15 : memref<!tpu.dma_semaphore, #tpu.memory_space<semaphore_mem>>)
      %dma_start3A_203 = arith.constant 1 : i32
      %dma_start3A_204 = arith.constant 1 : i32
      %dma_start3A_205 = arith.constant 0 : i32
      %dma_start3A_206 = arith.constant 0 : i32
      %dma_start3A_207 = tpu.memref_slice %arg12[%dma_start3A_204, %dma_start3A_205, %dma_start3A_206] : memref<2x128x128xf32, #tpu.memory_space<vmem>> -> memref<1x128x128xf32, #tpu.memory_space<vmem>>
      %dma_start3A_208 = tpu.memref_squeeze %dma_start3A_207 : memref<1x128x128xf32, #tpu.memory_space<vmem>> -> memref<128x128xf32, #tpu.memory_space<vmem>>
      %dma_start3A_209 = arith.constant 0 : i32
      %dma_start3A_210 = tpu.memref_slice %arg10[%dma_start3A_203, %dma_start3A_209] : memref<2x128xi32, #tpu.memory_space<vmem>> -> memref<1x128xi32, #tpu.memory_space<vmem>>
      %dma_start3A_211 = tpu.memref_squeeze %dma_start3A_210 : memref<1x128xi32, #tpu.memory_space<vmem>> -> memref<128xi32, #tpu.memory_space<vmem>>
      %dma_start3A_212 = arith.constant 0 : i32
      %dma_start3A_213 = arith.constant 0 : i32
      %dma_start3A_214 = tpu.memref_slice %arg2[%dma_start3A_212, %dma_start3A_213] : memref<20000x128xf32, #tpu.memory_space<hbm>> -> memref<20000x128xf32, #tpu.memory_space<hbm>>
      tpu.enqueue_indirect_dma source(%dma_start3A_214 : memref<20000x128xf32, #tpu.memory_space<hbm>>) target(%dma_start3A_208 : memref<128x128xf32, #tpu.memory_space<vmem>>) offsets(%dma_start3A_211 : memref<128xi32, #tpu.memory_space<vmem>>) semaphore(%arg16 : memref<!tpu.dma_semaphore, #tpu.memory_space<semaphore_mem>>)
      %dma_wait3A = arith.constant 0 : i32
      %dma_wait3A_215 = arith.constant 0 : i32
      %dma_wait3A_216 = arith.constant 0 : i32
      %dma_wait3A_217 = arith.constant 0 : i32
      %dma_wait3A_218 = tpu.memref_slice %arg12[%dma_wait3A_215, %dma_wait3A_216, %dma_wait3A_217] : memref<2x128x128xf32, #tpu.memory_space<vmem>> -> memref<1x128x128xf32, #tpu.memory_space<vmem>>
      %dma_wait3A_219 = tpu.memref_squeeze %dma_wait3A_218 : memref<1x128x128xf32, #tpu.memory_space<vmem>> -> memref<128x128xf32, #tpu.memory_space<vmem>>
      %dma_wait3A_220 = arith.constant 0 : i32
      %dma_wait3A_221 = tpu.memref_slice %arg10[%dma_wait3A, %dma_wait3A_220] : memref<2x128xi32, #tpu.memory_space<vmem>> -> memref<1x128xi32, #tpu.memory_space<vmem>>
      %dma_wait3A_222 = tpu.memref_squeeze %dma_wait3A_221 : memref<1x128xi32, #tpu.memory_space<vmem>> -> memref<128xi32, #tpu.memory_space<vmem>>
      %dma_wait3A_223 = arith.constant 0 : i32
      %dma_wait3A_224 = arith.constant 0 : i32
      %dma_wait3A_225 = tpu.memref_slice %arg2[%dma_wait3A_223, %dma_wait3A_224] : memref<20000x128xf32, #tpu.memory_space<hbm>> -> memref<20000x128xf32, #tpu.memory_space<hbm>>
      tpu.wait_indirect_dma semaphore(%arg15 : memref<!tpu.dma_semaphore, #tpu.memory_space<semaphore_mem>>) src(%dma_wait3A_225 : memref<20000x128xf32, #tpu.memory_space<hbm>>) dst(%dma_wait3A_219 : memref<128x128xf32, #tpu.memory_space<vmem>>)
      %dma_wait3A_226 = arith.constant 1 : i32
      %dma_wait3A_227 = arith.constant 1 : i32
      %dma_wait3A_228 = arith.constant 0 : i32
      %dma_wait3A_229 = arith.constant 0 : i32
      %dma_wait3A_230 = tpu.memref_slice %arg12[%dma_wait3A_227, %dma_wait3A_228, %dma_wait3A_229] : memref<2x128x128xf32, #tpu.memory_space<vmem>> -> memref<1x128x128xf32, #tpu.memory_space<vmem>>
      %dma_wait3A_231 = tpu.memref_squeeze %dma_wait3A_230 : memref<1x128x128xf32, #tpu.memory_space<vmem>> -> memref<128x128xf32, #tpu.memory_space<vmem>>
      %dma_wait3A_232 = arith.constant 0 : i32
      %dma_wait3A_233 = tpu.memref_slice %arg10[%dma_wait3A_226, %dma_wait3A_232] : memref<2x128xi32, #tpu.memory_space<vmem>> -> memref<1x128xi32, #tpu.memory_space<vmem>>
      %dma_wait3A_234 = tpu.memref_squeeze %dma_wait3A_233 : memref<1x128xi32, #tpu.memory_space<vmem>> -> memref<128xi32, #tpu.memory_space<vmem>>
      %dma_wait3A_235 = arith.constant 0 : i32
      %dma_wait3A_236 = arith.constant 0 : i32
      %dma_wait3A_237 = tpu.memref_slice %arg2[%dma_wait3A_235, %dma_wait3A_236] : memref<20000x128xf32, #tpu.memory_space<hbm>> -> memref<20000x128xf32, #tpu.memory_space<hbm>>
      tpu.wait_indirect_dma semaphore(%arg16 : memref<!tpu.dma_semaphore, #tpu.memory_space<semaphore_mem>>) src(%dma_wait3A_237 : memref<20000x128xf32, #tpu.memory_space<hbm>>) dst(%dma_wait3A_231 : memref<128x128xf32, #tpu.memory_space<vmem>>)
      %run_scoped3A_238 = arith.constant 0 : i32
      %run_scoped3A_239 = arith.constant 0 : i32
      "tpu.region"() ({
        %run_scoped3A_243 = tpu.sem_alloc : memref<!tpu.dma_semaphore, #tpu.memory_space<semaphore_mem>>
        %dma_start3A_244 = arith.constant 0 : i32
        %dma_start3A_245 = arith.constant 0 : i32
        %dma_start3A_246 = tpu.memref_slice %arg12[%run_scoped3A_238, %dma_start3A_244, %dma_start3A_245] : memref<2x128x128xf32, #tpu.memory_space<vmem>> -> memref<1x128x128xf32, #tpu.memory_space<vmem>>
        %dma_start3A_247 = tpu.memref_squeeze %dma_start3A_246 : memref<1x128x128xf32, #tpu.memory_space<vmem>> -> memref<128x128xf32, #tpu.memory_space<vmem>>
        %dma_start3A_248 = arith.constant 0 : i32
        %dma_start3A_249 = tpu.memref_slice %arg11[%run_scoped3A_239, %dma_start3A_248] : memref<2x128xi32, #tpu.memory_space<vmem>> -> memref<1x128xi32, #tpu.memory_space<vmem>>
        %dma_start3A_250 = tpu.memref_squeeze %dma_start3A_249 : memref<1x128xi32, #tpu.memory_space<vmem>> -> memref<128xi32, #tpu.memory_space<vmem>>
        %dma_start3A_251 = arith.constant 0 : i32
        %dma_start3A_252 = arith.constant 0 : i32
        %dma_start3A_253 = tpu.memref_slice %arg14[%dma_start3A_251, %dma_start3A_252] : memref<5024x128xf32, #tpu.memory_space<vmem_shared>> -> memref<5024x128xf32, #tpu.memory_space<vmem_shared>>
        tpu.enqueue_indirect_dma source(%dma_start3A_247 : memref<128x128xf32, #tpu.memory_space<vmem>>) target(%dma_start3A_253 : memref<5024x128xf32, #tpu.memory_space<vmem_shared>>) offsets(%dma_start3A_250 : memref<128xi32, #tpu.memory_space<vmem>>) semaphore(%run_scoped3A_243 : memref<!tpu.dma_semaphore, #tpu.memory_space<semaphore_mem>>) {add = true}
        %dma_wait3A_254 = arith.constant 0 : i32
        %dma_wait3A_255 = arith.constant 0 : i32
        %dma_wait3A_256 = tpu.memref_slice %arg12[%run_scoped3A_238, %dma_wait3A_254, %dma_wait3A_255] : memref<2x128x128xf32, #tpu.memory_space<vmem>> -> memref<1x128x128xf32, #tpu.memory_space<vmem>>
        %dma_wait3A_257 = tpu.memref_squeeze %dma_wait3A_256 : memref<1x128x128xf32, #tpu.memory_space<vmem>> -> memref<128x128xf32, #tpu.memory_space<vmem>>
        %dma_wait3A_258 = arith.constant 0 : i32
        %dma_wait3A_259 = tpu.memref_slice %arg11[%run_scoped3A_239, %dma_wait3A_258] : memref<2x128xi32, #tpu.memory_space<vmem>> -> memref<1x128xi32, #tpu.memory_space<vmem>>
        %dma_wait3A_260 = tpu.memref_squeeze %dma_wait3A_259 : memref<1x128xi32, #tpu.memory_space<vmem>> -> memref<128xi32, #tpu.memory_space<vmem>>
        %dma_wait3A_261 = arith.constant 0 : i32
        %dma_wait3A_262 = arith.constant 0 : i32
        %dma_wait3A_263 = tpu.memref_slice %arg14[%dma_wait3A_261, %dma_wait3A_262] : memref<5024x128xf32, #tpu.memory_space<vmem_shared>> -> memref<5024x128xf32, #tpu.memory_space<vmem_shared>>
        tpu.wait_indirect_dma semaphore(%run_scoped3A_243 : memref<!tpu.dma_semaphore, #tpu.memory_space<semaphore_mem>>) src(%dma_wait3A_257 : memref<128x128xf32, #tpu.memory_space<vmem>>) dst(%dma_wait3A_263 : memref<5024x128xf32, #tpu.memory_space<vmem_shared>>)
        tpu.yield
      }) : () -> ()
      %run_scoped3A_240 = arith.constant 1 : i32
      %run_scoped3A_241 = arith.constant 1 : i32
      "tpu.region"() ({
        %run_scoped3A_243 = tpu.sem_alloc : memref<!tpu.dma_semaphore, #tpu.memory_space<semaphore_mem>>
        %dma_start3A_244 = arith.constant 0 : i32
        %dma_start3A_245 = arith.constant 0 : i32
        %dma_start3A_246 = tpu.memref_slice %arg12[%run_scoped3A_240, %dma_start3A_244, %dma_start3A_245] : memref<2x128x128xf32, #tpu.memory_space<vmem>> -> memref<1x128x128xf32, #tpu.memory_space<vmem>>
        %dma_start3A_247 = tpu.memref_squeeze %dma_start3A_246 : memref<1x128x128xf32, #tpu.memory_space<vmem>> -> memref<128x128xf32, #tpu.memory_space<vmem>>
        %dma_start3A_248 = arith.constant 0 : i32
        %dma_start3A_249 = tpu.memref_slice %arg11[%run_scoped3A_241, %dma_start3A_248] : memref<2x128xi32, #tpu.memory_space<vmem>> -> memref<1x128xi32, #tpu.memory_space<vmem>>
        %dma_start3A_250 = tpu.memref_squeeze %dma_start3A_249 : memref<1x128xi32, #tpu.memory_space<vmem>> -> memref<128xi32, #tpu.memory_space<vmem>>
        %dma_start3A_251 = arith.constant 0 : i32
        %dma_start3A_252 = arith.constant 0 : i32
        %dma_start3A_253 = tpu.memref_slice %arg14[%dma_start3A_251, %dma_start3A_252] : memref<5024x128xf32, #tpu.memory_space<vmem_shared>> -> memref<5024x128xf32, #tpu.memory_space<vmem_shared>>
        tpu.enqueue_indirect_dma source(%dma_start3A_247 : memref<128x128xf32, #tpu.memory_space<vmem>>) target(%dma_start3A_253 : memref<5024x128xf32, #tpu.memory_space<vmem_shared>>) offsets(%dma_start3A_250 : memref<128xi32, #tpu.memory_space<vmem>>) semaphore(%run_scoped3A_243 : memref<!tpu.dma_semaphore, #tpu.memory_space<semaphore_mem>>) {add = true}
        %dma_wait3A_254 = arith.constant 0 : i32
        %dma_wait3A_255 = arith.constant 0 : i32
        %dma_wait3A_256 = tpu.memref_slice %arg12[%run_scoped3A_240, %dma_wait3A_254, %dma_wait3A_255] : memref<2x128x128xf32, #tpu.memory_space<vmem>> -> memref<1x128x128xf32, #tpu.memory_space<vmem>>
        %dma_wait3A_257 = tpu.memref_squeeze %dma_wait3A_256 : memref<1x128x128xf32, #tpu.memory_space<vmem>> -> memref<128x128xf32, #tpu.memory_space<vmem>>
        %dma_wait3A_258 = arith.constant 0 : i32
        %dma_wait3A_259 = tpu.memref_slice %arg11[%run_scoped3A_241, %dma_wait3A_258] : memref<2x128xi32, #tpu.memory_space<vmem>> -> memref<1x128xi32, #tpu.memory_space<vmem>>
        %dma_wait3A_260 = tpu.memref_squeeze %dma_wait3A_259 : memref<1x128xi32, #tpu.memory_space<vmem>> -> memref<128xi32, #tpu.memory_space<vmem>>
        %dma_wait3A_261 = arith.constant 0 : i32
        %dma_wait3A_262 = arith.constant 0 : i32
        %dma_wait3A_263 = tpu.memref_slice %arg14[%dma_wait3A_261, %dma_wait3A_262] : memref<5024x128xf32, #tpu.memory_space<vmem_shared>> -> memref<5024x128xf32, #tpu.memory_space<vmem_shared>>
        tpu.wait_indirect_dma semaphore(%run_scoped3A_243 : memref<!tpu.dma_semaphore, #tpu.memory_space<semaphore_mem>>) src(%dma_wait3A_257 : memref<128x128xf32, #tpu.memory_space<vmem>>) dst(%dma_wait3A_263 : memref<5024x128xf32, #tpu.memory_space<vmem_shared>>)
        tpu.yield
      }) : () -> ()
      %while3A_242 = arith.constant 0 : i32
      scf.yield %while3A_242 : i32
    }
    %barrier3A_62 = arith.constant 0 : index
    tpu.barrier barrier_id(%barrier3A_62)
    %mul3A_63 = arith.constant 2504 : i32
    %mul3A_64 = arith.muli %add3A_8, %mul3A_63 : i32
    %mul3A_65 = arith.constant 152 : i32
    %mul3A_66 = arith.muli %arg1, %mul3A_65 : i32
    %add3A_67 = arith.addi %mul3A_64, %mul3A_66 : i32
    %mul3A_68 = arith.constant 2 : i32
    %mul3A_69 = arith.muli %add3A_67, %mul3A_68 : i32
    "tpu.region"() ({
      %run_scoped3A = tpu.sem_alloc : memref<!tpu.dma_semaphore, #tpu.memory_space<semaphore_mem>>
      %dma_start3A = arith.constant 0 : i32
      %dma_start3A_178 = tpu.memref_slice %arg6[%mul3A_69, %dma_start3A] : memref<20000x128xf32, #tpu.memory_space<hbm>> -> memref<304x128xf32, #tpu.memory_space<hbm>>
      %dma_start3A_179 = arith.constant 0 : i32
      %dma_start3A_180 = tpu.memref_slice %arg14[%mul3A_35, %dma_start3A_179] : memref<5024x128xf32, #tpu.memory_space<vmem_shared>> -> memref<304x128xf32, #tpu.memory_space<vmem_shared>>
      tpu.enqueue_dma source(%dma_start3A_180 : memref<304x128xf32, #tpu.memory_space<vmem_shared>>) target(%dma_start3A_178 : memref<304x128xf32, #tpu.memory_space<hbm>>) target_semaphore(%run_scoped3A : memref<!tpu.dma_semaphore, #tpu.memory_space<semaphore_mem>>)
      %dma_wait3A = arith.constant 0 : i32
      %dma_wait3A_181 = tpu.memref_slice %arg6[%mul3A_69, %dma_wait3A] : memref<20000x128xf32, #tpu.memory_space<hbm>> -> memref<304x128xf32, #tpu.memory_space<hbm>>
      %dma_wait3A_182 = arith.constant 0 : i32
      %dma_wait3A_183 = tpu.memref_slice %arg14[%mul3A_35, %dma_wait3A_182] : memref<5024x128xf32, #tpu.memory_space<vmem_shared>> -> memref<304x128xf32, #tpu.memory_space<vmem_shared>>
      tpu.wait_dma2 semaphore(%run_scoped3A : memref<!tpu.dma_semaphore, #tpu.memory_space<semaphore_mem>>) src(%dma_wait3A_183 : memref<304x128xf32, #tpu.memory_space<vmem_shared>>) dst(%dma_wait3A_181 : memref<304x128xf32, #tpu.memory_space<hbm>>)
      tpu.yield
    }) : () -> ()
    %eq3A_70 = arith.constant 0 : i32
    %eq3A_71 = arith.cmpi eq, %arg1, %eq3A_70 : i32
    %convert_element_type3A_72 = arith.extui %eq3A_71 : i1 to i32
    %cond3A_73 = arith.constant 0 : i32
    %cond3A_74 = arith.cmpi ne, %convert_element_type3A_72, %cond3A_73 : i32
    scf.if %cond3A_74 {
      %mul3A_178 = arith.constant 2504 : i32
      %mul3A_179 = arith.muli %add3A_8, %mul3A_178 : i32
      %add3A_180 = arith.constant 2432 : i32
      %add3A_181 = arith.addi %mul3A_179, %add3A_180 : i32
      %mul3A_182 = arith.constant 2 : i32
      %mul3A_183 = arith.muli %add3A_181, %mul3A_182 : i32
      "tpu.region"() ({
        %run_scoped3A = tpu.sem_alloc : memref<!tpu.dma_semaphore, #tpu.memory_space<semaphore_mem>>
        %dma_start3A = arith.constant 0 : i32
        %dma_start3A_184 = tpu.memref_slice %arg6[%mul3A_183, %dma_start3A] : memref<20000x128xf32, #tpu.memory_space<hbm>> -> memref<112x128xf32, #tpu.memory_space<hbm>>
        %dma_start3A_185 = arith.constant 4864 : i32
        %dma_start3A_186 = arith.constant 0 : i32
        %dma_start3A_187 = tpu.memref_slice %arg14[%dma_start3A_185, %dma_start3A_186] : memref<5024x128xf32, #tpu.memory_space<vmem_shared>> -> memref<112x128xf32, #tpu.memory_space<vmem_shared>>
        tpu.enqueue_dma source(%dma_start3A_187 : memref<112x128xf32, #tpu.memory_space<vmem_shared>>) target(%dma_start3A_184 : memref<112x128xf32, #tpu.memory_space<hbm>>) target_semaphore(%run_scoped3A : memref<!tpu.dma_semaphore, #tpu.memory_space<semaphore_mem>>)
        %dma_wait3A = arith.constant 0 : i32
        %dma_wait3A_188 = tpu.memref_slice %arg6[%mul3A_183, %dma_wait3A] : memref<20000x128xf32, #tpu.memory_space<hbm>> -> memref<112x128xf32, #tpu.memory_space<hbm>>
        %dma_wait3A_189 = arith.constant 4864 : i32
        %dma_wait3A_190 = arith.constant 0 : i32
        %dma_wait3A_191 = tpu.memref_slice %arg14[%dma_wait3A_189, %dma_wait3A_190] : memref<5024x128xf32, #tpu.memory_space<vmem_shared>> -> memref<112x128xf32, #tpu.memory_space<vmem_shared>>
        tpu.wait_dma2 semaphore(%run_scoped3A : memref<!tpu.dma_semaphore, #tpu.memory_space<semaphore_mem>>) src(%dma_wait3A_191 : memref<112x128xf32, #tpu.memory_space<vmem_shared>>) dst(%dma_wait3A_188 : memref<112x128xf32, #tpu.memory_space<hbm>>)
        tpu.yield
      }) : () -> ()
    } else {
    }
    %eq3A_75 = arith.constant 1 : i32
    %eq3A_76 = arith.cmpi eq, %arg1, %eq3A_75 : i32
    %lt3A = arith.constant 3 : i32
    %lt3A_77 = arith.cmpi slt, %add3A_8, %lt3A : i32
    %and3A_78 = arith.andi %eq3A_76, %lt3A_77 : i1
    %convert_element_type3A_79 = arith.extui %and3A_78 : i1 to i32
    %cond3A_80 = arith.constant 0 : i32
    %cond3A_81 = arith.cmpi ne, %convert_element_type3A_79, %cond3A_80 : i32
    scf.if %cond3A_81 {
      %mul3A_178 = arith.constant 2504 : i32
      %mul3A_179 = arith.muli %add3A_8, %mul3A_178 : i32
      %add3A_180 = arith.constant 2488 : i32
      %add3A_181 = arith.addi %mul3A_179, %add3A_180 : i32
      %mul3A_182 = arith.constant 2 : i32
      %mul3A_183 = arith.muli %add3A_181, %mul3A_182 : i32
      "tpu.region"() ({
        %run_scoped3A = tpu.sem_alloc : memref<!tpu.dma_semaphore, #tpu.memory_space<semaphore_mem>>
        %dma_start3A = arith.constant 0 : i32
        %dma_start3A_184 = tpu.memref_slice %arg6[%mul3A_183, %dma_start3A] : memref<20000x128xf32, #tpu.memory_space<hbm>> -> memref<32x128xf32, #tpu.memory_space<hbm>>
        %dma_start3A_185 = arith.constant 4976 : i32
        %dma_start3A_186 = arith.constant 0 : i32
        %dma_start3A_187 = tpu.memref_slice %arg14[%dma_start3A_185, %dma_start3A_186] : memref<5024x128xf32, #tpu.memory_space<vmem_shared>> -> memref<32x128xf32, #tpu.memory_space<vmem_shared>>
        tpu.enqueue_dma source(%dma_start3A_187 : memref<32x128xf32, #tpu.memory_space<vmem_shared>>) target(%dma_start3A_184 : memref<32x128xf32, #tpu.memory_space<hbm>>) target_semaphore(%run_scoped3A : memref<!tpu.dma_semaphore, #tpu.memory_space<semaphore_mem>>)
        %dma_wait3A = arith.constant 0 : i32
        %dma_wait3A_188 = tpu.memref_slice %arg6[%mul3A_183, %dma_wait3A] : memref<20000x128xf32, #tpu.memory_space<hbm>> -> memref<32x128xf32, #tpu.memory_space<hbm>>
        %dma_wait3A_189 = arith.constant 4976 : i32
        %dma_wait3A_190 = arith.constant 0 : i32
        %dma_wait3A_191 = tpu.memref_slice %arg14[%dma_wait3A_189, %dma_wait3A_190] : memref<5024x128xf32, #tpu.memory_space<vmem_shared>> -> memref<32x128xf32, #tpu.memory_space<vmem_shared>>
        tpu.wait_dma2 semaphore(%run_scoped3A : memref<!tpu.dma_semaphore, #tpu.memory_space<semaphore_mem>>) src(%dma_wait3A_191 : memref<32x128xf32, #tpu.memory_space<vmem_shared>>) dst(%dma_wait3A_188 : memref<32x128xf32, #tpu.memory_space<hbm>>)
        tpu.yield
      }) : () -> ()
    } else {
    }
    %barrier3A_82 = arith.constant 0 : index
    tpu.barrier barrier_id(%barrier3A_82)
    %mul3A_83 = arith.constant 2 : i32
    %mul3A_84 = arith.muli %mul3A_83, %arg0 : i32
    %add3A_85 = arith.constant 1 : i32
    %add3A_86 = arith.addi %mul3A_84, %add3A_85 : i32
    %mul3A_87 = arith.constant 2 : i32
    %mul3A_88 = arith.muli %add3A, %mul3A_87 : i32
    %add3A_89 = arith.constant 1 : i32
    %add3A_90 = arith.addi %mul3A_88, %add3A_89 : i32
    %mul3A_91 = arith.constant 128 : i32
    %mul3A_92 = arith.muli %add3A_90, %mul3A_91 : i32
    "tpu.region"() ({
      %run_scoped3A = tpu.sem_alloc : memref<!tpu.dma_semaphore, #tpu.memory_space<semaphore_mem>>
      %dma_start3A = tpu.memref_slice %arg5[%mul3A_92] : memref<8192xi32, #tpu.memory_space<hbm>> -> memref<128xi32, #tpu.memory_space<hbm>>
      %dma_start3A_178 = tpu.memref_slice %arg5[%mul3A_92] : memref<8192xi32, #tpu.memory_space<hbm>> -> memref<128xi32, #tpu.memory_space<hbm>>
      tpu.enqueue_dma source(%dma_start3A_178 : memref<128xi32, #tpu.memory_space<hbm>>) target(%arg7 : memref<128xi32, #tpu.memory_space<vmem>>) target_semaphore(%run_scoped3A : memref<!tpu.dma_semaphore, #tpu.memory_space<semaphore_mem>>)
      %dma_wait3A = tpu.memref_slice %arg5[%mul3A_92] : memref<8192xi32, #tpu.memory_space<hbm>> -> memref<128xi32, #tpu.memory_space<hbm>>
      %dma_wait3A_179 = tpu.memref_slice %arg5[%mul3A_92] : memref<8192xi32, #tpu.memory_space<hbm>> -> memref<128xi32, #tpu.memory_space<hbm>>
      tpu.wait_dma2 semaphore(%run_scoped3A : memref<!tpu.dma_semaphore, #tpu.memory_space<semaphore_mem>>) src(%dma_wait3A_179 : memref<128xi32, #tpu.memory_space<hbm>>) dst(%arg7 : memref<128xi32, #tpu.memory_space<vmem>>)
      tpu.yield
    }) : () -> ()
    %get3A_93 = arith.constant 0 : index
    %get3A_94 = tpu.vector_load %arg7[%get3A_93] {strides = array<i32>} : memref<128xi32, #tpu.memory_space<vmem>>, vector<16xi32>,
    %slice3A_95 = vector.extract_strided_slice %get3A_94 {offsets = [0], sizes = [1], strides = [1]} : vector<16xi32> to vector<1xi32>
    %squeeze3A_96 = vector.extract %slice3A_95[0] : i32 from vector<1xi32>
    %jit3A_97 = arith.constant 128 : i32
    %div3A_98 = arith.divsi %squeeze3A_96, %jit3A_97 : i32
    %sign3A_99 = arith.constant 0 : i32
    %sign3A_100 = arith.cmpi sgt, %squeeze3A_96, %sign3A_99 : i32
    %sign3A_101 = arith.extui %sign3A_100 : i1 to i32
    %sign3A_102 = arith.constant 0 : i32
    %sign3A_103 = arith.cmpi slt, %squeeze3A_96, %sign3A_102 : i32
    %sign3A_104 = arith.extui %sign3A_103 : i1 to i32
    %sign3A_105 = arith.subi %sign3A_101, %sign3A_104 : i32
    %sign3A_106 = arith.constant 0 : i32
    %sign3A_107 = arith.cmpi sgt, %jit3A_97, %sign3A_106 : i32
    %sign3A_108 = arith.extui %sign3A_107 : i1 to i32
    %sign3A_109 = arith.constant 0 : i32
    %sign3A_110 = arith.cmpi slt, %jit3A_97, %sign3A_109 : i32
    %sign3A_111 = arith.extui %sign3A_110 : i1 to i32
    %sign3A_112 = arith.subi %sign3A_108, %sign3A_111 : i32
    %ne3A_113 = arith.cmpi ne, %sign3A_105, %sign3A_112 : i32
    %rem3A_114 = arith.remsi %squeeze3A_96, %jit3A_97 : i32
    %ne3A_115 = arith.constant 0 : i32
    %ne3A_116 = arith.cmpi ne, %rem3A_114, %ne3A_115 : i32
    %and3A_117 = arith.andi %ne3A_113, %ne3A_116 : i1
    %sub3A_118 = arith.constant 1 : i32
    %sub3A_119 = arith.subi %div3A_98, %sub3A_118 : i32
    %select_n3A_120 = arith.select %and3A_117, %sub3A_119, %div3A_98 : i32
    %mul3A_121 = arith.constant 152 : i32
    %mul3A_122 = arith.muli %arg1, %mul3A_121 : i32
    %mul3A_123 = arith.constant 2 : i32
    %mul3A_124 = arith.muli %mul3A_122, %mul3A_123 : i32
    %scan3A_125 = arith.constant 0 : i32
    %scan3A_126 = arith.constant 4 : i32
    %scan3A_127 = arith.addi %scan3A_125, %scan3A_126 : i32
    %scan3A_128 = arith.constant 1 : i32
    scf.for %scan3A_178 = %scan3A_125 to %scan3A_127 step %scan3A_128  : i32 {
      %mul3A_179 = arith.constant 1 : i32
      %mul3A_180 = arith.muli %scan3A_178, %mul3A_179 : i32
      %add3A_181 = arith.constant 0 : i32
      %add3A_182 = arith.addi %add3A_181, %mul3A_180 : i32
      %mul3A_183 = arith.constant 64 : i32
      %mul3A_184 = arith.muli %add3A_182, %mul3A_183 : i32
      %add3A_185 = arith.addi %mul3A_124, %mul3A_184 : i32
      "tpu.region"() ({
        %run_scoped3A = tpu.sem_alloc : memref<!tpu.dma_semaphore, #tpu.memory_space<semaphore_mem>>
        %dma_start3A = arith.constant 0 : i32
        %dma_start3A_186 = tpu.memref_slice %arg14[%add3A_185, %dma_start3A] : memref<5024x128xf32, #tpu.memory_space<vmem_shared>> -> memref<64x128xf32, #tpu.memory_space<vmem_shared>>
        %dma_start3A_187 = arith.constant 0 : i32
        %dma_start3A_188 = tpu.memref_slice %arg14[%add3A_185, %dma_start3A_187] : memref<5024x128xf32, #tpu.memory_space<vmem_shared>> -> memref<64x128xf32, #tpu.memory_space<vmem_shared>>
        tpu.enqueue_dma source(%arg13 : memref<64x128xf32, #tpu.memory_space<vmem>>) target(%dma_start3A_188 : memref<64x128xf32, #tpu.memory_space<vmem_shared>>) target_semaphore(%run_scoped3A : memref<!tpu.dma_semaphore, #tpu.memory_space<semaphore_mem>>)
        %dma_wait3A = arith.constant 0 : i32
        %dma_wait3A_189 = tpu.memref_slice %arg14[%add3A_185, %dma_wait3A] : memref<5024x128xf32, #tpu.memory_space<vmem_shared>> -> memref<64x128xf32, #tpu.memory_space<vmem_shared>>
        %dma_wait3A_190 = arith.constant 0 : i32
        %dma_wait3A_191 = tpu.memref_slice %arg14[%add3A_185, %dma_wait3A_190] : memref<5024x128xf32, #tpu.memory_space<vmem_shared>> -> memref<64x128xf32, #tpu.memory_space<vmem_shared>>
        tpu.wait_dma2 semaphore(%run_scoped3A : memref<!tpu.dma_semaphore, #tpu.memory_space<semaphore_mem>>) src(%arg13 : memref<64x128xf32, #tpu.memory_space<vmem>>) dst(%dma_wait3A_191 : memref<64x128xf32, #tpu.memory_space<vmem_shared>>)
        tpu.yield
      }) : () -> ()
    }
    %scan3A_129 = arith.constant 4 : i32
    %add3A_130 = arith.constant 256 : i32
    %add3A_131 = arith.addi %mul3A_124, %add3A_130 : i32
    "tpu.region"() ({
      %run_scoped3A = tpu.sem_alloc : memref<!tpu.dma_semaphore, #tpu.memory_space<semaphore_mem>>
      %dma_start3A = arith.constant 0 : i32
      %dma_start3A_178 = arith.constant 0 : i32
      %dma_start3A_179 = tpu.memref_slice %arg13[%dma_start3A, %dma_start3A_178] : memref<64x128xf32, #tpu.memory_space<vmem>> -> memref<48x128xf32, #tpu.memory_space<vmem>>
      %dma_start3A_180 = arith.constant 0 : i32
      %dma_start3A_181 = tpu.memref_slice %arg14[%add3A_131, %dma_start3A_180] : memref<5024x128xf32, #tpu.memory_space<vmem_shared>> -> memref<48x128xf32, #tpu.memory_space<vmem_shared>>
      %dma_start3A_182 = arith.constant 0 : i32
      %dma_start3A_183 = tpu.memref_slice %arg14[%add3A_131, %dma_start3A_182] : memref<5024x128xf32, #tpu.memory_space<vmem_shared>> -> memref<48x128xf32, #tpu.memory_space<vmem_shared>>
      %dma_start3A_184 = arith.constant 0 : i32
      %dma_start3A_185 = arith.constant 0 : i32
      %dma_start3A_186 = tpu.memref_slice %arg13[%dma_start3A_184, %dma_start3A_185] : memref<64x128xf32, #tpu.memory_space<vmem>> -> memref<48x128xf32, #tpu.memory_space<vmem>>
      tpu.enqueue_dma source(%dma_start3A_186 : memref<48x128xf32, #tpu.memory_space<vmem>>) target(%dma_start3A_183 : memref<48x128xf32, #tpu.memory_space<vmem_shared>>) target_semaphore(%run_scoped3A : memref<!tpu.dma_semaphore, #tpu.memory_space<semaphore_mem>>)
      %dma_wait3A = arith.constant 0 : i32
      %dma_wait3A_187 = arith.constant 0 : i32
      %dma_wait3A_188 = tpu.memref_slice %arg13[%dma_wait3A, %dma_wait3A_187] : memref<64x128xf32, #tpu.memory_space<vmem>> -> memref<48x128xf32, #tpu.memory_space<vmem>>
      %dma_wait3A_189 = arith.constant 0 : i32
      %dma_wait3A_190 = tpu.memref_slice %arg14[%add3A_131, %dma_wait3A_189] : memref<5024x128xf32, #tpu.memory_space<vmem_shared>> -> memref<48x128xf32, #tpu.memory_space<vmem_shared>>
      %dma_wait3A_191 = arith.constant 0 : i32
      %dma_wait3A_192 = tpu.memref_slice %arg14[%add3A_131, %dma_wait3A_191] : memref<5024x128xf32, #tpu.memory_space<vmem_shared>> -> memref<48x128xf32, #tpu.memory_space<vmem_shared>>
      %dma_wait3A_193 = arith.constant 0 : i32
      %dma_wait3A_194 = arith.constant 0 : i32
      %dma_wait3A_195 = tpu.memref_slice %arg13[%dma_wait3A_193, %dma_wait3A_194] : memref<64x128xf32, #tpu.memory_space<vmem>> -> memref<48x128xf32, #tpu.memory_space<vmem>>
      tpu.wait_dma2 semaphore(%run_scoped3A : memref<!tpu.dma_semaphore, #tpu.memory_space<semaphore_mem>>) src(%dma_wait3A_195 : memref<48x128xf32, #tpu.memory_space<vmem>>) dst(%dma_wait3A_192 : memref<48x128xf32, #tpu.memory_space<vmem_shared>>)
      tpu.yield
    }) : () -> ()
    %eq3A_132 = arith.constant 0 : i32
    %eq3A_133 = arith.cmpi eq, %arg1, %eq3A_132 : i32
    %convert_element_type3A_134 = arith.extui %eq3A_133 : i1 to i32
    %cond3A_135 = arith.constant 0 : i32
    %cond3A_136 = arith.cmpi ne, %convert_element_type3A_134, %cond3A_135 : i32
    scf.if %cond3A_136 {
      "tpu.region"() ({
        %run_scoped3A = tpu.sem_alloc : memref<!tpu.dma_semaphore, #tpu.memory_space<semaphore_mem>>
        %dma_start3A = arith.constant 4864 : i32
        %dma_start3A_178 = arith.constant 0 : i32
        %dma_start3A_179 = tpu.memref_slice %arg14[%dma_start3A, %dma_start3A_178] : memref<5024x128xf32, #tpu.memory_space<vmem_shared>> -> memref<64x128xf32, #tpu.memory_space<vmem_shared>>
        %dma_start3A_180 = arith.constant 4864 : i32
        %dma_start3A_181 = arith.constant 0 : i32
        %dma_start3A_182 = tpu.memref_slice %arg14[%dma_start3A_180, %dma_start3A_181] : memref<5024x128xf32, #tpu.memory_space<vmem_shared>> -> memref<64x128xf32, #tpu.memory_space<vmem_shared>>
        tpu.enqueue_dma source(%arg13 : memref<64x128xf32, #tpu.memory_space<vmem>>) target(%dma_start3A_182 : memref<64x128xf32, #tpu.memory_space<vmem_shared>>) target_semaphore(%run_scoped3A : memref<!tpu.dma_semaphore, #tpu.memory_space<semaphore_mem>>)
        %dma_wait3A = arith.constant 4864 : i32
        %dma_wait3A_183 = arith.constant 0 : i32
        %dma_wait3A_184 = tpu.memref_slice %arg14[%dma_wait3A, %dma_wait3A_183] : memref<5024x128xf32, #tpu.memory_space<vmem_shared>> -> memref<64x128xf32, #tpu.memory_space<vmem_shared>>
        %dma_wait3A_185 = arith.constant 4864 : i32
        %dma_wait3A_186 = arith.constant 0 : i32
        %dma_wait3A_187 = tpu.memref_slice %arg14[%dma_wait3A_185, %dma_wait3A_186] : memref<5024x128xf32, #tpu.memory_space<vmem_shared>> -> memref<64x128xf32, #tpu.memory_space<vmem_shared>>
        tpu.wait_dma2 semaphore(%run_scoped3A : memref<!tpu.dma_semaphore, #tpu.memory_space<semaphore_mem>>) src(%arg13 : memref<64x128xf32, #tpu.memory_space<vmem>>) dst(%dma_wait3A_187 : memref<64x128xf32, #tpu.memory_space<vmem_shared>>)
        tpu.yield
      }) : () -> ()
      "tpu.region"() ({
        %run_scoped3A = tpu.sem_alloc : memref<!tpu.dma_semaphore, #tpu.memory_space<semaphore_mem>>
        %dma_start3A = arith.constant 4928 : i32
        %dma_start3A_178 = arith.constant 0 : i32
        %dma_start3A_179 = tpu.memref_slice %arg14[%dma_start3A, %dma_start3A_178] : memref<5024x128xf32, #tpu.memory_space<vmem_shared>> -> memref<64x128xf32, #tpu.memory_space<vmem_shared>>
        %dma_start3A_180 = arith.constant 4928 : i32
        %dma_start3A_181 = arith.constant 0 : i32
        %dma_start3A_182 = tpu.memref_slice %arg14[%dma_start3A_180, %dma_start3A_181] : memref<5024x128xf32, #tpu.memory_space<vmem_shared>> -> memref<64x128xf32, #tpu.memory_space<vmem_shared>>
        tpu.enqueue_dma source(%arg13 : memref<64x128xf32, #tpu.memory_space<vmem>>) target(%dma_start3A_182 : memref<64x128xf32, #tpu.memory_space<vmem_shared>>) target_semaphore(%run_scoped3A : memref<!tpu.dma_semaphore, #tpu.memory_space<semaphore_mem>>)
        %dma_wait3A = arith.constant 4928 : i32
        %dma_wait3A_183 = arith.constant 0 : i32
        %dma_wait3A_184 = tpu.memref_slice %arg14[%dma_wait3A, %dma_wait3A_183] : memref<5024x128xf32, #tpu.memory_space<vmem_shared>> -> memref<64x128xf32, #tpu.memory_space<vmem_shared>>
        %dma_wait3A_185 = arith.constant 4928 : i32
        %dma_wait3A_186 = arith.constant 0 : i32
        %dma_wait3A_187 = tpu.memref_slice %arg14[%dma_wait3A_185, %dma_wait3A_186] : memref<5024x128xf32, #tpu.memory_space<vmem_shared>> -> memref<64x128xf32, #tpu.memory_space<vmem_shared>>
        tpu.wait_dma2 semaphore(%run_scoped3A : memref<!tpu.dma_semaphore, #tpu.memory_space<semaphore_mem>>) src(%arg13 : memref<64x128xf32, #tpu.memory_space<vmem>>) dst(%dma_wait3A_187 : memref<64x128xf32, #tpu.memory_space<vmem_shared>>)
        tpu.yield
      }) : () -> ()
      "tpu.region"() ({
        %run_scoped3A = tpu.sem_alloc : memref<!tpu.dma_semaphore, #tpu.memory_space<semaphore_mem>>
        %dma_start3A = arith.constant 0 : i32
        %dma_start3A_178 = arith.constant 0 : i32
        %dma_start3A_179 = tpu.memref_slice %arg13[%dma_start3A, %dma_start3A_178] : memref<64x128xf32, #tpu.memory_space<vmem>> -> memref<32x128xf32, #tpu.memory_space<vmem>>
        %dma_start3A_180 = arith.constant 4992 : i32
        %dma_start3A_181 = arith.constant 0 : i32
        %dma_start3A_182 = tpu.memref_slice %arg14[%dma_start3A_180, %dma_start3A_181] : memref<5024x128xf32, #tpu.memory_space<vmem_shared>> -> memref<32x128xf32, #tpu.memory_space<vmem_shared>>
        %dma_start3A_183 = arith.constant 4992 : i32
        %dma_start3A_184 = arith.constant 0 : i32
        %dma_start3A_185 = tpu.memref_slice %arg14[%dma_start3A_183, %dma_start3A_184] : memref<5024x128xf32, #tpu.memory_space<vmem_shared>> -> memref<32x128xf32, #tpu.memory_space<vmem_shared>>
        %dma_start3A_186 = arith.constant 0 : i32
        %dma_start3A_187 = arith.constant 0 : i32
        %dma_start3A_188 = tpu.memref_slice %arg13[%dma_start3A_186, %dma_start3A_187] : memref<64x128xf32, #tpu.memory_space<vmem>> -> memref<32x128xf32, #tpu.memory_space<vmem>>
        tpu.enqueue_dma source(%dma_start3A_188 : memref<32x128xf32, #tpu.memory_space<vmem>>) target(%dma_start3A_185 : memref<32x128xf32, #tpu.memory_space<vmem_shared>>) target_semaphore(%run_scoped3A : memref<!tpu.dma_semaphore, #tpu.memory_space<semaphore_mem>>)
        %dma_wait3A = arith.constant 0 : i32
        %dma_wait3A_189 = arith.constant 0 : i32
        %dma_wait3A_190 = tpu.memref_slice %arg13[%dma_wait3A, %dma_wait3A_189] : memref<64x128xf32, #tpu.memory_space<vmem>> -> memref<32x128xf32, #tpu.memory_space<vmem>>
        %dma_wait3A_191 = arith.constant 4992 : i32
        %dma_wait3A_192 = arith.constant 0 : i32
        %dma_wait3A_193 = tpu.memref_slice %arg14[%dma_wait3A_191, %dma_wait3A_192] : memref<5024x128xf32, #tpu.memory_space<vmem_shared>> -> memref<32x128xf32, #tpu.memory_space<vmem_shared>>
        %dma_wait3A_194 = arith.constant 4992 : i32
        %dma_wait3A_195 = arith.constant 0 : i32
        %dma_wait3A_196 = tpu.memref_slice %arg14[%dma_wait3A_194, %dma_wait3A_195] : memref<5024x128xf32, #tpu.memory_space<vmem_shared>> -> memref<32x128xf32, #tpu.memory_space<vmem_shared>>
        %dma_wait3A_197 = arith.constant 0 : i32
        %dma_wait3A_198 = arith.constant 0 : i32
        %dma_wait3A_199 = tpu.memref_slice %arg13[%dma_wait3A_197, %dma_wait3A_198] : memref<64x128xf32, #tpu.memory_space<vmem>> -> memref<32x128xf32, #tpu.memory_space<vmem>>
        tpu.wait_dma2 semaphore(%run_scoped3A : memref<!tpu.dma_semaphore, #tpu.memory_space<semaphore_mem>>) src(%dma_wait3A_199 : memref<32x128xf32, #tpu.memory_space<vmem>>) dst(%dma_wait3A_196 : memref<32x128xf32, #tpu.memory_space<vmem_shared>>)
        tpu.yield
      }) : () -> ()
    } else {
    }
    %barrier3A_137 = arith.constant 0 : index
    tpu.barrier barrier_id(%barrier3A_137)
    %mul3A_138 = arith.constant 2 : i32
    %mul3A_139 = arith.muli %add3A, %mul3A_138 : i32
    %add3A_140 = arith.constant 1 : i32
    %add3A_141 = arith.addi %mul3A_139, %add3A_140 : i32
    %mul3A_142 = arith.constant 10240 : i32
    %mul3A_143 = arith.muli %add3A_141, %mul3A_142 : i32
    %while3A_144 = arith.constant 0 : i32
    %while3A_145 = arith.constant 0 : i32
    %while3A_146 = arith.subi %select_n3A_120, %while3A_144 : i32
    %while3A_147 = arith.addi %while3A_144, %while3A_146 : i32
    %while3A_148 = arith.constant 1 : i32
    %while3A_149 = arith.divsi %while3A_146, %while3A_148 : i32
    %while3A_150 = arith.muli %while3A_149, %while3A_148 : i32
    %while3A_151 = arith.addi %while3A_144, %while3A_150 : i32
    %while3A_152 = arith.constant 1 : i32
    %while3A_153 = scf.for %while3A_178 = %while3A_144 to %while3A_151 step %while3A_152 iter_args(%while3A_179 = %while3A_145) -> (i32)  : i32 {
      %mul3A_180 = arith.constant 128 : i32
      %mul3A_181 = arith.muli %while3A_178, %mul3A_180 : i32
      %add3A_182 = arith.addi %mul3A_143, %mul3A_181 : i32
      %run_scoped3A = arith.constant 0 : i32
      "tpu.region"() ({
        %run_scoped3A_243 = tpu.sem_alloc : memref<!tpu.dma_semaphore, #tpu.memory_space<semaphore_mem>>
        %dma_start3A_244 = arith.constant 0 : i32
        %dma_start3A_245 = tpu.memref_slice %arg8[%run_scoped3A, %dma_start3A_244] : memref<2x128xi32, #tpu.memory_space<vmem>> -> memref<1x128xi32, #tpu.memory_space<vmem>>
        %dma_start3A_246 = tpu.memref_squeeze %dma_start3A_245 : memref<1x128xi32, #tpu.memory_space<vmem>> -> memref<128xi32, #tpu.memory_space<vmem>>
        %dma_start3A_247 = tpu.memref_slice %arg3[%add3A_182] : memref<655360xi32, #tpu.memory_space<hbm>> -> memref<128xi32, #tpu.memory_space<hbm>>
        %dma_start3A_248 = arith.constant 0 : i32
        %dma_start3A_249 = tpu.memref_slice %arg8[%run_scoped3A, %dma_start3A_248] : memref<2x128xi32, #tpu.memory_space<vmem>> -> memref<1x128xi32, #tpu.memory_space<vmem>>
        %dma_start3A_250 = tpu.memref_squeeze %dma_start3A_249 : memref<1x128xi32, #tpu.memory_space<vmem>> -> memref<128xi32, #tpu.memory_space<vmem>>
        %dma_start3A_251 = tpu.memref_slice %arg3[%add3A_182] : memref<655360xi32, #tpu.memory_space<hbm>> -> memref<128xi32, #tpu.memory_space<hbm>>
        tpu.enqueue_dma source(%dma_start3A_251 : memref<128xi32, #tpu.memory_space<hbm>>) target(%dma_start3A_250 : memref<128xi32, #tpu.memory_space<vmem>>) target_semaphore(%run_scoped3A_243 : memref<!tpu.dma_semaphore, #tpu.memory_space<semaphore_mem>>)
        %dma_wait3A_252 = arith.constant 0 : i32
        %dma_wait3A_253 = tpu.memref_slice %arg8[%run_scoped3A, %dma_wait3A_252] : memref<2x128xi32, #tpu.memory_space<vmem>> -> memref<1x128xi32, #tpu.memory_space<vmem>>
        %dma_wait3A_254 = tpu.memref_squeeze %dma_wait3A_253 : memref<1x128xi32, #tpu.memory_space<vmem>> -> memref<128xi32, #tpu.memory_space<vmem>>
        %dma_wait3A_255 = tpu.memref_slice %arg3[%add3A_182] : memref<655360xi32, #tpu.memory_space<hbm>> -> memref<128xi32, #tpu.memory_space<hbm>>
        %dma_wait3A_256 = arith.constant 0 : i32
        %dma_wait3A_257 = tpu.memref_slice %arg8[%run_scoped3A, %dma_wait3A_256] : memref<2x128xi32, #tpu.memory_space<vmem>> -> memref<1x128xi32, #tpu.memory_space<vmem>>
        %dma_wait3A_258 = tpu.memref_squeeze %dma_wait3A_257 : memref<1x128xi32, #tpu.memory_space<vmem>> -> memref<128xi32, #tpu.memory_space<vmem>>
        %dma_wait3A_259 = tpu.memref_slice %arg3[%add3A_182] : memref<655360xi32, #tpu.memory_space<hbm>> -> memref<128xi32, #tpu.memory_space<hbm>>
        tpu.wait_dma2 semaphore(%run_scoped3A_243 : memref<!tpu.dma_semaphore, #tpu.memory_space<semaphore_mem>>) src(%dma_wait3A_259 : memref<128xi32, #tpu.memory_space<hbm>>) dst(%dma_wait3A_258 : memref<128xi32, #tpu.memory_space<vmem>>)
        tpu.yield
      }) : () -> ()
      %mul3A_183 = arith.constant 128 : i32
      %mul3A_184 = arith.muli %while3A_178, %mul3A_183 : i32
      %add3A_185 = arith.addi %mul3A_143, %mul3A_184 : i32
      %run_scoped3A_186 = arith.constant 0 : i32
      "tpu.region"() ({
        %run_scoped3A_243 = tpu.sem_alloc : memref<!tpu.dma_semaphore, #tpu.memory_space<semaphore_mem>>
        %dma_start3A_244 = arith.constant 0 : i32
        %dma_start3A_245 = tpu.memref_slice %arg9[%run_scoped3A_186, %dma_start3A_244] : memref<2x128xi32, #tpu.memory_space<vmem>> -> memref<1x128xi32, #tpu.memory_space<vmem>>
        %dma_start3A_246 = tpu.memref_squeeze %dma_start3A_245 : memref<1x128xi32, #tpu.memory_space<vmem>> -> memref<128xi32, #tpu.memory_space<vmem>>
        %dma_start3A_247 = tpu.memref_slice %arg4[%add3A_185] : memref<655360xi32, #tpu.memory_space<hbm>> -> memref<128xi32, #tpu.memory_space<hbm>>
        %dma_start3A_248 = arith.constant 0 : i32
        %dma_start3A_249 = tpu.memref_slice %arg9[%run_scoped3A_186, %dma_start3A_248] : memref<2x128xi32, #tpu.memory_space<vmem>> -> memref<1x128xi32, #tpu.memory_space<vmem>>
        %dma_start3A_250 = tpu.memref_squeeze %dma_start3A_249 : memref<1x128xi32, #tpu.memory_space<vmem>> -> memref<128xi32, #tpu.memory_space<vmem>>
        %dma_start3A_251 = tpu.memref_slice %arg4[%add3A_185] : memref<655360xi32, #tpu.memory_space<hbm>> -> memref<128xi32, #tpu.memory_space<hbm>>
        tpu.enqueue_dma source(%dma_start3A_251 : memref<128xi32, #tpu.memory_space<hbm>>) target(%dma_start3A_250 : memref<128xi32, #tpu.memory_space<vmem>>) target_semaphore(%run_scoped3A_243 : memref<!tpu.dma_semaphore, #tpu.memory_space<semaphore_mem>>)
        %dma_wait3A_252 = arith.constant 0 : i32
        %dma_wait3A_253 = tpu.memref_slice %arg9[%run_scoped3A_186, %dma_wait3A_252] : memref<2x128xi32, #tpu.memory_space<vmem>> -> memref<1x128xi32, #tpu.memory_space<vmem>>
        %dma_wait3A_254 = tpu.memref_squeeze %dma_wait3A_253 : memref<1x128xi32, #tpu.memory_space<vmem>> -> memref<128xi32, #tpu.memory_space<vmem>>
        %dma_wait3A_255 = tpu.memref_slice %arg4[%add3A_185] : memref<655360xi32, #tpu.memory_space<hbm>> -> memref<128xi32, #tpu.memory_space<hbm>>
        %dma_wait3A_256 = arith.constant 0 : i32
        %dma_wait3A_257 = tpu.memref_slice %arg9[%run_scoped3A_186, %dma_wait3A_256] : memref<2x128xi32, #tpu.memory_space<vmem>> -> memref<1x128xi32, #tpu.memory_space<vmem>>
        %dma_wait3A_258 = tpu.memref_squeeze %dma_wait3A_257 : memref<1x128xi32, #tpu.memory_space<vmem>> -> memref<128xi32, #tpu.memory_space<vmem>>
        %dma_wait3A_259 = tpu.memref_slice %arg4[%add3A_185] : memref<655360xi32, #tpu.memory_space<hbm>> -> memref<128xi32, #tpu.memory_space<hbm>>
        tpu.wait_dma2 semaphore(%run_scoped3A_243 : memref<!tpu.dma_semaphore, #tpu.memory_space<semaphore_mem>>) src(%dma_wait3A_259 : memref<128xi32, #tpu.memory_space<hbm>>) dst(%dma_wait3A_258 : memref<128xi32, #tpu.memory_space<vmem>>)
        tpu.yield
      }) : () -> ()
      %scan3A_187 = arith.constant 0 : i32
      %scan3A_188 = arith.constant 8 : i32
      %scan3A_189 = arith.addi %scan3A_187, %scan3A_188 : i32
      %scan3A_190 = arith.constant 1 : i32
      scf.for %scan3A_243 = %scan3A_187 to %scan3A_189 step %scan3A_190  : i32 {
        %mul3A_244 = arith.constant 1 : i32
        %mul3A_245 = arith.muli %scan3A_243, %mul3A_244 : i32
        %add3A_246 = arith.constant 0 : i32
        %add3A_247 = arith.addi %add3A_246, %mul3A_245 : i32
        %mul3A_248 = arith.constant 16 : i32
        %mul3A_249 = arith.muli %add3A_247, %mul3A_248 : i32
        %get3A_250 = arith.constant 0 : i32
        %get3A_251 = arith.index_cast %get3A_250 : i32 to index
        %get3A_252 = arith.index_cast %mul3A_249 : i32 to index
        %get3A_253 = tpu.vector_load %arg8[%get3A_251, %get3A_252] {strides = array<i32>} : memref<2x128xi32, #tpu.memory_space<vmem>>, vector<16xi32>,
        %mul3A_254 = arith.constant 2 : i32
        %mul3A_255 = vector.broadcast %mul3A_254 : i32 to vector<16xi32>
        %mul3A_256 = arith.muli %get3A_253, %mul3A_255 : vector<16xi32>
        %mul3A_257 = arith.constant 16 : i32
        %mul3A_258 = arith.muli %add3A_247, %mul3A_257 : i32
        %get3A_259 = arith.constant 0 : i32
        %get3A_260 = arith.index_cast %get3A_259 : i32 to index
        %get3A_261 = arith.index_cast %mul3A_258 : i32 to index
        %get3A_262 = tpu.vector_load %arg9[%get3A_260, %get3A_261] {strides = array<i32>} : memref<2x128xi32, #tpu.memory_space<vmem>>, vector<16xi32>,
        %mul3A_263 = arith.constant 2 : i32
        %mul3A_264 = vector.broadcast %mul3A_263 : i32 to vector<16xi32>
        %mul3A_265 = arith.muli %get3A_262, %mul3A_264 : vector<16xi32>
        %mul3A_266 = arith.constant 16 : i32
        %mul3A_267 = arith.muli %add3A_247, %mul3A_266 : i32
        %swap3A = arith.constant 0 : i32
        %swap3A_268 = arith.index_cast %swap3A : i32 to index
        %swap3A_269 = arith.index_cast %mul3A_267 : i32 to index
        %swap3A_270 = tpu.vector_load %arg10[%swap3A_268, %swap3A_269] {strides = array<i32>} : memref<2x128xi32, #tpu.memory_space<vmem>>, vector<16xi32>,
        tpu.vector_store %arg10[%swap3A_268, %swap3A_269], %mul3A_256 {strides = array<i32>} : memref<2x128xi32, #tpu.memory_space<vmem>>, vector<16xi32>,
        %add3A_271 = arith.constant 1 : i32
        %add3A_272 = vector.broadcast %add3A_271 : i32 to vector<16xi32>
        %add3A_273 = arith.addi %mul3A_256, %add3A_272 : vector<16xi32>
        %mul3A_274 = arith.constant 16 : i32
        %mul3A_275 = arith.muli %add3A_247, %mul3A_274 : i32
        %swap3A_276 = arith.constant 1 : i32
        %swap3A_277 = arith.index_cast %swap3A_276 : i32 to index
        %swap3A_278 = arith.index_cast %mul3A_275 : i32 to index
        %swap3A_279 = tpu.vector_load %arg10[%swap3A_277, %swap3A_278] {strides = array<i32>} : memref<2x128xi32, #tpu.memory_space<vmem>>, vector<16xi32>,
        tpu.vector_store %arg10[%swap3A_277, %swap3A_278], %add3A_273 {strides = array<i32>} : memref<2x128xi32, #tpu.memory_space<vmem>>, vector<16xi32>,
        %mul3A_280 = arith.constant 16 : i32
        %mul3A_281 = arith.muli %add3A_247, %mul3A_280 : i32
        %swap3A_282 = arith.constant 0 : i32
        %swap3A_283 = arith.index_cast %swap3A_282 : i32 to index
        %swap3A_284 = arith.index_cast %mul3A_281 : i32 to index
        %swap3A_285 = tpu.vector_load %arg11[%swap3A_283, %swap3A_284] {strides = array<i32>} : memref<2x128xi32, #tpu.memory_space<vmem>>, vector<16xi32>,
        tpu.vector_store %arg11[%swap3A_283, %swap3A_284], %mul3A_265 {strides = array<i32>} : memref<2x128xi32, #tpu.memory_space<vmem>>, vector<16xi32>,
        %add3A_286 = arith.constant 1 : i32
        %add3A_287 = vector.broadcast %add3A_286 : i32 to vector<16xi32>
        %add3A_288 = arith.addi %mul3A_265, %add3A_287 : vector<16xi32>
        %mul3A_289 = arith.constant 16 : i32
        %mul3A_290 = arith.muli %add3A_247, %mul3A_289 : i32
        %swap3A_291 = arith.constant 1 : i32
        %swap3A_292 = arith.index_cast %swap3A_291 : i32 to index
        %swap3A_293 = arith.index_cast %mul3A_290 : i32 to index
        %swap3A_294 = tpu.vector_load %arg11[%swap3A_292, %swap3A_293] {strides = array<i32>} : memref<2x128xi32, #tpu.memory_space<vmem>>, vector<16xi32>,
        tpu.vector_store %arg11[%swap3A_292, %swap3A_293], %add3A_288 {strides = array<i32>} : memref<2x128xi32, #tpu.memory_space<vmem>>, vector<16xi32>,
      }
      %scan3A_191 = arith.constant 8 : i32
      %dma_start3A = arith.constant 0 : i32
      %dma_start3A_192 = arith.constant 0 : i32
      %dma_start3A_193 = arith.constant 0 : i32
      %dma_start3A_194 = arith.constant 0 : i32
      %dma_start3A_195 = tpu.memref_slice %arg12[%dma_start3A_192, %dma_start3A_193, %dma_start3A_194] : memref<2x128x128xf32, #tpu.memory_space<vmem>> -> memref<1x128x128xf32, #tpu.memory_space<vmem>>
      %dma_start3A_196 = tpu.memref_squeeze %dma_start3A_195 : memref<1x128x128xf32, #tpu.memory_space<vmem>> -> memref<128x128xf32, #tpu.memory_space<vmem>>
      %dma_start3A_197 = arith.constant 0 : i32
      %dma_start3A_198 = tpu.memref_slice %arg10[%dma_start3A, %dma_start3A_197] : memref<2x128xi32, #tpu.memory_space<vmem>> -> memref<1x128xi32, #tpu.memory_space<vmem>>
      %dma_start3A_199 = tpu.memref_squeeze %dma_start3A_198 : memref<1x128xi32, #tpu.memory_space<vmem>> -> memref<128xi32, #tpu.memory_space<vmem>>
      %dma_start3A_200 = arith.constant 0 : i32
      %dma_start3A_201 = arith.constant 0 : i32
      %dma_start3A_202 = tpu.memref_slice %arg2[%dma_start3A_200, %dma_start3A_201] : memref<20000x128xf32, #tpu.memory_space<hbm>> -> memref<20000x128xf32, #tpu.memory_space<hbm>>
      tpu.enqueue_indirect_dma source(%dma_start3A_202 : memref<20000x128xf32, #tpu.memory_space<hbm>>) target(%dma_start3A_196 : memref<128x128xf32, #tpu.memory_space<vmem>>) offsets(%dma_start3A_199 : memref<128xi32, #tpu.memory_space<vmem>>) semaphore(%arg15 : memref<!tpu.dma_semaphore, #tpu.memory_space<semaphore_mem>>)
      %dma_start3A_203 = arith.constant 1 : i32
      %dma_start3A_204 = arith.constant 1 : i32
      %dma_start3A_205 = arith.constant 0 : i32
      %dma_start3A_206 = arith.constant 0 : i32
      %dma_start3A_207 = tpu.memref_slice %arg12[%dma_start3A_204, %dma_start3A_205, %dma_start3A_206] : memref<2x128x128xf32, #tpu.memory_space<vmem>> -> memref<1x128x128xf32, #tpu.memory_space<vmem>>
      %dma_start3A_208 = tpu.memref_squeeze %dma_start3A_207 : memref<1x128x128xf32, #tpu.memory_space<vmem>> -> memref<128x128xf32, #tpu.memory_space<vmem>>
      %dma_start3A_209 = arith.constant 0 : i32
      %dma_start3A_210 = tpu.memref_slice %arg10[%dma_start3A_203, %dma_start3A_209] : memref<2x128xi32, #tpu.memory_space<vmem>> -> memref<1x128xi32, #tpu.memory_space<vmem>>
      %dma_start3A_211 = tpu.memref_squeeze %dma_start3A_210 : memref<1x128xi32, #tpu.memory_space<vmem>> -> memref<128xi32, #tpu.memory_space<vmem>>
      %dma_start3A_212 = arith.constant 0 : i32
      %dma_start3A_213 = arith.constant 0 : i32
      %dma_start3A_214 = tpu.memref_slice %arg2[%dma_start3A_212, %dma_start3A_213] : memref<20000x128xf32, #tpu.memory_space<hbm>> -> memref<20000x128xf32, #tpu.memory_space<hbm>>
      tpu.enqueue_indirect_dma source(%dma_start3A_214 : memref<20000x128xf32, #tpu.memory_space<hbm>>) target(%dma_start3A_208 : memref<128x128xf32, #tpu.memory_space<vmem>>) offsets(%dma_start3A_211 : memref<128xi32, #tpu.memory_space<vmem>>) semaphore(%arg16 : memref<!tpu.dma_semaphore, #tpu.memory_space<semaphore_mem>>)
      %dma_wait3A = arith.constant 0 : i32
      %dma_wait3A_215 = arith.constant 0 : i32
      %dma_wait3A_216 = arith.constant 0 : i32
      %dma_wait3A_217 = arith.constant 0 : i32
      %dma_wait3A_218 = tpu.memref_slice %arg12[%dma_wait3A_215, %dma_wait3A_216, %dma_wait3A_217] : memref<2x128x128xf32, #tpu.memory_space<vmem>> -> memref<1x128x128xf32, #tpu.memory_space<vmem>>
      %dma_wait3A_219 = tpu.memref_squeeze %dma_wait3A_218 : memref<1x128x128xf32, #tpu.memory_space<vmem>> -> memref<128x128xf32, #tpu.memory_space<vmem>>
      %dma_wait3A_220 = arith.constant 0 : i32
      %dma_wait3A_221 = tpu.memref_slice %arg10[%dma_wait3A, %dma_wait3A_220] : memref<2x128xi32, #tpu.memory_space<vmem>> -> memref<1x128xi32, #tpu.memory_space<vmem>>
      %dma_wait3A_222 = tpu.memref_squeeze %dma_wait3A_221 : memref<1x128xi32, #tpu.memory_space<vmem>> -> memref<128xi32, #tpu.memory_space<vmem>>
      %dma_wait3A_223 = arith.constant 0 : i32
      %dma_wait3A_224 = arith.constant 0 : i32
      %dma_wait3A_225 = tpu.memref_slice %arg2[%dma_wait3A_223, %dma_wait3A_224] : memref<20000x128xf32, #tpu.memory_space<hbm>> -> memref<20000x128xf32, #tpu.memory_space<hbm>>
      tpu.wait_indirect_dma semaphore(%arg15 : memref<!tpu.dma_semaphore, #tpu.memory_space<semaphore_mem>>) src(%dma_wait3A_225 : memref<20000x128xf32, #tpu.memory_space<hbm>>) dst(%dma_wait3A_219 : memref<128x128xf32, #tpu.memory_space<vmem>>)
      %dma_wait3A_226 = arith.constant 1 : i32
      %dma_wait3A_227 = arith.constant 1 : i32
      %dma_wait3A_228 = arith.constant 0 : i32
      %dma_wait3A_229 = arith.constant 0 : i32
      %dma_wait3A_230 = tpu.memref_slice %arg12[%dma_wait3A_227, %dma_wait3A_228, %dma_wait3A_229] : memref<2x128x128xf32, #tpu.memory_space<vmem>> -> memref<1x128x128xf32, #tpu.memory_space<vmem>>
      %dma_wait3A_231 = tpu.memref_squeeze %dma_wait3A_230 : memref<1x128x128xf32, #tpu.memory_space<vmem>> -> memref<128x128xf32, #tpu.memory_space<vmem>>
      %dma_wait3A_232 = arith.constant 0 : i32
      %dma_wait3A_233 = tpu.memref_slice %arg10[%dma_wait3A_226, %dma_wait3A_232] : memref<2x128xi32, #tpu.memory_space<vmem>> -> memref<1x128xi32, #tpu.memory_space<vmem>>
      %dma_wait3A_234 = tpu.memref_squeeze %dma_wait3A_233 : memref<1x128xi32, #tpu.memory_space<vmem>> -> memref<128xi32, #tpu.memory_space<vmem>>
      %dma_wait3A_235 = arith.constant 0 : i32
      %dma_wait3A_236 = arith.constant 0 : i32
      %dma_wait3A_237 = tpu.memref_slice %arg2[%dma_wait3A_235, %dma_wait3A_236] : memref<20000x128xf32, #tpu.memory_space<hbm>> -> memref<20000x128xf32, #tpu.memory_space<hbm>>
      tpu.wait_indirect_dma semaphore(%arg16 : memref<!tpu.dma_semaphore, #tpu.memory_space<semaphore_mem>>) src(%dma_wait3A_237 : memref<20000x128xf32, #tpu.memory_space<hbm>>) dst(%dma_wait3A_231 : memref<128x128xf32, #tpu.memory_space<vmem>>)
      %run_scoped3A_238 = arith.constant 0 : i32
      %run_scoped3A_239 = arith.constant 0 : i32
      "tpu.region"() ({
        %run_scoped3A_243 = tpu.sem_alloc : memref<!tpu.dma_semaphore, #tpu.memory_space<semaphore_mem>>
        %dma_start3A_244 = arith.constant 0 : i32
        %dma_start3A_245 = arith.constant 0 : i32
        %dma_start3A_246 = tpu.memref_slice %arg12[%run_scoped3A_238, %dma_start3A_244, %dma_start3A_245] : memref<2x128x128xf32, #tpu.memory_space<vmem>> -> memref<1x128x128xf32, #tpu.memory_space<vmem>>
        %dma_start3A_247 = tpu.memref_squeeze %dma_start3A_246 : memref<1x128x128xf32, #tpu.memory_space<vmem>> -> memref<128x128xf32, #tpu.memory_space<vmem>>
        %dma_start3A_248 = arith.constant 0 : i32
        %dma_start3A_249 = tpu.memref_slice %arg11[%run_scoped3A_239, %dma_start3A_248] : memref<2x128xi32, #tpu.memory_space<vmem>> -> memref<1x128xi32, #tpu.memory_space<vmem>>
        %dma_start3A_250 = tpu.memref_squeeze %dma_start3A_249 : memref<1x128xi32, #tpu.memory_space<vmem>> -> memref<128xi32, #tpu.memory_space<vmem>>
        %dma_start3A_251 = arith.constant 0 : i32
        %dma_start3A_252 = arith.constant 0 : i32
        %dma_start3A_253 = tpu.memref_slice %arg14[%dma_start3A_251, %dma_start3A_252] : memref<5024x128xf32, #tpu.memory_space<vmem_shared>> -> memref<5024x128xf32, #tpu.memory_space<vmem_shared>>
        tpu.enqueue_indirect_dma source(%dma_start3A_247 : memref<128x128xf32, #tpu.memory_space<vmem>>) target(%dma_start3A_253 : memref<5024x128xf32, #tpu.memory_space<vmem_shared>>) offsets(%dma_start3A_250 : memref<128xi32, #tpu.memory_space<vmem>>) semaphore(%run_scoped3A_243 : memref<!tpu.dma_semaphore, #tpu.memory_space<semaphore_mem>>) {add = true}
        %dma_wait3A_254 = arith.constant 0 : i32
        %dma_wait3A_255 = arith.constant 0 : i32
        %dma_wait3A_256 = tpu.memref_slice %arg12[%run_scoped3A_238, %dma_wait3A_254, %dma_wait3A_255] : memref<2x128x128xf32, #tpu.memory_space<vmem>> -> memref<1x128x128xf32, #tpu.memory_space<vmem>>
        %dma_wait3A_257 = tpu.memref_squeeze %dma_wait3A_256 : memref<1x128x128xf32, #tpu.memory_space<vmem>> -> memref<128x128xf32, #tpu.memory_space<vmem>>
        %dma_wait3A_258 = arith.constant 0 : i32
        %dma_wait3A_259 = tpu.memref_slice %arg11[%run_scoped3A_239, %dma_wait3A_258] : memref<2x128xi32, #tpu.memory_space<vmem>> -> memref<1x128xi32, #tpu.memory_space<vmem>>
        %dma_wait3A_260 = tpu.memref_squeeze %dma_wait3A_259 : memref<1x128xi32, #tpu.memory_space<vmem>> -> memref<128xi32, #tpu.memory_space<vmem>>
        %dma_wait3A_261 = arith.constant 0 : i32
        %dma_wait3A_262 = arith.constant 0 : i32
        %dma_wait3A_263 = tpu.memref_slice %arg14[%dma_wait3A_261, %dma_wait3A_262] : memref<5024x128xf32, #tpu.memory_space<vmem_shared>> -> memref<5024x128xf32, #tpu.memory_space<vmem_shared>>
        tpu.wait_indirect_dma semaphore(%run_scoped3A_243 : memref<!tpu.dma_semaphore, #tpu.memory_space<semaphore_mem>>) src(%dma_wait3A_257 : memref<128x128xf32, #tpu.memory_space<vmem>>) dst(%dma_wait3A_263 : memref<5024x128xf32, #tpu.memory_space<vmem_shared>>)
        tpu.yield
      }) : () -> ()
      %run_scoped3A_240 = arith.constant 1 : i32
      %run_scoped3A_241 = arith.constant 1 : i32
      "tpu.region"() ({
        %run_scoped3A_243 = tpu.sem_alloc : memref<!tpu.dma_semaphore, #tpu.memory_space<semaphore_mem>>
        %dma_start3A_244 = arith.constant 0 : i32
        %dma_start3A_245 = arith.constant 0 : i32
        %dma_start3A_246 = tpu.memref_slice %arg12[%run_scoped3A_240, %dma_start3A_244, %dma_start3A_245] : memref<2x128x128xf32, #tpu.memory_space<vmem>> -> memref<1x128x128xf32, #tpu.memory_space<vmem>>
        %dma_start3A_247 = tpu.memref_squeeze %dma_start3A_246 : memref<1x128x128xf32, #tpu.memory_space<vmem>> -> memref<128x128xf32, #tpu.memory_space<vmem>>
        %dma_start3A_248 = arith.constant 0 : i32
        %dma_start3A_249 = tpu.memref_slice %arg11[%run_scoped3A_241, %dma_start3A_248] : memref<2x128xi32, #tpu.memory_space<vmem>> -> memref<1x128xi32, #tpu.memory_space<vmem>>
        %dma_start3A_250 = tpu.memref_squeeze %dma_start3A_249 : memref<1x128xi32, #tpu.memory_space<vmem>> -> memref<128xi32, #tpu.memory_space<vmem>>
        %dma_start3A_251 = arith.constant 0 : i32
        %dma_start3A_252 = arith.constant 0 : i32
        %dma_start3A_253 = tpu.memref_slice %arg14[%dma_start3A_251, %dma_start3A_252] : memref<5024x128xf32, #tpu.memory_space<vmem_shared>> -> memref<5024x128xf32, #tpu.memory_space<vmem_shared>>
        tpu.enqueue_indirect_dma source(%dma_start3A_247 : memref<128x128xf32, #tpu.memory_space<vmem>>) target(%dma_start3A_253 : memref<5024x128xf32, #tpu.memory_space<vmem_shared>>) offsets(%dma_start3A_250 : memref<128xi32, #tpu.memory_space<vmem>>) semaphore(%run_scoped3A_243 : memref<!tpu.dma_semaphore, #tpu.memory_space<semaphore_mem>>) {add = true}
        %dma_wait3A_254 = arith.constant 0 : i32
        %dma_wait3A_255 = arith.constant 0 : i32
        %dma_wait3A_256 = tpu.memref_slice %arg12[%run_scoped3A_240, %dma_wait3A_254, %dma_wait3A_255] : memref<2x128x128xf32, #tpu.memory_space<vmem>> -> memref<1x128x128xf32, #tpu.memory_space<vmem>>
        %dma_wait3A_257 = tpu.memref_squeeze %dma_wait3A_256 : memref<1x128x128xf32, #tpu.memory_space<vmem>> -> memref<128x128xf32, #tpu.memory_space<vmem>>
        %dma_wait3A_258 = arith.constant 0 : i32
        %dma_wait3A_259 = tpu.memref_slice %arg11[%run_scoped3A_241, %dma_wait3A_258] : memref<2x128xi32, #tpu.memory_space<vmem>> -> memref<1x128xi32, #tpu.memory_space<vmem>>
        %dma_wait3A_260 = tpu.memref_squeeze %dma_wait3A_259 : memref<1x128xi32, #tpu.memory_space<vmem>> -> memref<128xi32, #tpu.memory_space<vmem>>
        %dma_wait3A_261 = arith.constant 0 : i32
        %dma_wait3A_262 = arith.constant 0 : i32
        %dma_wait3A_263 = tpu.memref_slice %arg14[%dma_wait3A_261, %dma_wait3A_262] : memref<5024x128xf32, #tpu.memory_space<vmem_shared>> -> memref<5024x128xf32, #tpu.memory_space<vmem_shared>>
        tpu.wait_indirect_dma semaphore(%run_scoped3A_243 : memref<!tpu.dma_semaphore, #tpu.memory_space<semaphore_mem>>) src(%dma_wait3A_257 : memref<128x128xf32, #tpu.memory_space<vmem>>) dst(%dma_wait3A_263 : memref<5024x128xf32, #tpu.memory_space<vmem_shared>>)
        tpu.yield
      }) : () -> ()
      %while3A_242 = arith.constant 0 : i32
      scf.yield %while3A_242 : i32
    }
    %while3A_154 = arith.constant 1 : i32
    %while3A_155 = scf.for %while3A_178 = %while3A_151 to %while3A_147 step %while3A_154 iter_args(%while3A_179 = %while3A_153) -> (i32)  : i32 {
      %mul3A_180 = arith.constant 128 : i32
      %mul3A_181 = arith.muli %while3A_178, %mul3A_180 : i32
      %add3A_182 = arith.addi %mul3A_143, %mul3A_181 : i32
      %run_scoped3A = arith.constant 0 : i32
      "tpu.region"() ({
        %run_scoped3A_243 = tpu.sem_alloc : memref<!tpu.dma_semaphore, #tpu.memory_space<semaphore_mem>>
        %dma_start3A_244 = arith.constant 0 : i32
        %dma_start3A_245 = tpu.memref_slice %arg8[%run_scoped3A, %dma_start3A_244] : memref<2x128xi32, #tpu.memory_space<vmem>> -> memref<1x128xi32, #tpu.memory_space<vmem>>
        %dma_start3A_246 = tpu.memref_squeeze %dma_start3A_245 : memref<1x128xi32, #tpu.memory_space<vmem>> -> memref<128xi32, #tpu.memory_space<vmem>>
        %dma_start3A_247 = tpu.memref_slice %arg3[%add3A_182] : memref<655360xi32, #tpu.memory_space<hbm>> -> memref<128xi32, #tpu.memory_space<hbm>>
        %dma_start3A_248 = arith.constant 0 : i32
        %dma_start3A_249 = tpu.memref_slice %arg8[%run_scoped3A, %dma_start3A_248] : memref<2x128xi32, #tpu.memory_space<vmem>> -> memref<1x128xi32, #tpu.memory_space<vmem>>
        %dma_start3A_250 = tpu.memref_squeeze %dma_start3A_249 : memref<1x128xi32, #tpu.memory_space<vmem>> -> memref<128xi32, #tpu.memory_space<vmem>>
        %dma_start3A_251 = tpu.memref_slice %arg3[%add3A_182] : memref<655360xi32, #tpu.memory_space<hbm>> -> memref<128xi32, #tpu.memory_space<hbm>>
        tpu.enqueue_dma source(%dma_start3A_251 : memref<128xi32, #tpu.memory_space<hbm>>) target(%dma_start3A_250 : memref<128xi32, #tpu.memory_space<vmem>>) target_semaphore(%run_scoped3A_243 : memref<!tpu.dma_semaphore, #tpu.memory_space<semaphore_mem>>)
        %dma_wait3A_252 = arith.constant 0 : i32
        %dma_wait3A_253 = tpu.memref_slice %arg8[%run_scoped3A, %dma_wait3A_252] : memref<2x128xi32, #tpu.memory_space<vmem>> -> memref<1x128xi32, #tpu.memory_space<vmem>>
        %dma_wait3A_254 = tpu.memref_squeeze %dma_wait3A_253 : memref<1x128xi32, #tpu.memory_space<vmem>> -> memref<128xi32, #tpu.memory_space<vmem>>
        %dma_wait3A_255 = tpu.memref_slice %arg3[%add3A_182] : memref<655360xi32, #tpu.memory_space<hbm>> -> memref<128xi32, #tpu.memory_space<hbm>>
        %dma_wait3A_256 = arith.constant 0 : i32
        %dma_wait3A_257 = tpu.memref_slice %arg8[%run_scoped3A, %dma_wait3A_256] : memref<2x128xi32, #tpu.memory_space<vmem>> -> memref<1x128xi32, #tpu.memory_space<vmem>>
        %dma_wait3A_258 = tpu.memref_squeeze %dma_wait3A_257 : memref<1x128xi32, #tpu.memory_space<vmem>> -> memref<128xi32, #tpu.memory_space<vmem>>
        %dma_wait3A_259 = tpu.memref_slice %arg3[%add3A_182] : memref<655360xi32, #tpu.memory_space<hbm>> -> memref<128xi32, #tpu.memory_space<hbm>>
        tpu.wait_dma2 semaphore(%run_scoped3A_243 : memref<!tpu.dma_semaphore, #tpu.memory_space<semaphore_mem>>) src(%dma_wait3A_259 : memref<128xi32, #tpu.memory_space<hbm>>) dst(%dma_wait3A_258 : memref<128xi32, #tpu.memory_space<vmem>>)
        tpu.yield
      }) : () -> ()
      %mul3A_183 = arith.constant 128 : i32
      %mul3A_184 = arith.muli %while3A_178, %mul3A_183 : i32
      %add3A_185 = arith.addi %mul3A_143, %mul3A_184 : i32
      %run_scoped3A_186 = arith.constant 0 : i32
      "tpu.region"() ({
        %run_scoped3A_243 = tpu.sem_alloc : memref<!tpu.dma_semaphore, #tpu.memory_space<semaphore_mem>>
        %dma_start3A_244 = arith.constant 0 : i32
        %dma_start3A_245 = tpu.memref_slice %arg9[%run_scoped3A_186, %dma_start3A_244] : memref<2x128xi32, #tpu.memory_space<vmem>> -> memref<1x128xi32, #tpu.memory_space<vmem>>
        %dma_start3A_246 = tpu.memref_squeeze %dma_start3A_245 : memref<1x128xi32, #tpu.memory_space<vmem>> -> memref<128xi32, #tpu.memory_space<vmem>>
        %dma_start3A_247 = tpu.memref_slice %arg4[%add3A_185] : memref<655360xi32, #tpu.memory_space<hbm>> -> memref<128xi32, #tpu.memory_space<hbm>>
        %dma_start3A_248 = arith.constant 0 : i32
        %dma_start3A_249 = tpu.memref_slice %arg9[%run_scoped3A_186, %dma_start3A_248] : memref<2x128xi32, #tpu.memory_space<vmem>> -> memref<1x128xi32, #tpu.memory_space<vmem>>
        %dma_start3A_250 = tpu.memref_squeeze %dma_start3A_249 : memref<1x128xi32, #tpu.memory_space<vmem>> -> memref<128xi32, #tpu.memory_space<vmem>>
        %dma_start3A_251 = tpu.memref_slice %arg4[%add3A_185] : memref<655360xi32, #tpu.memory_space<hbm>> -> memref<128xi32, #tpu.memory_space<hbm>>
        tpu.enqueue_dma source(%dma_start3A_251 : memref<128xi32, #tpu.memory_space<hbm>>) target(%dma_start3A_250 : memref<128xi32, #tpu.memory_space<vmem>>) target_semaphore(%run_scoped3A_243 : memref<!tpu.dma_semaphore, #tpu.memory_space<semaphore_mem>>)
        %dma_wait3A_252 = arith.constant 0 : i32
        %dma_wait3A_253 = tpu.memref_slice %arg9[%run_scoped3A_186, %dma_wait3A_252] : memref<2x128xi32, #tpu.memory_space<vmem>> -> memref<1x128xi32, #tpu.memory_space<vmem>>
        %dma_wait3A_254 = tpu.memref_squeeze %dma_wait3A_253 : memref<1x128xi32, #tpu.memory_space<vmem>> -> memref<128xi32, #tpu.memory_space<vmem>>
        %dma_wait3A_255 = tpu.memref_slice %arg4[%add3A_185] : memref<655360xi32, #tpu.memory_space<hbm>> -> memref<128xi32, #tpu.memory_space<hbm>>
        %dma_wait3A_256 = arith.constant 0 : i32
        %dma_wait3A_257 = tpu.memref_slice %arg9[%run_scoped3A_186, %dma_wait3A_256] : memref<2x128xi32, #tpu.memory_space<vmem>> -> memref<1x128xi32, #tpu.memory_space<vmem>>
        %dma_wait3A_258 = tpu.memref_squeeze %dma_wait3A_257 : memref<1x128xi32, #tpu.memory_space<vmem>> -> memref<128xi32, #tpu.memory_space<vmem>>
        %dma_wait3A_259 = tpu.memref_slice %arg4[%add3A_185] : memref<655360xi32, #tpu.memory_space<hbm>> -> memref<128xi32, #tpu.memory_space<hbm>>
        tpu.wait_dma2 semaphore(%run_scoped3A_243 : memref<!tpu.dma_semaphore, #tpu.memory_space<semaphore_mem>>) src(%dma_wait3A_259 : memref<128xi32, #tpu.memory_space<hbm>>) dst(%dma_wait3A_258 : memref<128xi32, #tpu.memory_space<vmem>>)
        tpu.yield
      }) : () -> ()
      %scan3A_187 = arith.constant 0 : i32
      %scan3A_188 = arith.constant 8 : i32
      %scan3A_189 = arith.addi %scan3A_187, %scan3A_188 : i32
      %scan3A_190 = arith.constant 1 : i32
      scf.for %scan3A_243 = %scan3A_187 to %scan3A_189 step %scan3A_190  : i32 {
        %mul3A_244 = arith.constant 1 : i32
        %mul3A_245 = arith.muli %scan3A_243, %mul3A_244 : i32
        %add3A_246 = arith.constant 0 : i32
        %add3A_247 = arith.addi %add3A_246, %mul3A_245 : i32
        %mul3A_248 = arith.constant 16 : i32
        %mul3A_249 = arith.muli %add3A_247, %mul3A_248 : i32
        %get3A_250 = arith.constant 0 : i32
        %get3A_251 = arith.index_cast %get3A_250 : i32 to index
        %get3A_252 = arith.index_cast %mul3A_249 : i32 to index
        %get3A_253 = tpu.vector_load %arg8[%get3A_251, %get3A_252] {strides = array<i32>} : memref<2x128xi32, #tpu.memory_space<vmem>>, vector<16xi32>,
        %mul3A_254 = arith.constant 2 : i32
        %mul3A_255 = vector.broadcast %mul3A_254 : i32 to vector<16xi32>
        %mul3A_256 = arith.muli %get3A_253, %mul3A_255 : vector<16xi32>
        %mul3A_257 = arith.constant 16 : i32
        %mul3A_258 = arith.muli %add3A_247, %mul3A_257 : i32
        %get3A_259 = arith.constant 0 : i32
        %get3A_260 = arith.index_cast %get3A_259 : i32 to index
        %get3A_261 = arith.index_cast %mul3A_258 : i32 to index
        %get3A_262 = tpu.vector_load %arg9[%get3A_260, %get3A_261] {strides = array<i32>} : memref<2x128xi32, #tpu.memory_space<vmem>>, vector<16xi32>,
        %mul3A_263 = arith.constant 2 : i32
        %mul3A_264 = vector.broadcast %mul3A_263 : i32 to vector<16xi32>
        %mul3A_265 = arith.muli %get3A_262, %mul3A_264 : vector<16xi32>
        %mul3A_266 = arith.constant 16 : i32
        %mul3A_267 = arith.muli %add3A_247, %mul3A_266 : i32
        %swap3A = arith.constant 0 : i32
        %swap3A_268 = arith.index_cast %swap3A : i32 to index
        %swap3A_269 = arith.index_cast %mul3A_267 : i32 to index
        %swap3A_270 = tpu.vector_load %arg10[%swap3A_268, %swap3A_269] {strides = array<i32>} : memref<2x128xi32, #tpu.memory_space<vmem>>, vector<16xi32>,
        tpu.vector_store %arg10[%swap3A_268, %swap3A_269], %mul3A_256 {strides = array<i32>} : memref<2x128xi32, #tpu.memory_space<vmem>>, vector<16xi32>,
        %add3A_271 = arith.constant 1 : i32
        %add3A_272 = vector.broadcast %add3A_271 : i32 to vector<16xi32>
        %add3A_273 = arith.addi %mul3A_256, %add3A_272 : vector<16xi32>
        %mul3A_274 = arith.constant 16 : i32
        %mul3A_275 = arith.muli %add3A_247, %mul3A_274 : i32
        %swap3A_276 = arith.constant 1 : i32
        %swap3A_277 = arith.index_cast %swap3A_276 : i32 to index
        %swap3A_278 = arith.index_cast %mul3A_275 : i32 to index
        %swap3A_279 = tpu.vector_load %arg10[%swap3A_277, %swap3A_278] {strides = array<i32>} : memref<2x128xi32, #tpu.memory_space<vmem>>, vector<16xi32>,
        tpu.vector_store %arg10[%swap3A_277, %swap3A_278], %add3A_273 {strides = array<i32>} : memref<2x128xi32, #tpu.memory_space<vmem>>, vector<16xi32>,
        %mul3A_280 = arith.constant 16 : i32
        %mul3A_281 = arith.muli %add3A_247, %mul3A_280 : i32
        %swap3A_282 = arith.constant 0 : i32
        %swap3A_283 = arith.index_cast %swap3A_282 : i32 to index
        %swap3A_284 = arith.index_cast %mul3A_281 : i32 to index
        %swap3A_285 = tpu.vector_load %arg11[%swap3A_283, %swap3A_284] {strides = array<i32>} : memref<2x128xi32, #tpu.memory_space<vmem>>, vector<16xi32>,
        tpu.vector_store %arg11[%swap3A_283, %swap3A_284], %mul3A_265 {strides = array<i32>} : memref<2x128xi32, #tpu.memory_space<vmem>>, vector<16xi32>,
        %add3A_286 = arith.constant 1 : i32
        %add3A_287 = vector.broadcast %add3A_286 : i32 to vector<16xi32>
        %add3A_288 = arith.addi %mul3A_265, %add3A_287 : vector<16xi32>
        %mul3A_289 = arith.constant 16 : i32
        %mul3A_290 = arith.muli %add3A_247, %mul3A_289 : i32
        %swap3A_291 = arith.constant 1 : i32
        %swap3A_292 = arith.index_cast %swap3A_291 : i32 to index
        %swap3A_293 = arith.index_cast %mul3A_290 : i32 to index
        %swap3A_294 = tpu.vector_load %arg11[%swap3A_292, %swap3A_293] {strides = array<i32>} : memref<2x128xi32, #tpu.memory_space<vmem>>, vector<16xi32>,
        tpu.vector_store %arg11[%swap3A_292, %swap3A_293], %add3A_288 {strides = array<i32>} : memref<2x128xi32, #tpu.memory_space<vmem>>, vector<16xi32>,
      }
      %scan3A_191 = arith.constant 8 : i32
      %dma_start3A = arith.constant 0 : i32
      %dma_start3A_192 = arith.constant 0 : i32
      %dma_start3A_193 = arith.constant 0 : i32
      %dma_start3A_194 = arith.constant 0 : i32
      %dma_start3A_195 = tpu.memref_slice %arg12[%dma_start3A_192, %dma_start3A_193, %dma_start3A_194] : memref<2x128x128xf32, #tpu.memory_space<vmem>> -> memref<1x128x128xf32, #tpu.memory_space<vmem>>
      %dma_start3A_196 = tpu.memref_squeeze %dma_start3A_195 : memref<1x128x128xf32, #tpu.memory_space<vmem>> -> memref<128x128xf32, #tpu.memory_space<vmem>>
      %dma_start3A_197 = arith.constant 0 : i32
      %dma_start3A_198 = tpu.memref_slice %arg10[%dma_start3A, %dma_start3A_197] : memref<2x128xi32, #tpu.memory_space<vmem>> -> memref<1x128xi32, #tpu.memory_space<vmem>>
      %dma_start3A_199 = tpu.memref_squeeze %dma_start3A_198 : memref<1x128xi32, #tpu.memory_space<vmem>> -> memref<128xi32, #tpu.memory_space<vmem>>
      %dma_start3A_200 = arith.constant 0 : i32
      %dma_start3A_201 = arith.constant 0 : i32
      %dma_start3A_202 = tpu.memref_slice %arg2[%dma_start3A_200, %dma_start3A_201] : memref<20000x128xf32, #tpu.memory_space<hbm>> -> memref<20000x128xf32, #tpu.memory_space<hbm>>
      tpu.enqueue_indirect_dma source(%dma_start3A_202 : memref<20000x128xf32, #tpu.memory_space<hbm>>) target(%dma_start3A_196 : memref<128x128xf32, #tpu.memory_space<vmem>>) offsets(%dma_start3A_199 : memref<128xi32, #tpu.memory_space<vmem>>) semaphore(%arg15 : memref<!tpu.dma_semaphore, #tpu.memory_space<semaphore_mem>>)
      %dma_start3A_203 = arith.constant 1 : i32
      %dma_start3A_204 = arith.constant 1 : i32
      %dma_start3A_205 = arith.constant 0 : i32
      %dma_start3A_206 = arith.constant 0 : i32
      %dma_start3A_207 = tpu.memref_slice %arg12[%dma_start3A_204, %dma_start3A_205, %dma_start3A_206] : memref<2x128x128xf32, #tpu.memory_space<vmem>> -> memref<1x128x128xf32, #tpu.memory_space<vmem>>
      %dma_start3A_208 = tpu.memref_squeeze %dma_start3A_207 : memref<1x128x128xf32, #tpu.memory_space<vmem>> -> memref<128x128xf32, #tpu.memory_space<vmem>>
      %dma_start3A_209 = arith.constant 0 : i32
      %dma_start3A_210 = tpu.memref_slice %arg10[%dma_start3A_203, %dma_start3A_209] : memref<2x128xi32, #tpu.memory_space<vmem>> -> memref<1x128xi32, #tpu.memory_space<vmem>>
      %dma_start3A_211 = tpu.memref_squeeze %dma_start3A_210 : memref<1x128xi32, #tpu.memory_space<vmem>> -> memref<128xi32, #tpu.memory_space<vmem>>
      %dma_start3A_212 = arith.constant 0 : i32
      %dma_start3A_213 = arith.constant 0 : i32
      %dma_start3A_214 = tpu.memref_slice %arg2[%dma_start3A_212, %dma_start3A_213] : memref<20000x128xf32, #tpu.memory_space<hbm>> -> memref<20000x128xf32, #tpu.memory_space<hbm>>
      tpu.enqueue_indirect_dma source(%dma_start3A_214 : memref<20000x128xf32, #tpu.memory_space<hbm>>) target(%dma_start3A_208 : memref<128x128xf32, #tpu.memory_space<vmem>>) offsets(%dma_start3A_211 : memref<128xi32, #tpu.memory_space<vmem>>) semaphore(%arg16 : memref<!tpu.dma_semaphore, #tpu.memory_space<semaphore_mem>>)
      %dma_wait3A = arith.constant 0 : i32
      %dma_wait3A_215 = arith.constant 0 : i32
      %dma_wait3A_216 = arith.constant 0 : i32
      %dma_wait3A_217 = arith.constant 0 : i32
      %dma_wait3A_218 = tpu.memref_slice %arg12[%dma_wait3A_215, %dma_wait3A_216, %dma_wait3A_217] : memref<2x128x128xf32, #tpu.memory_space<vmem>> -> memref<1x128x128xf32, #tpu.memory_space<vmem>>
      %dma_wait3A_219 = tpu.memref_squeeze %dma_wait3A_218 : memref<1x128x128xf32, #tpu.memory_space<vmem>> -> memref<128x128xf32, #tpu.memory_space<vmem>>
      %dma_wait3A_220 = arith.constant 0 : i32
      %dma_wait3A_221 = tpu.memref_slice %arg10[%dma_wait3A, %dma_wait3A_220] : memref<2x128xi32, #tpu.memory_space<vmem>> -> memref<1x128xi32, #tpu.memory_space<vmem>>
      %dma_wait3A_222 = tpu.memref_squeeze %dma_wait3A_221 : memref<1x128xi32, #tpu.memory_space<vmem>> -> memref<128xi32, #tpu.memory_space<vmem>>
      %dma_wait3A_223 = arith.constant 0 : i32
      %dma_wait3A_224 = arith.constant 0 : i32
      %dma_wait3A_225 = tpu.memref_slice %arg2[%dma_wait3A_223, %dma_wait3A_224] : memref<20000x128xf32, #tpu.memory_space<hbm>> -> memref<20000x128xf32, #tpu.memory_space<hbm>>
      tpu.wait_indirect_dma semaphore(%arg15 : memref<!tpu.dma_semaphore, #tpu.memory_space<semaphore_mem>>) src(%dma_wait3A_225 : memref<20000x128xf32, #tpu.memory_space<hbm>>) dst(%dma_wait3A_219 : memref<128x128xf32, #tpu.memory_space<vmem>>)
      %dma_wait3A_226 = arith.constant 1 : i32
      %dma_wait3A_227 = arith.constant 1 : i32
      %dma_wait3A_228 = arith.constant 0 : i32
      %dma_wait3A_229 = arith.constant 0 : i32
      %dma_wait3A_230 = tpu.memref_slice %arg12[%dma_wait3A_227, %dma_wait3A_228, %dma_wait3A_229] : memref<2x128x128xf32, #tpu.memory_space<vmem>> -> memref<1x128x128xf32, #tpu.memory_space<vmem>>
      %dma_wait3A_231 = tpu.memref_squeeze %dma_wait3A_230 : memref<1x128x128xf32, #tpu.memory_space<vmem>> -> memref<128x128xf32, #tpu.memory_space<vmem>>
      %dma_wait3A_232 = arith.constant 0 : i32
      %dma_wait3A_233 = tpu.memref_slice %arg10[%dma_wait3A_226, %dma_wait3A_232] : memref<2x128xi32, #tpu.memory_space<vmem>> -> memref<1x128xi32, #tpu.memory_space<vmem>>
      %dma_wait3A_234 = tpu.memref_squeeze %dma_wait3A_233 : memref<1x128xi32, #tpu.memory_space<vmem>> -> memref<128xi32, #tpu.memory_space<vmem>>
      %dma_wait3A_235 = arith.constant 0 : i32
      %dma_wait3A_236 = arith.constant 0 : i32
      %dma_wait3A_237 = tpu.memref_slice %arg2[%dma_wait3A_235, %dma_wait3A_236] : memref<20000x128xf32, #tpu.memory_space<hbm>> -> memref<20000x128xf32, #tpu.memory_space<hbm>>
      tpu.wait_indirect_dma semaphore(%arg16 : memref<!tpu.dma_semaphore, #tpu.memory_space<semaphore_mem>>) src(%dma_wait3A_237 : memref<20000x128xf32, #tpu.memory_space<hbm>>) dst(%dma_wait3A_231 : memref<128x128xf32, #tpu.memory_space<vmem>>)
      %run_scoped3A_238 = arith.constant 0 : i32
      %run_scoped3A_239 = arith.constant 0 : i32
      "tpu.region"() ({
        %run_scoped3A_243 = tpu.sem_alloc : memref<!tpu.dma_semaphore, #tpu.memory_space<semaphore_mem>>
        %dma_start3A_244 = arith.constant 0 : i32
        %dma_start3A_245 = arith.constant 0 : i32
        %dma_start3A_246 = tpu.memref_slice %arg12[%run_scoped3A_238, %dma_start3A_244, %dma_start3A_245] : memref<2x128x128xf32, #tpu.memory_space<vmem>> -> memref<1x128x128xf32, #tpu.memory_space<vmem>>
        %dma_start3A_247 = tpu.memref_squeeze %dma_start3A_246 : memref<1x128x128xf32, #tpu.memory_space<vmem>> -> memref<128x128xf32, #tpu.memory_space<vmem>>
        %dma_start3A_248 = arith.constant 0 : i32
        %dma_start3A_249 = tpu.memref_slice %arg11[%run_scoped3A_239, %dma_start3A_248] : memref<2x128xi32, #tpu.memory_space<vmem>> -> memref<1x128xi32, #tpu.memory_space<vmem>>
        %dma_start3A_250 = tpu.memref_squeeze %dma_start3A_249 : memref<1x128xi32, #tpu.memory_space<vmem>> -> memref<128xi32, #tpu.memory_space<vmem>>
        %dma_start3A_251 = arith.constant 0 : i32
        %dma_start3A_252 = arith.constant 0 : i32
        %dma_start3A_253 = tpu.memref_slice %arg14[%dma_start3A_251, %dma_start3A_252] : memref<5024x128xf32, #tpu.memory_space<vmem_shared>> -> memref<5024x128xf32, #tpu.memory_space<vmem_shared>>
        tpu.enqueue_indirect_dma source(%dma_start3A_247 : memref<128x128xf32, #tpu.memory_space<vmem>>) target(%dma_start3A_253 : memref<5024x128xf32, #tpu.memory_space<vmem_shared>>) offsets(%dma_start3A_250 : memref<128xi32, #tpu.memory_space<vmem>>) semaphore(%run_scoped3A_243 : memref<!tpu.dma_semaphore, #tpu.memory_space<semaphore_mem>>) {add = true}
        %dma_wait3A_254 = arith.constant 0 : i32
        %dma_wait3A_255 = arith.constant 0 : i32
        %dma_wait3A_256 = tpu.memref_slice %arg12[%run_scoped3A_238, %dma_wait3A_254, %dma_wait3A_255] : memref<2x128x128xf32, #tpu.memory_space<vmem>> -> memref<1x128x128xf32, #tpu.memory_space<vmem>>
        %dma_wait3A_257 = tpu.memref_squeeze %dma_wait3A_256 : memref<1x128x128xf32, #tpu.memory_space<vmem>> -> memref<128x128xf32, #tpu.memory_space<vmem>>
        %dma_wait3A_258 = arith.constant 0 : i32
        %dma_wait3A_259 = tpu.memref_slice %arg11[%run_scoped3A_239, %dma_wait3A_258] : memref<2x128xi32, #tpu.memory_space<vmem>> -> memref<1x128xi32, #tpu.memory_space<vmem>>
        %dma_wait3A_260 = tpu.memref_squeeze %dma_wait3A_259 : memref<1x128xi32, #tpu.memory_space<vmem>> -> memref<128xi32, #tpu.memory_space<vmem>>
        %dma_wait3A_261 = arith.constant 0 : i32
        %dma_wait3A_262 = arith.constant 0 : i32
        %dma_wait3A_263 = tpu.memref_slice %arg14[%dma_wait3A_261, %dma_wait3A_262] : memref<5024x128xf32, #tpu.memory_space<vmem_shared>> -> memref<5024x128xf32, #tpu.memory_space<vmem_shared>>
        tpu.wait_indirect_dma semaphore(%run_scoped3A_243 : memref<!tpu.dma_semaphore, #tpu.memory_space<semaphore_mem>>) src(%dma_wait3A_257 : memref<128x128xf32, #tpu.memory_space<vmem>>) dst(%dma_wait3A_263 : memref<5024x128xf32, #tpu.memory_space<vmem_shared>>)
        tpu.yield
      }) : () -> ()
      %run_scoped3A_240 = arith.constant 1 : i32
      %run_scoped3A_241 = arith.constant 1 : i32
      "tpu.region"() ({
        %run_scoped3A_243 = tpu.sem_alloc : memref<!tpu.dma_semaphore, #tpu.memory_space<semaphore_mem>>
        %dma_start3A_244 = arith.constant 0 : i32
        %dma_start3A_245 = arith.constant 0 : i32
        %dma_start3A_246 = tpu.memref_slice %arg12[%run_scoped3A_240, %dma_start3A_244, %dma_start3A_245] : memref<2x128x128xf32, #tpu.memory_space<vmem>> -> memref<1x128x128xf32, #tpu.memory_space<vmem>>
        %dma_start3A_247 = tpu.memref_squeeze %dma_start3A_246 : memref<1x128x128xf32, #tpu.memory_space<vmem>> -> memref<128x128xf32, #tpu.memory_space<vmem>>
        %dma_start3A_248 = arith.constant 0 : i32
        %dma_start3A_249 = tpu.memref_slice %arg11[%run_scoped3A_241, %dma_start3A_248] : memref<2x128xi32, #tpu.memory_space<vmem>> -> memref<1x128xi32, #tpu.memory_space<vmem>>
        %dma_start3A_250 = tpu.memref_squeeze %dma_start3A_249 : memref<1x128xi32, #tpu.memory_space<vmem>> -> memref<128xi32, #tpu.memory_space<vmem>>
        %dma_start3A_251 = arith.constant 0 : i32
        %dma_start3A_252 = arith.constant 0 : i32
        %dma_start3A_253 = tpu.memref_slice %arg14[%dma_start3A_251, %dma_start3A_252] : memref<5024x128xf32, #tpu.memory_space<vmem_shared>> -> memref<5024x128xf32, #tpu.memory_space<vmem_shared>>
        tpu.enqueue_indirect_dma source(%dma_start3A_247 : memref<128x128xf32, #tpu.memory_space<vmem>>) target(%dma_start3A_253 : memref<5024x128xf32, #tpu.memory_space<vmem_shared>>) offsets(%dma_start3A_250 : memref<128xi32, #tpu.memory_space<vmem>>) semaphore(%run_scoped3A_243 : memref<!tpu.dma_semaphore, #tpu.memory_space<semaphore_mem>>) {add = true}
        %dma_wait3A_254 = arith.constant 0 : i32
        %dma_wait3A_255 = arith.constant 0 : i32
        %dma_wait3A_256 = tpu.memref_slice %arg12[%run_scoped3A_240, %dma_wait3A_254, %dma_wait3A_255] : memref<2x128x128xf32, #tpu.memory_space<vmem>> -> memref<1x128x128xf32, #tpu.memory_space<vmem>>
        %dma_wait3A_257 = tpu.memref_squeeze %dma_wait3A_256 : memref<1x128x128xf32, #tpu.memory_space<vmem>> -> memref<128x128xf32, #tpu.memory_space<vmem>>
        %dma_wait3A_258 = arith.constant 0 : i32
        %dma_wait3A_259 = tpu.memref_slice %arg11[%run_scoped3A_241, %dma_wait3A_258] : memref<2x128xi32, #tpu.memory_space<vmem>> -> memref<1x128xi32, #tpu.memory_space<vmem>>
        %dma_wait3A_260 = tpu.memref_squeeze %dma_wait3A_259 : memref<1x128xi32, #tpu.memory_space<vmem>> -> memref<128xi32, #tpu.memory_space<vmem>>
        %dma_wait3A_261 = arith.constant 0 : i32
        %dma_wait3A_262 = arith.constant 0 : i32
        %dma_wait3A_263 = tpu.memref_slice %arg14[%dma_wait3A_261, %dma_wait3A_262] : memref<5024x128xf32, #tpu.memory_space<vmem_shared>> -> memref<5024x128xf32, #tpu.memory_space<vmem_shared>>
        tpu.wait_indirect_dma semaphore(%run_scoped3A_243 : memref<!tpu.dma_semaphore, #tpu.memory_space<semaphore_mem>>) src(%dma_wait3A_257 : memref<128x128xf32, #tpu.memory_space<vmem>>) dst(%dma_wait3A_263 : memref<5024x128xf32, #tpu.memory_space<vmem_shared>>)
        tpu.yield
      }) : () -> ()
      %while3A_242 = arith.constant 0 : i32
      scf.yield %while3A_242 : i32
    }
    %barrier3A_156 = arith.constant 0 : index
    tpu.barrier barrier_id(%barrier3A_156)
    %mul3A_157 = arith.constant 2504 : i32
    %mul3A_158 = arith.muli %add3A_86, %mul3A_157 : i32
    %mul3A_159 = arith.constant 152 : i32
    %mul3A_160 = arith.muli %arg1, %mul3A_159 : i32
    %add3A_161 = arith.addi %mul3A_158, %mul3A_160 : i32
    %mul3A_162 = arith.constant 2 : i32
    %mul3A_163 = arith.muli %add3A_161, %mul3A_162 : i32
    "tpu.region"() ({
      %run_scoped3A = tpu.sem_alloc : memref<!tpu.dma_semaphore, #tpu.memory_space<semaphore_mem>>
      %dma_start3A = arith.constant 0 : i32
      %dma_start3A_178 = tpu.memref_slice %arg6[%mul3A_163, %dma_start3A] : memref<20000x128xf32, #tpu.memory_space<hbm>> -> memref<304x128xf32, #tpu.memory_space<hbm>>
      %dma_start3A_179 = arith.constant 0 : i32
      %dma_start3A_180 = tpu.memref_slice %arg14[%mul3A_124, %dma_start3A_179] : memref<5024x128xf32, #tpu.memory_space<vmem_shared>> -> memref<304x128xf32, #tpu.memory_space<vmem_shared>>
      tpu.enqueue_dma source(%dma_start3A_180 : memref<304x128xf32, #tpu.memory_space<vmem_shared>>) target(%dma_start3A_178 : memref<304x128xf32, #tpu.memory_space<hbm>>) target_semaphore(%run_scoped3A : memref<!tpu.dma_semaphore, #tpu.memory_space<semaphore_mem>>)
      %dma_wait3A = arith.constant 0 : i32
      %dma_wait3A_181 = tpu.memref_slice %arg6[%mul3A_163, %dma_wait3A] : memref<20000x128xf32, #tpu.memory_space<hbm>> -> memref<304x128xf32, #tpu.memory_space<hbm>>
      %dma_wait3A_182 = arith.constant 0 : i32
      %dma_wait3A_183 = tpu.memref_slice %arg14[%mul3A_124, %dma_wait3A_182] : memref<5024x128xf32, #tpu.memory_space<vmem_shared>> -> memref<304x128xf32, #tpu.memory_space<vmem_shared>>
      tpu.wait_dma2 semaphore(%run_scoped3A : memref<!tpu.dma_semaphore, #tpu.memory_space<semaphore_mem>>) src(%dma_wait3A_183 : memref<304x128xf32, #tpu.memory_space<vmem_shared>>) dst(%dma_wait3A_181 : memref<304x128xf32, #tpu.memory_space<hbm>>)
      tpu.yield
    }) : () -> ()
    %eq3A_164 = arith.constant 0 : i32
    %eq3A_165 = arith.cmpi eq, %arg1, %eq3A_164 : i32
    %convert_element_type3A_166 = arith.extui %eq3A_165 : i1 to i32
    %cond3A_167 = arith.constant 0 : i32
    %cond3A_168 = arith.cmpi ne, %convert_element_type3A_166, %cond3A_167 : i32
    scf.if %cond3A_168 {
      %mul3A_178 = arith.constant 2504 : i32
      %mul3A_179 = arith.muli %add3A_86, %mul3A_178 : i32
      %add3A_180 = arith.constant 2432 : i32
      %add3A_181 = arith.addi %mul3A_179, %add3A_180 : i32
      %mul3A_182 = arith.constant 2 : i32
      %mul3A_183 = arith.muli %add3A_181, %mul3A_182 : i32
      "tpu.region"() ({
        %run_scoped3A = tpu.sem_alloc : memref<!tpu.dma_semaphore, #tpu.memory_space<semaphore_mem>>
        %dma_start3A = arith.constant 0 : i32
        %dma_start3A_184 = tpu.memref_slice %arg6[%mul3A_183, %dma_start3A] : memref<20000x128xf32, #tpu.memory_space<hbm>> -> memref<112x128xf32, #tpu.memory_space<hbm>>
        %dma_start3A_185 = arith.constant 4864 : i32
        %dma_start3A_186 = arith.constant 0 : i32
        %dma_start3A_187 = tpu.memref_slice %arg14[%dma_start3A_185, %dma_start3A_186] : memref<5024x128xf32, #tpu.memory_space<vmem_shared>> -> memref<112x128xf32, #tpu.memory_space<vmem_shared>>
        tpu.enqueue_dma source(%dma_start3A_187 : memref<112x128xf32, #tpu.memory_space<vmem_shared>>) target(%dma_start3A_184 : memref<112x128xf32, #tpu.memory_space<hbm>>) target_semaphore(%run_scoped3A : memref<!tpu.dma_semaphore, #tpu.memory_space<semaphore_mem>>)
        %dma_wait3A = arith.constant 0 : i32
        %dma_wait3A_188 = tpu.memref_slice %arg6[%mul3A_183, %dma_wait3A] : memref<20000x128xf32, #tpu.memory_space<hbm>> -> memref<112x128xf32, #tpu.memory_space<hbm>>
        %dma_wait3A_189 = arith.constant 4864 : i32
        %dma_wait3A_190 = arith.constant 0 : i32
        %dma_wait3A_191 = tpu.memref_slice %arg14[%dma_wait3A_189, %dma_wait3A_190] : memref<5024x128xf32, #tpu.memory_space<vmem_shared>> -> memref<112x128xf32, #tpu.memory_space<vmem_shared>>
        tpu.wait_dma2 semaphore(%run_scoped3A : memref<!tpu.dma_semaphore, #tpu.memory_space<semaphore_mem>>) src(%dma_wait3A_191 : memref<112x128xf32, #tpu.memory_space<vmem_shared>>) dst(%dma_wait3A_188 : memref<112x128xf32, #tpu.memory_space<hbm>>)
        tpu.yield
      }) : () -> ()
    } else {
    }
    %eq3A_169 = arith.constant 1 : i32
    %eq3A_170 = arith.cmpi eq, %arg1, %eq3A_169 : i32
    %lt3A_171 = arith.constant 3 : i32
    %lt3A_172 = arith.cmpi slt, %add3A_86, %lt3A_171 : i32
    %and3A_173 = arith.andi %eq3A_170, %lt3A_172 : i1
    %convert_element_type3A_174 = arith.extui %and3A_173 : i1 to i32
    %cond3A_175 = arith.constant 0 : i32
    %cond3A_176 = arith.cmpi ne, %convert_element_type3A_174, %cond3A_175 : i32
    scf.if %cond3A_176 {
      %mul3A_178 = arith.constant 2504 : i32
      %mul3A_179 = arith.muli %add3A_86, %mul3A_178 : i32
      %add3A_180 = arith.constant 2488 : i32
      %add3A_181 = arith.addi %mul3A_179, %add3A_180 : i32
      %mul3A_182 = arith.constant 2 : i32
      %mul3A_183 = arith.muli %add3A_181, %mul3A_182 : i32
      "tpu.region"() ({
        %run_scoped3A = tpu.sem_alloc : memref<!tpu.dma_semaphore, #tpu.memory_space<semaphore_mem>>
        %dma_start3A = arith.constant 0 : i32
        %dma_start3A_184 = tpu.memref_slice %arg6[%mul3A_183, %dma_start3A] : memref<20000x128xf32, #tpu.memory_space<hbm>> -> memref<32x128xf32, #tpu.memory_space<hbm>>
        %dma_start3A_185 = arith.constant 4976 : i32
        %dma_start3A_186 = arith.constant 0 : i32
        %dma_start3A_187 = tpu.memref_slice %arg14[%dma_start3A_185, %dma_start3A_186] : memref<5024x128xf32, #tpu.memory_space<vmem_shared>> -> memref<32x128xf32, #tpu.memory_space<vmem_shared>>
        tpu.enqueue_dma source(%dma_start3A_187 : memref<32x128xf32, #tpu.memory_space<vmem_shared>>) target(%dma_start3A_184 : memref<32x128xf32, #tpu.memory_space<hbm>>) target_semaphore(%run_scoped3A : memref<!tpu.dma_semaphore, #tpu.memory_space<semaphore_mem>>)
        %dma_wait3A = arith.constant 0 : i32
        %dma_wait3A_188 = tpu.memref_slice %arg6[%mul3A_183, %dma_wait3A] : memref<20000x128xf32, #tpu.memory_space<hbm>> -> memref<32x128xf32, #tpu.memory_space<hbm>>
        %dma_wait3A_189 = arith.constant 4976 : i32
        %dma_wait3A_190 = arith.constant 0 : i32
        %dma_wait3A_191 = tpu.memref_slice %arg14[%dma_wait3A_189, %dma_wait3A_190] : memref<5024x128xf32, #tpu.memory_space<vmem_shared>> -> memref<32x128xf32, #tpu.memory_space<vmem_shared>>
        tpu.wait_dma2 semaphore(%run_scoped3A : memref<!tpu.dma_semaphore, #tpu.memory_space<semaphore_mem>>) src(%dma_wait3A_191 : memref<32x128xf32, #tpu.memory_space<vmem_shared>>) dst(%dma_wait3A_188 : memref<32x128xf32, #tpu.memory_space<hbm>>)
        tpu.yield
      }) : () -> ()
    } else {
    }
    %barrier3A_177 = arith.constant 0 : index
    tpu.barrier barrier_id(%barrier3A_177)
    return
  }
}

module attributes {stable_mosaic.version = 14 : i64} {
  func.func @_scale_body(%arg0: i32, %arg1: memref<1000x256xf32, #tpu.memory_space<vmem>>, %arg2: memref<1000x1xf32, #tpu.memory_space<vmem>>, %arg3: memref<1000x256xf32, #tpu.memory_space<vmem>>) attributes {dimension_semantics = [#tpu.dimension_semantics<arbitrary>], iteration_bounds = array<i64: 10>, scalar_prefetch = 0 : i64, scratch_operands = 0 : i64, tpu.core_type = #tpu.core_type<tc>, window_params = [{transform_indices = @transform_0, window_bounds = array<i64: 1000, 256>}, {transform_indices = @transform_1, window_bounds = array<i64: 1000, 1>}, {transform_indices = @transform_2, window_bounds = array<i64: 1000, 256>}]} {
    %get3A = arith.constant 0 : index
    %get3A_0 = arith.constant 0 : index
    %get3A_1 = vector.load %arg1[%get3A, %get3A_0] : memref<1000x256xf32, #tpu.memory_space<vmem>>, vector<1000x256xf32>
    %get3A_2 = arith.constant 0 : index
    %get3A_3 = arith.constant 0 : index
    %get3A_4 = vector.load %arg2[%get3A_2, %get3A_3] : memref<1000x1xf32, #tpu.memory_space<vmem>>, vector<1000x1xf32>
    %rsqrt3A = math.rsqrt %get3A_4 : vector<1000x1xf32>
    %mul3A = vector.broadcast %rsqrt3A : vector<1000x1xf32> to vector<1000x256xf32>
    %mul3A_5 = arith.mulf %get3A_1, %mul3A : vector<1000x256xf32>
    %swap3A = arith.constant 0 : index
    %swap3A_6 = arith.constant 0 : index
    %swap3A_7 = vector.load %arg3[%swap3A, %swap3A_6] : memref<1000x256xf32, #tpu.memory_space<vmem>>, vector<1000x256xf32>
    tpu.vector_store %arg3[%swap3A, %swap3A_6], %mul3A_5 {strides = array<i32>} : memref<1000x256xf32, #tpu.memory_space<vmem>>, vector<1000x256xf32>,
    return
  }
  func.func @transform_0(%arg0: i32) -> (i32, i32) {
    %c0_i32 = arith.constant 0 : i32
    %c0_i32_0 = arith.constant 0 : i32
    return %arg0, %c0_i32 : i32, i32
  }
  func.func @transform_1(%arg0: i32) -> (i32, i32) {
    %c0_i32 = arith.constant 0 : i32
    %c0_i32_0 = arith.constant 0 : i32
    return %arg0, %c0_i32 : i32, i32
  }
  func.func @transform_2(%arg0: i32) -> (i32, i32) {
    %c0_i32 = arith.constant 0 : i32
    %c0_i32_0 = arith.constant 0 : i32
    return %arg0, %c0_i32 : i32, i32
  }
}

module attributes {stable_mosaic.version = 14 : i64} {
  func.func @_mm_body(%arg0: i32, %arg1: memref<1000x256xf32, #tpu.memory_space<vmem>>, %arg2: memref<256x256xf32, #tpu.memory_space<vmem>>, %arg3: memref<1000x256xf32, #tpu.memory_space<vmem>>) attributes {dimension_semantics = [#tpu.dimension_semantics<arbitrary>], iteration_bounds = array<i64: 10>, scalar_prefetch = 0 : i64, scratch_operands = 0 : i64, tpu.core_type = #tpu.core_type<tc>, window_params = [{transform_indices = @transform_0, window_bounds = array<i64: 1000, 256>}, {pipeline_mode = #tpu.pipeline_mode<synchronous>, transform_indices = @transform_1, window_bounds = array<i64: 256, 256>}, {transform_indices = @transform_2, window_bounds = array<i64: 1000, 256>}]} {
    %get3A = arith.constant 0 : index
    %get3A_0 = arith.constant 0 : index
    %get3A_1 = vector.load %arg1[%get3A, %get3A_0] : memref<1000x256xf32, #tpu.memory_space<vmem>>, vector<1000x256xf32>
    %get3A_2 = arith.constant 0 : index
    %get3A_3 = arith.constant 0 : index
    %get3A_4 = vector.load %arg2[%get3A_2, %get3A_3] : memref<256x256xf32, #tpu.memory_space<vmem>>, vector<256x256xf32>
    %dot_general3A = arith.constant dense<0.000000e+00> : vector<1000x256xf32>
    %dot_general3A_5 = tpu.matmul %get3A_1, %get3A_4, %dot_general3A {dimension_numbers = #tpu.dot_dimension_numbers<[1], [0], [0], [1], [0, 0, 1, 1], [], []>, transpose_lhs_hint = false} : vector<1000x256xf32>, vector<256x256xf32>, vector<1000x256xf32> -> vector<1000x256xf32>
    %swap3A = arith.constant 0 : index
    %swap3A_6 = arith.constant 0 : index
    %swap3A_7 = vector.load %arg3[%swap3A, %swap3A_6] : memref<1000x256xf32, #tpu.memory_space<vmem>>, vector<1000x256xf32>
    tpu.vector_store %arg3[%swap3A, %swap3A_6], %dot_general3A_5 {strides = array<i32>} : memref<1000x256xf32, #tpu.memory_space<vmem>>, vector<1000x256xf32>,
    return
  }
  func.func @transform_0(%arg0: i32) -> (i32, i32) {
    %c0_i32 = arith.constant 0 : i32
    %c0_i32_0 = arith.constant 0 : i32
    return %arg0, %c0_i32 : i32, i32
  }
  func.func @transform_1(%arg0: i32) -> (i32, i32) {
    %c0_i32 = arith.constant 0 : i32
    %c0_i32_0 = arith.constant 0 : i32
    %c0_i32_1 = arith.constant 0 : i32
    return %c0_i32, %c0_i32_0 : i32, i32
  }
  func.func @transform_2(%arg0: i32) -> (i32, i32) {
    %c0_i32 = arith.constant 0 : i32
    %c0_i32_0 = arith.constant 0 : i32
    return %arg0, %c0_i32 : i32, i32
  }
}

module attributes {stable_mosaic.version = 14 : i64} {
  func.func @_mid_body(%arg0: i32, %arg1: memref<1000x256xf32, #tpu.memory_space<vmem>>, %arg2: memref<1000x256xf32, #tpu.memory_space<vmem>>, %arg3: memref<1000x1xf32, #tpu.memory_space<vmem>>, %arg4: memref<1x256xf32, #tpu.memory_space<vmem>>, %arg5: memref<256x256xf32, #tpu.memory_space<vmem>>, %arg6: memref<1000x256xf32, #tpu.memory_space<vmem>>) attributes {dimension_semantics = [#tpu.dimension_semantics<arbitrary>], iteration_bounds = array<i64: 10>, scalar_prefetch = 0 : i64, scratch_operands = 0 : i64, tpu.core_type = #tpu.core_type<tc>, window_params = [{transform_indices = @transform_0, window_bounds = array<i64: 1000, 256>}, {transform_indices = @transform_1, window_bounds = array<i64: 1000, 256>}, {transform_indices = @transform_2, window_bounds = array<i64: 1000, 1>}, {pipeline_mode = #tpu.pipeline_mode<synchronous>, transform_indices = @transform_3, window_bounds = array<i64: 1, 256>}, {pipeline_mode = #tpu.pipeline_mode<synchronous>, transform_indices = @transform_4, window_bounds = array<i64: 256, 256>}, {transform_indices = @transform_5, window_bounds = array<i64: 1000, 256>}]} {
    %get3A = arith.constant 0 : index
    %get3A_0 = arith.constant 0 : index
    %get3A_1 = vector.load %arg3[%get3A, %get3A_0] : memref<1000x1xf32, #tpu.memory_space<vmem>>, vector<1000x1xf32>
    %rsqrt3A = math.rsqrt %get3A_1 : vector<1000x1xf32>
    %get3A_2 = arith.constant 0 : index
    %get3A_3 = arith.constant 0 : index
    %get3A_4 = vector.load %arg1[%get3A_2, %get3A_3] : memref<1000x256xf32, #tpu.memory_space<vmem>>, vector<1000x256xf32>
    %get3A_5 = arith.constant 0 : index
    %get3A_6 = arith.constant 0 : index
    %get3A_7 = vector.load %arg2[%get3A_5, %get3A_6] : memref<1000x256xf32, #tpu.memory_space<vmem>>, vector<1000x256xf32>
    %add3A = arith.addf %get3A_4, %get3A_7 : vector<1000x256xf32>
    %mul3A = vector.broadcast %rsqrt3A : vector<1000x1xf32> to vector<1000x256xf32>
    %mul3A_8 = arith.mulf %mul3A, %add3A : vector<1000x256xf32>
    %get3A_9 = arith.constant 0 : index
    %get3A_10 = arith.constant 0 : index
    %get3A_11 = vector.load %arg4[%get3A_9, %get3A_10] : memref<1x256xf32, #tpu.memory_space<vmem>>, vector<1x256xf32>
    %add3A_12 = vector.broadcast %get3A_11 : vector<1x256xf32> to vector<1000x256xf32>
    %add3A_13 = arith.addf %mul3A_8, %add3A_12 : vector<1000x256xf32>
    %max3A = arith.constant 0.000000e+00 : f32
    %max3A_14 = vector.broadcast %max3A : f32 to vector<1000x256xf32>
    %max3A_15 = arith.maximumf %add3A_13, %max3A_14 : vector<1000x256xf32>
    %get3A_16 = arith.constant 0 : index
    %get3A_17 = arith.constant 0 : index
    %get3A_18 = vector.load %arg5[%get3A_16, %get3A_17] : memref<256x256xf32, #tpu.memory_space<vmem>>, vector<256x256xf32>
    %dot_general3A = arith.constant dense<0.000000e+00> : vector<1000x256xf32>
    %dot_general3A_19 = tpu.matmul %max3A_15, %get3A_18, %dot_general3A {dimension_numbers = #tpu.dot_dimension_numbers<[1], [0], [0], [1], [0, 0, 1, 1], [], []>, transpose_lhs_hint = false} : vector<1000x256xf32>, vector<256x256xf32>, vector<1000x256xf32> -> vector<1000x256xf32>
    %mul3A_20 = vector.broadcast %rsqrt3A : vector<1000x1xf32> to vector<1000x256xf32>
    %mul3A_21 = arith.mulf %mul3A_20, %dot_general3A_19 : vector<1000x256xf32>
    %swap3A = arith.constant 0 : index
    %swap3A_22 = arith.constant 0 : index
    %swap3A_23 = vector.load %arg6[%swap3A, %swap3A_22] : memref<1000x256xf32, #tpu.memory_space<vmem>>, vector<1000x256xf32>
    tpu.vector_store %arg6[%swap3A, %swap3A_22], %mul3A_21 {strides = array<i32>} : memref<1000x256xf32, #tpu.memory_space<vmem>>, vector<1000x256xf32>,
    return
  }
  func.func @transform_0(%arg0: i32) -> (i32, i32) {
    %c0_i32 = arith.constant 0 : i32
    %c0_i32_0 = arith.constant 0 : i32
    return %arg0, %c0_i32 : i32, i32
  }
  func.func @transform_1(%arg0: i32) -> (i32, i32) {
    %c0_i32 = arith.constant 0 : i32
    %c0_i32_0 = arith.constant 0 : i32
    return %arg0, %c0_i32 : i32, i32
  }
  func.func @transform_2(%arg0: i32) -> (i32, i32) {
    %c0_i32 = arith.constant 0 : i32
    %c0_i32_0 = arith.constant 0 : i32
    return %arg0, %c0_i32 : i32, i32
  }
  func.func @transform_3(%arg0: i32) -> (i32, i32) {
    %c0_i32 = arith.constant 0 : i32
    %c0_i32_0 = arith.constant 0 : i32
    %c0_i32_1 = arith.constant 0 : i32
    return %c0_i32, %c0_i32_0 : i32, i32
  }
  func.func @transform_4(%arg0: i32) -> (i32, i32) {
    %c0_i32 = arith.constant 0 : i32
    %c0_i32_0 = arith.constant 0 : i32
    %c0_i32_1 = arith.constant 0 : i32
    return %c0_i32, %c0_i32_0 : i32, i32
  }
  func.func @transform_5(%arg0: i32) -> (i32, i32) {
    %c0_i32 = arith.constant 0 : i32
    %c0_i32_0 = arith.constant 0 : i32
    return %arg0, %c0_i32 : i32, i32
  }
}

module attributes {stable_mosaic.version = 14 : i64} {
  func.func @_final_body(%arg0: i32, %arg1: memref<1000x256xf32, #tpu.memory_space<vmem>>, %arg2: memref<1000x256xf32, #tpu.memory_space<vmem>>, %arg3: memref<1000x1xf32, #tpu.memory_space<vmem>>, %arg4: memref<1x256xf32, #tpu.memory_space<vmem>>, %arg5: memref<1000x256xf32, #tpu.memory_space<vmem>>) attributes {dimension_semantics = [#tpu.dimension_semantics<arbitrary>], iteration_bounds = array<i64: 10>, scalar_prefetch = 0 : i64, scratch_operands = 0 : i64, tpu.core_type = #tpu.core_type<tc>, window_params = [{transform_indices = @transform_0, window_bounds = array<i64: 1000, 256>}, {transform_indices = @transform_1, window_bounds = array<i64: 1000, 256>}, {transform_indices = @transform_2, window_bounds = array<i64: 1000, 1>}, {pipeline_mode = #tpu.pipeline_mode<synchronous>, transform_indices = @transform_3, window_bounds = array<i64: 1, 256>}, {transform_indices = @transform_4, window_bounds = array<i64: 1000, 256>}]} {
    %get3A = arith.constant 0 : index
    %get3A_0 = arith.constant 0 : index
    %get3A_1 = vector.load %arg3[%get3A, %get3A_0] : memref<1000x1xf32, #tpu.memory_space<vmem>>, vector<1000x1xf32>
    %rsqrt3A = math.rsqrt %get3A_1 : vector<1000x1xf32>
    %get3A_2 = arith.constant 0 : index
    %get3A_3 = arith.constant 0 : index
    %get3A_4 = vector.load %arg1[%get3A_2, %get3A_3] : memref<1000x256xf32, #tpu.memory_space<vmem>>, vector<1000x256xf32>
    %get3A_5 = arith.constant 0 : index
    %get3A_6 = arith.constant 0 : index
    %get3A_7 = vector.load %arg2[%get3A_5, %get3A_6] : memref<1000x256xf32, #tpu.memory_space<vmem>>, vector<1000x256xf32>
    %add3A = arith.addf %get3A_4, %get3A_7 : vector<1000x256xf32>
    %mul3A = vector.broadcast %rsqrt3A : vector<1000x1xf32> to vector<1000x256xf32>
    %mul3A_8 = arith.mulf %mul3A, %add3A : vector<1000x256xf32>
    %get3A_9 = arith.constant 0 : index
    %get3A_10 = arith.constant 0 : index
    %get3A_11 = vector.load %arg4[%get3A_9, %get3A_10] : memref<1x256xf32, #tpu.memory_space<vmem>>, vector<1x256xf32>
    %add3A_12 = vector.broadcast %get3A_11 : vector<1x256xf32> to vector<1000x256xf32>
    %add3A_13 = arith.addf %mul3A_8, %add3A_12 : vector<1000x256xf32>
    %swap3A = arith.constant 0 : index
    %swap3A_14 = arith.constant 0 : index
    %swap3A_15 = vector.load %arg5[%swap3A, %swap3A_14] : memref<1000x256xf32, #tpu.memory_space<vmem>>, vector<1000x256xf32>
    tpu.vector_store %arg5[%swap3A, %swap3A_14], %add3A_13 {strides = array<i32>} : memref<1000x256xf32, #tpu.memory_space<vmem>>, vector<1000x256xf32>,
    return
  }
  func.func @transform_0(%arg0: i32) -> (i32, i32) {
    %c0_i32 = arith.constant 0 : i32
    %c0_i32_0 = arith.constant 0 : i32
    return %arg0, %c0_i32 : i32, i32
  }
  func.func @transform_1(%arg0: i32) -> (i32, i32) {
    %c0_i32 = arith.constant 0 : i32
    %c0_i32_0 = arith.constant 0 : i32
    return %arg0, %c0_i32 : i32, i32
  }
  func.func @transform_2(%arg0: i32) -> (i32, i32) {
    %c0_i32 = arith.constant 0 : i32
    %c0_i32_0 = arith.constant 0 : i32
    return %arg0, %c0_i32 : i32, i32
  }
  func.func @transform_3(%arg0: i32) -> (i32, i32) {
    %c0_i32 = arith.constant 0 : i32
    %c0_i32_0 = arith.constant 0 : i32
    %c0_i32_1 = arith.constant 0 : i32
    return %c0_i32, %c0_i32_0 : i32, i32
  }
  func.func @transform_4(%arg0: i32) -> (i32, i32) {
    %c0_i32 = arith.constant 0 : i32
    %c0_i32_0 = arith.constant 0 : i32
    return %arg0, %c0_i32 : i32, i32
  }
}

</mosaic_0001>

<sc_bundles>
// kernel: kernel.12.cloned.1.call-start
scs
__scs_entry_jumppad:
0x0: {  	(pc) =	sbr.rel $0x88, $3  }
0x1: {  	(tag) =	ssettag $0x0;
	lr =	simm.s32 $0x1  }
0x2: {  	[smem:$0x3F9B] =	sst lr;
	_ =	strace $0xD0000000  }
0x3: {  	_ = 	snop  }
0x4: {  	_ = 	snop  }
0x5: {  	_ = 	snop  }
0x6: {  	_ = 	snop  }
0x7: {  	_ = 	snop  }
__scs_overlays_trampoline_lowered:
0x8: {  	[smem:$0x3FAA] =	sst s0  }
0x9: {  	[smem:$0x3FAB] =	sst s1  }
0xa: {  	[smem:$0x3FAC] =	sst s2  }
0xb: {  	[smem:$0x3FAD] =	sst s3  }
0xc: {  	[smem:$0x3FAE] =	sst s4  }
0xd: {  	[smem:$0x3FAF] =	sst s5  }
0xe: {  	[smem:$0x3FB0] =	sst s6  }
0xf: {  	[smem:$0x3FB1] =	sst s7  }
0x10: {  	[smem:$0x3FB2] =	sst s8  }
0x11: {  	[smem:$0x3FB3] =	sst s9;
	s0 =	simm.s32 @!p0 $0x0  }
0x12: {  	s1 =	sld [smem:$0x3F99];
	s0 =	simm.s32 @p0 $0x1  }
0x13: {  	[smem:$0x3FB4] =	sst s0;
	s0 =	simm.s32 @!p1 $0x0  }
0x14: {  	s2 =	sld [smem:$0x3F98];
	s0 =	simm.s32 @p1 $0x1  }
0x15: {  	[smem:$0x3FB5] =	sst s0;
	s0 =	simm.s32 @!p2 $0x0  }
0x16: {  	s3 =	sld [smem:$0x3FDB];
	s0 =	simm.s32 @p2 $0x1  }
0x17: {  	s4 =	simm.s32 $0x1BF5;
	[smem:$0x3FB7] =	sst s0  }
0x18: {  	s0 =	sld [smem:$0x3F9A];
	_ =	swait.ge [sflag:s4], $0x0  }
0x19: {  	s7 =	sld [smem:$0x3F9B]  }
0x1a: {  	s8 =	sadd.s32 $0xFFFFE003, lr  }
0x1b: {  	s9 =	sadd.s32 $0xFFFFFEF7, lr;
	s5 =	simm.s32 $0xFFFFFFFF;
	p2 =	slt.u32 s8, $0xFFFFF086  }
0x1c: {  	p1 =	slt.u32 s9, $0xF7A;
	s5 =	simm.s32 @!p2 $0x0  }
0x1d: {  	s5 =	simm.s32 @p1 $0x1;
	p0 =	seq.s32 s7, s2  }
0x1e: {  	s7 =	smul.u32 @!p0 $0xF7A, s2;
	p2 =	seq.s32 @!p0 s5, $0x0  }
0x1f: {  	s9 =	smul.u32 $0xF7A, s1;
	s8 =	simm.s32 @!p0 $0x1BF5;
	p2 =	por !p2, p0  }
0x20: {  	[sflag:s8] =	ssyncset.s32 @!p0 $0xFFFFF086;
	s6 =	sadd.s32 @!p0 s3, s7;
	s7 =	simm.s32 @!p0 $0x108  }
0x21: {  	s3 =	sadd.s32 s3, s9;
	s6 =	sadd.s32 @!p0 $0x88, s6;
	s7 =	simm.s32 @p2 $0x1082  }
0x22: {  	[simem:s7], [sflag:s8] =	dma.local @!p0 [hbm:s6], $0xF7A  }
0x23: {  	s9 =	sor.u32 $0xD0000000, s2;
	s6 =	simm.s32 $0x108;
	_ =	swait.ge @!p0 [sflag:s8], $0x0  }
0x24: {  	s3 =	sadd.s32 $0x88, s3;
	s6 =	simm.s32 @!p1 $0x1082;
	[sflag:s4] =	ssyncset.s32 $0xFFFFF086  }
0x25: {  	[simem:s6], [sflag:s4] =	dma.local [hbm:s3], $0xF7A  }
0x26: {  	[smem:$0x3F9B] =	sst s1;
	(tag) =	ssettag s2;
	_ =	strace s9  }
0x27: {  	s1 =	sld [smem:$0x3FAB]  }
0x28: {  	s2 =	sld [smem:$0x3FAC]  }
0x29: {  	s4 =	sld [smem:$0x3FAE]  }
0x2a: {  	p0 =	seq.s32 s5, $0x0;
	s5 =	sld [smem:$0x3FAF]  }
0x2b: {  	s6 =	sld [smem:$0x3FB0]  }
0x2c: {  	s7 =	sld [smem:$0x3FB1]  }
0x2d: {  	s3 =	simm.s32 $0x108;
	s8 =	sld [smem:$0x3FB2]  }
0x2e: {  	s3 =	simm.s32 @!p0 $0x1082;
	s9 =	sld [smem:$0x3FB3]  }
0x2f: {  	lr =	sadd.s32 s0, s3;
	s0 =	sld [smem:$0x3FAA]  }
0x30: {  	s3 =	sld [smem:$0x3FAD]  }
0x31: {  	[smem:$0x3FB6] =	sst s10  }
0x32: {  	s10 =	sld [smem:$0x3FB4];
	_ =	sdelay $0x3  }
0x33: {  	p0 =	seq.s32 s10, $0x1;
	s10 =	sld [smem:$0x3FB6];
	_ =	sdelay $0x3  }
0x34: {  	[smem:$0x3FB6] =	sst s10  }
0x35: {  	s10 =	sld [smem:$0x3FB5];
	_ =	sdelay $0x3  }
0x36: {  	p1 =	seq.s32 s10, $0x1;
	s10 =	sld [smem:$0x3FB6];
	_ =	sdelay $0x3  }
0x37: {  	[smem:$0x3FB6] =	sst s10  }
0x38: {  	s10 =	sld [smem:$0x3FB7]  }
0x39: {  	_ = 	snop;
	(pc) =	sbr.ind lr, $3  }
0x3a: {  	_ = 	snop  }
0x3b: {  	_ = 	snop  }
0x3c: {  	p2 =	seq.s32 s10, $0x1;
	s10 =	sld [smem:$0x3FB6]  }
0x3d: {  	_ =	shalt  }
0x3e: {  	_ =	shalt  }
0x3f: {  	_ =	shalt  }
0x40: {  	_ =	shalt  }
0x41: {  	_ =	shalt  }
0x42: {  	_ =	shalt  }
0x43: {  	_ =	shalt  }
0x44: {  	_ =	shalt  }
0x45: {  	_ =	shalt  }
0x46: {  	_ =	shalt  }
0x47: {  	_ =	shalt  }
0x48: {  	_ =	shalt  }
0x49: {  	_ =	shalt  }
0x4a: {  	_ =	shalt  }
0x4b: {  	_ =	shalt  }
0x4c: {  	_ =	shalt  }
0x4d: {  	_ =	shalt  }
0x4e: {  	_ =	shalt  }
0x4f: {  	_ =	shalt  }
0x50: {  	_ =	shalt  }
0x51: {  	_ =	shalt  }
0x52: {  	_ =	shalt  }
0x53: {  	_ =	shalt  }
0x54: {  	_ =	shalt  }
0x55: {  	_ =	shalt  }
0x56: {  	_ =	shalt  }
0x57: {  	_ =	shalt  }
0x58: {  	_ =	shalt  }
0x59: {  	_ =	shalt  }
0x5a: {  	_ =	shalt  }
0x5b: {  	_ =	shalt  }
0x5c: {  	_ =	shalt  }
0x5d: {  	_ =	shalt  }
0x5e: {  	_ =	shalt  }
0x5f: {  	_ =	shalt  }
0x60: {  	_ =	shalt  }
0x61: {  	_ =	shalt  }
0x62: {  	_ =	shalt  }
0x63: {  	_ =	shalt  }
0x64: {  	_ =	shalt  }
0x65: {  	_ =	shalt  }
0x66: {  	_ =	shalt  }
0x67: {  	_ =	shalt  }
0x68: {  	_ =	shalt  }
0x69: {  	_ =	shalt  }
0x6a: {  	_ =	shalt  }
0x6b: {  	_ =	shalt  }
0x6c: {  	_ =	shalt  }
0x6d: {  	_ =	shalt  }
0x6e: {  	_ =	shalt  }
0x6f: {  	_ =	shalt  }
0x70: {  	_ =	shalt  }
0x71: {  	_ =	shalt  }
0x72: {  	_ =	shalt  }
0x73: {  	_ =	shalt  }
0x74: {  	_ =	shalt  }
0x75: {  	_ =	shalt  }
0x76: {  	_ =	shalt  }
0x77: {  	_ =	shalt  }
0x78: {  	_ =	shalt  }
0x79: {  	_ =	shalt  }
0x7a: {  	_ =	shalt  }
0x7b: {  	_ =	shalt  }
0x7c: {  	_ =	shalt  }
0x7d: {  	_ =	shalt  }
0x7e: {  	_ =	shalt  }
0x7f: {  	_ =	shalt  }
0x80: {  	_ =	shalt  }
0x81: {  	_ =	shalt  }
0x82: {  	_ =	shalt  }
0x83: {  	_ =	shalt  }
0x84: {  	_ =	shalt  }
0x85: {  	_ =	shalt  }
0x86: {  	_ =	shalt  }
0x87: {  	_ =	shalt  }
.Lfunc_end0:
.L_simem_size_0:
called_computation.1_lowered:
.L_overlay_start_0:
0x88: {  	s2 =	sld [smem:$0x3FD9]  }
0x89: {  	s3 =	sld [smem:$0x3FFE];
	_ =	sdelay $0x1  }
0x8a: {  	s1 =	srdreg.scid  }
0x8b: {  	s0 =	sand.u32 $0x1, s1  }
0x8c: {  	s17 =	sshll.u32 s0, $0xA;
	s2 =	sadd.s32 s3, s2  }
0x8d: {  	s2 =	sadd.s32 s2, s17  }
0x8e: {  	[smem:$0x3FC2] =	sst s2  }
0x8f: {  	_ = 	snop  }
0x90: {  	s2 =	sld [smem:$0x3FD0];
	(tm) =	ssettm $0x1  }
0x91: {  	s18 =	sld [smem:$0x3FFB];
	_ =	sdelay $0x3  }
0x92: {  	_ =	strace s18  }
0x93: {  	s3 =	sld [smem:$0x3FFC];
	_ =	sdelay $0x3  }
0x94: {  	_ =	strace s3  }
0x95: {  	s3 =	sld [smem:$0x3FFD];
	_ =	sdelay $0x3  }
0x96: {  	_ =	strace s3  }
0x97: {  	_ =	strace $0x8FFFFFFF  }
0x98: {  	s19 =	sld [smem:$0x3FDB];
	_ =	sdelay $0x1  }
0x99: {  	s4 =	simm.s32 $_scs_section_size  }
0x9a: {  	s5 =	simm.s32 $_size__tile_overlayer_lowered;
	s6 =	simm.s32 $_tile_overlayer_lowered  }
0x9b: {  	s22 =	simm.s32 $0x1BFF;
	s21 =	sshll.u32 s6, $0x1;
	s3 =	sadd.s32 s4, s19  }
0x9c: {  	s7 =	simm.s32 $0x0;
	s20 =	sshll.u32 s5, $0x1;
	s5 =	sadd.s32 s21, s3  }
0x9d: {  	[timem:s7], [sflag:s22] =	dma.local [hbm:s5], s20  }
0x9e: {  	_ =	swait.ge [sflag:s22], s20  }
0x9f: {  	s4 =	ssub.s32 $0x0, s20;
	[sflag:s22] =	ssyncset.done $0x0  }
0xa0: {  	[sflag:s22] =	ssyncadd.s32 s4;
	_ =	sdelay $0x1  }
0xa1: {  	s23 =	simm.s32 $0x1B8B  }
0xa2: {  	_ =	swait.ge [sflag:s23], $0x1  }
0xa3: {  	[sflag:s23] =	ssyncset.done $0x0  }
0xa4: {  	s25 =	simm.s32 $0x1B8E;
	s24 =	sld [smem:$0x3FFE];
	[sflag:s23] =	ssyncadd.s32 $0xFFFFFFFF  }
0xa5: {  	s26 =	simm.s32 $execute0_lowered;
	[smem:$0x3FD2] =	sst s25  }
0xa6: {  	s5 =	sshll.u32 s26, $0x1;
	_ =	strace $0x80000049;
	[dreg:$0x1] =	wrdreg $0xFFFFFFFF  }
0xa7: {  	s28 =	simm.s32 $_size_execute0_lowered;
	s3 =	sadd.s32 s3, s5;
	[dreg:$0x0] =	wrdreg $0x0  }
0xa8: {  	s5 =	sshll.u32 s28, $0x1;
	[dreg:$0x2] =	wrdreg s3  }
0xa9: {  	[dreg:$0x3] =	wrdreg s5  }
0xaa: {  	[dreg:$0x4] =	wrdreg $0xC0  }
0xab: {  	_ =	task [dreg:s7], $0x5FFFF  }
0xac: {  	[dreg:$0x1] =	wrdreg $0xFFFFFFFF  }
0xad: {  	[dreg:$0x0] =	wrdreg $0x60  }
0xae: {  	[dreg:$0x2] =	wrdreg s2  }
0xaf: {  	[dreg:$0x3] =	wrdreg s24  }
0xb0: {  	[dreg:$0x4] =	wrdreg $0xA4800  }
0xb1: {  	[dreg:$0x5] =	wrdreg $0x9  }
0xb2: {  	_ =	task.clear_ibuf [dreg:s7], $0x6FFFF;
	_ =	strace $0x90000049  }
0xb3: {  	s29 =	simm.s32 $0x9;
	_ =	strace $0x8000004B  }
0xb4: {  	_ =	swait.ge [sflag:s29], $0x1  }
0xb5: {  	[sflag:s29] =	ssyncadd.s32 $0xFFFFFFFF  }
0xb6: {  	_ =	strace $0x9000004B  }
0xb7: {  	_ =	sfence  }
0xb8: {  	s30 =	sld [smem:$0x0];
	_ =	sdelay $0x2  }
0xb9: {  	s31 =	sshll.u32 s1, $0xD;
	s1 =	sshrl.u32 s1, $0x2  }
0xba: {  	s3 =	sand.u32 $0x4000, s31;
	s1 =	sadd.s32 s1, s30  }
0xbb: {  	s0 =	sor.u32 s3, s0;
	s1 =	sshll.u32 s1, $0x11  }
0xbc: {  	s0 =	sor.u32 s1, s0  }
0xbd: {  	s0 =	sadd.s32 $0x8F2B, s0  }
0xbe: {  	[sflag:s0] =	ssyncadd.remote.s32 $0x1  }
0xbf: {  	_ =	sfence.sel $0xFFFF  }
0xc0: {  	[dreg:$0x0] =	wrdreg $0xFFFFFFFF;
	(pc) =	sbr.abs _section_cstart, $3  }
0xc1: {  	[dreg:$0x1] =	wrdreg $0xFFFFFFFF  }
0xc2: {  	_ =	task.clear_ibuf [dreg:s7], $0x2FFFF;
	_ =	strace $0x9FFFFFFF  }
0xc3: {  	(tm) =	ssettm $0x7FFFFFFF  }
tec
execute0_lowered:
.L_overlay_start_1:
0x0: {  	(tag) =	ssettag $0x1  }
0x1: {  	s1 =	rddreg [dreg:$0x0]  }
0x2: {  	s0 =	rddreg [dreg:$0x1]  }
0x3: {  	s2 =	rddreg [dreg:$0x2];
	s3 =	simm.s32 $0x0;
	s4 =	srdreg.scid  }
0x4: {  	s20 =	stileid.u32;
	s28 =	simm.s32 $0x3;
	s29 =	simm.s32 $0x8480  }
0x5: {  	s30 =	simm.s32 $0x1;
	s31 =	simm.s32 $0x80;
	[smem:$0x7FF] =	sst s3  }
0x6: {  	s5 =	sadd.s32 $0x32A00, s0;
	s4 =	sand.u32 $0x1, s4;
	s11 =	sadd.s32 $0x46A00, s0  }
0x7: {  	s6 =	sshll.u32 s20, $0x5;
	s8 =	smul.u32 $0x26000, s20;
	s14 =	sadd.s32 $0xA9000, s0  }
0x8: {  	s16 =	smul.u32 $0x98, s20;
	s9 =	sadd.s32 $0x9A000, s2;
	s10 =	sadd.s32 $0x9C000, s2  }
0x9: {  	p2 =	seq.s32 s20, $0x1;
	p1 =	sne.s32 s20, $0x0;
	s12 =	smul.u32 $0x1390, s4  }
0xa: {  	_ =	strace $0x8000004A;
	s7 =	sshll.u32 s4, $0x9;
	s17 =	smul.u32 $0x139000, s4  }
0xb: {  	s19 =	ssub.s32 $0x2, s4;
	s18 =	sshllo.u32 s4, $0x1;
	s26 =	smul.u32 $0xA00, s4  }
0xc: {  	p0 =	seq.s32 s4, $0x0;
	s4 =	smul.u32 $0xA000, s4;
	p5 =	sne.s32 @!p2 s20, $0x0  }
0xd: {  	s6 =	sor.u32 s6, s7;
	s21 =	sshrl.u32 s19, $0x1;
	s22 =	sshrl.u32 s8, $0x2  }
0xe: {  	s8 =	sadd.s32 $0x98000, s2;
	p4 =	por p5, p2;
	p5 =	por !p5, p2  }
0xf: {  	s13 =	sadd.s32 s6, s0;
	s15 =	ssub.s32 s19, s21;
	s6 =	sadd.s32 s22, s2  }
0x10: {  	s12 =	sadd.s32 s16, s12;
	s17 =	sshrl.u32 s17, $0x3;
	s19 =	smul.u32 $0x9C8, s18  }
0x11: {  	s18 =	smul.u32 $0x9C800, s18;
	s0 =	sadd.s32 $0xD0000, s0;
	s23 =	sadd.s32 $0x5AA00, s13  }
0x12: {  	s7 =	sadd.s32 $0x8000, s6;
	s12 =	sshll.u32 s12, $0x5;
	s17 =	sadd.s32 s14, s17  }
0x13: {  	s13 =	sadd.s32 $0x5AA10, s13;
	[dreg:$0xb] =	wrdreg s0;
	s22 =	smax.u32 s15, $0x1  }
0x14: {  	s15 =	simm.s32 $0x380;
	[dreg:$0x4] =	wrdreg s23;
	s12 =	sadd.s32 s14, s12  }
0x15: {  	s21 =	sadd.s32 $0x13700, s17;
	s17 =	sadd.s32 $0x13000, s17;
	[dreg:$0x8] =	wrdreg s13  }
0x16: {  	s24 =	sadd.s32 s16, s19;
	s25 =	sshrl.u32 s18, $0x3;
	s18 =	smul.u32 $0xA0, s20  }
0x17: {  	s19 =	smul.u32 $0xA00, s20;
	[dreg:$0xc] =	wrdreg s22;
	s23 =	sadd.s32 s4, s11  }
0x18: {  	s4 =	sadd.s32 s4, s5;
	s22 =	sadd.s32 $0x2000, s6;
	[dreg:$0x5] =	wrdreg s12  }
0x19: {  	s12 =	sadd.s32 $0x9B800, s2;
	[dreg:$0x6] =	wrdreg s21;
	s13 =	sshll.u32 s24, $0x5  }
0x1a: {  	[dreg:$0x7] =	wrdreg s17;
	s16 =	sadd.s32 s14, s25;
	s13 =	sadd.s32 s14, s13  }
0x1b: {  	s17 =	simm.s32 $0x0;
	s14 =	sadd.s32 s19, s23;
	[dreg:$0x9] =	wrdreg s13  }
0x1c: {  	s21 =	sadd.s32 s18, s26;
	s0 =	sadd.s32 s19, s4;
	[dreg:$0xd] =	wrdreg s14  }
0x1d: {  	s23 =	sadd.s32 $0x4000, s6;
	s13 =	sadd.s32 $0x13000, s16;
	[dreg:$0xe] =	wrdreg s0  }
0x1e: {  	s4 =	simm.s32 $0x280;
	[dreg:$0xa] =	wrdreg s13;
	s13 =	sshll.u32 s21, $0x4  }
.Ltmp0:
0x1f: {  	s14 =	simm.s32 $0x2;
	s13 =	sadd.s32 $0x400, s13;
	(pc) =	sbr.rel .LBB2_1-.Ltmp0, $4  }
0x20: {  	s16 =	simm.s32 $0x400;
	s24 =	sadd.s32 s13, s5;
	s25 =	sadd.s32 s13, s11  }
0x21: {  	s5 =	simm.s32 $0x480;
	s11 =	simm.s32 $0x300;
	s0 =	sadd.s32 $0x100, s24  }
0x22: {  	s13 =	simm.s32 $0x4480;
	s26 =	sadd.s32 $0x100, s25;
	[dreg:$0xf] =	wrdreg s0  }
0x23: {  	v0 =	vimm.f32 $0.0e+00;
	[dreg:$0x10] =	wrdreg s26;
	s26 =	sadd.s32 $0x6000, s6;
	s0 =	simm.s32 $0x180  }
.LBB2_10:
0x24: {  	[tilespmem:$0x3A0] =	vst v2  }
0x25: {  	[tilespmem:$0x2C0] =	vst v7  }
0x26: {  	[tilespmem:$0x2A0] =	vst v6  }
0x27: {  	[tilespmem:$0x420] =	vst v1  }
0x28: {  	[tilespmem:$0x340] =	vst v4  }
0x29: {  	v2 =	vshll.u32 v9, $0x1;
	v63 =	vld [tilespmem:$0x1E0];
	[tilespmem:$0x320] =	vst v3  }
0x2a: {  	v5 =	vshll.u32 v5, $0x1;
	[tilespmem:$0x3D0] =	vst v2  }
0x2b: {  	[tilespmem:$0x2E0] =	vst v5;
	v1 =	vor.u32 $0x1, v2  }
0x2c: {  	v2 =	vshll.u32 v8, $0x1;
	[tilespmem:$0x450] =	vst v1  }
0x2d: {  	v3 =	vor.u32 $0x1, v5;
	[tilespmem:$0x2D0] =	vst v2  }
0x2e: {  	[tilespmem:$0x360] =	vst v3;
	v1 =	vshll.u32 v63, $0x1  }
0x2f: {  	[tilespmem:$0x3E0] =	vst v1;
	v1 =	vor.u32 $0x1, v1  }
0x30: {  	[tilespmem:$0x460] =	vst v1;
	v1 =	vor.u32 $0x1, v2  }
0x31: {  	[tilespmem:$0x350] =	vst v1  }
0x32: {  	[tilespmem:s5], [sflag:$0x1] =	stream.indirect.gather [hbm4b:s1+s31], $0x80, s4, s31, $0xb8;
	[tilespmem:$0x14180] =	vst v63  }
0x33: {  	_ = 	snop  }
0x34: {  	[tilespmem:s13], [sflag:$0x2] =	stream.indirect.gather [hbm4b:s1+s31], $0x80, s11, s31, $0xb8;
	[tilespmem:$0x14180] =	vst v63  }
0x35: {  	_ =	swait.ge [sflag:s30], $0x4000  }
0x36: {  	[sflag:s30] =	ssyncset.done $0x0  }
0x37: {  	[sflag:s30] =	ssyncadd.s32 $0xFFFFC000  }
0x38: {  	_ =	swait.ge [sflag:s14], $0x4000  }
0x39: {  	[sflag:s14] =	ssyncset.done $0x0  }
0x3a: {  	[sflag:s14] =	ssyncadd.s32 $0xFFFFC000  }
0x3b: {  	[spmem:s2] =	stream.indirect.scatter.add.f32 [tilespmem:s5], [sflag:$0x3], $0x80, s15, s31, $0xb8;
	[tilespmem:$0x14180] =	vst v63  }
0x3c: {  	_ =	swait.ge [sflag:s28], $0x4000  }
0x3d: {  	[sflag:s28] =	ssyncset.done $0x0  }
0x3e: {  	[sflag:s28] =	ssyncadd.s32 $0xFFFFC000  }
0x3f: {  	[spmem:s2] =	stream.indirect.scatter.add.f32 [tilespmem:s13], [sflag:$0x3], $0x80, s16, s31, $0xb8;
	[tilespmem:$0x14180] =	vst v63  }
0x40: {  	_ =	swait.ge [sflag:s28], $0x4000  }
0x41: {  	[sflag:s28] =	ssyncset.done $0x0  }
0x42: {  	[sflag:s28] =	ssyncadd.s32 $0xFFFFC000  }
.LBB2_11:
0x43: {  	[bflag:$0x0] =	sbarrier.arrive $0xFFFF  }
0x44: {  	s18 =	rddreg [dreg:$0x9]  }
0x45: {  	[hbm:s18], [sflag:s20] =	dma.local [spmem:s21], $0x1300  }
0x46: {  	_ =	swait.ge [sflag:s28], $0x1300  }
0x47: {  	[sflag:s28] =	ssyncset.done $0x0  }
0x48: {  	s18 =	sshrl.u32 @!p1 s8, $0x3;
	s19 =	rddreg [dreg:$0xa];
	[sflag:s28] =	ssyncadd.s32 $0xFFFFED00  }
0x49: {  	[hbm:s19], [sflag:s20] =	dma.local @!p1 [spmem:s18], $0x700  }
0x4a: {  	p3 =	por @!p4 $0x0, $0x0;
	p6 =	por $0x0, $0x0;
	s18 =	simm.s32 @!p1 $0x3  }
0x4b: {  	p3 =	por @!p5 p6, p6;
	p6 =	por p0, p0;
	_ =	swait.ge @!p1 [sflag:s18], $0x700  }
0x4c: {  	p6 =	por @!p2 p3, p3;
	[sflag:s18] =	ssyncset.done @!p1 $0x0  }
0x4d: {  	s19 =	rddreg [dreg:$0xb];
	[sflag:s18] =	ssyncadd.s32 @!p1 $0xFFFFF900;
	s18 =	sshrl.u32 @p6 s12, $0x3  }
0x4e: {  	[hbm:s19], [sflag:s20] =	dma.local @p6 [spmem:s18], $0x200  }
0x4f: {  	s18 =	simm.s32 @p6 $0x3  }
0x50: {  	_ =	swait.ge @p6 [sflag:s18], $0x200  }
0x51: {  	s17 =	sadd.s32 $0x1, s17;
	s25 =	rddreg [dreg:$0xc]  }
0x52: {  	p3 =	sne.s32 s17, s25  }
.Ltmp1:
0x53: {  	_ = 	snop;
	(pc) =	sbr.rel @!p3 .LBB2_12-.Ltmp1, $3  }
0x54: {  	[sflag:s18] =	ssyncset.done @p6 $0x0  }
0x55: {  	[sflag:s18] =	ssyncadd.s32 @p6 $0xFFFFFE00  }
0x56: {  	[bflag:$0x0] =	sbarrier.arrive $0xFFFF;
	_ =	sdelay $0x1  }
.LBB2_1:
0x57: {  	s18 =	simm.s32 $0x0;
	s19 =	simm.s32 $0x200  }
.LBB2_2:
0x58: {  	p6 =	sne.s32 s19, $0x7E00;
	[tilespmem:s18+$0x84F0] =	vst v0  }
0x59: {  	[tilespmem:s18+$0x8480] =	vst v0  }
0x5a: {  	[tilespmem:s18+$0x8490] =	vst v0  }
.Ltmp2:
0x5b: {  	[tilespmem:s18+$0x84A0] =	vst v0;
	(pc) =	sbr.rel @p6 .LBB2_2-.Ltmp2, $4  }
0x5c: {  	[tilespmem:s18+$0x84B0] =	vst v0  }
0x5d: {  	[tilespmem:s18+$0x84C0] =	vst v0  }
0x5e: {  	[tilespmem:s18+$0x84D0] =	vst v0  }
0x5f: {  	[tilespmem:s18+$0x84E0] =	vst v0;
	s18 =	sshra.s32 s19, $0x2;
	s19 =	sadd.s32 $0x200, s19  }
0x60: {  	[tilespmem:s18+$0x84F0] =	vst v0  }
0x61: {  	[tilespmem:s18+$0x8480] =	vst v0  }
0x62: {  	[tilespmem:s18+$0x8490] =	vst v0  }
0x63: {  	[tilespmem:s18+$0x84A0] =	vst v0  }
0x64: {  	[tilespmem:s18+$0x84B0] =	vst v0  }
0x65: {  	[tilespmem:s18+$0x84C0] =	vst v0  }
0x66: {  	[tilespmem:s18+$0x84D0] =	vst v0  }
0x67: {  	[tilespmem:s18+$0x84E0] =	vst v0;
	s24 =	rddreg [dreg:$0x4]  }
0x68: {  	[tilespmem:s3], [sflag:$0x3] =	stream.linear.gather [hbm4b:s24+s3], $0x80, $0x38;
	[tilespmem:$0x14180] =	vst v63  }
0x69: {  	_ =	swait.ge [sflag:s28], $0x80  }
0x6a: {  	[sflag:s28] =	ssyncset.done $0x0  }
0x6b: {  	[sflag:s28] =	ssyncadd.s32 $0xFFFFFF80  }
0x6c: {  	v1 =	vld [tilespmem:$0x0];
	[spmem:s6] =	stream.linear.scatter [tilespmem:s29], [sflag:$0x3], $0x2000, $0x38  }
0x6d: {  	_ =	swait.ge [sflag:s28], $0x2000  }
0x6e: {  	[sflag:s28] =	ssyncset.done $0x0  }
0x6f: {  	[sflag:s28] =	ssyncadd.s32 $0xFFFFE000  }
0x70: {  	[spmem:s22] =	stream.linear.scatter [tilespmem:s29], [sflag:$0x3], $0x2000, $0x38;
	[tilespmem:$0x14180] =	vst v63  }
0x71: {  	_ =	swait.ge [sflag:s28], $0x2000  }
0x72: {  	[sflag:s28] =	ssyncset.done $0x0  }
0x73: {  	[sflag:s28] =	ssyncadd.s32 $0xFFFFE000  }
0x74: {  	[spmem:s23] =	stream.linear.scatter [tilespmem:s29], [sflag:$0x3], $0x2000, $0x38;
	[tilespmem:$0x14180] =	vst v63  }
0x75: {  	_ =	swait.ge [sflag:s28], $0x2000  }
0x76: {  	[sflag:s28] =	ssyncset.done $0x0  }
0x77: {  	[sflag:s28] =	ssyncadd.s32 $0xFFFFE000  }
0x78: {  	[spmem:s26] =	stream.linear.scatter [tilespmem:s29], [sflag:$0x3], $0x2000, $0x38;
	[tilespmem:$0x14180] =	vst v63  }
0x79: {  	_ =	swait.ge [sflag:s28], $0x2000  }
0x7a: {  	(v2sf) =	vpush v1, $0x0;
	_ =	sdelay $0xb  }
0x7b: {  	[sflag:s28] =	ssyncset.done $0x0  }
0x7c: {  	[sflag:s28] =	ssyncadd.s32 $0xFFFFE000  }
0x7d: {  	[spmem:s7] =	stream.linear.scatter [tilespmem:s29], [sflag:$0x3], $0x1800, $0x38;
	[tilespmem:$0x14180] =	vst v63  }
0x7e: {  	s20 =	spop (v2sf)  }
0x7f: {  	s19 =	simm.s32 @!p1 $0x8480;
	_ =	swait.ge [sflag:s28], $0x1800  }
0x80: {  	s18 =	simm.s32 @!p1 $0x3;
	s21 =	sand.u32 $0x7F, s20;
	[sflag:s28] =	ssyncset.done $0x0  }
0x81: {  	s25 =	sshra.s32 s20, $0x1F;
	p3 =	slt.s32 s20, $0x1;
	[sflag:s28] =	ssyncadd.s32 $0xFFFFE800  }
0x82: {  	[spmem:s8] =	stream.linear.scatter @!p1 [tilespmem:s19], [sflag:$0x3], $0x2000, $0x38;
	[tilespmem:$0x14180] =	vst v63  }
0x83: {  	p6 =	sne.s32 s21, $0x0;
	s21 =	sshrl.u32 s25, $0x19;
	_ =	swait.ge @!p1 [sflag:s18], $0x2000  }
0x84: {  	s20 =	sadd.s32 s21, s20;
	p3 =	por !p3, !p6;
	[sflag:s18] =	ssyncset.done @!p1 $0x0  }
0x85: {  	s21 =	simm.s32 $0x1;
	p3 =	por !p3, !p3;
	[sflag:s18] =	ssyncadd.s32 @!p1 $0xFFFFE000  }
0x86: {  	[spmem:s9] =	stream.linear.scatter @!p1 [tilespmem:s19], [sflag:$0x3], $0x2000, $0x38;
	[tilespmem:$0x14180] =	vst v63  }
0x87: {  	s20 =	sshra.s32 s20, $0x7;
	s21 =	simm.s32 @!p3 $0x0;
	_ =	swait.ge @!p1 [sflag:s18], $0x2000  }
0x88: {  	s20 =	ssub.s32 s20, s21;
	[sflag:s18] =	ssyncset.done @!p1 $0x0  }
0x89: {  	p3 =	slt.s32 s20, $0x1;
	[sflag:s18] =	ssyncadd.s32 @!p1 $0xFFFFE000  }
0x8a: {  	[spmem:s10] =	stream.linear.scatter @!p1 [tilespmem:s19], [sflag:$0x3], $0x1000, $0x38;
	[tilespmem:$0x14180] =	vst v63  }
.Ltmp3:
0x8b: {  	_ =	swait.ge @!p1 [sflag:s18], $0x1000;
	(pc) =	sbr.rel @p3 .LBB2_7-.Ltmp3, $3  }
0x8c: {  	[sflag:s18] =	ssyncset.done @!p1 $0x0  }
0x8d: {  	[sflag:s18] =	ssyncadd.s32 @!p1 $0xFFFFF000  }
0x8e: {  	[bflag:$0x0] =	sbarrier.arrive $0xFFFF;
	_ =	sdelay $0x1  }
0x8f: {  	s24 =	rddreg [dreg:$0xe]  }
0x90: {  	[tilespmem:s31], [sflag:$0x3] =	stream.linear.gather [hbm4b:s24+s3], $0x80, $0x38;
	[tilespmem:$0x14180] =	vst v63  }
0x91: {  	_ =	swait.ge [sflag:s28], $0x80  }
0x92: {  	[sflag:s28] =	ssyncset.done $0x0  }
0x93: {  	s21 =	rddreg [dreg:$0xd];
	[sflag:s28] =	ssyncadd.s32 $0xFFFFFF80  }
0x94: {  	[tilespmem:s0], [sflag:$0x3] =	stream.linear.gather [hbm4b:s21+s3], $0x80, $0x38;
	[tilespmem:$0x14180] =	vst v63  }
0x95: {  	_ =	swait.ge [sflag:s28], $0x80  }
0x96: {  	[sflag:s28] =	ssyncset.done $0x0  }
0x97: {  	[sflag:s28] =	ssyncadd.s32 $0xFFFFFF80  }
0x98: {  	v1 =	vld [tilespmem:$0x1F0]  }
0x99: {  	v2 =	vld [tilespmem:$0xF0]  }
0x9a: {  	v3 =	vld [tilespmem:$0x90];
	_ =	sdelay $0x1  }
0x9b: {  	v4 =	vld [tilespmem:$0x180]  }
0x9c: {  	v5 =	vld [tilespmem:$0x1B0];
	v1 =	vshll.u32 v1, $0x1  }
0x9d: {  	v2 =	vshll.u32 v2, $0x1;
	[tilespmem:$0x3F0] =	vst v1  }
0x9e: {  	v3 =	vshll.u32 v3, $0x1;
	[tilespmem:$0x2F0] =	vst v2  }
0x9f: {  	v1 =	vor.u32 $0x1, v1;
	[tilespmem:$0x290] =	vst v3  }
0xa0: {  	v6 =	vor.u32 $0x1, v2;
	[tilespmem:$0x470] =	vst v1  }
0xa1: {  	v2 =	vor.u32 $0x1, v3;
	v3 =	vshll.u32 v4, $0x1;
	v4 =	vshll.u32 v5, $0x1;
	v5 =	vld [tilespmem:$0x1C0];
	[tilespmem:$0x370] =	vst v6  }
0xa2: {  	v1 =	vld [tilespmem:$0x80];
	[tilespmem:$0x310] =	vst v2  }
0xa3: {  	v6 =	vld [tilespmem:$0x190];
	[tilespmem:$0x380] =	vst v3  }
0xa4: {  	v2 =	vld [tilespmem:$0xB0];
	[tilespmem:$0x3B0] =	vst v4;
	v4 =	vor.u32 $0x1, v4  }
0xa5: {  	v10 =	vor.u32 $0x1, v3;
	[tilespmem:$0x430] =	vst v4  }
0xa6: {  	v7 =	vld [tilespmem:$0x1A0];
	[tilespmem:$0x400] =	vst v10;
	v5 =	vshll.u32 v5, $0x1  }
0xa7: {  	v8 =	vld [tilespmem:$0xC0];
	v1 =	vshll.u32 v1, $0x1;
	[tilespmem:$0x3C0] =	vst v5  }
0xa8: {  	v4 =	vld [tilespmem:$0xA0];
	v6 =	vshll.u32 v6, $0x1;
	[tilespmem:$0x280] =	vst v1  }
0xa9: {  	p3 =	sne.s32 s20, $0x1;
	v2 =	vshll.u32 v2, $0x1;
	[tilespmem:$0x390] =	vst v6  }
.Ltmp4:
0xaa: {  	v9 =	vld [tilespmem:$0x1D0];
	v3 =	vor.u32 $0x1, v5;
	[tilespmem:$0x2B0] =	vst v2;
	(pc) =	sbr.rel @!p3 .LBB2_6-.Ltmp4, $4  }
0xab: {  	v5 =	vld [tilespmem:$0xE0];
	v2 =	vor.u32 $0x1, v2;
	[tilespmem:$0x440] =	vst v3  }
0xac: {  	v6 =	vor.u32 $0x1, v6;
	[tilespmem:$0x330] =	vst v2;
	v2 =	vshll.u32 v7, $0x1;
	v7 =	vshll.u32 v8, $0x1;
	v8 =	vld [tilespmem:$0xD0]  }
0xad: {  	v1 =	vor.u32 $0x1, v1;
	[tilespmem:$0x410] =	vst v6;
	v6 =	vshll.u32 v4, $0x1  }
0xae: {  	s20 =	sadd.s32 $0xFFFFFFFF, s20;
	[tilespmem:$0x300] =	vst v1;
	v1 =	vor.u32 $0x1, v2;
	v4 =	vor.u32 $0x1, v7;
	v3 =	vor.u32 $0x1, v6  }
.LBB2_5:
0xaf: {  	p6 =	sne.s32 s20, $0x1;
	[tilespmem:$0x3A0] =	vst v2;
	s21 =	sadd.s32 $0x10, s21;
	s24 =	sadd.s32 $0x10, s24  }
0xb0: {  	s20 =	sadd.s32 $0xFFFFFFFF, s20;
	[tilespmem:$0x2C0] =	vst v7;
	v2 =	vshll.u32 v9, $0x1  }
0xb1: {  	v5 =	vshll.u32 v5, $0x1;
	v7 =	vshll.u32 v8, $0x1;
	[tilespmem:$0x3D0] =	vst v2;
	v2 =	vor.u32 $0x1, v2  }
0xb2: {  	v9 =	vor.u32 $0x1, v5;
	[tilespmem:$0x2A0] =	vst v6;
	v6 =	vor.u32 $0x1, v7;
	v8 =	vld [tilespmem:$0x1E0]  }
0xb3: {  	[tilespmem:$0x420] =	vst v1  }
0xb4: {  	[tilespmem:$0x2E0] =	vst v5  }
0xb5: {  	[tilespmem:$0x340] =	vst v4  }
0xb6: {  	[tilespmem:$0x450] =	vst v2  }
0xb7: {  	[tilespmem:$0x320] =	vst v3;
	v1 =	vshll.u32 v8, $0x1  }
0xb8: {  	[tilespmem:$0x3E0] =	vst v1;
	v1 =	vor.u32 $0x1, v1  }
0xb9: {  	[tilespmem:$0x2D0] =	vst v7  }
0xba: {  	[tilespmem:$0x460] =	vst v1  }
0xbb: {  	[tilespmem:$0x360] =	vst v9  }
0xbc: {  	[tilespmem:$0x350] =	vst v6  }
0xbd: {  	[tilespmem:s5], [sflag:$0x1] =	stream.indirect.gather [hbm4b:s1+s31], $0x80, s4, s31, $0xb8;
	[tilespmem:$0x14180] =	vst v63  }
0xbe: {  	_ = 	snop  }
0xbf: {  	[tilespmem:s13], [sflag:$0x2] =	stream.indirect.gather [hbm4b:s1+s31], $0x80, s11, s31, $0xb8;
	[tilespmem:$0x14180] =	vst v63  }
0xc0: {  	_ =	swait.ge [sflag:s30], $0x4000  }
0xc1: {  	[sflag:s30] =	ssyncset.done $0x0  }
0xc2: {  	[sflag:s30] =	ssyncadd.s32 $0xFFFFC000  }
0xc3: {  	_ =	swait.ge [sflag:s14], $0x4000  }
0xc4: {  	[sflag:s14] =	ssyncset.done $0x0  }
0xc5: {  	[sflag:s14] =	ssyncadd.s32 $0xFFFFC000  }
0xc6: {  	[spmem:s2] =	stream.indirect.scatter.add.f32 [tilespmem:s5], [sflag:$0x3], $0x80, s15, s31, $0xb8;
	[tilespmem:$0x14180] =	vst v63  }
0xc7: {  	_ =	swait.ge [sflag:s28], $0x4000  }
0xc8: {  	[sflag:s28] =	ssyncset.done $0x0  }
0xc9: {  	[sflag:s28] =	ssyncadd.s32 $0xFFFFC000  }
0xca: {  	[spmem:s2] =	stream.indirect.scatter.add.f32 [tilespmem:s13], [sflag:$0x3], $0x80, s16, s31, $0xb8;
	[tilespmem:$0x14180] =	vst v63  }
0xcb: {  	_ =	swait.ge [sflag:s28], $0x4000  }
0xcc: {  	[sflag:s28] =	ssyncset.done $0x0  }
0xcd: {  	[sflag:s28] =	ssyncadd.s32 $0xFFFFC000  }
0xce: {  	[tilespmem:s31], [sflag:$0x3] =	stream.linear.gather [hbm4b:s24+s3], $0x80, $0x38;
	[tilespmem:$0x14180] =	vst v63  }
0xcf: {  	_ =	swait.ge [sflag:s28], $0x80  }
0xd0: {  	[sflag:s28] =	ssyncset.done $0x0  }
0xd1: {  	[sflag:s28] =	ssyncadd.s32 $0xFFFFFF80  }
0xd2: {  	[tilespmem:s0], [sflag:$0x3] =	stream.linear.gather [hbm4b:s21+s3], $0x80, $0x38;
	[tilespmem:$0x14180] =	vst v63  }
0xd3: {  	_ =	swait.ge [sflag:s28], $0x80  }
0xd4: {  	[sflag:s28] =	ssyncset.done $0x0  }
0xd5: {  	[sflag:s28] =	ssyncadd.s32 $0xFFFFFF80  }
0xd6: {  	v1 =	vld [tilespmem:$0x1F0]  }
0xd7: {  	v2 =	vld [tilespmem:$0xF0]  }
0xd8: {  	v3 =	vld [tilespmem:$0x1B0]  }
0xd9: {  	v4 =	vld [tilespmem:$0x190]  }
0xda: {  	v5 =	vld [tilespmem:$0x90]  }
0xdb: {  	v6 =	vld [tilespmem:$0x180];
	v1 =	vshll.u32 v1, $0x1  }
0xdc: {  	v7 =	vld [tilespmem:$0x80];
	v2 =	vshll.u32 v2, $0x1;
	[tilespmem:$0x3F0] =	vst v1;
	v1 =	vor.u32 $0x1, v1  }
0xdd: {  	v8 =	vld [tilespmem:$0xB0];
	v9 =	vor.u32 $0x1, v2;
	[tilespmem:$0x470] =	vst v1  }
0xde: {  	v1 =	vld [tilespmem:$0x1A0];
	[tilespmem:$0x370] =	vst v9  }
0xdf: {  	v5 =	vshll.u32 v5, $0x1;
	[tilespmem:$0x2F0] =	vst v2  }
0xe0: {  	v4 =	vshll.u32 v4, $0x1;
	v2 =	vshll.u32 v6, $0x1;
	[tilespmem:$0x290] =	vst v5;
	v5 =	vor.u32 $0x1, v5  }
0xe1: {  	v3 =	vshll.u32 v3, $0x1;
	v6 =	vshll.u32 v7, $0x1;
	[tilespmem:$0x310] =	vst v5;
	v5 =	vor.u32 $0x1, v4  }
0xe2: {  	v10 =	vor.u32 $0x1, v6;
	[tilespmem:$0x380] =	vst v2;
	v7 =	vshll.u32 v8, $0x1;
	v8 =	vor.u32 $0x1, v3  }
0xe3: {  	v11 =	vor.u32 $0x1, v2;
	v2 =	vshll.u32 v1, $0x1;
	v9 =	vor.u32 $0x1, v7;
	[tilespmem:$0x3B0] =	vst v3;
	v3 =	vld [tilespmem:$0x1C0]  }
0xe4: {  	[tilespmem:$0x280] =	vst v6;
	v1 =	vor.u32 $0x1, v2;
	v6 =	vld [tilespmem:$0xC0]  }
0xe5: {  	[tilespmem:$0x390] =	vst v4;
	v4 =	vld [tilespmem:$0xA0]  }
0xe6: {  	[tilespmem:$0x430] =	vst v8  }
0xe7: {  	[tilespmem:$0x410] =	vst v5  }
0xe8: {  	[tilespmem:$0x2B0] =	vst v7;
	v3 =	vshll.u32 v3, $0x1  }
.Ltmp5:
0xe9: {  	v7 =	vshll.u32 v6, $0x1;
	[tilespmem:$0x3C0] =	vst v3;
	v12 =	vor.u32 $0x1, v3;
	v5 =	vld [tilespmem:$0xE0];
	(pc) =	sbr.rel @p6 .LBB2_5-.Ltmp5, $4  }
0xea: {  	v6 =	vshll.u32 v4, $0x1;
	[tilespmem:$0x330] =	vst v9;
	v4 =	vor.u32 $0x1, v7;
	v9 =	vld [tilespmem:$0x1D0]  }
0xeb: {  	[tilespmem:$0x300] =	vst v10;
	v3 =	vor.u32 $0x1, v6;
	v8 =	vld [tilespmem:$0xD0]  }
0xec: {  	[tilespmem:$0x440] =	vst v12  }
0xed: {  	[tilespmem:$0x400] =	vst v11  }
.LBB2_6:
0xee: {  	[tilespmem:$0x3A0] =	vst v2  }
0xef: {  	[tilespmem:$0x2C0] =	vst v7  }
0xf0: {  	[tilespmem:$0x2A0] =	vst v6  }
0xf1: {  	[tilespmem:$0x420] =	vst v1  }
0xf2: {  	[tilespmem:$0x340] =	vst v4  }
0xf3: {  	v63 =	vld [tilespmem:$0x1E0];
	[tilespmem:$0x320] =	vst v3;
	v2 =	vshll.u32 v9, $0x1  }
0xf4: {  	v5 =	vshll.u32 v5, $0x1;
	[tilespmem:$0x3D0] =	vst v2  }
0xf5: {  	[tilespmem:$0x2E0] =	vst v5;
	v1 =	vor.u32 $0x1, v2  }
0xf6: {  	v2 =	vshll.u32 v8, $0x1;
	[tilespmem:$0x450] =	vst v1  }
0xf7: {  	v3 =	vor.u32 $0x1, v5;
	[tilespmem:$0x2D0] =	vst v2  }
0xf8: {  	[tilespmem:$0x360] =	vst v3;
	v1 =	vshll.u32 v63, $0x1  }
0xf9: {  	[tilespmem:$0x3E0] =	vst v1;
	v1 =	vor.u32 $0x1, v1  }
0xfa: {  	[tilespmem:$0x460] =	vst v1;
	v1 =	vor.u32 $0x1, v2  }
0xfb: {  	[tilespmem:$0x350] =	vst v1  }
0xfc: {  	[tilespmem:s5], [sflag:$0x1] =	stream.indirect.gather [hbm4b:s1+s31], $0x80, s4, s31, $0xb8;
	[tilespmem:$0x14180] =	vst v63  }
0xfd: {  	_ = 	snop  }
0xfe: {  	[tilespmem:s13], [sflag:$0x2] =	stream.indirect.gather [hbm4b:s1+s31], $0x80, s11, s31, $0xb8;
	[tilespmem:$0x14180] =	vst v63  }
0xff: {  	_ =	swait.ge [sflag:s30], $0x4000  }
0x100: {  	[sflag:s30] =	ssyncset.done $0x0  }
0x101: {  	[sflag:s30] =	ssyncadd.s32 $0xFFFFC000  }
0x102: {  	_ =	swait.ge [sflag:s14], $0x4000  }
0x103: {  	[sflag:s14] =	ssyncset.done $0x0  }
0x104: {  	[sflag:s14] =	ssyncadd.s32 $0xFFFFC000  }
0x105: {  	[spmem:s2] =	stream.indirect.scatter.add.f32 [tilespmem:s5], [sflag:$0x3], $0x80, s15, s31, $0xb8;
	[tilespmem:$0x14180] =	vst v63  }
0x106: {  	_ =	swait.ge [sflag:s28], $0x4000  }
0x107: {  	[sflag:s28] =	ssyncset.done $0x0  }
0x108: {  	[sflag:s28] =	ssyncadd.s32 $0xFFFFC000  }
0x109: {  	[spmem:s2] =	stream.indirect.scatter.add.f32 [tilespmem:s13], [sflag:$0x3], $0x80, s16, s31, $0xb8;
	[tilespmem:$0x14180] =	vst v63  }
0x10a: {  	_ =	swait.ge [sflag:s28], $0x4000  }
0x10b: {  	[sflag:s28] =	ssyncset.done $0x0  }
0x10c: {  	[sflag:s28] =	ssyncadd.s32 $0xFFFFC000  }
.LBB2_7:
0x10d: {  	s20 =	stileid.u32  }
0x10e: {  	[bflag:$0x0] =	sbarrier.arrive $0xFFFF;
	s20 =	sshll.u32 s20, $0x6  }
0x10f: {  	s21 =	sshrl.u32 s6, $0x3;
	s24 =	rddreg [dreg:$0x5];
	s20 =	sor.u32 $0x1C03, s20  }
0x110: {  	[hbm:s24], [sflag:s20] =	dma.local [spmem:s21], $0x1300  }
0x111: {  	_ =	swait.ge [sflag:s28], $0x1300  }
0x112: {  	[sflag:s28] =	ssyncset.done $0x0  }
0x113: {  	s24 =	sshrl.u32 @p2 s12, $0x3;
	s25 =	rddreg [dreg:$0x6];
	[sflag:s28] =	ssyncadd.s32 $0xFFFFED00  }
0x114: {  	[hbm:s25], [sflag:s20] =	dma.local @p2 [spmem:s24], $0x200  }
0x115: {  	s24 =	simm.s32 @p2 $0x3  }
0x116: {  	_ =	swait.ge @p2 [sflag:s24], $0x200  }
0x117: {  	[sflag:s24] =	ssyncset.done @p2 $0x0  }
0x118: {  	s25 =	rddreg [dreg:$0x7];
	[sflag:s24] =	ssyncadd.s32 @p2 $0xFFFFFE00;
	s24 =	sshrl.u32 @!p4 s8, $0x3  }
0x119: {  	[hbm:s25], [sflag:s20] =	dma.local @!p4 [spmem:s24], $0x700  }
0x11a: {  	s24 =	simm.s32 @!p4 $0x3  }
0x11b: {  	_ =	swait.ge @!p4 [sflag:s24], $0x700  }
0x11c: {  	[sflag:s24] =	ssyncset.done @!p4 $0x0  }
0x11d: {  	[sflag:s24] =	ssyncadd.s32 @!p4 $0xFFFFF900  }
0x11e: {  	[bflag:$0x0] =	sbarrier.arrive $0xFFFF  }
0x11f: {  	s25 =	rddreg [dreg:$0x8]  }
0x120: {  	[tilespmem:s3], [sflag:$0x3] =	stream.linear.gather [hbm4b:s25+s3], $0x80, $0x38;
	[tilespmem:$0x14180] =	vst v63  }
0x121: {  	_ =	swait.ge [sflag:s28], $0x80  }
0x122: {  	[sflag:s28] =	ssyncset.done $0x0  }
0x123: {  	[sflag:s28] =	ssyncadd.s32 $0xFFFFFF80  }
0x124: {  	v1 =	vld [tilespmem:$0x0];
	[spmem:s6] =	stream.linear.scatter [tilespmem:s29], [sflag:$0x3], $0x2000, $0x38  }
0x125: {  	_ =	swait.ge [sflag:s28], $0x2000  }
0x126: {  	[sflag:s28] =	ssyncset.done $0x0  }
0x127: {  	[sflag:s28] =	ssyncadd.s32 $0xFFFFE000  }
0x128: {  	[spmem:s22] =	stream.linear.scatter [tilespmem:s29], [sflag:$0x3], $0x2000, $0x38;
	[tilespmem:$0x14180] =	vst v63  }
0x129: {  	_ =	swait.ge [sflag:s28], $0x2000  }
0x12a: {  	[sflag:s28] =	ssyncset.done $0x0  }
0x12b: {  	[sflag:s28] =	ssyncadd.s32 $0xFFFFE000  }
0x12c: {  	[spmem:s23] =	stream.linear.scatter [tilespmem:s29], [sflag:$0x3], $0x2000, $0x38;
	[tilespmem:$0x14180] =	vst v63  }
0x12d: {  	_ =	swait.ge [sflag:s28], $0x2000  }
0x12e: {  	[sflag:s28] =	ssyncset.done $0x0  }
0x12f: {  	[sflag:s28] =	ssyncadd.s32 $0xFFFFE000  }
0x130: {  	[spmem:s26] =	stream.linear.scatter [tilespmem:s29], [sflag:$0x3], $0x2000, $0x38;
	[tilespmem:$0x14180] =	vst v63  }
0x131: {  	_ =	swait.ge [sflag:s28], $0x2000  }
0x132: {  	(v2sf) =	vpush v1, $0x0;
	_ =	sdelay $0xb  }
0x133: {  	[sflag:s28] =	ssyncset.done $0x0  }
0x134: {  	[sflag:s28] =	ssyncadd.s32 $0xFFFFE000  }
0x135: {  	[spmem:s7] =	stream.linear.scatter [tilespmem:s29], [sflag:$0x3], $0x1800, $0x38;
	[tilespmem:$0x14180] =	vst v63  }
0x136: {  	s24 =	spop (v2sf)  }
0x137: {  	_ =	swait.ge [sflag:s28], $0x1800  }
0x138: {  	[sflag:s28] =	ssyncset.done $0x0  }
0x139: {  	[sflag:s28] =	ssyncadd.s32 $0xFFFFE800  }
0x13a: {  	[spmem:s8] =	stream.linear.scatter @!p1 [tilespmem:s19], [sflag:$0x3], $0x2000, $0x38;
	[tilespmem:$0x14180] =	vst v63  }
0x13b: {  	s25 =	sand.u32 $0x7F, s24;
	_ =	swait.ge @!p1 [sflag:s18], $0x2000  }
0x13c: {  	p3 =	sne.s32 s25, $0x0;
	s25 =	sshra.s32 s24, $0x1F;
	[sflag:s18] =	ssyncset.done @!p1 $0x0  }
0x13d: {  	p6 =	slt.s32 s24, $0x1;
	s25 =	sshrl.u32 s25, $0x19;
	[sflag:s18] =	ssyncadd.s32 @!p1 $0xFFFFE000  }
0x13e: {  	[spmem:s9] =	stream.linear.scatter @!p1 [tilespmem:s19], [sflag:$0x3], $0x2000, $0x38;
	[tilespmem:$0x14180] =	vst v63  }
0x13f: {  	p3 =	por !p6, !p3;
	s24 =	sadd.s32 s25, s24;
	_ =	swait.ge @!p1 [sflag:s18], $0x2000  }
0x140: {  	p3 =	por !p3, !p3;
	s25 =	simm.s32 $0x1;
	[sflag:s18] =	ssyncset.done @!p1 $0x0  }
0x141: {  	s24 =	sshra.s32 s24, $0x7;
	s25 =	simm.s32 @!p3 $0x0;
	[sflag:s18] =	ssyncadd.s32 @!p1 $0xFFFFE000  }
0x142: {  	[spmem:s10] =	stream.linear.scatter @!p1 [tilespmem:s19], [sflag:$0x3], $0x1000, $0x38;
	[tilespmem:$0x14180] =	vst v63  }
0x143: {  	s19 =	ssub.s32 s24, s25  }
0x144: {  	p3 =	slt.s32 s19, $0x1  }
.Ltmp6:
0x145: {  	_ =	swait.ge @!p1 [sflag:s18], $0x1000;
	(pc) =	sbr.rel @p3 .LBB2_11-.Ltmp6, $3  }
0x146: {  	[sflag:s18] =	ssyncset.done @!p1 $0x0  }
0x147: {  	[sflag:s18] =	ssyncadd.s32 @!p1 $0xFFFFF000  }
0x148: {  	[bflag:$0x0] =	sbarrier.arrive $0xFFFF;
	_ =	sdelay $0x1  }
0x149: {  	s24 =	rddreg [dreg:$0xf]  }
0x14a: {  	[tilespmem:s31], [sflag:$0x3] =	stream.linear.gather [hbm4b:s24+s3], $0x80, $0x38;
	[tilespmem:$0x14180] =	vst v63  }
0x14b: {  	_ =	swait.ge [sflag:s28], $0x80  }
0x14c: {  	[sflag:s28] =	ssyncset.done $0x0  }
0x14d: {  	s25 =	rddreg [dreg:$0x10];
	[sflag:s28] =	ssyncadd.s32 $0xFFFFFF80  }
0x14e: {  	[tilespmem:s0], [sflag:$0x3] =	stream.linear.gather [hbm4b:s25+s3], $0x80, $0x38;
	[tilespmem:$0x14180] =	vst v63  }
0x14f: {  	_ =	swait.ge [sflag:s28], $0x80  }
0x150: {  	[sflag:s28] =	ssyncset.done $0x0  }
0x151: {  	[sflag:s28] =	ssyncadd.s32 $0xFFFFFF80  }
0x152: {  	v1 =	vld [tilespmem:$0x1F0]  }
0x153: {  	v2 =	vld [tilespmem:$0xF0]  }
0x154: {  	v3 =	vld [tilespmem:$0x90];
	_ =	sdelay $0x1  }
0x155: {  	v4 =	vld [tilespmem:$0x180]  }
0x156: {  	v5 =	vld [tilespmem:$0x1B0];
	v1 =	vshll.u32 v1, $0x1  }
0x157: {  	v2 =	vshll.u32 v2, $0x1;
	[tilespmem:$0x3F0] =	vst v1  }
0x158: {  	v3 =	vshll.u32 v3, $0x1;
	[tilespmem:$0x2F0] =	vst v2  }
0x159: {  	v1 =	vor.u32 $0x1, v1;
	[tilespmem:$0x290] =	vst v3  }
0x15a: {  	v6 =	vor.u32 $0x1, v2;
	[tilespmem:$0x470] =	vst v1  }
0x15b: {  	v2 =	vor.u32 $0x1, v3;
	v3 =	vshll.u32 v4, $0x1;
	v4 =	vshll.u32 v5, $0x1;
	v5 =	vld [tilespmem:$0x1C0];
	[tilespmem:$0x370] =	vst v6  }
0x15c: {  	v1 =	vld [tilespmem:$0x80];
	[tilespmem:$0x310] =	vst v2  }
0x15d: {  	v6 =	vld [tilespmem:$0x190];
	[tilespmem:$0x380] =	vst v3  }
0x15e: {  	v2 =	vld [tilespmem:$0xB0];
	[tilespmem:$0x3B0] =	vst v4;
	v4 =	vor.u32 $0x1, v4  }
0x15f: {  	v10 =	vor.u32 $0x1, v3;
	[tilespmem:$0x430] =	vst v4  }
0x160: {  	v7 =	vld [tilespmem:$0x1A0];
	[tilespmem:$0x400] =	vst v10;
	v5 =	vshll.u32 v5, $0x1  }
0x161: {  	v8 =	vld [tilespmem:$0xC0];
	v1 =	vshll.u32 v1, $0x1;
	[tilespmem:$0x3C0] =	vst v5  }
0x162: {  	v4 =	vld [tilespmem:$0xA0];
	v6 =	vshll.u32 v6, $0x1;
	[tilespmem:$0x280] =	vst v1  }
0x163: {  	p3 =	sne.s32 s19, $0x1;
	v2 =	vshll.u32 v2, $0x1;
	[tilespmem:$0x390] =	vst v6  }
.Ltmp7:
0x164: {  	v9 =	vld [tilespmem:$0x1D0];
	v3 =	vor.u32 $0x1, v5;
	[tilespmem:$0x2B0] =	vst v2;
	(pc) =	sbr.rel @!p3 .LBB2_10-.Ltmp7, $4  }
0x165: {  	v5 =	vld [tilespmem:$0xE0];
	v2 =	vor.u32 $0x1, v2;
	[tilespmem:$0x440] =	vst v3  }
0x166: {  	v6 =	vor.u32 $0x1, v6;
	[tilespmem:$0x330] =	vst v2;
	v2 =	vshll.u32 v7, $0x1;
	v7 =	vshll.u32 v8, $0x1;
	v8 =	vld [tilespmem:$0xD0]  }
0x167: {  	v1 =	vor.u32 $0x1, v1;
	[tilespmem:$0x410] =	vst v6;
	v6 =	vshll.u32 v4, $0x1  }
0x168: {  	s18 =	sadd.s32 $0xFFFFFFFF, s19;
	s19 =	smov.u32 s24;
	s24 =	smov.u32 s25;
	[tilespmem:$0x300] =	vst v1;
	v1 =	vor.u32 $0x1, v2;
	v4 =	vor.u32 $0x1, v7;
	v3 =	vor.u32 $0x1, v6  }
.LBB2_9:
0x169: {  	p6 =	sne.s32 s18, $0x1;
	[tilespmem:$0x3A0] =	vst v2;
	s19 =	sadd.s32 $0x10, s19;
	s24 =	sadd.s32 $0x10, s24  }
0x16a: {  	s18 =	sadd.s32 $0xFFFFFFFF, s18;
	v2 =	vshll.u32 v9, $0x1;
	[tilespmem:$0x2C0] =	vst v7  }
0x16b: {  	v5 =	vshll.u32 v5, $0x1;
	v7 =	vshll.u32 v8, $0x1;
	[tilespmem:$0x3D0] =	vst v2;
	v2 =	vor.u32 $0x1, v2  }
0x16c: {  	v9 =	vor.u32 $0x1, v5;
	[tilespmem:$0x2A0] =	vst v6;
	v6 =	vor.u32 $0x1, v7;
	v8 =	vld [tilespmem:$0x1E0]  }
0x16d: {  	[tilespmem:$0x420] =	vst v1  }
0x16e: {  	[tilespmem:$0x2E0] =	vst v5  }
0x16f: {  	[tilespmem:$0x340] =	vst v4  }
0x170: {  	[tilespmem:$0x450] =	vst v2  }
0x171: {  	[tilespmem:$0x320] =	vst v3;
	v1 =	vshll.u32 v8, $0x1  }
0x172: {  	[tilespmem:$0x3E0] =	vst v1;
	v1 =	vor.u32 $0x1, v1  }
0x173: {  	[tilespmem:$0x2D0] =	vst v7  }
0x174: {  	[tilespmem:$0x460] =	vst v1  }
0x175: {  	[tilespmem:$0x360] =	vst v9  }
0x176: {  	[tilespmem:$0x350] =	vst v6  }
0x177: {  	[tilespmem:s5], [sflag:$0x1] =	stream.indirect.gather [hbm4b:s1+s31], $0x80, s4, s31, $0xb8;
	[tilespmem:$0x14180] =	vst v63  }
0x178: {  	_ = 	snop  }
0x179: {  	[tilespmem:s13], [sflag:$0x2] =	stream.indirect.gather [hbm4b:s1+s31], $0x80, s11, s31, $0xb8;
	[tilespmem:$0x14180] =	vst v63  }
0x17a: {  	_ =	swait.ge [sflag:s30], $0x4000  }
0x17b: {  	[sflag:s30] =	ssyncset.done $0x0  }
0x17c: {  	[sflag:s30] =	ssyncadd.s32 $0xFFFFC000  }
0x17d: {  	_ =	swait.ge [sflag:s14], $0x4000  }
0x17e: {  	[sflag:s14] =	ssyncset.done $0x0  }
0x17f: {  	[sflag:s14] =	ssyncadd.s32 $0xFFFFC000  }
0x180: {  	[spmem:s2] =	stream.indirect.scatter.add.f32 [tilespmem:s5], [sflag:$0x3], $0x80, s15, s31, $0xb8;
	[tilespmem:$0x14180] =	vst v63  }
0x181: {  	_ =	swait.ge [sflag:s28], $0x4000  }
0x182: {  	[sflag:s28] =	ssyncset.done $0x0  }
0x183: {  	[sflag:s28] =	ssyncadd.s32 $0xFFFFC000  }
0x184: {  	[spmem:s2] =	stream.indirect.scatter.add.f32 [tilespmem:s13], [sflag:$0x3], $0x80, s16, s31, $0xb8;
	[tilespmem:$0x14180] =	vst v63  }
0x185: {  	_ =	swait.ge [sflag:s28], $0x4000  }
0x186: {  	[sflag:s28] =	ssyncset.done $0x0  }
0x187: {  	[sflag:s28] =	ssyncadd.s32 $0xFFFFC000  }
0x188: {  	[tilespmem:s31], [sflag:$0x3] =	stream.linear.gather [hbm4b:s19+s3], $0x80, $0x38;
	[tilespmem:$0x14180] =	vst v63  }
0x189: {  	_ =	swait.ge [sflag:s28], $0x80  }
0x18a: {  	[sflag:s28] =	ssyncset.done $0x0  }
0x18b: {  	[sflag:s28] =	ssyncadd.s32 $0xFFFFFF80  }
0x18c: {  	[tilespmem:s0], [sflag:$0x3] =	stream.linear.gather [hbm4b:s24+s3], $0x80, $0x38;
	[tilespmem:$0x14180] =	vst v63  }
0x18d: {  	_ =	swait.ge [sflag:s28], $0x80  }
0x18e: {  	[sflag:s28] =	ssyncset.done $0x0  }
0x18f: {  	[sflag:s28] =	ssyncadd.s32 $0xFFFFFF80  }
0x190: {  	v1 =	vld [tilespmem:$0x1F0]  }
0x191: {  	v2 =	vld [tilespmem:$0xF0]  }
0x192: {  	v3 =	vld [tilespmem:$0x1B0]  }
0x193: {  	v4 =	vld [tilespmem:$0x190]  }
0x194: {  	v5 =	vld [tilespmem:$0x90]  }
0x195: {  	v6 =	vld [tilespmem:$0x180];
	v1 =	vshll.u32 v1, $0x1  }
0x196: {  	v7 =	vld [tilespmem:$0x80];
	v2 =	vshll.u32 v2, $0x1;
	[tilespmem:$0x3F0] =	vst v1;
	v1 =	vor.u32 $0x1, v1  }
0x197: {  	v8 =	vld [tilespmem:$0xB0];
	v9 =	vor.u32 $0x1, v2;
	[tilespmem:$0x470] =	vst v1  }
0x198: {  	v1 =	vld [tilespmem:$0x1A0];
	[tilespmem:$0x370] =	vst v9  }
0x199: {  	v5 =	vshll.u32 v5, $0x1;
	[tilespmem:$0x2F0] =	vst v2  }
0x19a: {  	v4 =	vshll.u32 v4, $0x1;
	v2 =	vshll.u32 v6, $0x1;
	[tilespmem:$0x290] =	vst v5;
	v5 =	vor.u32 $0x1, v5  }
0x19b: {  	v3 =	vshll.u32 v3, $0x1;
	v6 =	vshll.u32 v7, $0x1;
	[tilespmem:$0x310] =	vst v5;
	v5 =	vor.u32 $0x1, v4  }
0x19c: {  	v10 =	vor.u32 $0x1, v6;
	[tilespmem:$0x380] =	vst v2;
	v7 =	vshll.u32 v8, $0x1;
	v8 =	vor.u32 $0x1, v3  }
0x19d: {  	v11 =	vor.u32 $0x1, v2;
	v2 =	vshll.u32 v1, $0x1;
	v9 =	vor.u32 $0x1, v7;
	[tilespmem:$0x3B0] =	vst v3;
	v3 =	vld [tilespmem:$0x1C0]  }
0x19e: {  	[tilespmem:$0x280] =	vst v6;
	v1 =	vor.u32 $0x1, v2;
	v6 =	vld [tilespmem:$0xC0]  }
0x19f: {  	[tilespmem:$0x390] =	vst v4;
	v4 =	vld [tilespmem:$0xA0]  }
0x1a0: {  	[tilespmem:$0x430] =	vst v8  }
0x1a1: {  	[tilespmem:$0x410] =	vst v5  }
0x1a2: {  	[tilespmem:$0x2B0] =	vst v7;
	v3 =	vshll.u32 v3, $0x1  }
.Ltmp8:
0x1a3: {  	v7 =	vshll.u32 v6, $0x1;
	[tilespmem:$0x3C0] =	vst v3;
	v12 =	vor.u32 $0x1, v3;
	v5 =	vld [tilespmem:$0xE0];
	(pc) =	sbr.rel @p6 .LBB2_9-.Ltmp8, $4  }
0x1a4: {  	v6 =	vshll.u32 v4, $0x1;
	[tilespmem:$0x330] =	vst v9;
	v4 =	vor.u32 $0x1, v7;
	v9 =	vld [tilespmem:$0x1D0]  }
0x1a5: {  	[tilespmem:$0x300] =	vst v10;
	v3 =	vor.u32 $0x1, v6;
	v8 =	vld [tilespmem:$0xD0]  }
0x1a6: {  	[tilespmem:$0x440] =	vst v12  }
0x1a7: {  	[tilespmem:$0x400] =	vst v11  }
.Ltmp9:
0x1a8: {  	_ = 	snop;
	(pc) =	sbr.rel .LBB2_10-.Ltmp9, $1  }
0x1a9: {  	_ =	sdelay $0x3  }
.LBB2_12:
0x1aa: {  	_ =	sfence.sel $0x180000  }
0x1ab: {  	[bflag:$0x0] =	sbarrier.arrive $0xFFFF  }
0x1ac: {  	_ =	strace $0x9000004A  }
0x1ad: {  	[bflag:$0x2] =	sbarrier.arrive $0xFFFF  }
0x1ae: {  	s0 =	rddreg [dreg:$0x3]  }
0x1af: {  	s0 =	sadd.s32 @!p1 $0x100000, s0  }
0x1b0: {  	[sflag:s0] =	ssyncadd.tile.s32 @!p1 $0x1;
	_ =	shalt  }
.Lfunc_end2:
_tile_overlayer_lowered:
.L_overlay_start_2:
0x1b1: {  	(tag) =	ssettag $0x2  }
0x1b2: {  	s0 =	rddreg [dreg:$0x0];
	s2 =	stileid.u32  }
0x1b3: {  	s1 =	rddreg [dreg:$0x1];
	p0 =	sne.s32 s2, $0x0  }
0x1b4: {  	s3 =	rddreg [dreg:$0x2];
	[bflag:$0x3] =	sbarrier.arrive $0xFFFF;
	s2 =	simm.s32 @!p0 $0x1C03  }
0x1b5: {  	[timem:s3], [sflag:s2] =	dma.local @!p0 [hbm:s0], s1  }
0x1b6: {  	s0 =	simm.s32 @!p0 $0x3  }
0x1b7: {  	_ =	swait.ge @!p0 [sflag:s0], s1  }
0x1b8: {  	s1 =	ssub.s32 @!p0 $0x0, s1;
	[sflag:s0] =	ssyncset.done @!p0 $0x0  }
0x1b9: {  	[sflag:s0] =	ssyncadd.s32 @!p0 s1  }
0x1ba: {  	[bflag:$0x3] =	sbarrier.arrive $0xFFFF  }
0x1bb: {  	_ =	shalt  }

// kernel: kernel.15.cloned.1.call-start
scs
__scs_entry_jumppad:
0x0: {  	(pc) =	sbr.rel $0x88, $3  }
0x1: {  	(tag) =	ssettag $0x0;
	lr =	simm.s32 $0x1  }
0x2: {  	[smem:$0x3F9B] =	sst lr;
	_ =	strace $0xD0000000  }
0x3: {  	_ = 	snop  }
0x4: {  	_ = 	snop  }
0x5: {  	_ = 	snop  }
0x6: {  	_ = 	snop  }
0x7: {  	_ = 	snop  }
__scs_overlays_trampoline_lowered:
0x8: {  	[smem:$0x3FAA] =	sst s0  }
0x9: {  	[smem:$0x3FAB] =	sst s1  }
0xa: {  	[smem:$0x3FAC] =	sst s2  }
0xb: {  	[smem:$0x3FAD] =	sst s3  }
0xc: {  	[smem:$0x3FAE] =	sst s4  }
0xd: {  	[smem:$0x3FAF] =	sst s5  }
0xe: {  	[smem:$0x3FB0] =	sst s6  }
0xf: {  	[smem:$0x3FB1] =	sst s7  }
0x10: {  	[smem:$0x3FB2] =	sst s8  }
0x11: {  	[smem:$0x3FB3] =	sst s9;
	s0 =	simm.s32 @!p0 $0x0  }
0x12: {  	s1 =	sld [smem:$0x3F99];
	s0 =	simm.s32 @p0 $0x1  }
0x13: {  	[smem:$0x3FB4] =	sst s0;
	s0 =	simm.s32 @!p1 $0x0  }
0x14: {  	s2 =	sld [smem:$0x3F98];
	s0 =	simm.s32 @p1 $0x1  }
0x15: {  	[smem:$0x3FB5] =	sst s0;
	s0 =	simm.s32 @!p2 $0x0  }
0x16: {  	s3 =	sld [smem:$0x3FDB];
	s0 =	simm.s32 @p2 $0x1  }
0x17: {  	s4 =	simm.s32 $0x1BF5;
	[smem:$0x3FB7] =	sst s0  }
0x18: {  	s0 =	sld [smem:$0x3F9A];
	_ =	swait.ge [sflag:s4], $0x0  }
0x19: {  	s7 =	sld [smem:$0x3F9B]  }
0x1a: {  	s8 =	sadd.s32 $0xFFFFE003, lr  }
0x1b: {  	s9 =	sadd.s32 $0xFFFFFEF7, lr;
	s5 =	simm.s32 $0xFFFFFFFF;
	p2 =	slt.u32 s8, $0xFFFFF086  }
0x1c: {  	p1 =	slt.u32 s9, $0xF7A;
	s5 =	simm.s32 @!p2 $0x0  }
0x1d: {  	s5 =	simm.s32 @p1 $0x1;
	p0 =	seq.s32 s7, s2  }
0x1e: {  	s7 =	smul.u32 @!p0 $0xF7A, s2;
	p2 =	seq.s32 @!p0 s5, $0x0  }
0x1f: {  	s9 =	smul.u32 $0xF7A, s1;
	s8 =	simm.s32 @!p0 $0x1BF5;
	p2 =	por !p2, p0  }
0x20: {  	[sflag:s8] =	ssyncset.s32 @!p0 $0xFFFFF086;
	s6 =	sadd.s32 @!p0 s3, s7;
	s7 =	simm.s32 @!p0 $0x108  }
0x21: {  	s3 =	sadd.s32 s3, s9;
	s6 =	sadd.s32 @!p0 $0x88, s6;
	s7 =	simm.s32 @p2 $0x1082  }
0x22: {  	[simem:s7], [sflag:s8] =	dma.local @!p0 [hbm:s6], $0xF7A  }
0x23: {  	s9 =	sor.u32 $0xD0000000, s2;
	s6 =	simm.s32 $0x108;
	_ =	swait.ge @!p0 [sflag:s8], $0x0  }
0x24: {  	s3 =	sadd.s32 $0x88, s3;
	s6 =	simm.s32 @!p1 $0x1082;
	[sflag:s4] =	ssyncset.s32 $0xFFFFF086  }
0x25: {  	[simem:s6], [sflag:s4] =	dma.local [hbm:s3], $0xF7A  }
0x26: {  	[smem:$0x3F9B] =	sst s1;
	(tag) =	ssettag s2;
	_ =	strace s9  }
0x27: {  	s1 =	sld [smem:$0x3FAB]  }
0x28: {  	s2 =	sld [smem:$0x3FAC]  }
0x29: {  	s4 =	sld [smem:$0x3FAE]  }
0x2a: {  	p0 =	seq.s32 s5, $0x0;
	s5 =	sld [smem:$0x3FAF]  }
0x2b: {  	s6 =	sld [smem:$0x3FB0]  }
0x2c: {  	s7 =	sld [smem:$0x3FB1]  }
0x2d: {  	s3 =	simm.s32 $0x108;
	s8 =	sld [smem:$0x3FB2]  }
0x2e: {  	s3 =	simm.s32 @!p0 $0x1082;
	s9 =	sld [smem:$0x3FB3]  }
0x2f: {  	lr =	sadd.s32 s0, s3;
	s0 =	sld [smem:$0x3FAA]  }
0x30: {  	s3 =	sld [smem:$0x3FAD]  }
0x31: {  	[smem:$0x3FB6] =	sst s10  }
0x32: {  	s10 =	sld [smem:$0x3FB4];
	_ =	sdelay $0x3  }
0x33: {  	p0 =	seq.s32 s10, $0x1;
	s10 =	sld [smem:$0x3FB6];
	_ =	sdelay $0x3  }
0x34: {  	[smem:$0x3FB6] =	sst s10  }
0x35: {  	s10 =	sld [smem:$0x3FB5];
	_ =	sdelay $0x3  }
0x36: {  	p1 =	seq.s32 s10, $0x1;
	s10 =	sld [smem:$0x3FB6];
	_ =	sdelay $0x3  }
0x37: {  	[smem:$0x3FB6] =	sst s10  }
0x38: {  	s10 =	sld [smem:$0x3FB7]  }
0x39: {  	_ = 	snop;
	(pc) =	sbr.ind lr, $3  }
0x3a: {  	_ = 	snop  }
0x3b: {  	_ = 	snop  }
0x3c: {  	p2 =	seq.s32 s10, $0x1;
	s10 =	sld [smem:$0x3FB6]  }
0x3d: {  	_ =	shalt  }
0x3e: {  	_ =	shalt  }
0x3f: {  	_ =	shalt  }
0x40: {  	_ =	shalt  }
0x41: {  	_ =	shalt  }
0x42: {  	_ =	shalt  }
0x43: {  	_ =	shalt  }
0x44: {  	_ =	shalt  }
0x45: {  	_ =	shalt  }
0x46: {  	_ =	shalt  }
0x47: {  	_ =	shalt  }
0x48: {  	_ =	shalt  }
0x49: {  	_ =	shalt  }
0x4a: {  	_ =	shalt  }
0x4b: {  	_ =	shalt  }
0x4c: {  	_ =	shalt  }
0x4d: {  	_ =	shalt  }
0x4e: {  	_ =	shalt  }
0x4f: {  	_ =	shalt  }
0x50: {  	_ =	shalt  }
0x51: {  	_ =	shalt  }
0x52: {  	_ =	shalt  }
0x53: {  	_ =	shalt  }
0x54: {  	_ =	shalt  }
0x55: {  	_ =	shalt  }
0x56: {  	_ =	shalt  }
0x57: {  	_ =	shalt  }
0x58: {  	_ =	shalt  }
0x59: {  	_ =	shalt  }
0x5a: {  	_ =	shalt  }
0x5b: {  	_ =	shalt  }
0x5c: {  	_ =	shalt  }
0x5d: {  	_ =	shalt  }
0x5e: {  	_ =	shalt  }
0x5f: {  	_ =	shalt  }
0x60: {  	_ =	shalt  }
0x61: {  	_ =	shalt  }
0x62: {  	_ =	shalt  }
0x63: {  	_ =	shalt  }
0x64: {  	_ =	shalt  }
0x65: {  	_ =	shalt  }
0x66: {  	_ =	shalt  }
0x67: {  	_ =	shalt  }
0x68: {  	_ =	shalt  }
0x69: {  	_ =	shalt  }
0x6a: {  	_ =	shalt  }
0x6b: {  	_ =	shalt  }
0x6c: {  	_ =	shalt  }
0x6d: {  	_ =	shalt  }
0x6e: {  	_ =	shalt  }
0x6f: {  	_ =	shalt  }
0x70: {  	_ =	shalt  }
0x71: {  	_ =	shalt  }
0x72: {  	_ =	shalt  }
0x73: {  	_ =	shalt  }
0x74: {  	_ =	shalt  }
0x75: {  	_ =	shalt  }
0x76: {  	_ =	shalt  }
0x77: {  	_ =	shalt  }
0x78: {  	_ =	shalt  }
0x79: {  	_ =	shalt  }
0x7a: {  	_ =	shalt  }
0x7b: {  	_ =	shalt  }
0x7c: {  	_ =	shalt  }
0x7d: {  	_ =	shalt  }
0x7e: {  	_ =	shalt  }
0x7f: {  	_ =	shalt  }
0x80: {  	_ =	shalt  }
0x81: {  	_ =	shalt  }
0x82: {  	_ =	shalt  }
0x83: {  	_ =	shalt  }
0x84: {  	_ =	shalt  }
0x85: {  	_ =	shalt  }
0x86: {  	_ =	shalt  }
0x87: {  	_ =	shalt  }
.Lfunc_end0:
.L_simem_size_0:
called_computation.2_lowered:
.L_overlay_start_0:
0x88: {  	s2 =	sld [smem:$0x3FD9]  }
0x89: {  	s3 =	sld [smem:$0x3FFE];
	_ =	sdelay $0x1  }
0x8a: {  	s1 =	srdreg.scid  }
0x8b: {  	s0 =	sand.u32 $0x1, s1  }
0x8c: {  	s17 =	sshll.u32 s0, $0xA;
	s2 =	sadd.s32 s3, s2  }
0x8d: {  	s2 =	sadd.s32 s2, s17  }
0x8e: {  	[smem:$0x3FC2] =	sst s2  }
0x8f: {  	_ = 	snop  }
0x90: {  	s2 =	sld [smem:$0x3FD0];
	(tm) =	ssettm $0x1  }
0x91: {  	s18 =	sld [smem:$0x3FFB];
	_ =	sdelay $0x3  }
0x92: {  	_ =	strace s18  }
0x93: {  	s3 =	sld [smem:$0x3FFC];
	_ =	sdelay $0x3  }
0x94: {  	_ =	strace s3  }
0x95: {  	s3 =	sld [smem:$0x3FFD];
	_ =	sdelay $0x3  }
0x96: {  	_ =	strace s3  }
0x97: {  	_ =	strace $0x8FFFFFFF  }
0x98: {  	s19 =	sld [smem:$0x3FDB];
	_ =	sdelay $0x1  }
0x99: {  	s4 =	simm.s32 $_scs_section_size  }
0x9a: {  	s5 =	simm.s32 $_size__tile_overlayer_lowered;
	s6 =	simm.s32 $_tile_overlayer_lowered  }
0x9b: {  	s22 =	simm.s32 $0x1BFF;
	s21 =	sshll.u32 s6, $0x1;
	s3 =	sadd.s32 s4, s19  }
0x9c: {  	s7 =	simm.s32 $0x0;
	s20 =	sshll.u32 s5, $0x1;
	s5 =	sadd.s32 s21, s3  }
0x9d: {  	[timem:s7], [sflag:s22] =	dma.local [hbm:s5], s20  }
0x9e: {  	_ =	swait.ge [sflag:s22], s20  }
0x9f: {  	s4 =	ssub.s32 $0x0, s20;
	[sflag:s22] =	ssyncset.done $0x0  }
0xa0: {  	[sflag:s22] =	ssyncadd.s32 s4;
	_ =	sdelay $0x1  }
0xa1: {  	s23 =	simm.s32 $0x1B8B  }
0xa2: {  	_ =	swait.ge [sflag:s23], $0x1  }
0xa3: {  	[sflag:s23] =	ssyncset.done $0x0  }
0xa4: {  	s25 =	simm.s32 $0x1B8E;
	s24 =	sld [smem:$0x3FFE];
	[sflag:s23] =	ssyncadd.s32 $0xFFFFFFFF  }
0xa5: {  	s26 =	simm.s32 $execute0_lowered;
	[smem:$0x3FD2] =	sst s25  }
0xa6: {  	s5 =	sshll.u32 s26, $0x1;
	_ =	strace $0x8000004C;
	[dreg:$0x1] =	wrdreg $0xFFFFFFFF  }
0xa7: {  	s28 =	simm.s32 $_size_execute0_lowered;
	s3 =	sadd.s32 s3, s5;
	[dreg:$0x0] =	wrdreg $0x0  }
0xa8: {  	s5 =	sshll.u32 s28, $0x1;
	[dreg:$0x2] =	wrdreg s3  }
0xa9: {  	[dreg:$0x3] =	wrdreg s5  }
0xaa: {  	[dreg:$0x4] =	wrdreg $0xC0  }
0xab: {  	_ =	task [dreg:s7], $0x5FFFF  }
0xac: {  	[dreg:$0x1] =	wrdreg $0xFFFFFFFF  }
0xad: {  	[dreg:$0x0] =	wrdreg $0x60  }
0xae: {  	[dreg:$0x2] =	wrdreg s2  }
0xaf: {  	[dreg:$0x3] =	wrdreg s24  }
0xb0: {  	[dreg:$0x4] =	wrdreg $0xA4800  }
0xb1: {  	[dreg:$0x5] =	wrdreg $0x9  }
0xb2: {  	_ =	task.clear_ibuf [dreg:s7], $0x6FFFF;
	_ =	strace $0x9000004C  }
0xb3: {  	s29 =	simm.s32 $0x9;
	_ =	strace $0x8000004E  }
0xb4: {  	_ =	swait.ge [sflag:s29], $0x1  }
0xb5: {  	[sflag:s29] =	ssyncadd.s32 $0xFFFFFFFF  }
0xb6: {  	_ =	strace $0x9000004E  }
0xb7: {  	_ =	sfence  }
0xb8: {  	s30 =	sld [smem:$0x0];
	_ =	sdelay $0x2  }
0xb9: {  	s31 =	sshll.u32 s1, $0xD;
	s1 =	sshrl.u32 s1, $0x2  }
0xba: {  	s3 =	sand.u32 $0x4000, s31;
	s1 =	sadd.s32 s1, s30  }
0xbb: {  	s0 =	sor.u32 s3, s0;
	s1 =	sshll.u32 s1, $0x11  }
0xbc: {  	s0 =	sor.u32 s1, s0  }
0xbd: {  	s0 =	sadd.s32 $0x8F2B, s0  }
0xbe: {  	[sflag:s0] =	ssyncadd.remote.s32 $0x1  }
0xbf: {  	_ =	sfence.sel $0xFFFF  }
0xc0: {  	[dreg:$0x0] =	wrdreg $0xFFFFFFFF;
	(pc) =	sbr.abs _section_cstart, $3  }
0xc1: {  	[dreg:$0x1] =	wrdreg $0xFFFFFFFF  }
0xc2: {  	_ =	task.clear_ibuf [dreg:s7], $0x2FFFF;
	_ =	strace $0x9FFFFFFF  }
0xc3: {  	(tm) =	ssettm $0x7FFFFFFF  }
tec
execute0_lowered:
.L_overlay_start_1:
0x0: {  	(tag) =	ssettag $0x1  }
0x1: {  	s1 =	rddreg [dreg:$0x0]  }
0x2: {  	s0 =	rddreg [dreg:$0x1]  }
0x3: {  	s2 =	rddreg [dreg:$0x2];
	s3 =	simm.s32 $0x0;
	s4 =	srdreg.scid  }
0x4: {  	s20 =	stileid.u32;
	s28 =	simm.s32 $0x3;
	s29 =	simm.s32 $0x8480  }
0x5: {  	s30 =	simm.s32 $0x1;
	s31 =	simm.s32 $0x80;
	[smem:$0x7FF] =	sst s3  }
0x6: {  	s5 =	sadd.s32 $0x32A00, s0;
	s4 =	sand.u32 $0x1, s4;
	s11 =	sadd.s32 $0x46A00, s0  }
0x7: {  	s6 =	sshll.u32 s20, $0x5;
	s8 =	smul.u32 $0x26000, s20;
	s14 =	sadd.s32 $0xA9000, s0  }
0x8: {  	s16 =	smul.u32 $0x98, s20;
	s9 =	sadd.s32 $0x9A000, s2;
	s10 =	sadd.s32 $0x9C000, s2  }
0x9: {  	p2 =	seq.s32 s20, $0x1;
	p1 =	sne.s32 s20, $0x0;
	s12 =	smul.u32 $0x1390, s4  }
0xa: {  	_ =	strace $0x8000004D;
	s7 =	sshll.u32 s4, $0x9;
	s17 =	smul.u32 $0x139000, s4  }
0xb: {  	s19 =	ssub.s32 $0x2, s4;
	s18 =	sshllo.u32 s4, $0x1;
	s26 =	smul.u32 $0xA00, s4  }
0xc: {  	p0 =	seq.s32 s4, $0x0;
	s4 =	smul.u32 $0xA000, s4;
	p5 =	sne.s32 @!p2 s20, $0x0  }
0xd: {  	s6 =	sor.u32 s6, s7;
	s21 =	sshrl.u32 s19, $0x1;
	s22 =	sshrl.u32 s8, $0x2  }
0xe: {  	s8 =	sadd.s32 $0x98000, s2;
	p4 =	por p5, p2;
	p5 =	por !p5, p2  }
0xf: {  	s13 =	sadd.s32 s6, s0;
	s15 =	ssub.s32 s19, s21;
	s6 =	sadd.s32 s22, s2  }
0x10: {  	s12 =	sadd.s32 s16, s12;
	s17 =	sshrl.u32 s17, $0x3;
	s19 =	smul.u32 $0x9C8, s18  }
0x11: {  	s18 =	smul.u32 $0x9C800, s18;
	s0 =	sadd.s32 $0xD0000, s0;
	s23 =	sadd.s32 $0x5AA00, s13  }
0x12: {  	s7 =	sadd.s32 $0x8000, s6;
	s12 =	sshll.u32 s12, $0x5;
	s17 =	sadd.s32 s14, s17  }
0x13: {  	s13 =	sadd.s32 $0x5AA10, s13;
	[dreg:$0xb] =	wrdreg s0;
	s22 =	smax.u32 s15, $0x1  }
0x14: {  	s15 =	simm.s32 $0x380;
	[dreg:$0x4] =	wrdreg s23;
	s12 =	sadd.s32 s14, s12  }
0x15: {  	s21 =	sadd.s32 $0x13700, s17;
	s17 =	sadd.s32 $0x13000, s17;
	[dreg:$0x8] =	wrdreg s13  }
0x16: {  	s24 =	sadd.s32 s16, s19;
	s25 =	sshrl.u32 s18, $0x3;
	s18 =	smul.u32 $0xA0, s20  }
0x17: {  	s19 =	smul.u32 $0xA00, s20;
	[dreg:$0xc] =	wrdreg s22;
	s23 =	sadd.s32 s4, s11  }
0x18: {  	s4 =	sadd.s32 s4, s5;
	s22 =	sadd.s32 $0x2000, s6;
	[dreg:$0x5] =	wrdreg s12  }
0x19: {  	s12 =	sadd.s32 $0x9B800, s2;
	[dreg:$0x6] =	wrdreg s21;
	s13 =	sshll.u32 s24, $0x5  }
0x1a: {  	[dreg:$0x7] =	wrdreg s17;
	s16 =	sadd.s32 s14, s25;
	s13 =	sadd.s32 s14, s13  }
0x1b: {  	s17 =	simm.s32 $0x0;
	s14 =	sadd.s32 s19, s23;
	[dreg:$0x9] =	wrdreg s13  }
0x1c: {  	s21 =	sadd.s32 s18, s26;
	s0 =	sadd.s32 s19, s4;
	[dreg:$0xd] =	wrdreg s14  }
0x1d: {  	s23 =	sadd.s32 $0x4000, s6;
	s13 =	sadd.s32 $0x13000, s16;
	[dreg:$0xe] =	wrdreg s0  }
0x1e: {  	s4 =	simm.s32 $0x280;
	[dreg:$0xa] =	wrdreg s13;
	s13 =	sshll.u32 s21, $0x4  }
.Ltmp0:
0x1f: {  	s14 =	simm.s32 $0x2;
	s13 =	sadd.s32 $0x400, s13;
	(pc) =	sbr.rel .LBB2_1-.Ltmp0, $4  }
0x20: {  	s16 =	simm.s32 $0x400;
	s24 =	sadd.s32 s13, s5;
	s25 =	sadd.s32 s13, s11  }
0x21: {  	s5 =	simm.s32 $0x480;
	s11 =	simm.s32 $0x300;
	s0 =	sadd.s32 $0x100, s24  }
0x22: {  	s13 =	simm.s32 $0x4480;
	s26 =	sadd.s32 $0x100, s25;
	[dreg:$0xf] =	wrdreg s0  }
0x23: {  	v0 =	vimm.f32 $0.0e+00;
	[dreg:$0x10] =	wrdreg s26;
	s26 =	sadd.s32 $0x6000, s6;
	s0 =	simm.s32 $0x180  }
.LBB2_10:
0x24: {  	[tilespmem:$0x3A0] =	vst v2  }
0x25: {  	[tilespmem:$0x2C0] =	vst v7  }
0x26: {  	[tilespmem:$0x2A0] =	vst v6  }
0x27: {  	[tilespmem:$0x420] =	vst v1  }
0x28: {  	[tilespmem:$0x340] =	vst v4  }
0x29: {  	v2 =	vshll.u32 v9, $0x1;
	v63 =	vld [tilespmem:$0x1E0];
	[tilespmem:$0x320] =	vst v3  }
0x2a: {  	v5 =	vshll.u32 v5, $0x1;
	[tilespmem:$0x3D0] =	vst v2  }
0x2b: {  	[tilespmem:$0x2E0] =	vst v5;
	v1 =	vor.u32 $0x1, v2  }
0x2c: {  	v2 =	vshll.u32 v8, $0x1;
	[tilespmem:$0x450] =	vst v1  }
0x2d: {  	v3 =	vor.u32 $0x1, v5;
	[tilespmem:$0x2D0] =	vst v2  }
0x2e: {  	[tilespmem:$0x360] =	vst v3;
	v1 =	vshll.u32 v63, $0x1  }
0x2f: {  	[tilespmem:$0x3E0] =	vst v1;
	v1 =	vor.u32 $0x1, v1  }
0x30: {  	[tilespmem:$0x460] =	vst v1;
	v1 =	vor.u32 $0x1, v2  }
0x31: {  	[tilespmem:$0x350] =	vst v1  }
0x32: {  	[tilespmem:s5], [sflag:$0x1] =	stream.indirect.gather [hbm4b:s1+s31], $0x80, s4, s31, $0xb8;
	[tilespmem:$0x14180] =	vst v63  }
0x33: {  	_ = 	snop  }
0x34: {  	[tilespmem:s13], [sflag:$0x2] =	stream.indirect.gather [hbm4b:s1+s31], $0x80, s11, s31, $0xb8;
	[tilespmem:$0x14180] =	vst v63  }
0x35: {  	_ =	swait.ge [sflag:s30], $0x4000  }
0x36: {  	[sflag:s30] =	ssyncset.done $0x0  }
0x37: {  	[sflag:s30] =	ssyncadd.s32 $0xFFFFC000  }
0x38: {  	_ =	swait.ge [sflag:s14], $0x4000  }
0x39: {  	[sflag:s14] =	ssyncset.done $0x0  }
0x3a: {  	[sflag:s14] =	ssyncadd.s32 $0xFFFFC000  }
0x3b: {  	[spmem:s2] =	stream.indirect.scatter.add.f32 [tilespmem:s5], [sflag:$0x3], $0x80, s15, s31, $0xb8;
	[tilespmem:$0x14180] =	vst v63  }
0x3c: {  	_ =	swait.ge [sflag:s28], $0x4000  }
0x3d: {  	[sflag:s28] =	ssyncset.done $0x0  }
0x3e: {  	[sflag:s28] =	ssyncadd.s32 $0xFFFFC000  }
0x3f: {  	[spmem:s2] =	stream.indirect.scatter.add.f32 [tilespmem:s13], [sflag:$0x3], $0x80, s16, s31, $0xb8;
	[tilespmem:$0x14180] =	vst v63  }
0x40: {  	_ =	swait.ge [sflag:s28], $0x4000  }
0x41: {  	[sflag:s28] =	ssyncset.done $0x0  }
0x42: {  	[sflag:s28] =	ssyncadd.s32 $0xFFFFC000  }
.LBB2_11:
0x43: {  	[bflag:$0x0] =	sbarrier.arrive $0xFFFF  }
0x44: {  	s18 =	rddreg [dreg:$0x9]  }
0x45: {  	[hbm:s18], [sflag:s20] =	dma.local [spmem:s21], $0x1300  }
0x46: {  	_ =	swait.ge [sflag:s28], $0x1300  }
0x47: {  	[sflag:s28] =	ssyncset.done $0x0  }
0x48: {  	s18 =	sshrl.u32 @!p1 s8, $0x3;
	s19 =	rddreg [dreg:$0xa];
	[sflag:s28] =	ssyncadd.s32 $0xFFFFED00  }
0x49: {  	[hbm:s19], [sflag:s20] =	dma.local @!p1 [spmem:s18], $0x700  }
0x4a: {  	p3 =	por @!p4 $0x0, $0x0;
	p6 =	por $0x0, $0x0;
	s18 =	simm.s32 @!p1 $0x3  }
0x4b: {  	p3 =	por @!p5 p6, p6;
	p6 =	por p0, p0;
	_ =	swait.ge @!p1 [sflag:s18], $0x700  }
0x4c: {  	p6 =	por @!p2 p3, p3;
	[sflag:s18] =	ssyncset.done @!p1 $0x0  }
0x4d: {  	s19 =	rddreg [dreg:$0xb];
	[sflag:s18] =	ssyncadd.s32 @!p1 $0xFFFFF900;
	s18 =	sshrl.u32 @p6 s12, $0x3  }
0x4e: {  	[hbm:s19], [sflag:s20] =	dma.local @p6 [spmem:s18], $0x200  }
0x4f: {  	s18 =	simm.s32 @p6 $0x3  }
0x50: {  	_ =	swait.ge @p6 [sflag:s18], $0x200  }
0x51: {  	s17 =	sadd.s32 $0x1, s17;
	s25 =	rddreg [dreg:$0xc]  }
0x52: {  	p3 =	sne.s32 s17, s25  }
.Ltmp1:
0x53: {  	_ = 	snop;
	(pc) =	sbr.rel @!p3 .LBB2_12-.Ltmp1, $3  }
0x54: {  	[sflag:s18] =	ssyncset.done @p6 $0x0  }
0x55: {  	[sflag:s18] =	ssyncadd.s32 @p6 $0xFFFFFE00  }
0x56: {  	[bflag:$0x0] =	sbarrier.arrive $0xFFFF;
	_ =	sdelay $0x1  }
.LBB2_1:
0x57: {  	s18 =	simm.s32 $0x0;
	s19 =	simm.s32 $0x200  }
.LBB2_2:
0x58: {  	p6 =	sne.s32 s19, $0x7E00;
	[tilespmem:s18+$0x84F0] =	vst v0  }
0x59: {  	[tilespmem:s18+$0x8480] =	vst v0  }
0x5a: {  	[tilespmem:s18+$0x8490] =	vst v0  }
.Ltmp2:
0x5b: {  	[tilespmem:s18+$0x84A0] =	vst v0;
	(pc) =	sbr.rel @p6 .LBB2_2-.Ltmp2, $4  }
0x5c: {  	[tilespmem:s18+$0x84B0] =	vst v0  }
0x5d: {  	[tilespmem:s18+$0x84C0] =	vst v0  }
0x5e: {  	[tilespmem:s18+$0x84D0] =	vst v0  }
0x5f: {  	[tilespmem:s18+$0x84E0] =	vst v0;
	s18 =	sshra.s32 s19, $0x2;
	s19 =	sadd.s32 $0x200, s19  }
0x60: {  	[tilespmem:s18+$0x84F0] =	vst v0  }
0x61: {  	[tilespmem:s18+$0x8480] =	vst v0  }
0x62: {  	[tilespmem:s18+$0x8490] =	vst v0  }
0x63: {  	[tilespmem:s18+$0x84A0] =	vst v0  }
0x64: {  	[tilespmem:s18+$0x84B0] =	vst v0  }
0x65: {  	[tilespmem:s18+$0x84C0] =	vst v0  }
0x66: {  	[tilespmem:s18+$0x84D0] =	vst v0  }
0x67: {  	[tilespmem:s18+$0x84E0] =	vst v0;
	s24 =	rddreg [dreg:$0x4]  }
0x68: {  	[tilespmem:s3], [sflag:$0x3] =	stream.linear.gather [hbm4b:s24+s3], $0x80, $0x38;
	[tilespmem:$0x14180] =	vst v63  }
0x69: {  	_ =	swait.ge [sflag:s28], $0x80  }
0x6a: {  	[sflag:s28] =	ssyncset.done $0x0  }
0x6b: {  	[sflag:s28] =	ssyncadd.s32 $0xFFFFFF80  }
0x6c: {  	v1 =	vld [tilespmem:$0x0];
	[spmem:s6] =	stream.linear.scatter [tilespmem:s29], [sflag:$0x3], $0x2000, $0x38  }
0x6d: {  	_ =	swait.ge [sflag:s28], $0x2000  }
0x6e: {  	[sflag:s28] =	ssyncset.done $0x0  }
0x6f: {  	[sflag:s28] =	ssyncadd.s32 $0xFFFFE000  }
0x70: {  	[spmem:s22] =	stream.linear.scatter [tilespmem:s29], [sflag:$0x3], $0x2000, $0x38;
	[tilespmem:$0x14180] =	vst v63  }
0x71: {  	_ =	swait.ge [sflag:s28], $0x2000  }
0x72: {  	[sflag:s28] =	ssyncset.done $0x0  }
0x73: {  	[sflag:s28] =	ssyncadd.s32 $0xFFFFE000  }
0x74: {  	[spmem:s23] =	stream.linear.scatter [tilespmem:s29], [sflag:$0x3], $0x2000, $0x38;
	[tilespmem:$0x14180] =	vst v63  }
0x75: {  	_ =	swait.ge [sflag:s28], $0x2000  }
0x76: {  	[sflag:s28] =	ssyncset.done $0x0  }
0x77: {  	[sflag:s28] =	ssyncadd.s32 $0xFFFFE000  }
0x78: {  	[spmem:s26] =	stream.linear.scatter [tilespmem:s29], [sflag:$0x3], $0x2000, $0x38;
	[tilespmem:$0x14180] =	vst v63  }
0x79: {  	_ =	swait.ge [sflag:s28], $0x2000  }
0x7a: {  	(v2sf) =	vpush v1, $0x0;
	_ =	sdelay $0xb  }
0x7b: {  	[sflag:s28] =	ssyncset.done $0x0  }
0x7c: {  	[sflag:s28] =	ssyncadd.s32 $0xFFFFE000  }
0x7d: {  	[spmem:s7] =	stream.linear.scatter [tilespmem:s29], [sflag:$0x3], $0x1800, $0x38;
	[tilespmem:$0x14180] =	vst v63  }
0x7e: {  	s20 =	spop (v2sf)  }
0x7f: {  	s19 =	simm.s32 @!p1 $0x8480;
	_ =	swait.ge [sflag:s28], $0x1800  }
0x80: {  	s18 =	simm.s32 @!p1 $0x3;
	s21 =	sand.u32 $0x7F, s20;
	[sflag:s28] =	ssyncset.done $0x0  }
0x81: {  	s25 =	sshra.s32 s20, $0x1F;
	p3 =	slt.s32 s20, $0x1;
	[sflag:s28] =	ssyncadd.s32 $0xFFFFE800  }
0x82: {  	[spmem:s8] =	stream.linear.scatter @!p1 [tilespmem:s19], [sflag:$0x3], $0x2000, $0x38;
	[tilespmem:$0x14180] =	vst v63  }
0x83: {  	p6 =	sne.s32 s21, $0x0;
	s21 =	sshrl.u32 s25, $0x19;
	_ =	swait.ge @!p1 [sflag:s18], $0x2000  }
0x84: {  	s20 =	sadd.s32 s21, s20;
	p3 =	por !p3, !p6;
	[sflag:s18] =	ssyncset.done @!p1 $0x0  }
0x85: {  	s21 =	simm.s32 $0x1;
	p3 =	por !p3, !p3;
	[sflag:s18] =	ssyncadd.s32 @!p1 $0xFFFFE000  }
0x86: {  	[spmem:s9] =	stream.linear.scatter @!p1 [tilespmem:s19], [sflag:$0x3], $0x2000, $0x38;
	[tilespmem:$0x14180] =	vst v63  }
0x87: {  	s20 =	sshra.s32 s20, $0x7;
	s21 =	simm.s32 @!p3 $0x0;
	_ =	swait.ge @!p1 [sflag:s18], $0x2000  }
0x88: {  	s20 =	ssub.s32 s20, s21;
	[sflag:s18] =	ssyncset.done @!p1 $0x0  }
0x89: {  	p3 =	slt.s32 s20, $0x1;
	[sflag:s18] =	ssyncadd.s32 @!p1 $0xFFFFE000  }
0x8a: {  	[spmem:s10] =	stream.linear.scatter @!p1 [tilespmem:s19], [sflag:$0x3], $0x1000, $0x38;
	[tilespmem:$0x14180] =	vst v63  }
.Ltmp3:
0x8b: {  	_ =	swait.ge @!p1 [sflag:s18], $0x1000;
	(pc) =	sbr.rel @p3 .LBB2_7-.Ltmp3, $3  }
0x8c: {  	[sflag:s18] =	ssyncset.done @!p1 $0x0  }
0x8d: {  	[sflag:s18] =	ssyncadd.s32 @!p1 $0xFFFFF000  }
0x8e: {  	[bflag:$0x0] =	sbarrier.arrive $0xFFFF;
	_ =	sdelay $0x1  }
0x8f: {  	s24 =	rddreg [dreg:$0xe]  }
0x90: {  	[tilespmem:s31], [sflag:$0x3] =	stream.linear.gather [hbm4b:s24+s3], $0x80, $0x38;
	[tilespmem:$0x14180] =	vst v63  }
0x91: {  	_ =	swait.ge [sflag:s28], $0x80  }
0x92: {  	[sflag:s28] =	ssyncset.done $0x0  }
0x93: {  	s21 =	rddreg [dreg:$0xd];
	[sflag:s28] =	ssyncadd.s32 $0xFFFFFF80  }
0x94: {  	[tilespmem:s0], [sflag:$0x3] =	stream.linear.gather [hbm4b:s21+s3], $0x80, $0x38;
	[tilespmem:$0x14180] =	vst v63  }
0x95: {  	_ =	swait.ge [sflag:s28], $0x80  }
0x96: {  	[sflag:s28] =	ssyncset.done $0x0  }
0x97: {  	[sflag:s28] =	ssyncadd.s32 $0xFFFFFF80  }
0x98: {  	v1 =	vld [tilespmem:$0x1F0]  }
0x99: {  	v2 =	vld [tilespmem:$0xF0]  }
0x9a: {  	v3 =	vld [tilespmem:$0x90];
	_ =	sdelay $0x1  }
0x9b: {  	v4 =	vld [tilespmem:$0x180]  }
0x9c: {  	v5 =	vld [tilespmem:$0x1B0];
	v1 =	vshll.u32 v1, $0x1  }
0x9d: {  	v2 =	vshll.u32 v2, $0x1;
	[tilespmem:$0x3F0] =	vst v1  }
0x9e: {  	v3 =	vshll.u32 v3, $0x1;
	[tilespmem:$0x2F0] =	vst v2  }
0x9f: {  	v1 =	vor.u32 $0x1, v1;
	[tilespmem:$0x290] =	vst v3  }
0xa0: {  	v6 =	vor.u32 $0x1, v2;
	[tilespmem:$0x470] =	vst v1  }
0xa1: {  	v2 =	vor.u32 $0x1, v3;
	v3 =	vshll.u32 v4, $0x1;
	v4 =	vshll.u32 v5, $0x1;
	v5 =	vld [tilespmem:$0x1C0];
	[tilespmem:$0x370] =	vst v6  }
0xa2: {  	v1 =	vld [tilespmem:$0x80];
	[tilespmem:$0x310] =	vst v2  }
0xa3: {  	v6 =	vld [tilespmem:$0x190];
	[tilespmem:$0x380] =	vst v3  }
0xa4: {  	v2 =	vld [tilespmem:$0xB0];
	[tilespmem:$0x3B0] =	vst v4;
	v4 =	vor.u32 $0x1, v4  }
0xa5: {  	v10 =	vor.u32 $0x1, v3;
	[tilespmem:$0x430] =	vst v4  }
0xa6: {  	v7 =	vld [tilespmem:$0x1A0];
	[tilespmem:$0x400] =	vst v10;
	v5 =	vshll.u32 v5, $0x1  }
0xa7: {  	v8 =	vld [tilespmem:$0xC0];
	v1 =	vshll.u32 v1, $0x1;
	[tilespmem:$0x3C0] =	vst v5  }
0xa8: {  	v4 =	vld [tilespmem:$0xA0];
	v6 =	vshll.u32 v6, $0x1;
	[tilespmem:$0x280] =	vst v1  }
0xa9: {  	p3 =	sne.s32 s20, $0x1;
	v2 =	vshll.u32 v2, $0x1;
	[tilespmem:$0x390] =	vst v6  }
.Ltmp4:
0xaa: {  	v9 =	vld [tilespmem:$0x1D0];
	v3 =	vor.u32 $0x1, v5;
	[tilespmem:$0x2B0] =	vst v2;
	(pc) =	sbr.rel @!p3 .LBB2_6-.Ltmp4, $4  }
0xab: {  	v5 =	vld [tilespmem:$0xE0];
	v2 =	vor.u32 $0x1, v2;
	[tilespmem:$0x440] =	vst v3  }
0xac: {  	v6 =	vor.u32 $0x1, v6;
	[tilespmem:$0x330] =	vst v2;
	v2 =	vshll.u32 v7, $0x1;
	v7 =	vshll.u32 v8, $0x1;
	v8 =	vld [tilespmem:$0xD0]  }
0xad: {  	v1 =	vor.u32 $0x1, v1;
	[tilespmem:$0x410] =	vst v6;
	v6 =	vshll.u32 v4, $0x1  }
0xae: {  	s20 =	sadd.s32 $0xFFFFFFFF, s20;
	[tilespmem:$0x300] =	vst v1;
	v1 =	vor.u32 $0x1, v2;
	v4 =	vor.u32 $0x1, v7;
	v3 =	vor.u32 $0x1, v6  }
.LBB2_5:
0xaf: {  	p6 =	sne.s32 s20, $0x1;
	[tilespmem:$0x3A0] =	vst v2;
	s21 =	sadd.s32 $0x10, s21;
	s24 =	sadd.s32 $0x10, s24  }
0xb0: {  	s20 =	sadd.s32 $0xFFFFFFFF, s20;
	[tilespmem:$0x2C0] =	vst v7;
	v2 =	vshll.u32 v9, $0x1  }
0xb1: {  	v5 =	vshll.u32 v5, $0x1;
	v7 =	vshll.u32 v8, $0x1;
	[tilespmem:$0x3D0] =	vst v2;
	v2 =	vor.u32 $0x1, v2  }
0xb2: {  	v9 =	vor.u32 $0x1, v5;
	[tilespmem:$0x2A0] =	vst v6;
	v6 =	vor.u32 $0x1, v7;
	v8 =	vld [tilespmem:$0x1E0]  }
0xb3: {  	[tilespmem:$0x420] =	vst v1  }
0xb4: {  	[tilespmem:$0x2E0] =	vst v5  }
0xb5: {  	[tilespmem:$0x340] =	vst v4  }
0xb6: {  	[tilespmem:$0x450] =	vst v2  }
0xb7: {  	[tilespmem:$0x320] =	vst v3;
	v1 =	vshll.u32 v8, $0x1  }
0xb8: {  	[tilespmem:$0x3E0] =	vst v1;
	v1 =	vor.u32 $0x1, v1  }
0xb9: {  	[tilespmem:$0x2D0] =	vst v7  }
0xba: {  	[tilespmem:$0x460] =	vst v1  }
0xbb: {  	[tilespmem:$0x360] =	vst v9  }
0xbc: {  	[tilespmem:$0x350] =	vst v6  }
0xbd: {  	[tilespmem:s5], [sflag:$0x1] =	stream.indirect.gather [hbm4b:s1+s31], $0x80, s4, s31, $0xb8;
	[tilespmem:$0x14180] =	vst v63  }
0xbe: {  	_ = 	snop  }
0xbf: {  	[tilespmem:s13], [sflag:$0x2] =	stream.indirect.gather [hbm4b:s1+s31], $0x80, s11, s31, $0xb8;
	[tilespmem:$0x14180] =	vst v63  }
0xc0: {  	_ =	swait.ge [sflag:s30], $0x4000  }
0xc1: {  	[sflag:s30] =	ssyncset.done $0x0  }
0xc2: {  	[sflag:s30] =	ssyncadd.s32 $0xFFFFC000  }
0xc3: {  	_ =	swait.ge [sflag:s14], $0x4000  }
0xc4: {  	[sflag:s14] =	ssyncset.done $0x0  }
0xc5: {  	[sflag:s14] =	ssyncadd.s32 $0xFFFFC000  }
0xc6: {  	[spmem:s2] =	stream.indirect.scatter.add.f32 [tilespmem:s5], [sflag:$0x3], $0x80, s15, s31, $0xb8;
	[tilespmem:$0x14180] =	vst v63  }
0xc7: {  	_ =	swait.ge [sflag:s28], $0x4000  }
0xc8: {  	[sflag:s28] =	ssyncset.done $0x0  }
0xc9: {  	[sflag:s28] =	ssyncadd.s32 $0xFFFFC000  }
0xca: {  	[spmem:s2] =	stream.indirect.scatter.add.f32 [tilespmem:s13], [sflag:$0x3], $0x80, s16, s31, $0xb8;
	[tilespmem:$0x14180] =	vst v63  }
0xcb: {  	_ =	swait.ge [sflag:s28], $0x4000  }
0xcc: {  	[sflag:s28] =	ssyncset.done $0x0  }
0xcd: {  	[sflag:s28] =	ssyncadd.s32 $0xFFFFC000  }
0xce: {  	[tilespmem:s31], [sflag:$0x3] =	stream.linear.gather [hbm4b:s24+s3], $0x80, $0x38;
	[tilespmem:$0x14180] =	vst v63  }
0xcf: {  	_ =	swait.ge [sflag:s28], $0x80  }
0xd0: {  	[sflag:s28] =	ssyncset.done $0x0  }
0xd1: {  	[sflag:s28] =	ssyncadd.s32 $0xFFFFFF80  }
0xd2: {  	[tilespmem:s0], [sflag:$0x3] =	stream.linear.gather [hbm4b:s21+s3], $0x80, $0x38;
	[tilespmem:$0x14180] =	vst v63  }
0xd3: {  	_ =	swait.ge [sflag:s28], $0x80  }
0xd4: {  	[sflag:s28] =	ssyncset.done $0x0  }
0xd5: {  	[sflag:s28] =	ssyncadd.s32 $0xFFFFFF80  }
0xd6: {  	v1 =	vld [tilespmem:$0x1F0]  }
0xd7: {  	v2 =	vld [tilespmem:$0xF0]  }
0xd8: {  	v3 =	vld [tilespmem:$0x1B0]  }
0xd9: {  	v4 =	vld [tilespmem:$0x190]  }
0xda: {  	v5 =	vld [tilespmem:$0x90]  }
0xdb: {  	v6 =	vld [tilespmem:$0x180];
	v1 =	vshll.u32 v1, $0x1  }
0xdc: {  	v7 =	vld [tilespmem:$0x80];
	v2 =	vshll.u32 v2, $0x1;
	[tilespmem:$0x3F0] =	vst v1;
	v1 =	vor.u32 $0x1, v1  }
0xdd: {  	v8 =	vld [tilespmem:$0xB0];
	v9 =	vor.u32 $0x1, v2;
	[tilespmem:$0x470] =	vst v1  }
0xde: {  	v1 =	vld [tilespmem:$0x1A0];
	[tilespmem:$0x370] =	vst v9  }
0xdf: {  	v5 =	vshll.u32 v5, $0x1;
	[tilespmem:$0x2F0] =	vst v2  }
0xe0: {  	v4 =	vshll.u32 v4, $0x1;
	v2 =	vshll.u32 v6, $0x1;
	[tilespmem:$0x290] =	vst v5;
	v5 =	vor.u32 $0x1, v5  }
0xe1: {  	v3 =	vshll.u32 v3, $0x1;
	v6 =	vshll.u32 v7, $0x1;
	[tilespmem:$0x310] =	vst v5;
	v5 =	vor.u32 $0x1, v4  }
0xe2: {  	v10 =	vor.u32 $0x1, v6;
	[tilespmem:$0x380] =	vst v2;
	v7 =	vshll.u32 v8, $0x1;
	v8 =	vor.u32 $0x1, v3  }
0xe3: {  	v11 =	vor.u32 $0x1, v2;
	v2 =	vshll.u32 v1, $0x1;
	v9 =	vor.u32 $0x1, v7;
	[tilespmem:$0x3B0] =	vst v3;
	v3 =	vld [tilespmem:$0x1C0]  }
0xe4: {  	[tilespmem:$0x280] =	vst v6;
	v1 =	vor.u32 $0x1, v2;
	v6 =	vld [tilespmem:$0xC0]  }
0xe5: {  	[tilespmem:$0x390] =	vst v4;
	v4 =	vld [tilespmem:$0xA0]  }
0xe6: {  	[tilespmem:$0x430] =	vst v8  }
0xe7: {  	[tilespmem:$0x410] =	vst v5  }
0xe8: {  	[tilespmem:$0x2B0] =	vst v7;
	v3 =	vshll.u32 v3, $0x1  }
.Ltmp5:
0xe9: {  	v7 =	vshll.u32 v6, $0x1;
	[tilespmem:$0x3C0] =	vst v3;
	v12 =	vor.u32 $0x1, v3;
	v5 =	vld [tilespmem:$0xE0];
	(pc) =	sbr.rel @p6 .LBB2_5-.Ltmp5, $4  }
0xea: {  	v6 =	vshll.u32 v4, $0x1;
	[tilespmem:$0x330] =	vst v9;
	v4 =	vor.u32 $0x1, v7;
	v9 =	vld [tilespmem:$0x1D0]  }
0xeb: {  	[tilespmem:$0x300] =	vst v10;
	v3 =	vor.u32 $0x1, v6;
	v8 =	vld [tilespmem:$0xD0]  }
0xec: {  	[tilespmem:$0x440] =	vst v12  }
0xed: {  	[tilespmem:$0x400] =	vst v11  }
.LBB2_6:
0xee: {  	[tilespmem:$0x3A0] =	vst v2  }
0xef: {  	[tilespmem:$0x2C0] =	vst v7  }
0xf0: {  	[tilespmem:$0x2A0] =	vst v6  }
0xf1: {  	[tilespmem:$0x420] =	vst v1  }
0xf2: {  	[tilespmem:$0x340] =	vst v4  }
0xf3: {  	v63 =	vld [tilespmem:$0x1E0];
	[tilespmem:$0x320] =	vst v3;
	v2 =	vshll.u32 v9, $0x1  }
0xf4: {  	v5 =	vshll.u32 v5, $0x1;
	[tilespmem:$0x3D0] =	vst v2  }
0xf5: {  	[tilespmem:$0x2E0] =	vst v5;
	v1 =	vor.u32 $0x1, v2  }
0xf6: {  	v2 =	vshll.u32 v8, $0x1;
	[tilespmem:$0x450] =	vst v1  }
0xf7: {  	v3 =	vor.u32 $0x1, v5;
	[tilespmem:$0x2D0] =	vst v2  }
0xf8: {  	[tilespmem:$0x360] =	vst v3;
	v1 =	vshll.u32 v63, $0x1  }
0xf9: {  	[tilespmem:$0x3E0] =	vst v1;
	v1 =	vor.u32 $0x1, v1  }
0xfa: {  	[tilespmem:$0x460] =	vst v1;
	v1 =	vor.u32 $0x1, v2  }
0xfb: {  	[tilespmem:$0x350] =	vst v1  }
0xfc: {  	[tilespmem:s5], [sflag:$0x1] =	stream.indirect.gather [hbm4b:s1+s31], $0x80, s4, s31, $0xb8;
	[tilespmem:$0x14180] =	vst v63  }
0xfd: {  	_ = 	snop  }
0xfe: {  	[tilespmem:s13], [sflag:$0x2] =	stream.indirect.gather [hbm4b:s1+s31], $0x80, s11, s31, $0xb8;
	[tilespmem:$0x14180] =	vst v63  }
0xff: {  	_ =	swait.ge [sflag:s30], $0x4000  }
0x100: {  	[sflag:s30] =	ssyncset.done $0x0  }
0x101: {  	[sflag:s30] =	ssyncadd.s32 $0xFFFFC000  }
0x102: {  	_ =	swait.ge [sflag:s14], $0x4000  }
0x103: {  	[sflag:s14] =	ssyncset.done $0x0  }
0x104: {  	[sflag:s14] =	ssyncadd.s32 $0xFFFFC000  }
0x105: {  	[spmem:s2] =	stream.indirect.scatter.add.f32 [tilespmem:s5], [sflag:$0x3], $0x80, s15, s31, $0xb8;
	[tilespmem:$0x14180] =	vst v63  }
0x106: {  	_ =	swait.ge [sflag:s28], $0x4000  }
0x107: {  	[sflag:s28] =	ssyncset.done $0x0  }
0x108: {  	[sflag:s28] =	ssyncadd.s32 $0xFFFFC000  }
0x109: {  	[spmem:s2] =	stream.indirect.scatter.add.f32 [tilespmem:s13], [sflag:$0x3], $0x80, s16, s31, $0xb8;
	[tilespmem:$0x14180] =	vst v63  }
0x10a: {  	_ =	swait.ge [sflag:s28], $0x4000  }
0x10b: {  	[sflag:s28] =	ssyncset.done $0x0  }
0x10c: {  	[sflag:s28] =	ssyncadd.s32 $0xFFFFC000  }
.LBB2_7:
0x10d: {  	s20 =	stileid.u32  }
0x10e: {  	[bflag:$0x0] =	sbarrier.arrive $0xFFFF;
	s20 =	sshll.u32 s20, $0x6  }
0x10f: {  	s21 =	sshrl.u32 s6, $0x3;
	s24 =	rddreg [dreg:$0x5];
	s20 =	sor.u32 $0x1C03, s20  }
0x110: {  	[hbm:s24], [sflag:s20] =	dma.local [spmem:s21], $0x1300  }
0x111: {  	_ =	swait.ge [sflag:s28], $0x1300  }
0x112: {  	[sflag:s28] =	ssyncset.done $0x0  }
0x113: {  	s24 =	sshrl.u32 @p2 s12, $0x3;
	s25 =	rddreg [dreg:$0x6];
	[sflag:s28] =	ssyncadd.s32 $0xFFFFED00  }
0x114: {  	[hbm:s25], [sflag:s20] =	dma.local @p2 [spmem:s24], $0x200  }
0x115: {  	s24 =	simm.s32 @p2 $0x3  }
0x116: {  	_ =	swait.ge @p2 [sflag:s24], $0x200  }
0x117: {  	[sflag:s24] =	ssyncset.done @p2 $0x0  }
0x118: {  	s25 =	rddreg [dreg:$0x7];
	[sflag:s24] =	ssyncadd.s32 @p2 $0xFFFFFE00;
	s24 =	sshrl.u32 @!p4 s8, $0x3  }
0x119: {  	[hbm:s25], [sflag:s20] =	dma.local @!p4 [spmem:s24], $0x700  }
0x11a: {  	s24 =	simm.s32 @!p4 $0x3  }
0x11b: {  	_ =	swait.ge @!p4 [sflag:s24], $0x700  }
0x11c: {  	[sflag:s24] =	ssyncset.done @!p4 $0x0  }
0x11d: {  	[sflag:s24] =	ssyncadd.s32 @!p4 $0xFFFFF900  }
0x11e: {  	[bflag:$0x0] =	sbarrier.arrive $0xFFFF  }
0x11f: {  	s25 =	rddreg [dreg:$0x8]  }
0x120: {  	[tilespmem:s3], [sflag:$0x3] =	stream.linear.gather [hbm4b:s25+s3], $0x80, $0x38;
	[tilespmem:$0x14180] =	vst v63  }
0x121: {  	_ =	swait.ge [sflag:s28], $0x80  }
0x122: {  	[sflag:s28] =	ssyncset.done $0x0  }
0x123: {  	[sflag:s28] =	ssyncadd.s32 $0xFFFFFF80  }
0x124: {  	v1 =	vld [tilespmem:$0x0];
	[spmem:s6] =	stream.linear.scatter [tilespmem:s29], [sflag:$0x3], $0x2000, $0x38  }
0x125: {  	_ =	swait.ge [sflag:s28], $0x2000  }
0x126: {  	[sflag:s28] =	ssyncset.done $0x0  }
0x127: {  	[sflag:s28] =	ssyncadd.s32 $0xFFFFE000  }
0x128: {  	[spmem:s22] =	stream.linear.scatter [tilespmem:s29], [sflag:$0x3], $0x2000, $0x38;
	[tilespmem:$0x14180] =	vst v63  }
0x129: {  	_ =	swait.ge [sflag:s28], $0x2000  }
0x12a: {  	[sflag:s28] =	ssyncset.done $0x0  }
0x12b: {  	[sflag:s28] =	ssyncadd.s32 $0xFFFFE000  }
0x12c: {  	[spmem:s23] =	stream.linear.scatter [tilespmem:s29], [sflag:$0x3], $0x2000, $0x38;
	[tilespmem:$0x14180] =	vst v63  }
0x12d: {  	_ =	swait.ge [sflag:s28], $0x2000  }
0x12e: {  	[sflag:s28] =	ssyncset.done $0x0  }
0x12f: {  	[sflag:s28] =	ssyncadd.s32 $0xFFFFE000  }
0x130: {  	[spmem:s26] =	stream.linear.scatter [tilespmem:s29], [sflag:$0x3], $0x2000, $0x38;
	[tilespmem:$0x14180] =	vst v63  }
0x131: {  	_ =	swait.ge [sflag:s28], $0x2000  }
0x132: {  	(v2sf) =	vpush v1, $0x0;
	_ =	sdelay $0xb  }
0x133: {  	[sflag:s28] =	ssyncset.done $0x0  }
0x134: {  	[sflag:s28] =	ssyncadd.s32 $0xFFFFE000  }
0x135: {  	[spmem:s7] =	stream.linear.scatter [tilespmem:s29], [sflag:$0x3], $0x1800, $0x38;
	[tilespmem:$0x14180] =	vst v63  }
0x136: {  	s24 =	spop (v2sf)  }
0x137: {  	_ =	swait.ge [sflag:s28], $0x1800  }
0x138: {  	[sflag:s28] =	ssyncset.done $0x0  }
0x139: {  	[sflag:s28] =	ssyncadd.s32 $0xFFFFE800  }
0x13a: {  	[spmem:s8] =	stream.linear.scatter @!p1 [tilespmem:s19], [sflag:$0x3], $0x2000, $0x38;
	[tilespmem:$0x14180] =	vst v63  }
0x13b: {  	s25 =	sand.u32 $0x7F, s24;
	_ =	swait.ge @!p1 [sflag:s18], $0x2000  }
0x13c: {  	p3 =	sne.s32 s25, $0x0;
	s25 =	sshra.s32 s24, $0x1F;
	[sflag:s18] =	ssyncset.done @!p1 $0x0  }
0x13d: {  	p6 =	slt.s32 s24, $0x1;
	s25 =	sshrl.u32 s25, $0x19;
	[sflag:s18] =	ssyncadd.s32 @!p1 $0xFFFFE000  }
0x13e: {  	[spmem:s9] =	stream.linear.scatter @!p1 [tilespmem:s19], [sflag:$0x3], $0x2000, $0x38;
	[tilespmem:$0x14180] =	vst v63  }
0x13f: {  	p3 =	por !p6, !p3;
	s24 =	sadd.s32 s25, s24;
	_ =	swait.ge @!p1 [sflag:s18], $0x2000  }
0x140: {  	p3 =	por !p3, !p3;
	s25 =	simm.s32 $0x1;
	[sflag:s18] =	ssyncset.done @!p1 $0x0  }
0x141: {  	s24 =	sshra.s32 s24, $0x7;
	s25 =	simm.s32 @!p3 $0x0;
	[sflag:s18] =	ssyncadd.s32 @!p1 $0xFFFFE000  }
0x142: {  	[spmem:s10] =	stream.linear.scatter @!p1 [tilespmem:s19], [sflag:$0x3], $0x1000, $0x38;
	[tilespmem:$0x14180] =	vst v63  }
0x143: {  	s19 =	ssub.s32 s24, s25  }
0x144: {  	p3 =	slt.s32 s19, $0x1  }
.Ltmp6:
0x145: {  	_ =	swait.ge @!p1 [sflag:s18], $0x1000;
	(pc) =	sbr.rel @p3 .LBB2_11-.Ltmp6, $3  }
0x146: {  	[sflag:s18] =	ssyncset.done @!p1 $0x0  }
0x147: {  	[sflag:s18] =	ssyncadd.s32 @!p1 $0xFFFFF000  }
0x148: {  	[bflag:$0x0] =	sbarrier.arrive $0xFFFF;
	_ =	sdelay $0x1  }
0x149: {  	s24 =	rddreg [dreg:$0xf]  }
0x14a: {  	[tilespmem:s31], [sflag:$0x3] =	stream.linear.gather [hbm4b:s24+s3], $0x80, $0x38;
	[tilespmem:$0x14180] =	vst v63  }
0x14b: {  	_ =	swait.ge [sflag:s28], $0x80  }
0x14c: {  	[sflag:s28] =	ssyncset.done $0x0  }
0x14d: {  	s25 =	rddreg [dreg:$0x10];
	[sflag:s28] =	ssyncadd.s32 $0xFFFFFF80  }
0x14e: {  	[tilespmem:s0], [sflag:$0x3] =	stream.linear.gather [hbm4b:s25+s3], $0x80, $0x38;
	[tilespmem:$0x14180] =	vst v63  }
0x14f: {  	_ =	swait.ge [sflag:s28], $0x80  }
0x150: {  	[sflag:s28] =	ssyncset.done $0x0  }
0x151: {  	[sflag:s28] =	ssyncadd.s32 $0xFFFFFF80  }
0x152: {  	v1 =	vld [tilespmem:$0x1F0]  }
0x153: {  	v2 =	vld [tilespmem:$0xF0]  }
0x154: {  	v3 =	vld [tilespmem:$0x90];
	_ =	sdelay $0x1  }
0x155: {  	v4 =	vld [tilespmem:$0x180]  }
0x156: {  	v5 =	vld [tilespmem:$0x1B0];
	v1 =	vshll.u32 v1, $0x1  }
0x157: {  	v2 =	vshll.u32 v2, $0x1;
	[tilespmem:$0x3F0] =	vst v1  }
0x158: {  	v3 =	vshll.u32 v3, $0x1;
	[tilespmem:$0x2F0] =	vst v2  }
0x159: {  	v1 =	vor.u32 $0x1, v1;
	[tilespmem:$0x290] =	vst v3  }
0x15a: {  	v6 =	vor.u32 $0x1, v2;
	[tilespmem:$0x470] =	vst v1  }
0x15b: {  	v2 =	vor.u32 $0x1, v3;
	v3 =	vshll.u32 v4, $0x1;
	v4 =	vshll.u32 v5, $0x1;
	v5 =	vld [tilespmem:$0x1C0];
	[tilespmem:$0x370] =	vst v6  }
0x15c: {  	v1 =	vld [tilespmem:$0x80];
	[tilespmem:$0x310] =	vst v2  }
0x15d: {  	v6 =	vld [tilespmem:$0x190];
	[tilespmem:$0x380] =	vst v3  }
0x15e: {  	v2 =	vld [tilespmem:$0xB0];
	[tilespmem:$0x3B0] =	vst v4;
	v4 =	vor.u32 $0x1, v4  }
0x15f: {  	v10 =	vor.u32 $0x1, v3;
	[tilespmem:$0x430] =	vst v4  }
0x160: {  	v7 =	vld [tilespmem:$0x1A0];
	[tilespmem:$0x400] =	vst v10;
	v5 =	vshll.u32 v5, $0x1  }
0x161: {  	v8 =	vld [tilespmem:$0xC0];
	v1 =	vshll.u32 v1, $0x1;
	[tilespmem:$0x3C0] =	vst v5  }
0x162: {  	v4 =	vld [tilespmem:$0xA0];
	v6 =	vshll.u32 v6, $0x1;
	[tilespmem:$0x280] =	vst v1  }
0x163: {  	p3 =	sne.s32 s19, $0x1;
	v2 =	vshll.u32 v2, $0x1;
	[tilespmem:$0x390] =	vst v6  }
.Ltmp7:
0x164: {  	v9 =	vld [tilespmem:$0x1D0];
	v3 =	vor.u32 $0x1, v5;
	[tilespmem:$0x2B0] =	vst v2;
	(pc) =	sbr.rel @!p3 .LBB2_10-.Ltmp7, $4  }
0x165: {  	v5 =	vld [tilespmem:$0xE0];
	v2 =	vor.u32 $0x1, v2;
	[tilespmem:$0x440] =	vst v3  }
0x166: {  	v6 =	vor.u32 $0x1, v6;
	[tilespmem:$0x330] =	vst v2;
	v2 =	vshll.u32 v7, $0x1;
	v7 =	vshll.u32 v8, $0x1;
	v8 =	vld [tilespmem:$0xD0]  }
0x167: {  	v1 =	vor.u32 $0x1, v1;
	[tilespmem:$0x410] =	vst v6;
	v6 =	vshll.u32 v4, $0x1  }
0x168: {  	s18 =	sadd.s32 $0xFFFFFFFF, s19;
	s19 =	smov.u32 s24;
	s24 =	smov.u32 s25;
	[tilespmem:$0x300] =	vst v1;
	v1 =	vor.u32 $0x1, v2;
	v4 =	vor.u32 $0x1, v7;
	v3 =	vor.u32 $0x1, v6  }
.LBB2_9:
0x169: {  	p6 =	sne.s32 s18, $0x1;
	[tilespmem:$0x3A0] =	vst v2;
	s19 =	sadd.s32 $0x10, s19;
	s24 =	sadd.s32 $0x10, s24  }
0x16a: {  	s18 =	sadd.s32 $0xFFFFFFFF, s18;
	v2 =	vshll.u32 v9, $0x1;
	[tilespmem:$0x2C0] =	vst v7  }
0x16b: {  	v5 =	vshll.u32 v5, $0x1;
	v7 =	vshll.u32 v8, $0x1;
	[tilespmem:$0x3D0] =	vst v2;
	v2 =	vor.u32 $0x1, v2  }
0x16c: {  	v9 =	vor.u32 $0x1, v5;
	[tilespmem:$0x2A0] =	vst v6;
	v6 =	vor.u32 $0x1, v7;
	v8 =	vld [tilespmem:$0x1E0]  }
0x16d: {  	[tilespmem:$0x420] =	vst v1  }
0x16e: {  	[tilespmem:$0x2E0] =	vst v5  }
0x16f: {  	[tilespmem:$0x340] =	vst v4  }
0x170: {  	[tilespmem:$0x450] =	vst v2  }
0x171: {  	[tilespmem:$0x320] =	vst v3;
	v1 =	vshll.u32 v8, $0x1  }
0x172: {  	[tilespmem:$0x3E0] =	vst v1;
	v1 =	vor.u32 $0x1, v1  }
0x173: {  	[tilespmem:$0x2D0] =	vst v7  }
0x174: {  	[tilespmem:$0x460] =	vst v1  }
0x175: {  	[tilespmem:$0x360] =	vst v9  }
0x176: {  	[tilespmem:$0x350] =	vst v6  }
0x177: {  	[tilespmem:s5], [sflag:$0x1] =	stream.indirect.gather [hbm4b:s1+s31], $0x80, s4, s31, $0xb8;
	[tilespmem:$0x14180] =	vst v63  }
0x178: {  	_ = 	snop  }
0x179: {  	[tilespmem:s13], [sflag:$0x2] =	stream.indirect.gather [hbm4b:s1+s31], $0x80, s11, s31, $0xb8;
	[tilespmem:$0x14180] =	vst v63  }
0x17a: {  	_ =	swait.ge [sflag:s30], $0x4000  }
0x17b: {  	[sflag:s30] =	ssyncset.done $0x0  }
0x17c: {  	[sflag:s30] =	ssyncadd.s32 $0xFFFFC000  }
0x17d: {  	_ =	swait.ge [sflag:s14], $0x4000  }
0x17e: {  	[sflag:s14] =	ssyncset.done $0x0  }
0x17f: {  	[sflag:s14] =	ssyncadd.s32 $0xFFFFC000  }
0x180: {  	[spmem:s2] =	stream.indirect.scatter.add.f32 [tilespmem:s5], [sflag:$0x3], $0x80, s15, s31, $0xb8;
	[tilespmem:$0x14180] =	vst v63  }
0x181: {  	_ =	swait.ge [sflag:s28], $0x4000  }
0x182: {  	[sflag:s28] =	ssyncset.done $0x0  }
0x183: {  	[sflag:s28] =	ssyncadd.s32 $0xFFFFC000  }
0x184: {  	[spmem:s2] =	stream.indirect.scatter.add.f32 [tilespmem:s13], [sflag:$0x3], $0x80, s16, s31, $0xb8;
	[tilespmem:$0x14180] =	vst v63  }
0x185: {  	_ =	swait.ge [sflag:s28], $0x4000  }
0x186: {  	[sflag:s28] =	ssyncset.done $0x0  }
0x187: {  	[sflag:s28] =	ssyncadd.s32 $0xFFFFC000  }
0x188: {  	[tilespmem:s31], [sflag:$0x3] =	stream.linear.gather [hbm4b:s19+s3], $0x80, $0x38;
	[tilespmem:$0x14180] =	vst v63  }
0x189: {  	_ =	swait.ge [sflag:s28], $0x80  }
0x18a: {  	[sflag:s28] =	ssyncset.done $0x0  }
0x18b: {  	[sflag:s28] =	ssyncadd.s32 $0xFFFFFF80  }
0x18c: {  	[tilespmem:s0], [sflag:$0x3] =	stream.linear.gather [hbm4b:s24+s3], $0x80, $0x38;
	[tilespmem:$0x14180] =	vst v63  }
0x18d: {  	_ =	swait.ge [sflag:s28], $0x80  }
0x18e: {  	[sflag:s28] =	ssyncset.done $0x0  }
0x18f: {  	[sflag:s28] =	ssyncadd.s32 $0xFFFFFF80  }
0x190: {  	v1 =	vld [tilespmem:$0x1F0]  }
0x191: {  	v2 =	vld [tilespmem:$0xF0]  }
0x192: {  	v3 =	vld [tilespmem:$0x1B0]  }
0x193: {  	v4 =	vld [tilespmem:$0x190]  }
0x194: {  	v5 =	vld [tilespmem:$0x90]  }
0x195: {  	v6 =	vld [tilespmem:$0x180];
	v1 =	vshll.u32 v1, $0x1  }
0x196: {  	v7 =	vld [tilespmem:$0x80];
	v2 =	vshll.u32 v2, $0x1;
	[tilespmem:$0x3F0] =	vst v1;
	v1 =	vor.u32 $0x1, v1  }
0x197: {  	v8 =	vld [tilespmem:$0xB0];
	v9 =	vor.u32 $0x1, v2;
	[tilespmem:$0x470] =	vst v1  }
0x198: {  	v1 =	vld [tilespmem:$0x1A0];
	[tilespmem:$0x370] =	vst v9  }
0x199: {  	v5 =	vshll.u32 v5, $0x1;
	[tilespmem:$0x2F0] =	vst v2  }
0x19a: {  	v4 =	vshll.u32 v4, $0x1;
	v2 =	vshll.u32 v6, $0x1;
	[tilespmem:$0x290] =	vst v5;
	v5 =	vor.u32 $0x1, v5  }
0x19b: {  	v3 =	vshll.u32 v3, $0x1;
	v6 =	vshll.u32 v7, $0x1;
	[tilespmem:$0x310] =	vst v5;
	v5 =	vor.u32 $0x1, v4  }
0x19c: {  	v10 =	vor.u32 $0x1, v6;
	[tilespmem:$0x380] =	vst v2;
	v7 =	vshll.u32 v8, $0x1;
	v8 =	vor.u32 $0x1, v3  }
0x19d: {  	v11 =	vor.u32 $0x1, v2;
	v2 =	vshll.u32 v1, $0x1;
	v9 =	vor.u32 $0x1, v7;
	[tilespmem:$0x3B0] =	vst v3;
	v3 =	vld [tilespmem:$0x1C0]  }
0x19e: {  	[tilespmem:$0x280] =	vst v6;
	v1 =	vor.u32 $0x1, v2;
	v6 =	vld [tilespmem:$0xC0]  }
0x19f: {  	[tilespmem:$0x390] =	vst v4;
	v4 =	vld [tilespmem:$0xA0]  }
0x1a0: {  	[tilespmem:$0x430] =	vst v8  }
0x1a1: {  	[tilespmem:$0x410] =	vst v5  }
0x1a2: {  	[tilespmem:$0x2B0] =	vst v7;
	v3 =	vshll.u32 v3, $0x1  }
.Ltmp8:
0x1a3: {  	v7 =	vshll.u32 v6, $0x1;
	[tilespmem:$0x3C0] =	vst v3;
	v12 =	vor.u32 $0x1, v3;
	v5 =	vld [tilespmem:$0xE0];
	(pc) =	sbr.rel @p6 .LBB2_9-.Ltmp8, $4  }
0x1a4: {  	v6 =	vshll.u32 v4, $0x1;
	[tilespmem:$0x330] =	vst v9;
	v4 =	vor.u32 $0x1, v7;
	v9 =	vld [tilespmem:$0x1D0]  }
0x1a5: {  	[tilespmem:$0x300] =	vst v10;
	v3 =	vor.u32 $0x1, v6;
	v8 =	vld [tilespmem:$0xD0]  }
0x1a6: {  	[tilespmem:$0x440] =	vst v12  }
0x1a7: {  	[tilespmem:$0x400] =	vst v11  }
.Ltmp9:
0x1a8: {  	_ = 	snop;
	(pc) =	sbr.rel .LBB2_10-.Ltmp9, $1  }
0x1a9: {  	_ =	sdelay $0x3  }
.LBB2_12:
0x1aa: {  	_ =	sfence.sel $0x180000  }
0x1ab: {  	[bflag:$0x0] =	sbarrier.arrive $0xFFFF  }
0x1ac: {  	_ =	strace $0x9000004D  }
0x1ad: {  	[bflag:$0x2] =	sbarrier.arrive $0xFFFF  }
0x1ae: {  	s0 =	rddreg [dreg:$0x3]  }
0x1af: {  	s0 =	sadd.s32 @!p1 $0x100000, s0  }
0x1b0: {  	[sflag:s0] =	ssyncadd.tile.s32 @!p1 $0x1;
	_ =	shalt  }
.Lfunc_end2:
_tile_overlayer_lowered:
.L_overlay_start_2:
0x1b1: {  	(tag) =	ssettag $0x2  }
0x1b2: {  	s0 =	rddreg [dreg:$0x0];
	s2 =	stileid.u32  }
0x1b3: {  	s1 =	rddreg [dreg:$0x1];
	p0 =	sne.s32 s2, $0x0  }
0x1b4: {  	s3 =	rddreg [dreg:$0x2];
	[bflag:$0x3] =	sbarrier.arrive $0xFFFF;
	s2 =	simm.s32 @!p0 $0x1C03  }
0x1b5: {  	[timem:s3], [sflag:s2] =	dma.local @!p0 [hbm:s0], s1  }
0x1b6: {  	s0 =	simm.s32 @!p0 $0x3  }
0x1b7: {  	_ =	swait.ge @!p0 [sflag:s0], s1  }
0x1b8: {  	s1 =	ssub.s32 @!p0 $0x0, s1;
	[sflag:s0] =	ssyncset.done @!p0 $0x0  }
0x1b9: {  	[sflag:s0] =	ssyncadd.s32 @!p0 s1  }
0x1ba: {  	[bflag:$0x3] =	sbarrier.arrive $0xFFFF  }
0x1bb: {  	_ =	shalt  }

// kernel: kernel.9.cloned.1.call-start
scs
__scs_entry_jumppad:
0x0: {  	(pc) =	sbr.rel $0x88, $3  }
0x1: {  	(tag) =	ssettag $0x0;
	lr =	simm.s32 $0x1  }
0x2: {  	[smem:$0x3F9B] =	sst lr;
	_ =	strace $0xD0000000  }
0x3: {  	_ = 	snop  }
0x4: {  	_ = 	snop  }
0x5: {  	_ = 	snop  }
0x6: {  	_ = 	snop  }
0x7: {  	_ = 	snop  }
__scs_overlays_trampoline_lowered:
0x8: {  	[smem:$0x3FAA] =	sst s0  }
0x9: {  	[smem:$0x3FAB] =	sst s1  }
0xa: {  	[smem:$0x3FAC] =	sst s2  }
0xb: {  	[smem:$0x3FAD] =	sst s3  }
0xc: {  	[smem:$0x3FAE] =	sst s4  }
0xd: {  	[smem:$0x3FAF] =	sst s5  }
0xe: {  	[smem:$0x3FB0] =	sst s6  }
0xf: {  	[smem:$0x3FB1] =	sst s7  }
0x10: {  	[smem:$0x3FB2] =	sst s8  }
0x11: {  	[smem:$0x3FB3] =	sst s9;
	s0 =	simm.s32 @!p0 $0x0  }
0x12: {  	s1 =	sld [smem:$0x3F99];
	s0 =	simm.s32 @p0 $0x1  }
0x13: {  	[smem:$0x3FB4] =	sst s0;
	s0 =	simm.s32 @!p1 $0x0  }
0x14: {  	s2 =	sld [smem:$0x3F98];
	s0 =	simm.s32 @p1 $0x1  }
0x15: {  	[smem:$0x3FB5] =	sst s0;
	s0 =	simm.s32 @!p2 $0x0  }
0x16: {  	s3 =	sld [smem:$0x3FDB];
	s0 =	simm.s32 @p2 $0x1  }
0x17: {  	s4 =	simm.s32 $0x1BF5;
	[smem:$0x3FB7] =	sst s0  }
0x18: {  	s0 =	sld [smem:$0x3F9A];
	_ =	swait.ge [sflag:s4], $0x0  }
0x19: {  	s7 =	sld [smem:$0x3F9B]  }
0x1a: {  	s8 =	sadd.s32 $0xFFFFE003, lr  }
0x1b: {  	s9 =	sadd.s32 $0xFFFFFEF7, lr;
	s5 =	simm.s32 $0xFFFFFFFF;
	p2 =	slt.u32 s8, $0xFFFFF086  }
0x1c: {  	p1 =	slt.u32 s9, $0xF7A;
	s5 =	simm.s32 @!p2 $0x0  }
0x1d: {  	s5 =	simm.s32 @p1 $0x1;
	p0 =	seq.s32 s7, s2  }
0x1e: {  	s7 =	smul.u32 @!p0 $0xF7A, s2;
	p2 =	seq.s32 @!p0 s5, $0x0  }
0x1f: {  	s9 =	smul.u32 $0xF7A, s1;
	s8 =	simm.s32 @!p0 $0x1BF5;
	p2 =	por !p2, p0  }
0x20: {  	[sflag:s8] =	ssyncset.s32 @!p0 $0xFFFFF086;
	s6 =	sadd.s32 @!p0 s3, s7;
	s7 =	simm.s32 @!p0 $0x108  }
0x21: {  	s3 =	sadd.s32 s3, s9;
	s6 =	sadd.s32 @!p0 $0x88, s6;
	s7 =	simm.s32 @p2 $0x1082  }
0x22: {  	[simem:s7], [sflag:s8] =	dma.local @!p0 [hbm:s6], $0xF7A  }
0x23: {  	s9 =	sor.u32 $0xD0000000, s2;
	s6 =	simm.s32 $0x108;
	_ =	swait.ge @!p0 [sflag:s8], $0x0  }
0x24: {  	s3 =	sadd.s32 $0x88, s3;
	s6 =	simm.s32 @!p1 $0x1082;
	[sflag:s4] =	ssyncset.s32 $0xFFFFF086  }
0x25: {  	[simem:s6], [sflag:s4] =	dma.local [hbm:s3], $0xF7A  }
0x26: {  	[smem:$0x3F9B] =	sst s1;
	(tag) =	ssettag s2;
	_ =	strace s9  }
0x27: {  	s1 =	sld [smem:$0x3FAB]  }
0x28: {  	s2 =	sld [smem:$0x3FAC]  }
0x29: {  	s4 =	sld [smem:$0x3FAE]  }
0x2a: {  	p0 =	seq.s32 s5, $0x0;
	s5 =	sld [smem:$0x3FAF]  }
0x2b: {  	s6 =	sld [smem:$0x3FB0]  }
0x2c: {  	s7 =	sld [smem:$0x3FB1]  }
0x2d: {  	s3 =	simm.s32 $0x108;
	s8 =	sld [smem:$0x3FB2]  }
0x2e: {  	s3 =	simm.s32 @!p0 $0x1082;
	s9 =	sld [smem:$0x3FB3]  }
0x2f: {  	lr =	sadd.s32 s0, s3;
	s0 =	sld [smem:$0x3FAA]  }
0x30: {  	s3 =	sld [smem:$0x3FAD]  }
0x31: {  	[smem:$0x3FB6] =	sst s10  }
0x32: {  	s10 =	sld [smem:$0x3FB4];
	_ =	sdelay $0x3  }
0x33: {  	p0 =	seq.s32 s10, $0x1;
	s10 =	sld [smem:$0x3FB6];
	_ =	sdelay $0x3  }
0x34: {  	[smem:$0x3FB6] =	sst s10  }
0x35: {  	s10 =	sld [smem:$0x3FB5];
	_ =	sdelay $0x3  }
0x36: {  	p1 =	seq.s32 s10, $0x1;
	s10 =	sld [smem:$0x3FB6];
	_ =	sdelay $0x3  }
0x37: {  	[smem:$0x3FB6] =	sst s10  }
0x38: {  	s10 =	sld [smem:$0x3FB7]  }
0x39: {  	_ = 	snop;
	(pc) =	sbr.ind lr, $3  }
0x3a: {  	_ = 	snop  }
0x3b: {  	_ = 	snop  }
0x3c: {  	p2 =	seq.s32 s10, $0x1;
	s10 =	sld [smem:$0x3FB6]  }
0x3d: {  	_ =	shalt  }
0x3e: {  	_ =	shalt  }
0x3f: {  	_ =	shalt  }
0x40: {  	_ =	shalt  }
0x41: {  	_ =	shalt  }
0x42: {  	_ =	shalt  }
0x43: {  	_ =	shalt  }
0x44: {  	_ =	shalt  }
0x45: {  	_ =	shalt  }
0x46: {  	_ =	shalt  }
0x47: {  	_ =	shalt  }
0x48: {  	_ =	shalt  }
0x49: {  	_ =	shalt  }
0x4a: {  	_ =	shalt  }
0x4b: {  	_ =	shalt  }
0x4c: {  	_ =	shalt  }
0x4d: {  	_ =	shalt  }
0x4e: {  	_ =	shalt  }
0x4f: {  	_ =	shalt  }
0x50: {  	_ =	shalt  }
0x51: {  	_ =	shalt  }
0x52: {  	_ =	shalt  }
0x53: {  	_ =	shalt  }
0x54: {  	_ =	shalt  }
0x55: {  	_ =	shalt  }
0x56: {  	_ =	shalt  }
0x57: {  	_ =	shalt  }
0x58: {  	_ =	shalt  }
0x59: {  	_ =	shalt  }
0x5a: {  	_ =	shalt  }
0x5b: {  	_ =	shalt  }
0x5c: {  	_ =	shalt  }
0x5d: {  	_ =	shalt  }
0x5e: {  	_ =	shalt  }
0x5f: {  	_ =	shalt  }
0x60: {  	_ =	shalt  }
0x61: {  	_ =	shalt  }
0x62: {  	_ =	shalt  }
0x63: {  	_ =	shalt  }
0x64: {  	_ =	shalt  }
0x65: {  	_ =	shalt  }
0x66: {  	_ =	shalt  }
0x67: {  	_ =	shalt  }
0x68: {  	_ =	shalt  }
0x69: {  	_ =	shalt  }
0x6a: {  	_ =	shalt  }
0x6b: {  	_ =	shalt  }
0x6c: {  	_ =	shalt  }
0x6d: {  	_ =	shalt  }
0x6e: {  	_ =	shalt  }
0x6f: {  	_ =	shalt  }
0x70: {  	_ =	shalt  }
0x71: {  	_ =	shalt  }
0x72: {  	_ =	shalt  }
0x73: {  	_ =	shalt  }
0x74: {  	_ =	shalt  }
0x75: {  	_ =	shalt  }
0x76: {  	_ =	shalt  }
0x77: {  	_ =	shalt  }
0x78: {  	_ =	shalt  }
0x79: {  	_ =	shalt  }
0x7a: {  	_ =	shalt  }
0x7b: {  	_ =	shalt  }
0x7c: {  	_ =	shalt  }
0x7d: {  	_ =	shalt  }
0x7e: {  	_ =	shalt  }
0x7f: {  	_ =	shalt  }
0x80: {  	_ =	shalt  }
0x81: {  	_ =	shalt  }
0x82: {  	_ =	shalt  }
0x83: {  	_ =	shalt  }
0x84: {  	_ =	shalt  }
0x85: {  	_ =	shalt  }
0x86: {  	_ =	shalt  }
0x87: {  	_ =	shalt  }
.Lfunc_end0:
.L_simem_size_0:
called_computation_lowered:
.L_overlay_start_0:
0x88: {  	s2 =	sld [smem:$0x3FD9]  }
0x89: {  	s3 =	sld [smem:$0x3FFE];
	_ =	sdelay $0x1  }
0x8a: {  	s1 =	srdreg.scid  }
0x8b: {  	s0 =	sand.u32 $0x1, s1  }
0x8c: {  	s16 =	sshll.u32 s0, $0xA;
	s2 =	sadd.s32 s3, s2  }
0x8d: {  	s2 =	sadd.s32 s2, s16  }
0x8e: {  	[smem:$0x3FC2] =	sst s2  }
0x8f: {  	_ = 	snop  }
0x90: {  	(tm) =	ssettm $0x1  }
0x91: {  	s17 =	sld [smem:$0x3FFB];
	_ =	sdelay $0x3  }
0x92: {  	_ =	strace s17  }
0x93: {  	s2 =	sld [smem:$0x3FFC];
	_ =	sdelay $0x3  }
0x94: {  	_ =	strace s2  }
0x95: {  	s2 =	sld [smem:$0x3FFD];
	_ =	sdelay $0x3  }
0x96: {  	_ =	strace s2  }
0x97: {  	_ =	strace $0x8FFFFFFF  }
0x98: {  	s18 =	sld [smem:$0x3FDB];
	_ =	sdelay $0x1  }
0x99: {  	s19 =	simm.s32 $_scs_section_size  }
0x9a: {  	s4 =	simm.s32 $_size__tile_overlayer_lowered;
	s5 =	simm.s32 $_tile_overlayer_lowered  }
0x9b: {  	s22 =	simm.s32 $0x1BFF;
	s21 =	sshll.u32 s5, $0x1;
	s2 =	sadd.s32 s19, s18  }
0x9c: {  	s6 =	simm.s32 $0x0;
	s20 =	sshll.u32 s4, $0x1;
	s4 =	sadd.s32 s21, s2  }
0x9d: {  	[timem:s6], [sflag:s22] =	dma.local [hbm:s4], s20  }
0x9e: {  	_ =	swait.ge [sflag:s22], s20  }
0x9f: {  	s3 =	ssub.s32 $0x0, s20;
	[sflag:s22] =	ssyncset.done $0x0  }
0xa0: {  	[sflag:s22] =	ssyncadd.s32 s3;
	_ =	sdelay $0x1  }
0xa1: {  	s23 =	simm.s32 $0x1B8B  }
0xa2: {  	_ =	swait.ge [sflag:s23], $0x1  }
0xa3: {  	[sflag:s23] =	ssyncset.done $0x0  }
0xa4: {  	s25 =	simm.s32 $0x1B8E;
	s24 =	sld [smem:$0x3FFE];
	[sflag:s23] =	ssyncadd.s32 $0xFFFFFFFF  }
0xa5: {  	s26 =	simm.s32 $execute0_lowered;
	[smem:$0x3FD2] =	sst s25  }
0xa6: {  	s4 =	sshll.u32 s26, $0x1;
	_ =	strace $0x80000046;
	[dreg:$0x1] =	wrdreg $0xFFFFFFFF  }
0xa7: {  	s28 =	simm.s32 $_size_execute0_lowered;
	s2 =	sadd.s32 s2, s4;
	[dreg:$0x0] =	wrdreg $0x0  }
0xa8: {  	s4 =	sshll.u32 s28, $0x1;
	[dreg:$0x2] =	wrdreg s2  }
0xa9: {  	[dreg:$0x3] =	wrdreg s4  }
0xaa: {  	[dreg:$0x4] =	wrdreg $0xC0  }
0xab: {  	_ =	task [dreg:s6], $0x5FFFF  }
0xac: {  	[dreg:$0x1] =	wrdreg $0xFFFFFFFF  }
0xad: {  	[dreg:$0x0] =	wrdreg $0x60  }
0xae: {  	[dreg:$0x2] =	wrdreg s24  }
0xaf: {  	[dreg:$0x3] =	wrdreg $0x17E800  }
0xb0: {  	[dreg:$0x4] =	wrdreg $0x9  }
0xb1: {  	_ =	task.clear_ibuf [dreg:s6], $0x5FFFF;
	_ =	strace $0x90000046  }
0xb2: {  	s29 =	simm.s32 $0x9;
	_ =	strace $0x80000048  }
0xb3: {  	_ =	swait.ge [sflag:s29], $0x1  }
0xb4: {  	[sflag:s29] =	ssyncadd.s32 $0xFFFFFFFF  }
0xb5: {  	_ =	strace $0x90000048  }
0xb6: {  	_ =	sfence  }
0xb7: {  	s30 =	sld [smem:$0x0];
	_ =	sdelay $0x2  }
0xb8: {  	s31 =	sshll.u32 s1, $0xD;
	s1 =	sshrl.u32 s1, $0x2  }
0xb9: {  	s3 =	sand.u32 $0x4000, s31;
	s1 =	sadd.s32 s1, s30  }
0xba: {  	s0 =	sor.u32 s3, s0;
	s1 =	sshll.u32 s1, $0x11  }
0xbb: {  	s0 =	sor.u32 s1, s0  }
0xbc: {  	s0 =	sadd.s32 $0x8F2B, s0  }
0xbd: {  	[sflag:s0] =	ssyncadd.remote.s32 $0x1  }
0xbe: {  	_ =	sfence.sel $0xFFFF  }
0xbf: {  	[dreg:$0x0] =	wrdreg $0xFFFFFFFF;
	(pc) =	sbr.abs _section_cstart, $3  }
0xc0: {  	[dreg:$0x1] =	wrdreg $0xFFFFFFFF  }
0xc1: {  	_ =	task.clear_ibuf [dreg:s6], $0x2FFFF;
	_ =	strace $0x9FFFFFFF  }
0xc2: {  	(tm) =	ssettm $0x7FFFFFFF  }
0xc3: {  	_ =	shalt  }
tec
execute0_lowered:
.L_overlay_start_1:
0x0: {  	(tag) =	ssettag $0x1  }
0x1: {  	s0 =	rddreg [dreg:$0x0]  }
0x2: {  	s1 =	rddreg [dreg:$0x1]  }
0x3: {  	s22 =	stileid.u32;
	s3 =	simm.s32 $0x0;
	s4 =	srdreg.scid  }
0x4: {  	s29 =	simm.s32 $0xA000;
	s30 =	simm.s32 $0xC880;
	s2 =	smul.u32 $0x4E2, s22  }
0x5: {  	[smem:$0x7FF] =	sst s3;
	s4 =	sand.u32 $0x1, s4;
	s6 =	sadd.s32 $0x32A00, s0  }
0x6: {  	s7 =	sadd.s32 $0x46A00, s0;
	s9 =	sadd.s32 $0x5AA00, s0;
	s14 =	smul.u32 $0x98, s22  }
0x7: {  	s10 =	sadd.s32 $0xB800, s0;
	s26 =	smul.u32 $0x5000, s22;
	p2 =	seq.s32 s22, $0x1  }
0x8: {  	p1 =	sne.s32 s22, $0x0;
	_ =	strace $0x80000047;
	s5 =	ssub.s32 $0x2, s4  }
0x9: {  	s16 =	sshll.u32 s4, $0x4;
	s25 =	smul.u32 $0x1390, s4;
	s11 =	sshllo.u32 s4, $0x1  }
0xa: {  	s24 =	smul.u32 $0x50000, s4;
	p0 =	seq.s32 s4, $0x0;
	p3 =	sne.s32 @!p2 s22, $0x0  }
0xb: {  	s2 =	sadd.s32 s2, s0;
	s8 =	sshrl.u32 s5, $0x1;
	s28 =	smul.u32 $0x9C8, s11  }
0xc: {  	s21 =	smul.u32 $0x4E400, s11;
	p4 =	por p3, p2;
	s12 =	sadd.s32 $0x6800, s2  }
0xd: {  	s5 =	ssub.s32 s5, s8;
	s2 =	sadd.s32 $0x1800, s2;
	[dreg:$0x3] =	wrdreg s12  }
0xe: {  	s8 =	sor.u32 s22, s16;
	s16 =	sadd.s32 s14, s25;
	[dreg:$0x4] =	wrdreg s2  }
0xf: {  	s2 =	sadd.s32 $0x9C8, s25;
	s17 =	smul.u32 $0x5000, s8;
	s31 =	sadd.s32 $0x9C8, s28  }
0x10: {  	s13 =	sshllo.u32 s8, $0x1;
	s8 =	sshll.u32 s8, $0x5;
	s19 =	sshll.u32 s16, $0x4  }
0x11: {  	v0 =	vmov s25;
	s23 =	sadd.s32 s14, s28;
	v2 =	vmov s28;
	s28 =	simm.s32 $0x7780;
	s25 =	simm.s32 $0x13180  }
0x12: {  	s15 =	smul.u32 $0x2800, s13;
	s13 =	sshll.u32 s13, $0x4;
	s8 =	sadd.s32 s9, s8  }
0x13: {  	s11 =	sshll.u32 s23, $0x4;
	v1 =	vmov s2;
	v3 =	vmov s31;
	s31 =	simm.s32 $0xF100;
	s2 =	simm.s32 $0x80  }
0x14: {  	s12 =	sshrl.u32 s17, $0x3;
	s17 =	smul.u32 $0x9C800, s4;
	[dreg:$0x5] =	wrdreg s8  }
0x15: {  	s18 =	sadd.s32 s9, s13;
	s8 =	sadd.s32 s10, s19;
	s9 =	sshrl.u32 s21, $0x3  }
0x16: {  	s11 =	sadd.s32 s10, s11;
	s19 =	smul.u32 $0x13000, s22;
	[dreg:$0x6] =	wrdreg s18  }
0x17: {  	s4 =	simm.s32 @!p0 $0x0;
	s22 =	sadd.s32 $0x4C000, s1;
	[dreg:$0x7] =	wrdreg s8  }
0x18: {  	[dreg:$0x8] =	wrdreg s11;
	s9 =	sadd.s32 s10, s9;
	s16 =	sadd.s32 s6, s12  }
0x19: {  	s18 =	sadd.s32 s26, s24;
	s4 =	simm.s32 @p0 $0x1;
	p0 =	por !p3, p2  }
0x1a: {  	s20 =	sshrl.u32 s17, $0x3;
	[dreg:$0x9] =	wrdreg s16;
	s17 =	sshrl.u32 s15, $0x3  }
0x1b: {  	s23 =	sshrl.u32 s19, $0x2;
	[smem:$0x7FC] =	sst s4;
	s24 =	sadd.s32 $0x2800, s18  }
0x1c: {  	s26 =	sshrl.u32 s18, $0x3;
	s19 =	sadd.s32 $0x9800, s9;
	s8 =	sadd.s32 s10, s20  }
0x1d: {  	s20 =	sadd.s32 s7, s12;
	s6 =	sadd.s32 s6, s17;
	s21 =	sadd.s32 s7, s17  }
0x1e: {  	s14 =	sadd.s32 s23, s1;
	s4 =	sshrl.u32 s24, $0x3;
	s15 =	sadd.s32 s26, s7  }
0x1f: {  	s23 =	sadd.s32 $0x4DC00, s1;
	s24 =	simm.s32 $0x1;
	[dreg:$0xa] =	wrdreg s20  }
.Ltmp0:
0x20: {  	s26 =	simm.s32 $0x4F00;
	[dreg:$0xb] =	wrdreg s6;
	(pc) =	sbr.rel .LBB2_1-.Ltmp0, $4  }
0x21: {  	[dreg:$0xc] =	wrdreg s21;
	s16 =	sadd.s32 s4, s7;
	s17 =	sadd.s32 $0x9B80, s8  }
0x22: {  	s18 =	sadd.s32 $0x9800, s8;
	s20 =	sadd.s32 $0x1F000, s0;
	s0 =	simm.s32 @!p0 $0x0  }
0x23: {  	v4 =	vimm.f32 $1.000000000e+00;
	v7 =	vlaneseq.u32;
	s21 =	smax.u32 s5, $0x1;
	s4 =	simm.s32 $0xF180;
	s0 =	simm.s32 @p0 $0x1  }
0x24: {  	v5 =	vimm.f32 $0.0e+00;
	v6 =	vimm.s32 $0x0;
	v7 =	vor.u32 $0x2800, v7;
	s5 =	simm.s32 $0x0;
	[smem:$0x7FD] =	sst s0;
	s0 =	simm.s32 $0x13280  }
.LBB2_14:
0x25: {  	[sflag:s24] =	ssyncadd.s32 $0xFFFFF800  }
.LBB2_15:
0x26: {  	[bflag:$0x0] =	sbarrier.arrive $0xFFFF  }
0x27: {  	s6 =	rddreg [dreg:$0x8]  }
0x28: {  	[hbm:s6], [sflag:s7] =	dma.local [spmem:s10], $0x980  }
0x29: {  	_ =	swait.ge [sflag:s24], $0x980  }
0x2a: {  	[sflag:s24] =	ssyncset.done $0x0  }
0x2b: {  	s6 =	sshrl.u32 @!p1 s22, $0x3;
	[sflag:s24] =	ssyncadd.s32 $0xFFFFF680  }
0x2c: {  	[hbm:s19], [sflag:s7] =	dma.local @!p1 [spmem:s6], $0x380  }
0x2d: {  	s8 =	sld [smem:$0x7FD]  }
0x2e: {  	s13 =	sld [smem:$0x7FC]  }
0x2f: {  	p0 =	por @!p4 $0x0, $0x0  }
0x30: {  	p3 =	por $0x0, $0x0;
	s6 =	simm.s32 @!p1 $0x1;
	p5 =	seq.s32 s8, $0x1  }
0x31: {  	_ =	swait.ge @!p1 [sflag:s6], $0x380;
	p0 =	por @!p5 p3, p3;
	p3 =	seq.s32 s13, $0x1  }
0x32: {  	[sflag:s6] =	ssyncset.done @!p1 $0x0;
	p3 =	por @!p2 p0, p0  }
0x33: {  	s5 =	sadd.s32 $0x1, s5;
	[sflag:s6] =	ssyncadd.s32 @!p1 $0xFFFFFC80;
	s6 =	sshrl.u32 @p3 s23, $0x3  }
0x34: {  	[hbm:s20], [sflag:s7] =	dma.local @p3 [spmem:s6], $0x100  }
0x35: {  	p0 =	sne.s32 s5, s21;
	s6 =	simm.s32 @p3 $0x1  }
.Ltmp1:
0x36: {  	_ =	swait.ge @p3 [sflag:s6], $0x100;
	(pc) =	sbr.rel @!p0 .LBB2_16-.Ltmp1, $3  }
0x37: {  	[sflag:s6] =	ssyncset.done @p3 $0x0  }
0x38: {  	[sflag:s6] =	ssyncadd.s32 @p3 $0xFFFFFF00  }
0x39: {  	[bflag:$0x0] =	sbarrier.arrive $0xFFFF;
	_ =	sdelay $0x1  }
.LBB2_1:
0x3a: {  	s6 =	simm.s32 $0x0  }
.LBB2_2:
0x3b: {  	p3 =	sne.s32 s6, $0xFE00  }
.Ltmp2:
0x3c: {  	_ = 	snop;
	(pc) =	sbr.rel @p3 .LBB2_2-.Ltmp2, $3  }
0x3d: {  	_ =	sdelay $0x1  }
0x3e: {  	s7 =	sshra.s32 s6, $0x2  }
0x3f: {  	s6 =	sadd.s32 $0x200, s6;
	[tilespmem:s7+$0xF180] =	vst v4  }
0x40: {  	s6 =	simm.s32 $0x200;
	s7 =	simm.s32 $0x0  }
.LBB2_4:
0x41: {  	p3 =	sne.s32 s6, $0x12E00;
	[tilespmem:s7+$0x13280] =	vst v5;
	s7 =	smov.u32 s6;
	s6 =	sadd.s32 $0x200, s6  }
.Ltmp3:
0x42: {  	(pc) =	sbr.rel @p3 .LBB2_4-.Ltmp3, $2  }
0x43: {  	_ =	sdelay $0x2  }
0x44: {  	s7 =	sshra.s32 s7, $0x2  }
0x45: {  	[tilespmem:s7+$0x13280] =	vst v5;
	s6 =	simm.s32 $0x0;
	s11 =	rddreg [dreg:$0x3]  }
0x46: {  	[tilespmem:s6], [sflag:$0x1] =	stream.linear.gather [hbm4b:s11+s6], $0x2710, $0x38;
	[tilespmem:$0x18850] =	vst v63  }
0x47: {  	_ =	swait.ge [sflag:s24], $0x2710  }
0x48: {  	[sflag:s24] =	ssyncset.done $0x0  }
0x49: {  	s8 =	simm.s32 $0x2780;
	s12 =	rddreg [dreg:$0x4];
	[sflag:s24] =	ssyncadd.s32 $0xFFFFD8F0  }
0x4a: {  	[tilespmem:s8], [sflag:$0x1] =	stream.linear.gather [hbm4b:s12+s6], $0x2710, $0x38;
	[tilespmem:$0x18850] =	vst v63  }
0x4b: {  	_ =	swait.ge [sflag:s24], $0x2710  }
0x4c: {  	[sflag:s24] =	ssyncset.done $0x0  }
0x4d: {  	s13 =	simm.s32 $0x0;
	[sflag:s24] =	ssyncadd.s32 $0xFFFFD8F0  }
0x4e: {  	v8 =	vld [tilespmem:s13+$0x2780];
	_ =	sdelay $0x4  }
0x4f: {  	vm0 =	vge.s32 v8, v0;
	vm1 =	vlt.s32 v8, v1  }
0x50: {  	vm1 =	vmand vm0, vm1  }
0x51: {  	vm2 =	vlt.s32 v8, v3;
	vm0 =	vge.s32 v8, v2;
	v9 =	vsel vm1, $0x1, v6  }
0x52: {  	vm0 =	vmand vm0, vm2;
	(xrf0) =	vadd.scan.msk.s32 $0xffff, v9  }
0x53: {  	v9 =	vsel vm0, $0x1, v6  }
0x54: {  	(xrf0) =	vadd.scan.msk.s32 $0xffff, v9;
	v9 =	vmov s6  }
0x55: {  	v9 =	vadd.s32 $0xFFFFFFFF, v9;
	_ =	sdelay $0x1  }
0x56: {  	v11 =	vbroadcast v9, $0x0  }
0x57: {  	v9, _, _ =	vpop (xrf0)  }
0x58: {  	v10 =	vadd.s32 v9, v11;
	(v2sf) =	vpush v9, $0xF  }
0x59: {  	v12, _, _ =	vpop (xrf0);
	v9 =	vld [tilespmem:s13+$0x0];
	v10 =	vsel vm1, v10, v7  }
0x5a: {  	s9 =	simm.s32 $0x80;
	s7 =	simm.s32 $0x0;
	s8 =	simm.s32 $0x40;
	v11 =	vadd.s32 v12, v11;
	(v2sf) =	vpush v12, $0xF  }
.LBB2_6:
0x5b: {  	p6 =	sne.s32 s9, $0x9C00;
	v11 =	vsel vm0, v11, v7;
	_ =	sdelay $0x2  }
0x5c: {  	v12 =	vsub.s32 v8, v0;
	[tilespmem:v10+s26+$0x0] =	vst.idx.msk $0xffff, v9  }
0x5d: {  	[tilespmem:v10+s28+$0x0] =	vst.idx.msk $0xffff, v12  }
0x5e: {  	v8 =	vsub.s32 v8, v2;
	[tilespmem:v11+s29+$0x0] =	vst.idx.msk $0xffff, v9  }
0x5f: {  	s10 =	sshra.s32 s8, $0x2;
	s8 =	smov.u32 s9;
	[tilespmem:v11+s30+$0x0] =	vst.idx.msk $0xffff, v8  }
0x60: {  	v8 =	vld [tilespmem:s10+$0x2780]  }
0x61: {  	v9 =	vld [tilespmem:s10+$0x0];
	_ =	sdelay $0x3  }
0x62: {  	vm0 =	vge.s32 v8, v0;
	vm1 =	vlt.s32 v8, v1;
	s10 =	spop (v2sf)  }
0x63: {  	vm1 =	vmand vm0, vm1;
	s6 =	sadd.s32 s6, s10  }
0x64: {  	vm2 =	vlt.s32 v8, v3;
	vm0 =	vge.s32 v8, v2;
	v10 =	vsel vm1, $0x1, v6;
	s10 =	spop (v2sf)  }
0x65: {  	vm0 =	vmand vm0, vm2;
	(xrf0) =	vadd.scan.msk.s32 $0xffff, v10;
	s7 =	sadd.s32 s7, s10  }
0x66: {  	v10 =	vsel vm0, $0x1, v6  }
0x67: {  	(xrf0) =	vadd.scan.msk.s32 $0xffff, v10  }
0x68: {  	v10 =	vmov s6  }
0x69: {  	v10 =	vadd.s32 $0xFFFFFFFF, v10  }
.Ltmp4:
0x6a: {  	v11 =	vmov s7;
	v10 =	vbroadcast v10, $0x0;
	(pc) =	sbr.rel @p6 .LBB2_6-.Ltmp4, $4  }
0x6b: {  	v11 =	vadd.s32 $0xFFFFFFFF, v11;
	v12, _, _ =	vpop (xrf0)  }
0x6c: {  	v11 =	vbroadcast v11, $0x0;
	v10 =	vadd.s32 v12, v10;
	(v2sf) =	vpush v12, $0xF  }
0x6d: {  	v10 =	vsel vm1, v10, v7;
	v12, _, _ =	vpop (xrf0)  }
0x6e: {  	s9 =	sadd.s32 $0x40, s9;
	v11 =	vadd.s32 v12, v11;
	(v2sf) =	vpush v12, $0xF  }
0x6f: {  	_ = 	snop  }
0x70: {  	v11 =	vsel vm0, v11, v7;
	_ =	sdelay $0x2  }
0x71: {  	[tilespmem:v10+s26+$0x0] =	vst.idx.msk $0xffff, v9;
	v12 =	vsub.s32 v8, v0  }
0x72: {  	[tilespmem:v10+s28+$0x0] =	vst.idx.msk $0xffff, v12  }
0x73: {  	v8 =	vsub.s32 v8, v2;
	[tilespmem:v11+s29+$0x0] =	vst.idx.msk $0xffff, v9  }
0x74: {  	s8 =	sshra.s32 s8, $0x2;
	[tilespmem:v11+s30+$0x0] =	vst.idx.msk $0xffff, v8  }
0x75: {  	v8 =	vld [tilespmem:s8+$0x2780];
	_ =	sdelay $0x4  }
0x76: {  	vm14 =	vge.s32 v8, v0;
	vm1 =	vlt.s32 v8, v1  }
0x77: {  	vm0 =	vmand vm14, vm1  }
0x78: {  	v56 =	vsel vm0, $0x1, v6  }
0x79: {  	(xrf0) =	vadd.scan.msk.s32 $0xffff, v56;
	_ =	sdelay $0x5  }
0x7a: {  	v9, _, _ =	vpop (xrf0)  }
0x7b: {  	(v2sf) =	vpush v9, $0xF;
	_ =	sdelay $0x4  }
0x7c: {  	vm15 =	vge.s32 v8, v2;
	vm2 =	vlt.s32 v8, v3  }
0x7d: {  	vm1 =	vmand vm15, vm2  }
0x7e: {  	v57 =	vsel vm1, $0x1, v6  }
0x7f: {  	(xrf0) =	vadd.scan.msk.s32 $0xffff, v57;
	_ =	sdelay $0x2  }
0x80: {  	s9 =	spop (v2sf)  }
0x81: {  	s6 =	sadd.s32 s6, s9  }
0x82: {  	s11 =	spop (v2sf);
	v58 =	vmov s6  }
0x83: {  	s9 =	sadd.s32 s7, s11;
	v10 =	vadd.s32 $0xFFFFFFFF, v58;
	v60, _, _ =	vpop (xrf0)  }
0x84: {  	v10 =	vbroadcast v10, $0x0;
	v59 =	vmov s9;
	(v2sf) =	vpush v60, $0xF;
	s12 =	spop (v2sf)  }
0x85: {  	v11 =	vadd.s32 $0xFFFFFFFF, v59;
	s6 =	sadd.s32 s6, s12  }
0x86: {  	v61 =	vbroadcast v11, $0x0;
	v9 =	vadd.s32 v9, v10;
	s7 =	sadd.s32 $0x7F, s6  }
0x87: {  	v62 =	vld [tilespmem:s8+$0x0];
	v9 =	vsel vm0, v9, v7;
	s13 =	sand.u32 $0x7F, s7  }
0x88: {  	v10 =	vadd.s32 v60, v61;
	s10 =	sshra.s32 s7, $0x1F;
	p3 =	slt.s32 s7, $0x1;
	p6 =	sne.s32 s13, $0x0  }
0x89: {  	v10 =	vsel vm1, v10, v7;
	s11 =	sshrl.u32 s10, $0x19;
	p3 =	por !p3, !p6  }
0x8a: {  	s8 =	simm.s32 $0x1;
	s7 =	sadd.s32 s11, s7;
	p3 =	por !p3, !p3  }
0x8b: {  	s7 =	sshrl.u32 s7, $0x7;
	s8 =	simm.s32 @!p3 $0x0  }
0x8c: {  	v63 =	vsub.s32 v8, v0;
	[tilespmem:v9+s26+$0x0] =	vst.idx.msk $0xffff, v62;
	s7 =	ssub.s32 s7, s8  }
0x8d: {  	[tilespmem:v9+s28+$0x0] =	vst.idx.msk $0xffff, v63;
	s7 =	sshll.u32 s7, $0x7  }
0x8e: {  	v8 =	vsub.s32 v8, v2;
	[tilespmem:v10+s29+$0x0] =	vst.idx.msk $0xffff, v62;
	p3 =	sge.s32 s6, s7  }
0x8f: {  	[tilespmem:v10+s30+$0x0] =	vst.idx.msk $0xffff, v8;
	s8 =	sadd.s32 $0x10, s6;
	v8 =	vimm.s32 @!p3 $0x0  }
0x90: {  	p6 =	sge.s32 s8, s7;
	[tilespmem:s6+$0x4F00] =	vst @!p3 v8;
	v8 =	vimm.s32 @!p3 $0x9C8  }
0x91: {  	s10 =	sadd.s32 $0x20, s6;
	[tilespmem:s6+$0x7780] =	vst @!p3 v8;
	v8 =	vimm.s32 @!p6 $0x0  }
0x92: {  	p3 =	sge.s32 s10, s7;
	[tilespmem:s8+$0x4F00] =	vst @!p6 v8;
	v8 =	vimm.s32 @!p6 $0x9C8  }
0x93: {  	s11 =	sadd.s32 $0x30, s6;
	s12 =	spop (v2sf);
	[tilespmem:s8+$0x7780] =	vst @!p6 v8;
	v8 =	vimm.s32 @!p3 $0x0  }
0x94: {  	p6 =	sge.s32 s11, s7;
	s8 =	sadd.s32 s9, s12;
	[tilespmem:s10+$0x4F00] =	vst @!p3 v8;
	v8 =	vimm.s32 @!p3 $0x9C8  }
0x95: {  	s9 =	sadd.s32 $0x40, s6;
	s12 =	sadd.s32 $0x7F, s8;
	[tilespmem:s10+$0x7780] =	vst @!p3 v8;
	v8 =	vimm.s32 @!p6 $0x0  }
0x96: {  	p3 =	sge.s32 s9, s7;
	s13 =	sand.u32 $0x7F, s12;
	[tilespmem:s11+$0x4F00] =	vst @!p6 v8;
	v8 =	vimm.s32 @!p6 $0x9C8  }
0x97: {  	s10 =	sadd.s32 $0x50, s6;
	p5 =	slt.s32 s12, $0x1;
	p0 =	sne.s32 s13, $0x0;
	[tilespmem:s11+$0x7780] =	vst @!p6 v8;
	v8 =	vimm.s32 @!p3 $0x0  }
0x98: {  	s13 =	sshra.s32 s12, $0x1F;
	p6 =	sge.s32 s10, s7;
	p0 =	por !p5, !p0;
	[tilespmem:s9+$0x4F00] =	vst @!p3 v8;
	v8 =	vimm.s32 @!p3 $0x9C8  }
0x99: {  	s11 =	sadd.s32 $0x60, s6;
	s13 =	sshrl.u32 s13, $0x19;
	p0 =	por !p0, !p0;
	[tilespmem:s9+$0x7780] =	vst @!p3 v8;
	v8 =	vimm.s32 @!p6 $0x0  }
0x9a: {  	p3 =	sge.s32 s11, s7;
	s9 =	sadd.s32 s13, s12;
	s12 =	simm.s32 $0x1;
	[tilespmem:s10+$0x4F00] =	vst @!p6 v8;
	v8 =	vimm.s32 @!p6 $0x9C8  }
0x9b: {  	s9 =	sshrl.u32 s9, $0x7;
	s12 =	simm.s32 @!p0 $0x0;
	[tilespmem:s10+$0x7780] =	vst @!p6 v8;
	v8 =	vimm.s32 @!p3 $0x0;
	s10 =	sadd.s32 $0x70, s6  }
0x9c: {  	s6 =	ssub.s32 s9, s12;
	[tilespmem:s11+$0x4F00] =	vst @!p3 v8;
	v8 =	vimm.s32 @!p3 $0x9C8;
	p0 =	sge.s32 s10, s7  }
0x9d: {  	s6 =	sshll.u32 s6, $0x7;
	[tilespmem:s11+$0x7780] =	vst @!p3 v8;
	v8 =	vimm.s32 @!p0 $0x0  }
0x9e: {  	p3 =	sge.s32 s8, s6;
	[tilespmem:s10+$0x4F00] =	vst @!p0 v8;
	v8 =	vimm.s32 @!p0 $0x9C8  }
0x9f: {  	s9 =	sadd.s32 $0x10, s8;
	[tilespmem:s10+$0x7780] =	vst @!p0 v8;
	v8 =	vimm.s32 @!p3 $0x0  }
0xa0: {  	p0 =	sge.s32 s9, s6;
	[tilespmem:s8+$0xA000] =	vst @!p3 v8;
	v8 =	vimm.s32 @!p3 $0x9C8  }
0xa1: {  	s10 =	sadd.s32 $0x20, s8;
	[tilespmem:s8+$0xC880] =	vst @!p3 v8;
	v8 =	vimm.s32 @!p0 $0x0  }
0xa2: {  	p3 =	sge.s32 s10, s6;
	[tilespmem:s9+$0xA000] =	vst @!p0 v8;
	v8 =	vimm.s32 @!p0 $0x9C8  }
0xa3: {  	[tilespmem:s9+$0xC880] =	vst @!p0 v8;
	v8 =	vimm.s32 @!p3 $0x0;
	s9 =	sadd.s32 $0x30, s8  }
0xa4: {  	[tilespmem:s10+$0xA000] =	vst @!p3 v8;
	v8 =	vimm.s32 @!p3 $0x9C8;
	p0 =	sge.s32 s9, s6  }
0xa5: {  	[tilespmem:s10+$0xC880] =	vst @!p3 v8;
	v8 =	vimm.s32 @!p0 $0x0;
	s10 =	sadd.s32 $0x40, s8  }
0xa6: {  	[tilespmem:s9+$0xA000] =	vst @!p0 v8;
	v8 =	vimm.s32 @!p0 $0x9C8;
	p3 =	sge.s32 s10, s6  }
0xa7: {  	[tilespmem:s9+$0xC880] =	vst @!p0 v8;
	v8 =	vimm.s32 @!p3 $0x0;
	s9 =	sadd.s32 $0x50, s8  }
0xa8: {  	[tilespmem:s10+$0xA000] =	vst @!p3 v8;
	v8 =	vimm.s32 @!p3 $0x9C8;
	p0 =	sge.s32 s9, s6  }
0xa9: {  	[tilespmem:s10+$0xC880] =	vst @!p3 v8;
	v8 =	vimm.s32 @!p0 $0x0;
	s10 =	sadd.s32 $0x60, s8  }
0xaa: {  	[tilespmem:s9+$0xA000] =	vst @!p0 v8;
	v8 =	vimm.s32 @!p0 $0x9C8;
	p3 =	sge.s32 s10, s6  }
0xab: {  	s8 =	sadd.s32 $0x70, s8;
	[tilespmem:s9+$0xC880] =	vst @!p0 v8;
	v8 =	vimm.s32 @!p3 $0x0  }
0xac: {  	p0 =	sge.s32 s8, s6;
	[tilespmem:s10+$0xA000] =	vst @!p3 v8;
	v8 =	vimm.s32 @!p3 $0x9C8  }
0xad: {  	[tilespmem:s10+$0xC880] =	vst @!p3 v8;
	v8 =	vimm.s32 @!p0 $0x0  }
0xae: {  	[tilespmem:s8+$0xA000] =	vst @!p0 v8;
	v8 =	vimm.s32 @!p0 $0x9C8  }
0xaf: {  	s13 =	rddreg [dreg:$0x9];
	[tilespmem:s8+$0xC880] =	vst @!p0 v8  }
0xb0: {  	[hbm4b:s13+s3] =	stream.linear.scatter [tilespmem:s26], [sflag:$0x1], $0x2800, $0x38;
	[tilespmem:$0x18850] =	vst v63  }
0xb1: {  	_ =	swait.ge [sflag:s24], $0x2800  }
0xb2: {  	[sflag:s24] =	ssyncset.done $0x0  }
0xb3: {  	s9 =	rddreg [dreg:$0xa];
	[sflag:s24] =	ssyncadd.s32 $0xFFFFD800  }
0xb4: {  	[hbm4b:s9+s3] =	stream.linear.scatter [tilespmem:s28], [sflag:$0x1], $0x2800, $0x38;
	[tilespmem:$0x18850] =	vst v63  }
0xb5: {  	_ =	swait.ge [sflag:s24], $0x2800  }
0xb6: {  	[sflag:s24] =	ssyncset.done $0x0  }
0xb7: {  	s10 =	rddreg [dreg:$0xb];
	[sflag:s24] =	ssyncadd.s32 $0xFFFFD800  }
0xb8: {  	[hbm4b:s10+s3] =	stream.linear.scatter [tilespmem:s29], [sflag:$0x1], $0x2800, $0x38;
	[tilespmem:$0x18850] =	vst v63  }
0xb9: {  	_ =	swait.ge [sflag:s24], $0x2800  }
0xba: {  	[sflag:s24] =	ssyncset.done $0x0  }
0xbb: {  	s11 =	rddreg [dreg:$0xc];
	[sflag:s24] =	ssyncadd.s32 $0xFFFFD800  }
0xbc: {  	[hbm4b:s11+s3] =	stream.linear.scatter [tilespmem:s30], [sflag:$0x1], $0x2800, $0x38;
	[tilespmem:$0x18850] =	vst v63  }
0xbd: {  	_ =	swait.ge [sflag:s24], $0x2800  }
0xbe: {  	[sflag:s24] =	ssyncset.done $0x0  }
0xbf: {  	v8 =	vmov s7;
	[sflag:s24] =	ssyncadd.s32 $0xFFFFD800  }
0xc0: {  	[tilespmem:$0xF100] =	vst v8  }
0xc1: {  	[tilespmem:$0xF110] =	vst v8  }
0xc2: {  	[tilespmem:$0xF120] =	vst v8  }
0xc3: {  	[tilespmem:$0xF130] =	vst v8  }
0xc4: {  	[tilespmem:$0xF140] =	vst v8  }
0xc5: {  	[tilespmem:$0xF150] =	vst v8  }
0xc6: {  	[tilespmem:$0xF160] =	vst v8  }
0xc7: {  	s12 =	rddreg [dreg:$0x5];
	[tilespmem:$0xF170] =	vst v8  }
0xc8: {  	[hbm4b:s12+s3] =	stream.linear.scatter [tilespmem:s31], [sflag:$0x1], $0x80, $0x38;
	[tilespmem:$0x18850] =	vst v63  }
0xc9: {  	_ =	swait.ge [sflag:s24], $0x80  }
0xca: {  	[sflag:s24] =	ssyncset.done $0x0  }
0xcb: {  	v8 =	vmov s6;
	[sflag:s24] =	ssyncadd.s32 $0xFFFFFF80  }
0xcc: {  	[tilespmem:$0xF100] =	vst v8  }
0xcd: {  	[tilespmem:$0xF110] =	vst v8  }
0xce: {  	[tilespmem:$0xF120] =	vst v8  }
0xcf: {  	[tilespmem:$0xF130] =	vst v8  }
0xd0: {  	[tilespmem:$0xF140] =	vst v8  }
0xd1: {  	[tilespmem:$0xF150] =	vst v8  }
0xd2: {  	[tilespmem:$0xF160] =	vst v8  }
0xd3: {  	s13 =	rddreg [dreg:$0x6];
	[tilespmem:$0xF170] =	vst v8  }
0xd4: {  	[hbm4b:s13+s3] =	stream.linear.scatter [tilespmem:s31], [sflag:$0x1], $0x80, $0x38;
	[tilespmem:$0x18850] =	vst v63  }
0xd5: {  	_ =	swait.ge [sflag:s24], $0x80  }
0xd6: {  	[sflag:s24] =	ssyncset.done $0x0  }
0xd7: {  	[sflag:s24] =	ssyncadd.s32 $0xFFFFFF80  }
0xd8: {  	[spmem:s14] =	stream.linear.scatter [tilespmem:s0], [sflag:$0x1], $0x4C00, $0x38;
	[tilespmem:$0x18850] =	vst v63  }
0xd9: {  	_ =	swait.ge [sflag:s24], $0x4C00  }
0xda: {  	s8 =	simm.s32 @!p1 $0x1;
	s7 =	sshra.s32 s7, $0x7;
	[sflag:s24] =	ssyncset.done $0x0  }
0xdb: {  	p0 =	slt.s32 s7, $0x1;
	s9 =	simm.s32 @!p1 $0x13280;
	[sflag:s24] =	ssyncadd.s32 $0xFFFFB400  }
0xdc: {  	[spmem:s22] =	stream.linear.scatter @!p1 [tilespmem:s9], [sflag:$0x1], $0x2800, $0x38;
	[tilespmem:$0x18850] =	vst v63  }
.Ltmp5:
0xdd: {  	_ =	swait.ge @!p1 [sflag:s8], $0x2800;
	(pc) =	sbr.rel @p0 .LBB2_11-.Ltmp5, $3  }
0xde: {  	[sflag:s8] =	ssyncset.done @!p1 $0x0  }
0xdf: {  	[sflag:s8] =	ssyncadd.s32 @!p1 $0xFFFFD800  }
0xe0: {  	[bflag:$0x0] =	sbarrier.arrive $0xFFFF;
	_ =	sdelay $0x1  }
0xe1: {  	[tilespmem:s25], [sflag:$0x1] =	stream.linear.gather [hbm4b:s15+s3], $0x80, $0x38;
	[tilespmem:$0x18850] =	vst v63  }
0xe2: {  	p0 =	sne.s32 s7, $0x1;
	_ =	swait.ge [sflag:s24], $0x80  }
.Ltmp6:
0xe3: {  	[sflag:s24] =	ssyncset.done $0x0;
	(pc) =	sbr.rel @!p0 .LBB2_10-.Ltmp6, $4  }
0xe4: {  	[sflag:s24] =	ssyncadd.s32 $0xFFFFFF80  }
0xe5: {  	[spmem:s1] =	stream.indirect.scatter.add.f32 [tilespmem:s4], [sflag:$0x1], $0x10, s25, s2, $0xb8;
	[tilespmem:$0x18850] =	vst v63  }
0xe6: {  	_ =	swait.ge [sflag:s24], $0x800  }
0xe7: {  	s7 =	sadd.s32 $0xFFFFFFFF, s7;
	s10 =	smov.u32 s15;
	[sflag:s24] =	ssyncset.done $0x0  }
.LBB2_9:
0xe8: {  	p6 =	sne.s32 s7, $0x1;
	[sflag:s24] =	ssyncadd.s32 $0xFFFFF800;
	s10 =	sadd.s32 $0x10, s10  }
0xe9: {  	[tilespmem:s25], [sflag:$0x1] =	stream.linear.gather [hbm4b:s10+s3], $0x80, $0x38;
	[tilespmem:$0x18850] =	vst v63  }
0xea: {  	s7 =	sadd.s32 $0xFFFFFFFF, s7;
	_ =	swait.ge [sflag:s24], $0x80  }
.Ltmp7:
0xeb: {  	[sflag:s24] =	ssyncset.done $0x0;
	(pc) =	sbr.rel @p6 .LBB2_9-.Ltmp7, $4  }
0xec: {  	[sflag:s24] =	ssyncadd.s32 $0xFFFFFF80  }
0xed: {  	[spmem:s1] =	stream.indirect.scatter.add.f32 [tilespmem:s4], [sflag:$0x1], $0x10, s25, s2, $0xb8;
	[tilespmem:$0x18850] =	vst v63  }
0xee: {  	_ =	swait.ge [sflag:s24], $0x800  }
0xef: {  	[sflag:s24] =	ssyncset.done $0x0  }
.LBB2_10:
0xf0: {  	[sflag:s24] =	ssyncadd.s32 $0xFFFFF800  }
.LBB2_11:
0xf1: {  	s7 =	stileid.u32  }
0xf2: {  	[bflag:$0x0] =	sbarrier.arrive $0xFFFF;
	s7 =	sshll.u32 s7, $0x6  }
0xf3: {  	s10 =	sshrl.u32 s14, $0x3;
	s11 =	rddreg [dreg:$0x7];
	s7 =	sor.u32 $0x1C01, s7  }
0xf4: {  	[hbm:s11], [sflag:s7] =	dma.local [spmem:s10], $0x980  }
0xf5: {  	_ =	swait.ge [sflag:s24], $0x980  }
0xf6: {  	[sflag:s24] =	ssyncset.done $0x0  }
0xf7: {  	s11 =	sshrl.u32 @p2 s23, $0x3;
	[sflag:s24] =	ssyncadd.s32 $0xFFFFF680  }
0xf8: {  	[hbm:s17], [sflag:s7] =	dma.local @p2 [spmem:s11], $0x100  }
0xf9: {  	s11 =	simm.s32 @p2 $0x1  }
0xfa: {  	_ =	swait.ge @p2 [sflag:s11], $0x100  }
0xfb: {  	[sflag:s11] =	ssyncset.done @p2 $0x0  }
0xfc: {  	[sflag:s11] =	ssyncadd.s32 @p2 $0xFFFFFF00;
	s11 =	sshrl.u32 @!p4 s22, $0x3  }
0xfd: {  	[hbm:s18], [sflag:s7] =	dma.local @!p4 [spmem:s11], $0x380  }
0xfe: {  	s11 =	simm.s32 @!p4 $0x1  }
0xff: {  	_ =	swait.ge @!p4 [sflag:s11], $0x380  }
0x100: {  	[sflag:s11] =	ssyncset.done @!p4 $0x0  }
0x101: {  	[sflag:s11] =	ssyncadd.s32 @!p4 $0xFFFFFC80  }
0x102: {  	[bflag:$0x0] =	sbarrier.arrive $0xFFFF  }
0x103: {  	[spmem:s14] =	stream.linear.scatter [tilespmem:s0], [sflag:$0x1], $0x4C00, $0x38;
	[tilespmem:$0x18850] =	vst v63  }
0x104: {  	_ =	swait.ge [sflag:s24], $0x4C00  }
0x105: {  	s6 =	sshra.s32 s6, $0x7;
	[sflag:s24] =	ssyncset.done $0x0  }
0x106: {  	p0 =	slt.s32 s6, $0x1;
	[sflag:s24] =	ssyncadd.s32 $0xFFFFB400  }
0x107: {  	[spmem:s22] =	stream.linear.scatter @!p1 [tilespmem:s9], [sflag:$0x1], $0x2800, $0x38;
	[tilespmem:$0x18850] =	vst v63  }
.Ltmp8:
0x108: {  	_ =	swait.ge @!p1 [sflag:s8], $0x2800;
	(pc) =	sbr.rel @p0 .LBB2_15-.Ltmp8, $3  }
0x109: {  	[sflag:s8] =	ssyncset.done @!p1 $0x0  }
0x10a: {  	[sflag:s8] =	ssyncadd.s32 @!p1 $0xFFFFD800  }
0x10b: {  	[bflag:$0x0] =	sbarrier.arrive $0xFFFF;
	_ =	sdelay $0x1  }
0x10c: {  	[tilespmem:s25], [sflag:$0x1] =	stream.linear.gather [hbm4b:s16+s3], $0x80, $0x38;
	[tilespmem:$0x18850] =	vst v63  }
0x10d: {  	p0 =	sne.s32 s6, $0x1;
	_ =	swait.ge [sflag:s24], $0x80  }
.Ltmp9:
0x10e: {  	[sflag:s24] =	ssyncset.done $0x0;
	(pc) =	sbr.rel @!p0 .LBB2_14-.Ltmp9, $4  }
0x10f: {  	[sflag:s24] =	ssyncadd.s32 $0xFFFFFF80  }
0x110: {  	[spmem:s1] =	stream.indirect.scatter.add.f32 [tilespmem:s4], [sflag:$0x1], $0x10, s25, s2, $0xb8;
	[tilespmem:$0x18850] =	vst v63  }
0x111: {  	_ =	swait.ge [sflag:s24], $0x800  }
0x112: {  	s6 =	sadd.s32 $0xFFFFFFFF, s6;
	s8 =	smov.u32 s16;
	[sflag:s24] =	ssyncset.done $0x0  }
.LBB2_13:
0x113: {  	p6 =	sne.s32 s6, $0x1;
	[sflag:s24] =	ssyncadd.s32 $0xFFFFF800;
	s8 =	sadd.s32 $0x10, s8  }
0x114: {  	[tilespmem:s25], [sflag:$0x1] =	stream.linear.gather [hbm4b:s8+s3], $0x80, $0x38;
	[tilespmem:$0x18850] =	vst v63  }
0x115: {  	s6 =	sadd.s32 $0xFFFFFFFF, s6;
	_ =	swait.ge [sflag:s24], $0x80  }
.Ltmp10:
0x116: {  	[sflag:s24] =	ssyncset.done $0x0;
	(pc) =	sbr.rel @p6 .LBB2_13-.Ltmp10, $4  }
0x117: {  	[sflag:s24] =	ssyncadd.s32 $0xFFFFFF80  }
0x118: {  	[spmem:s1] =	stream.indirect.scatter.add.f32 [tilespmem:s4], [sflag:$0x1], $0x10, s25, s2, $0xb8;
	[tilespmem:$0x18850] =	vst v63  }
0x119: {  	_ =	swait.ge [sflag:s24], $0x800  }
0x11a: {  	[sflag:s24] =	ssyncset.done $0x0  }
.Ltmp11:
0x11b: {  	_ = 	snop;
	(pc) =	sbr.rel .LBB2_14-.Ltmp11, $1  }
0x11c: {  	_ =	sdelay $0x3  }
.LBB2_16:
0x11d: {  	_ =	sfence.sel $0x180000  }
0x11e: {  	[bflag:$0x0] =	sbarrier.arrive $0xFFFF  }
0x11f: {  	_ =	strace $0x90000047  }
0x120: {  	[bflag:$0x2] =	sbarrier.arrive $0xFFFF  }
0x121: {  	s0 =	rddreg [dreg:$0x2]  }
0x122: {  	s0 =	sadd.s32 @!p1 $0x100000, s0  }
0x123: {  	[sflag:s0] =	ssyncadd.tile.s32 @!p1 $0x1;
	_ =	shalt  }
.Lfunc_end2:
_tile_overlayer_lowered:
.L_overlay_start_2:
0x124: {  	(tag) =	ssettag $0x2  }
0x125: {  	s0 =	rddreg [dreg:$0x0];
	s2 =	stileid.u32  }
0x126: {  	s1 =	rddreg [dreg:$0x1];
	p0 =	sne.s32 s2, $0x0  }
0x127: {  	s3 =	rddreg [dreg:$0x2];
	[bflag:$0x3] =	sbarrier.arrive $0xFFFF;
	s2 =	simm.s32 @!p0 $0x1C01  }
0x128: {  	[timem:s3], [sflag:s2] =	dma.local @!p0 [hbm:s0], s1  }
0x129: {  	s0 =	simm.s32 @!p0 $0x1  }
0x12a: {  	_ =	swait.ge @!p0 [sflag:s0], s1  }
0x12b: {  	s1 =	ssub.s32 @!p0 $0x0, s1;
	[sflag:s0] =	ssyncset.done @!p0 $0x0  }
0x12c: {  	[sflag:s0] =	ssyncadd.s32 @!p0 s1  }
0x12d: {  	[bflag:$0x3] =	sbarrier.arrive $0xFFFF  }
0x12e: {  	_ =	shalt  }

</sc_bundles>
